<compile_context>
chip_gen: v7x
topology: tpu7x:2x2x1
jax: 0.10.2.dev20260603
libtpu: 0.0.44.dev20260713+nightly
codegen_flags: <defaults>
</compile_context>

<pallas_src>
import functools

import jax
import jax.numpy as jnp
from jax import lax
from jax.experimental import pallas as pl
from jax.experimental.pallas import tpu as pltpu
from jax.experimental.pallas import tpu_sc as plsc

Q = 1024
N = 100000
D = 32
K_NN = 1000
C = 10

CW = 3584
NCHUNK = 28
NPAD = CW * NCHUNK

QBITS = 20
SHIFT = QBITS + 4 - 13
HBINS = 1 << 13
QMAX = float((1 << QBITS) - 1)
BIGKEY = ((1 << QBITS) - 1) * 16 + 15

NTILES = 32
NG = 4
QG = Q // NG
QPT = QG // NTILES
NV = NPAD // 16
UNROLL = 16


def _tc_body(x_ref, tft_ref, y_ref, keys_ref, mmin_ref, mmax_ref):
    j = pl.program_id(0)
    last = jnp.int32(NCHUNK - 1)
    xm2 = x_ref[...] * -2.0
    tft = tft_ref[...]
    t2 = jnp.sum(tft * tft, axis=0, keepdims=True)
    d2 = jnp.dot(xm2, tft, preferred_element_type=jnp.float32) + t2
    col = lax.broadcasted_iota(jnp.int32, (1, CW), 1)
    valid = col < N - (NPAD - CW)

    @pl.when(j == 0)
    def _():
        mmin_ref[...] = jnp.full((QG, 128), 1e30, jnp.float32)
        mmax_ref[...] = jnp.full((QG, 128), -1e30, jnp.float32)

    @pl.when(j < last)
    def _():
        dmin = jnp.min(d2, axis=1, keepdims=True)
        dmax = jnp.max(d2, axis=1, keepdims=True)
        mmin_ref[...] = jnp.minimum(mmin_ref[...],
                                    jnp.broadcast_to(dmin, (QG, 128)))
        mmax_ref[...] = jnp.maximum(mmax_ref[...],
                                    jnp.broadcast_to(dmax, (QG, 128)))

    @pl.when(j == last)
    def _():
        dmin = jnp.min(jnp.where(valid, d2, 1e30), axis=1, keepdims=True)
        dmax = jnp.max(jnp.where(valid, d2, -1e30), axis=1, keepdims=True)
        mmin_ref[...] = jnp.minimum(mmin_ref[...],
                                    jnp.broadcast_to(dmin, (QG, 128)))
        mmax_ref[...] = jnp.maximum(mmax_ref[...],
                                    jnp.broadcast_to(dmax, (QG, 128)))

    @pl.when(j >= NCHUNK)
    def _():
        lo = mmin_ref[:, 0:1]
        hi = mmax_ref[:, 0:1]
        s = QMAX / jnp.maximum(hi - lo, 1e-20)
        b = -lo * s
        qv = jnp.minimum(d2 * s + b, QMAX)
        key = qv.astype(jnp.int32) * 16 + jnp.broadcast_to(y_ref[...], (QG, CW))

        @pl.when(j < 2 * NCHUNK - 1)
        def _():
            keys_ref[...] = key

        @pl.when(j == 2 * NCHUNK - 1)
        def _():
            keys_ref[...] = jnp.where(valid, key, jnp.int32(BIGKEY))


HALF = NPAD // 2
NVH = HALF // 16


def _sc_body(keys_hbm, out_hbm, row_v, hist_v, obuf_v, dsema, dsemb):
    cid = lax.axis_index("c")
    sid = lax.axis_index("s")
    wid = sid * 2 + cid
    q0 = wid * QPT

    zeros_i = jnp.zeros((16,), jnp.int32)
    ones_i = jnp.ones((16,), jnp.int32)
    kk = jnp.int32(K_NN)

    def half_copy(qq, h, sem):
        return pltpu.make_async_copy(
            keys_hbm.at[qq, pl.ds(h * HALF, HALF)],
            row_v.at[pl.ds(h * HALF, HALF)], sem)

    def zero_hist():
        @plsc.parallel_loop(0, HBINS // 16, 1, unroll=UNROLL)
        def _(b):
            hist_v[pl.ds(b * 16, 16)] = zeros_i

    zero_hist()
    half_copy(q0, 0, dsema).start()
    half_copy(q0, 1, dsemb).start()

    def per_query(i, _):
        q = q0 + i

        def p1(lo, hi):
            @plsc.parallel_loop(lo, hi, 1, unroll=UNROLL)
            def _(v):
                k = row_v[pl.ds(v * 16, 16)]
                plsc.addupdate_scatter(hist_v, [jnp.right_shift(k, SHIFT)],
                                       ones_i)

        half_copy(q, 0, dsema).wait()
        p1(0, NVH)

        @pl.when(i < QPT - 1)
        def _():
            half_copy(q + 1, 0, dsema).start()

        half_copy(q, 1, dsemb).wait()
        p1(NVH, NV)

        @pl.when(i < QPT - 1)
        def _():
            half_copy(q + 1, 1, dsemb).start()

        def blk(b, carry):
            run, bsel, cumb = carry
            acc = zeros_i
            for t in range(16):
                acc = acc + hist_v[pl.ds((b * 16 + t) * 16, 16)]
            btot = jnp.sum(acc)
            hit = (bsel < 0) & (run + btot >= kk)
            return (run + btot,
                    jnp.where(hit, b, bsel),
                    jnp.where(hit, run, cumb))
        _, bsel, cumb = lax.fori_loop(
            0, HBINS // 256, blk,
            (jnp.int32(0), jnp.int32(-1), jnp.int32(0)))

        def vs(t, carry):
            run, vsel, cumv = carry
            vec = hist_v[pl.ds((bsel * 16 + t) * 16, 16)]
            vtot = jnp.sum(vec)
            hit = (vsel < 0) & (run + vtot >= kk)
            return (run + vtot,
                    jnp.where(hit, t, vsel),
                    jnp.where(hit, run, cumv))
        _, vsel, cumv = lax.fori_loop(
            0, 16, vs, (cumb, jnp.int32(-1), jnp.int32(0)))

        vec = hist_v[pl.ds((bsel * 16 + vsel) * 16, 16)]
        cum = cumv + plsc.cumsum(vec)
        pos = plsc.all_reduce_ffs(cum >= kk)
        tau = (bsel * 256 + vsel * 16) + pos
        bound = jnp.left_shift(tau + 1, SHIFT)

        zero_hist()
        obuf_v[pl.ds(0, 16)] = bound
        pltpu.sync_copy(obuf_v, out_hbm.at[q])
        return 0

    lax.fori_loop(0, QPT, per_query, 0)


@functools.cache
def _sc_kernel():
    return pl.kernel(
        _sc_body,
        out_type=jax.ShapeDtypeStruct((QG, 16), jnp.int32),
        mesh=plsc.VectorSubcoreMesh(core_axis_name="c", subcore_axis_name="s",
                                    num_cores=2, num_subcores=16),
        compiler_params=pltpu.CompilerParams(needs_layout_passes=False),
        scratch_types=[
            pltpu.VMEM((NPAD,), jnp.int32),
            pltpu.VMEM((HBINS,), jnp.int32),
            pltpu.VMEM((16,), jnp.int32),
            pltpu.SemaphoreType.DMA,
            pltpu.SemaphoreType.DMA,
        ],
    )


def _tc_c_body(x_ref, tft_ref, y_ref, mmin_ref, mmax_ref, bnd_ref, out_ref):
    j = pl.program_id(0)
    xm2 = x_ref[...] * -2.0
    tft = tft_ref[...]
    t2 = jnp.sum(tft * tft, axis=0, keepdims=True)
    d2 = jnp.dot(xm2, tft, preferred_element_type=jnp.float32) + t2
    lo = mmin_ref[:, 0:1]
    hi = mmax_ref[:, 0:1]
    s = QMAX / jnp.maximum(hi - lo, 1e-20)
    b = -lo * s
    qv = jnp.minimum(d2 * s + b, QMAX)
    key = qv.astype(jnp.int32) * 16 + jnp.broadcast_to(y_ref[...], (QG, CW))
    bnd = bnd_ref[:, 0:1]
    below = key < bnd
    col = lax.broadcasted_iota(jnp.int32, (1, CW), 1)
    valid = col < N - (NPAD - CW)
    oh = (jnp.broadcast_to(y_ref[...], (16, CW))
          == lax.broadcasted_iota(jnp.int32, (16, CW), 0)
          ).astype(jnp.float32)

    def counts(m):
        return lax.dot_general(m.astype(jnp.float32), oh,
                               (((1,), (1,)), ((), ())),
                               preferred_element_type=jnp.float32)

    @pl.when(j == 0)
    def _():
        out_ref[...] = counts(below)

    @pl.when((j > 0) & (j < NCHUNK - 1))
    def _():
        out_ref[...] = out_ref[...] + counts(below)

    @pl.when(j == NCHUNK - 1)
    def _():
        acc = out_ref[...] + counts(below & valid)
        out_ref[...] = acc / jnp.sum(acc, axis=1, keepdims=True)


def kernel(x, train_feats, y_train):
    tft = jnp.zeros((D, NPAD), jnp.float32).at[:, :N].set(train_feats.T)
    ypad = jnp.full((1, NPAD), 15, jnp.int32).at[:, :N].set(
        y_train.astype(jnp.int32)[None, :])
    outs = []
    for g in range(NG):
        xg = lax.slice_in_dim(x, g * QG, (g + 1) * QG, axis=0)
        keys, mmin, mmax = pl.pallas_call(
            _tc_body,
            grid=(2 * NCHUNK,),
            in_specs=[
                pl.BlockSpec((QG, D), lambda j: (0, 0)),
                pl.BlockSpec(
                    (D, CW),
                    lambda j: (0, jnp.where(j >= NCHUNK, j - NCHUNK, j))),
                pl.BlockSpec(
                    (1, CW),
                    lambda j: (0, jnp.where(j >= NCHUNK, j - NCHUNK, j))),
            ],
            out_specs=[
                pl.BlockSpec((QG, CW),
                             lambda j: (0, jnp.maximum(j - NCHUNK, 0))),
                pl.BlockSpec((QG, 128), lambda j: (0, 0)),
                pl.BlockSpec((QG, 128), lambda j: (0, 0)),
            ],
            out_shape=[
                jax.ShapeDtypeStruct((QG, NPAD), jnp.int32),
                jax.ShapeDtypeStruct((QG, 128), jnp.float32),
                jax.ShapeDtypeStruct((QG, 128), jnp.float32),
            ],
        )(xg, tft, ypad)
        bnd = _sc_kernel()(keys)
        depth = pl.pallas_call(
            _tc_c_body,
            grid=(NCHUNK,),
            in_specs=[
                pl.BlockSpec((QG, D), lambda j: (0, 0)),
                pl.BlockSpec((D, CW), lambda j: (0, j)),
                pl.BlockSpec((1, CW), lambda j: (0, j)),
                pl.BlockSpec((QG, 128), lambda j: (0, 0)),
                pl.BlockSpec((QG, 128), lambda j: (0, 0)),
                pl.BlockSpec((QG, 16), lambda j: (0, 0)),
            ],
            out_specs=pl.BlockSpec((QG, 16), lambda j: (0, 0)),
            out_shape=jax.ShapeDtypeStruct((QG, 16), jnp.float32),
        )(xg, tft, ypad, mmin, mmax, bnd)
        outs.append(depth)
    return jnp.concatenate(outs, axis=0)[:, :C]

# --- scband reference (transcript-rebuilt; emitter-appended) ---
"""Pipeline reference for scband-extract-depth-23613730194186 (READ-ONLY COPY).

The authoritative reference and input builder live on the scoring server;
editing this copy changes nothing except your own understanding.
"""

import jax, jax.numpy as jnp
import numpy as np

K_NN = 1000
NUM_CLASSES = 10

def setup_inputs(seed: int = 0) -> dict:
    key = jax.random.key(seed)
    k1, k2, k3 = jax.random.split(key, 3)
    x = jax.random.normal(k1, (1024, 32), dtype=jnp.float32)
    train_feats = jax.random.normal(k2, (100000, 32), dtype=jnp.float32)
    y_train = jax.random.randint(k3, (100000,), 0, NUM_CLASSES, dtype=jnp.int32).astype(jnp.int64)
    return {"x": x, "train_feats": train_feats, "y_train": y_train}

def reference(x, train_feats, y_train):
    # kNN-based class-conditional depth: for each test point, find the K_NN
    # nearest training features (squared euclidean) and compute the fraction
    # of neighbors belonging to each class -> depth score per class.
    x2 = jnp.sum(x * x, axis=1, keepdims=True)            # [Q, 1]
    t2 = jnp.sum(train_feats * train_feats, axis=1)[None, :]  # [1, N]
    d2 = x2 + t2 - 2.0 * (x @ train_feats.T)              # [Q, N] squared dists
    _, idx = jax.lax.top_k(-d2, K_NN)                     # nearest K_NN indices
    neigh_labels = jnp.take(y_train, idx, axis=0)         # [Q, K_NN] gather
    onehot = jax.nn.one_hot(neigh_labels, NUM_CLASSES, dtype=jnp.float32)
    depth = jnp.mean(onehot, axis=1)                      # [Q, NUM_CLASSES]
    return depth

if __name__ == "__main__":
    import jax
    _d = setup_inputs()
    print(jax.jit(kernel)(*tuple(_d.values())))

</pallas_src>

<mosaic_0001>
#map = affine_map<(d0, d1) -> (0, 0)>
module attributes {stable_mosaic.version = 14 : i64} {
  func.func @_sc_body(%arg0: i32, %arg1: i32, %arg2: memref<256x100352xi32, #tpu.memory_space<hbm>>, %arg3: memref<256x16xi32, #tpu.memory_space<hbm>>, %arg4: memref<100352xi32, #tpu.memory_space<vmem>>, %arg5: memref<8192xi32, #tpu.memory_space<vmem>>, %arg6: memref<16xi32, #tpu.memory_space<vmem>>, %arg7: memref<!tpu.dma_semaphore, #tpu.memory_space<semaphore_mem>>, %arg8: memref<!tpu.dma_semaphore, #tpu.memory_space<semaphore_mem>>) attributes {dimension_semantics = [#tpu.dimension_semantics<core_parallel>, #tpu.dimension_semantics<subcore_parallel>], iteration_bounds = array<i64: 2, 16>, scalar_prefetch = 0 : i64, scratch_operands = 5 : i64, tpu.core_type = #tpu.core_type<sc_vector_subcore>, window_params = [{transform_indices = #map}, {transform_indices = #map}]} {
    %mul3A = arith.constant 2 : i32
    %mul3A_0 = arith.muli %arg1, %mul3A : i32
    %add3A = arith.addi %mul3A_0, %arg0 : i32
    %mul3A_1 = arith.constant 8 : i32
    %mul3A_2 = arith.muli %add3A, %mul3A_1 : i32
    %broadcast_in_dim3A = arith.constant 0 : i32
    %broadcast_in_dim3A_3 = vector.broadcast %broadcast_in_dim3A : i32 to vector<16xi32>
    %broadcast_in_dim3A_4 = arith.constant 1 : i32
    %broadcast_in_dim3A_5 = vector.broadcast %broadcast_in_dim3A_4 : i32 to vector<16xi32>
    %parallel_loop3A = arith.constant 0 : i32
    %parallel_loop3A_6 = arith.constant 512 : i32
    %parallel_loop3A_7 = arith.constant 1 : i32
    scf.for %parallel_loop3A_34 = %parallel_loop3A to %parallel_loop3A_6 step %parallel_loop3A_7  : i32 {
      %parallel_loop3A_35 = arith.constant 16 : i32
      %parallel_loop3A_36 = arith.muli %parallel_loop3A_34, %parallel_loop3A_35 : i32
      %parallel_loop3A_37 = arith.index_cast %parallel_loop3A_36 : i32 to index
      %parallel_loop3A_38 = tpu.vector_load %arg5[%parallel_loop3A_37] {strides = array<i32>} : memref<8192xi32, #tpu.memory_space<vmem>>, vector<16xi32>,
      tpu.vector_store %arg5[%parallel_loop3A_37], %broadcast_in_dim3A_3 {strides = array<i32>} : memref<8192xi32, #tpu.memory_space<vmem>>, vector<16xi32>,
    } {sc.loop_unroll_factor = 16 : i64, sc.parallel_access}
    %dma_start3A = arith.constant 0 : i32
    %dma_start3A_8 = tpu.memref_slice %arg4[%dma_start3A] : memref<100352xi32, #tpu.memory_space<vmem>> -> memref<50176xi32, #tpu.memory_space<vmem>>
    %dma_start3A_9 = arith.constant 0 : i32
    %dma_start3A_10 = tpu.memref_slice %arg2[%mul3A_2, %dma_start3A_9] : memref<256x100352xi32, #tpu.memory_space<hbm>> -> memref<1x50176xi32, #tpu.memory_space<hbm>>
    %dma_start3A_11 = tpu.memref_squeeze %dma_start3A_10 : memref<1x50176xi32, #tpu.memory_space<hbm>> -> memref<50176xi32, #tpu.memory_space<hbm>>
    %dma_start3A_12 = arith.constant 0 : i32
    %dma_start3A_13 = tpu.memref_slice %arg4[%dma_start3A_12] : memref<100352xi32, #tpu.memory_space<vmem>> -> memref<50176xi32, #tpu.memory_space<vmem>>
    %dma_start3A_14 = arith.constant 0 : i32
    %dma_start3A_15 = tpu.memref_slice %arg2[%mul3A_2, %dma_start3A_14] : memref<256x100352xi32, #tpu.memory_space<hbm>> -> memref<1x50176xi32, #tpu.memory_space<hbm>>
    %dma_start3A_16 = tpu.memref_squeeze %dma_start3A_15 : memref<1x50176xi32, #tpu.memory_space<hbm>> -> memref<50176xi32, #tpu.memory_space<hbm>>
    tpu.enqueue_dma source(%dma_start3A_16 : memref<50176xi32, #tpu.memory_space<hbm>>) target(%dma_start3A_13 : memref<50176xi32, #tpu.memory_space<vmem>>) target_semaphore(%arg7 : memref<!tpu.dma_semaphore, #tpu.memory_space<semaphore_mem>>)
    %dma_start3A_17 = arith.constant 50176 : i32
    %dma_start3A_18 = tpu.memref_slice %arg4[%dma_start3A_17] : memref<100352xi32, #tpu.memory_space<vmem>> -> memref<50176xi32, #tpu.memory_space<vmem>>
    %dma_start3A_19 = arith.constant 50176 : i32
    %dma_start3A_20 = tpu.memref_slice %arg2[%mul3A_2, %dma_start3A_19] : memref<256x100352xi32, #tpu.memory_space<hbm>> -> memref<1x50176xi32, #tpu.memory_space<hbm>>
    %dma_start3A_21 = tpu.memref_squeeze %dma_start3A_20 : memref<1x50176xi32, #tpu.memory_space<hbm>> -> memref<50176xi32, #tpu.memory_space<hbm>>
    %dma_start3A_22 = arith.constant 50176 : i32
    %dma_start3A_23 = tpu.memref_slice %arg4[%dma_start3A_22] : memref<100352xi32, #tpu.memory_space<vmem>> -> memref<50176xi32, #tpu.memory_space<vmem>>
    %dma_start3A_24 = arith.constant 50176 : i32
    %dma_start3A_25 = tpu.memref_slice %arg2[%mul3A_2, %dma_start3A_24] : memref<256x100352xi32, #tpu.memory_space<hbm>> -> memref<1x50176xi32, #tpu.memory_space<hbm>>
    %dma_start3A_26 = tpu.memref_squeeze %dma_start3A_25 : memref<1x50176xi32, #tpu.memory_space<hbm>> -> memref<50176xi32, #tpu.memory_space<hbm>>
    tpu.enqueue_dma source(%dma_start3A_26 : memref<50176xi32, #tpu.memory_space<hbm>>) target(%dma_start3A_23 : memref<50176xi32, #tpu.memory_space<vmem>>) target_semaphore(%arg8 : memref<!tpu.dma_semaphore, #tpu.memory_space<semaphore_mem>>)
    %scan3A = arith.constant 1000 : i32
    %scan3A_27 = arith.constant 0 : i32
    %scan3A_28 = arith.constant 0 : i32
    %scan3A_29 = arith.constant 8 : i32
    %scan3A_30 = arith.addi %scan3A_28, %scan3A_29 : i32
    %scan3A_31 = arith.constant 1 : i32
    %scan3A_32 = scf.for %scan3A_34 = %scan3A_28 to %scan3A_30 step %scan3A_31 iter_args(%scan3A_35 = %scan3A_27) -> (i32)  : i32 {
      %add3A_36 = arith.addi %mul3A_2, %scan3A_34 : i32
      %dma_wait3A = arith.constant 0 : i32
      %dma_wait3A_37 = tpu.memref_slice %arg4[%dma_wait3A] : memref<100352xi32, #tpu.memory_space<vmem>> -> memref<50176xi32, #tpu.memory_space<vmem>>
      %dma_wait3A_38 = arith.constant 0 : i32
      %dma_wait3A_39 = tpu.memref_slice %arg2[%add3A_36, %dma_wait3A_38] : memref<256x100352xi32, #tpu.memory_space<hbm>> -> memref<1x50176xi32, #tpu.memory_space<hbm>>
      %dma_wait3A_40 = tpu.memref_squeeze %dma_wait3A_39 : memref<1x50176xi32, #tpu.memory_space<hbm>> -> memref<50176xi32, #tpu.memory_space<hbm>>
      %dma_wait3A_41 = arith.constant 0 : i32
      %dma_wait3A_42 = tpu.memref_slice %arg4[%dma_wait3A_41] : memref<100352xi32, #tpu.memory_space<vmem>> -> memref<50176xi32, #tpu.memory_space<vmem>>
      %dma_wait3A_43 = arith.constant 0 : i32
      %dma_wait3A_44 = tpu.memref_slice %arg2[%add3A_36, %dma_wait3A_43] : memref<256x100352xi32, #tpu.memory_space<hbm>> -> memref<1x50176xi32, #tpu.memory_space<hbm>>
      %dma_wait3A_45 = tpu.memref_squeeze %dma_wait3A_44 : memref<1x50176xi32, #tpu.memory_space<hbm>> -> memref<50176xi32, #tpu.memory_space<hbm>>
      tpu.wait_dma2 semaphore(%arg7 : memref<!tpu.dma_semaphore, #tpu.memory_space<semaphore_mem>>) src(%dma_wait3A_45 : memref<50176xi32, #tpu.memory_space<hbm>>) dst(%dma_wait3A_42 : memref<50176xi32, #tpu.memory_space<vmem>>)
      %parallel_loop3A_46 = arith.constant 0 : i32
      %parallel_loop3A_47 = arith.constant 3136 : i32
      %parallel_loop3A_48 = arith.constant 1 : i32
      scf.for %parallel_loop3A_114 = %parallel_loop3A_46 to %parallel_loop3A_47 step %parallel_loop3A_48  : i32 {
        %parallel_loop3A_115 = arith.constant 16 : i32
        %parallel_loop3A_116 = arith.muli %parallel_loop3A_114, %parallel_loop3A_115 : i32
        %parallel_loop3A_117 = arith.index_cast %parallel_loop3A_116 : i32 to index
        %parallel_loop3A_118 = tpu.vector_load %arg4[%parallel_loop3A_117] {strides = array<i32>} : memref<100352xi32, #tpu.memory_space<vmem>>, vector<16xi32>,
        %parallel_loop3A_119 = arith.constant 11 : i32
        %parallel_loop3A_120 = vector.broadcast %parallel_loop3A_119 : i32 to vector<16xi32>
        %parallel_loop3A_121 = arith.shrsi %parallel_loop3A_118, %parallel_loop3A_120 : vector<16xi32>
        tpu.vector_store_idx %arg5[%parallel_loop3A_121], %broadcast_in_dim3A_5 {add = true} : memref<8192xi32, #tpu.memory_space<vmem>>[vector<16xi32>], vector<16xi32>,
      } {sc.loop_unroll_factor = 16 : i64, sc.parallel_access}
      %lt3A = arith.constant 7 : i32
      %lt3A_49 = arith.cmpi slt, %scan3A_34, %lt3A : i32
      %convert_element_type3A = arith.extui %lt3A_49 : i1 to i32
      %cond3A = arith.constant 0 : i32
      %cond3A_50 = arith.cmpi ne, %convert_element_type3A, %cond3A : i32
      scf.if %cond3A_50 {
        %add3A_114 = arith.constant 1 : i32
        %add3A_115 = arith.addi %add3A_36, %add3A_114 : i32
        %dma_start3A_116 = arith.constant 0 : i32
        %dma_start3A_117 = tpu.memref_slice %arg4[%dma_start3A_116] : memref<100352xi32, #tpu.memory_space<vmem>> -> memref<50176xi32, #tpu.memory_space<vmem>>
        %dma_start3A_118 = arith.constant 0 : i32
        %dma_start3A_119 = tpu.memref_slice %arg2[%add3A_115, %dma_start3A_118] : memref<256x100352xi32, #tpu.memory_space<hbm>> -> memref<1x50176xi32, #tpu.memory_space<hbm>>
        %dma_start3A_120 = tpu.memref_squeeze %dma_start3A_119 : memref<1x50176xi32, #tpu.memory_space<hbm>> -> memref<50176xi32, #tpu.memory_space<hbm>>
        %dma_start3A_121 = arith.constant 0 : i32
        %dma_start3A_122 = tpu.memref_slice %arg4[%dma_start3A_121] : memref<100352xi32, #tpu.memory_space<vmem>> -> memref<50176xi32, #tpu.memory_space<vmem>>
        %dma_start3A_123 = arith.constant 0 : i32
        %dma_start3A_124 = tpu.memref_slice %arg2[%add3A_115, %dma_start3A_123] : memref<256x100352xi32, #tpu.memory_space<hbm>> -> memref<1x50176xi32, #tpu.memory_space<hbm>>
        %dma_start3A_125 = tpu.memref_squeeze %dma_start3A_124 : memref<1x50176xi32, #tpu.memory_space<hbm>> -> memref<50176xi32, #tpu.memory_space<hbm>>
        tpu.enqueue_dma source(%dma_start3A_125 : memref<50176xi32, #tpu.memory_space<hbm>>) target(%dma_start3A_122 : memref<50176xi32, #tpu.memory_space<vmem>>) target_semaphore(%arg7 : memref<!tpu.dma_semaphore, #tpu.memory_space<semaphore_mem>>)
      } else {
      }
      %dma_wait3A_51 = arith.constant 50176 : i32
      %dma_wait3A_52 = tpu.memref_slice %arg4[%dma_wait3A_51] : memref<100352xi32, #tpu.memory_space<vmem>> -> memref<50176xi32, #tpu.memory_space<vmem>>
      %dma_wait3A_53 = arith.constant 50176 : i32
      %dma_wait3A_54 = tpu.memref_slice %arg2[%add3A_36, %dma_wait3A_53] : memref<256x100352xi32, #tpu.memory_space<hbm>> -> memref<1x50176xi32, #tpu.memory_space<hbm>>
      %dma_wait3A_55 = tpu.memref_squeeze %dma_wait3A_54 : memref<1x50176xi32, #tpu.memory_space<hbm>> -> memref<50176xi32, #tpu.memory_space<hbm>>
      %dma_wait3A_56 = arith.constant 50176 : i32
      %dma_wait3A_57 = tpu.memref_slice %arg4[%dma_wait3A_56] : memref<100352xi32, #tpu.memory_space<vmem>> -> memref<50176xi32, #tpu.memory_space<vmem>>
      %dma_wait3A_58 = arith.constant 50176 : i32
      %dma_wait3A_59 = tpu.memref_slice %arg2[%add3A_36, %dma_wait3A_58] : memref<256x100352xi32, #tpu.memory_space<hbm>> -> memref<1x50176xi32, #tpu.memory_space<hbm>>
      %dma_wait3A_60 = tpu.memref_squeeze %dma_wait3A_59 : memref<1x50176xi32, #tpu.memory_space<hbm>> -> memref<50176xi32, #tpu.memory_space<hbm>>
      tpu.wait_dma2 semaphore(%arg8 : memref<!tpu.dma_semaphore, #tpu.memory_space<semaphore_mem>>) src(%dma_wait3A_60 : memref<50176xi32, #tpu.memory_space<hbm>>) dst(%dma_wait3A_57 : memref<50176xi32, #tpu.memory_space<vmem>>)
      %parallel_loop3A_61 = arith.constant 3136 : i32
      %parallel_loop3A_62 = arith.constant 6272 : i32
      %parallel_loop3A_63 = arith.constant 1 : i32
      scf.for %parallel_loop3A_114 = %parallel_loop3A_61 to %parallel_loop3A_62 step %parallel_loop3A_63  : i32 {
        %parallel_loop3A_115 = arith.constant 16 : i32
        %parallel_loop3A_116 = arith.muli %parallel_loop3A_114, %parallel_loop3A_115 : i32
        %parallel_loop3A_117 = arith.index_cast %parallel_loop3A_116 : i32 to index
        %parallel_loop3A_118 = tpu.vector_load %arg4[%parallel_loop3A_117] {strides = array<i32>} : memref<100352xi32, #tpu.memory_space<vmem>>, vector<16xi32>,
        %parallel_loop3A_119 = arith.constant 11 : i32
        %parallel_loop3A_120 = vector.broadcast %parallel_loop3A_119 : i32 to vector<16xi32>
        %parallel_loop3A_121 = arith.shrsi %parallel_loop3A_118, %parallel_loop3A_120 : vector<16xi32>
        tpu.vector_store_idx %arg5[%parallel_loop3A_121], %broadcast_in_dim3A_5 {add = true} : memref<8192xi32, #tpu.memory_space<vmem>>[vector<16xi32>], vector<16xi32>,
      } {sc.loop_unroll_factor = 16 : i64, sc.parallel_access}
      %lt3A_64 = arith.constant 7 : i32
      %lt3A_65 = arith.cmpi slt, %scan3A_34, %lt3A_64 : i32
      %convert_element_type3A_66 = arith.extui %lt3A_65 : i1 to i32
      %cond3A_67 = arith.constant 0 : i32
      %cond3A_68 = arith.cmpi ne, %convert_element_type3A_66, %cond3A_67 : i32
      scf.if %cond3A_68 {
        %add3A_114 = arith.constant 1 : i32
        %add3A_115 = arith.addi %add3A_36, %add3A_114 : i32
        %dma_start3A_116 = arith.constant 50176 : i32
        %dma_start3A_117 = tpu.memref_slice %arg4[%dma_start3A_116] : memref<100352xi32, #tpu.memory_space<vmem>> -> memref<50176xi32, #tpu.memory_space<vmem>>
        %dma_start3A_118 = arith.constant 50176 : i32
        %dma_start3A_119 = tpu.memref_slice %arg2[%add3A_115, %dma_start3A_118] : memref<256x100352xi32, #tpu.memory_space<hbm>> -> memref<1x50176xi32, #tpu.memory_space<hbm>>
        %dma_start3A_120 = tpu.memref_squeeze %dma_start3A_119 : memref<1x50176xi32, #tpu.memory_space<hbm>> -> memref<50176xi32, #tpu.memory_space<hbm>>
        %dma_start3A_121 = arith.constant 50176 : i32
        %dma_start3A_122 = tpu.memref_slice %arg4[%dma_start3A_121] : memref<100352xi32, #tpu.memory_space<vmem>> -> memref<50176xi32, #tpu.memory_space<vmem>>
        %dma_start3A_123 = arith.constant 50176 : i32
        %dma_start3A_124 = tpu.memref_slice %arg2[%add3A_115, %dma_start3A_123] : memref<256x100352xi32, #tpu.memory_space<hbm>> -> memref<1x50176xi32, #tpu.memory_space<hbm>>
        %dma_start3A_125 = tpu.memref_squeeze %dma_start3A_124 : memref<1x50176xi32, #tpu.memory_space<hbm>> -> memref<50176xi32, #tpu.memory_space<hbm>>
        tpu.enqueue_dma source(%dma_start3A_125 : memref<50176xi32, #tpu.memory_space<hbm>>) target(%dma_start3A_122 : memref<50176xi32, #tpu.memory_space<vmem>>) target_semaphore(%arg8 : memref<!tpu.dma_semaphore, #tpu.memory_space<semaphore_mem>>)
      } else {
      }
      %scan3A_69 = arith.constant 0 : i32
      %scan3A_70 = arith.constant -1 : i32
      %scan3A_71 = arith.constant 0 : i32
      %scan3A_72 = arith.constant 0 : i32
      %scan3A_73 = arith.constant 32 : i32
      %scan3A_74 = arith.addi %scan3A_72, %scan3A_73 : i32
      %scan3A_75 = arith.constant 1 : i32
      %scan3A_76:3 = scf.for %scan3A_114 = %scan3A_72 to %scan3A_74 step %scan3A_75 iter_args(%scan3A_115 = %scan3A_69, %scan3A_116 = %scan3A_70, %scan3A_117 = %scan3A_71) -> (i32, i32, i32)  : i32 {
        %mul3A_118 = arith.constant 16 : i32
        %mul3A_119 = arith.muli %scan3A_114, %mul3A_118 : i32
        %add3A_120 = arith.constant 0 : i32
        %add3A_121 = arith.addi %mul3A_119, %add3A_120 : i32
        %mul3A_122 = arith.constant 16 : i32
        %mul3A_123 = arith.muli %add3A_121, %mul3A_122 : i32
        %get3A_124 = arith.index_cast %mul3A_123 : i32 to index
        %get3A_125 = tpu.vector_load %arg5[%get3A_124] {strides = array<i32>} : memref<8192xi32, #tpu.memory_space<vmem>>, vector<16xi32>,
        %add3A_126 = arith.addi %broadcast_in_dim3A_3, %get3A_125 : vector<16xi32>
        %mul3A_127 = arith.constant 16 : i32
        %mul3A_128 = arith.muli %scan3A_114, %mul3A_127 : i32
        %add3A_129 = arith.constant 1 : i32
        %add3A_130 = arith.addi %mul3A_128, %add3A_129 : i32
        %mul3A_131 = arith.constant 16 : i32
        %mul3A_132 = arith.muli %add3A_130, %mul3A_131 : i32
        %get3A_133 = arith.index_cast %mul3A_132 : i32 to index
        %get3A_134 = tpu.vector_load %arg5[%get3A_133] {strides = array<i32>} : memref<8192xi32, #tpu.memory_space<vmem>>, vector<16xi32>,
        %add3A_135 = arith.addi %add3A_126, %get3A_134 : vector<16xi32>
        %mul3A_136 = arith.constant 16 : i32
        %mul3A_137 = arith.muli %scan3A_114, %mul3A_136 : i32
        %add3A_138 = arith.constant 2 : i32
        %add3A_139 = arith.addi %mul3A_137, %add3A_138 : i32
        %mul3A_140 = arith.constant 16 : i32
        %mul3A_141 = arith.muli %add3A_139, %mul3A_140 : i32
        %get3A_142 = arith.index_cast %mul3A_141 : i32 to index
        %get3A_143 = tpu.vector_load %arg5[%get3A_142] {strides = array<i32>} : memref<8192xi32, #tpu.memory_space<vmem>>, vector<16xi32>,
        %add3A_144 = arith.addi %add3A_135, %get3A_143 : vector<16xi32>
        %mul3A_145 = arith.constant 16 : i32
        %mul3A_146 = arith.muli %scan3A_114, %mul3A_145 : i32
        %add3A_147 = arith.constant 3 : i32
        %add3A_148 = arith.addi %mul3A_146, %add3A_147 : i32
        %mul3A_149 = arith.constant 16 : i32
        %mul3A_150 = arith.muli %add3A_148, %mul3A_149 : i32
        %get3A_151 = arith.index_cast %mul3A_150 : i32 to index
        %get3A_152 = tpu.vector_load %arg5[%get3A_151] {strides = array<i32>} : memref<8192xi32, #tpu.memory_space<vmem>>, vector<16xi32>,
        %add3A_153 = arith.addi %add3A_144, %get3A_152 : vector<16xi32>
        %mul3A_154 = arith.constant 16 : i32
        %mul3A_155 = arith.muli %scan3A_114, %mul3A_154 : i32
        %add3A_156 = arith.constant 4 : i32
        %add3A_157 = arith.addi %mul3A_155, %add3A_156 : i32
        %mul3A_158 = arith.constant 16 : i32
        %mul3A_159 = arith.muli %add3A_157, %mul3A_158 : i32
        %get3A_160 = arith.index_cast %mul3A_159 : i32 to index
        %get3A_161 = tpu.vector_load %arg5[%get3A_160] {strides = array<i32>} : memref<8192xi32, #tpu.memory_space<vmem>>, vector<16xi32>,
        %add3A_162 = arith.addi %add3A_153, %get3A_161 : vector<16xi32>
        %mul3A_163 = arith.constant 16 : i32
        %mul3A_164 = arith.muli %scan3A_114, %mul3A_163 : i32
        %add3A_165 = arith.constant 5 : i32
        %add3A_166 = arith.addi %mul3A_164, %add3A_165 : i32
        %mul3A_167 = arith.constant 16 : i32
        %mul3A_168 = arith.muli %add3A_166, %mul3A_167 : i32
        %get3A_169 = arith.index_cast %mul3A_168 : i32 to index
        %get3A_170 = tpu.vector_load %arg5[%get3A_169] {strides = array<i32>} : memref<8192xi32, #tpu.memory_space<vmem>>, vector<16xi32>,
        %add3A_171 = arith.addi %add3A_162, %get3A_170 : vector<16xi32>
        %mul3A_172 = arith.constant 16 : i32
        %mul3A_173 = arith.muli %scan3A_114, %mul3A_172 : i32
        %add3A_174 = arith.constant 6 : i32
        %add3A_175 = arith.addi %mul3A_173, %add3A_174 : i32
        %mul3A_176 = arith.constant 16 : i32
        %mul3A_177 = arith.muli %add3A_175, %mul3A_176 : i32
        %get3A_178 = arith.index_cast %mul3A_177 : i32 to index
        %get3A_179 = tpu.vector_load %arg5[%get3A_178] {strides = array<i32>} : memref<8192xi32, #tpu.memory_space<vmem>>, vector<16xi32>,
        %add3A_180 = arith.addi %add3A_171, %get3A_179 : vector<16xi32>
        %mul3A_181 = arith.constant 16 : i32
        %mul3A_182 = arith.muli %scan3A_114, %mul3A_181 : i32
        %add3A_183 = arith.constant 7 : i32
        %add3A_184 = arith.addi %mul3A_182, %add3A_183 : i32
        %mul3A_185 = arith.constant 16 : i32
        %mul3A_186 = arith.muli %add3A_184, %mul3A_185 : i32
        %get3A_187 = arith.index_cast %mul3A_186 : i32 to index
        %get3A_188 = tpu.vector_load %arg5[%get3A_187] {strides = array<i32>} : memref<8192xi32, #tpu.memory_space<vmem>>, vector<16xi32>,
        %add3A_189 = arith.addi %add3A_180, %get3A_188 : vector<16xi32>
        %mul3A_190 = arith.constant 16 : i32
        %mul3A_191 = arith.muli %scan3A_114, %mul3A_190 : i32
        %add3A_192 = arith.constant 8 : i32
        %add3A_193 = arith.addi %mul3A_191, %add3A_192 : i32
        %mul3A_194 = arith.constant 16 : i32
        %mul3A_195 = arith.muli %add3A_193, %mul3A_194 : i32
        %get3A_196 = arith.index_cast %mul3A_195 : i32 to index
        %get3A_197 = tpu.vector_load %arg5[%get3A_196] {strides = array<i32>} : memref<8192xi32, #tpu.memory_space<vmem>>, vector<16xi32>,
        %add3A_198 = arith.addi %add3A_189, %get3A_197 : vector<16xi32>
        %mul3A_199 = arith.constant 16 : i32
        %mul3A_200 = arith.muli %scan3A_114, %mul3A_199 : i32
        %add3A_201 = arith.constant 9 : i32
        %add3A_202 = arith.addi %mul3A_200, %add3A_201 : i32
        %mul3A_203 = arith.constant 16 : i32
        %mul3A_204 = arith.muli %add3A_202, %mul3A_203 : i32
        %get3A_205 = arith.index_cast %mul3A_204 : i32 to index
        %get3A_206 = tpu.vector_load %arg5[%get3A_205] {strides = array<i32>} : memref<8192xi32, #tpu.memory_space<vmem>>, vector<16xi32>,
        %add3A_207 = arith.addi %add3A_198, %get3A_206 : vector<16xi32>
        %mul3A_208 = arith.constant 16 : i32
        %mul3A_209 = arith.muli %scan3A_114, %mul3A_208 : i32
        %add3A_210 = arith.constant 10 : i32
        %add3A_211 = arith.addi %mul3A_209, %add3A_210 : i32
        %mul3A_212 = arith.constant 16 : i32
        %mul3A_213 = arith.muli %add3A_211, %mul3A_212 : i32
        %get3A_214 = arith.index_cast %mul3A_213 : i32 to index
        %get3A_215 = tpu.vector_load %arg5[%get3A_214] {strides = array<i32>} : memref<8192xi32, #tpu.memory_space<vmem>>, vector<16xi32>,
        %add3A_216 = arith.addi %add3A_207, %get3A_215 : vector<16xi32>
        %mul3A_217 = arith.constant 16 : i32
        %mul3A_218 = arith.muli %scan3A_114, %mul3A_217 : i32
        %add3A_219 = arith.constant 11 : i32
        %add3A_220 = arith.addi %mul3A_218, %add3A_219 : i32
        %mul3A_221 = arith.constant 16 : i32
        %mul3A_222 = arith.muli %add3A_220, %mul3A_221 : i32
        %get3A_223 = arith.index_cast %mul3A_222 : i32 to index
        %get3A_224 = tpu.vector_load %arg5[%get3A_223] {strides = array<i32>} : memref<8192xi32, #tpu.memory_space<vmem>>, vector<16xi32>,
        %add3A_225 = arith.addi %add3A_216, %get3A_224 : vector<16xi32>
        %mul3A_226 = arith.constant 16 : i32
        %mul3A_227 = arith.muli %scan3A_114, %mul3A_226 : i32
        %add3A_228 = arith.constant 12 : i32
        %add3A_229 = arith.addi %mul3A_227, %add3A_228 : i32
        %mul3A_230 = arith.constant 16 : i32
        %mul3A_231 = arith.muli %add3A_229, %mul3A_230 : i32
        %get3A_232 = arith.index_cast %mul3A_231 : i32 to index
        %get3A_233 = tpu.vector_load %arg5[%get3A_232] {strides = array<i32>} : memref<8192xi32, #tpu.memory_space<vmem>>, vector<16xi32>,
        %add3A_234 = arith.addi %add3A_225, %get3A_233 : vector<16xi32>
        %mul3A_235 = arith.constant 16 : i32
        %mul3A_236 = arith.muli %scan3A_114, %mul3A_235 : i32
        %add3A_237 = arith.constant 13 : i32
        %add3A_238 = arith.addi %mul3A_236, %add3A_237 : i32
        %mul3A_239 = arith.constant 16 : i32
        %mul3A_240 = arith.muli %add3A_238, %mul3A_239 : i32
        %get3A_241 = arith.index_cast %mul3A_240 : i32 to index
        %get3A_242 = tpu.vector_load %arg5[%get3A_241] {strides = array<i32>} : memref<8192xi32, #tpu.memory_space<vmem>>, vector<16xi32>,
        %add3A_243 = arith.addi %add3A_234, %get3A_242 : vector<16xi32>
        %mul3A_244 = arith.constant 16 : i32
        %mul3A_245 = arith.muli %scan3A_114, %mul3A_244 : i32
        %add3A_246 = arith.constant 14 : i32
        %add3A_247 = arith.addi %mul3A_245, %add3A_246 : i32
        %mul3A_248 = arith.constant 16 : i32
        %mul3A_249 = arith.muli %add3A_247, %mul3A_248 : i32
        %get3A_250 = arith.index_cast %mul3A_249 : i32 to index
        %get3A_251 = tpu.vector_load %arg5[%get3A_250] {strides = array<i32>} : memref<8192xi32, #tpu.memory_space<vmem>>, vector<16xi32>,
        %add3A_252 = arith.addi %add3A_243, %get3A_251 : vector<16xi32>
        %mul3A_253 = arith.constant 16 : i32
        %mul3A_254 = arith.muli %scan3A_114, %mul3A_253 : i32
        %add3A_255 = arith.constant 15 : i32
        %add3A_256 = arith.addi %mul3A_254, %add3A_255 : i32
        %mul3A_257 = arith.constant 16 : i32
        %mul3A_258 = arith.muli %add3A_256, %mul3A_257 : i32
        %get3A_259 = arith.index_cast %mul3A_258 : i32 to index
        %get3A_260 = tpu.vector_load %arg5[%get3A_259] {strides = array<i32>} : memref<8192xi32, #tpu.memory_space<vmem>>, vector<16xi32>,
        %add3A_261 = arith.addi %add3A_252, %get3A_260 : vector<16xi32>
        %reduce_sum3A = arith.constant true
        %reduce_sum3A_262 = vector.broadcast %reduce_sum3A : i1 to vector<16xi1>
        %reduce_sum3A_263 = tpu.scan <sum>, %add3A_261 masked %reduce_sum3A_262 : vector<16xi32>, vector<16xi1> -> vector<16xi32>
        %reduce_sum3A_264 = vector.extract %reduce_sum3A_263[15] : i32 from vector<16xi32>
        %lt3A_265 = arith.constant 0 : i32
        %lt3A_266 = arith.cmpi slt, %scan3A_116, %lt3A_265 : i32
        %add3A_267 = arith.addi %scan3A_115, %reduce_sum3A_264 : i32
        %ge3A_268 = arith.cmpi sge, %add3A_267, %scan3A : i32
        %and3A = arith.andi %lt3A_266, %ge3A_268 : i1
        %add3A_269 = arith.addi %scan3A_115, %reduce_sum3A_264 : i32
        %select_n3A = arith.select %and3A, %scan3A_114, %scan3A_116 : i32
        %select_n3A_270 = arith.select %and3A, %scan3A_115, %scan3A_117 : i32
        scf.yield %add3A_269, %select_n3A, %select_n3A_270 : i32, i32, i32
      }
      %scan3A_77 = arith.constant 32 : i32
      %scan3A_78 = arith.constant -1 : i32
      %scan3A_79 = arith.constant 0 : i32
      %scan3A_80 = arith.constant 0 : i32
      %scan3A_81 = arith.constant 16 : i32
      %scan3A_82 = arith.addi %scan3A_80, %scan3A_81 : i32
      %scan3A_83 = arith.constant 1 : i32
      %scan3A_84:3 = scf.for %scan3A_114 = %scan3A_80 to %scan3A_82 step %scan3A_83 iter_args(%scan3A_115 = %scan3A_76#2, %scan3A_116 = %scan3A_78, %scan3A_117 = %scan3A_79) -> (i32, i32, i32)  : i32 {
        %mul3A_118 = arith.constant 16 : i32
        %mul3A_119 = arith.muli %scan3A_76#1, %mul3A_118 : i32
        %add3A_120 = arith.addi %mul3A_119, %scan3A_114 : i32
        %mul3A_121 = arith.constant 16 : i32
        %mul3A_122 = arith.muli %add3A_120, %mul3A_121 : i32
        %get3A_123 = arith.index_cast %mul3A_122 : i32 to index
        %get3A_124 = tpu.vector_load %arg5[%get3A_123] {strides = array<i32>} : memref<8192xi32, #tpu.memory_space<vmem>>, vector<16xi32>,
        %reduce_sum3A = arith.constant true
        %reduce_sum3A_125 = vector.broadcast %reduce_sum3A : i1 to vector<16xi1>
        %reduce_sum3A_126 = tpu.scan <sum>, %get3A_124 masked %reduce_sum3A_125 : vector<16xi32>, vector<16xi1> -> vector<16xi32>
        %reduce_sum3A_127 = vector.extract %reduce_sum3A_126[15] : i32 from vector<16xi32>
        %lt3A_128 = arith.constant 0 : i32
        %lt3A_129 = arith.cmpi slt, %scan3A_116, %lt3A_128 : i32
        %add3A_130 = arith.addi %scan3A_115, %reduce_sum3A_127 : i32
        %ge3A_131 = arith.cmpi sge, %add3A_130, %scan3A : i32
        %and3A = arith.andi %lt3A_129, %ge3A_131 : i1
        %add3A_132 = arith.addi %scan3A_115, %reduce_sum3A_127 : i32
        %select_n3A = arith.select %and3A, %scan3A_114, %scan3A_116 : i32
        %select_n3A_133 = arith.select %and3A, %scan3A_115, %scan3A_117 : i32
        scf.yield %add3A_132, %select_n3A, %select_n3A_133 : i32, i32, i32
      }
      %scan3A_85 = arith.constant 16 : i32
      %mul3A_86 = arith.constant 16 : i32
      %mul3A_87 = arith.muli %scan3A_76#1, %mul3A_86 : i32
      %add3A_88 = arith.addi %mul3A_87, %scan3A_84#1 : i32
      %mul3A_89 = arith.constant 16 : i32
      %mul3A_90 = arith.muli %add3A_88, %mul3A_89 : i32
      %get3A = arith.index_cast %mul3A_90 : i32 to index
      %get3A_91 = tpu.vector_load %arg5[%get3A] {strides = array<i32>} : memref<8192xi32, #tpu.memory_space<vmem>>, vector<16xi32>,
      %broadcast_in_dim3A_92 = arith.constant true
      %broadcast_in_dim3A_93 = vector.broadcast %broadcast_in_dim3A_92 : i1 to vector<16xi1>
      %masked_cumsum3A = tpu.scan <sum>, %get3A_91 masked %broadcast_in_dim3A_93 : vector<16xi32>, vector<16xi1> -> vector<16xi32>
      %add3A_94 = vector.broadcast %scan3A_84#2 : i32 to vector<16xi32>
      %add3A_95 = arith.addi %add3A_94, %masked_cumsum3A : vector<16xi32>
      %ge3A = vector.broadcast %scan3A : i32 to vector<16xi32>
      %ge3A_96 = arith.cmpi sge, %add3A_95, %ge3A : vector<16xi32>
      %all_reduce_ffs3A = tpu.all_reduce %ge3A_96 {dim = 0 : i64, kind = #tpu.reduction_kind<find_first_set>} : vector<16xi1> -> vector<16xi32>
      %mul3A_97 = arith.constant 256 : i32
      %mul3A_98 = arith.muli %scan3A_76#1, %mul3A_97 : i32
      %mul3A_99 = arith.constant 16 : i32
      %mul3A_100 = arith.muli %scan3A_84#1, %mul3A_99 : i32
      %add3A_101 = arith.addi %mul3A_98, %mul3A_100 : i32
      %add3A_102 = vector.broadcast %add3A_101 : i32 to vector<16xi32>
      %add3A_103 = arith.addi %add3A_102, %all_reduce_ffs3A : vector<16xi32>
      %add3A_104 = arith.constant 1 : i32
      %add3A_105 = vector.broadcast %add3A_104 : i32 to vector<16xi32>
      %add3A_106 = arith.addi %add3A_103, %add3A_105 : vector<16xi32>
      %shift_left3A = arith.constant 11 : i32
      %shift_left3A_107 = vector.broadcast %shift_left3A : i32 to vector<16xi32>
      %shift_left3A_108 = arith.shli %add3A_106, %shift_left3A_107 : vector<16xi32>
      %parallel_loop3A_109 = arith.constant 0 : i32
      %parallel_loop3A_110 = arith.constant 512 : i32
      %parallel_loop3A_111 = arith.constant 1 : i32
      scf.for %parallel_loop3A_114 = %parallel_loop3A_109 to %parallel_loop3A_110 step %parallel_loop3A_111  : i32 {
        %parallel_loop3A_115 = arith.constant 16 : i32
        %parallel_loop3A_116 = arith.muli %parallel_loop3A_114, %parallel_loop3A_115 : i32
        %parallel_loop3A_117 = arith.index_cast %parallel_loop3A_116 : i32 to index
        %parallel_loop3A_118 = tpu.vector_load %arg5[%parallel_loop3A_117] {strides = array<i32>} : memref<8192xi32, #tpu.memory_space<vmem>>, vector<16xi32>,
        tpu.vector_store %arg5[%parallel_loop3A_117], %broadcast_in_dim3A_3 {strides = array<i32>} : memref<8192xi32, #tpu.memory_space<vmem>>, vector<16xi32>,
      } {sc.loop_unroll_factor = 16 : i64, sc.parallel_access}
      %swap3A = arith.constant 0 : index
      %swap3A_112 = tpu.vector_load %arg6[%swap3A] {strides = array<i32>} : memref<16xi32, #tpu.memory_space<vmem>>, vector<16xi32>,
      tpu.vector_store %arg6[%swap3A], %shift_left3A_108 {strides = array<i32>} : memref<16xi32, #tpu.memory_space<vmem>>, vector<16xi32>,
      "tpu.region"() ({
        %run_scoped3A = tpu.sem_alloc : memref<!tpu.dma_semaphore, #tpu.memory_space<semaphore_mem>>
        %dma_start3A_114 = arith.constant 0 : i32
        %dma_start3A_115 = tpu.memref_slice %arg3[%add3A_36, %dma_start3A_114] : memref<256x16xi32, #tpu.memory_space<hbm>> -> memref<1x16xi32, #tpu.memory_space<hbm>>
        %dma_start3A_116 = tpu.memref_squeeze %dma_start3A_115 : memref<1x16xi32, #tpu.memory_space<hbm>> -> memref<16xi32, #tpu.memory_space<hbm>>
        %dma_start3A_117 = arith.constant 0 : i32
        %dma_start3A_118 = tpu.memref_slice %arg3[%add3A_36, %dma_start3A_117] : memref<256x16xi32, #tpu.memory_space<hbm>> -> memref<1x16xi32, #tpu.memory_space<hbm>>
        %dma_start3A_119 = tpu.memref_squeeze %dma_start3A_118 : memref<1x16xi32, #tpu.memory_space<hbm>> -> memref<16xi32, #tpu.memory_space<hbm>>
        tpu.enqueue_dma source(%arg6 : memref<16xi32, #tpu.memory_space<vmem>>) target(%dma_start3A_119 : memref<16xi32, #tpu.memory_space<hbm>>) target_semaphore(%run_scoped3A : memref<!tpu.dma_semaphore, #tpu.memory_space<semaphore_mem>>)
        %dma_wait3A_120 = arith.constant 0 : i32
        %dma_wait3A_121 = tpu.memref_slice %arg3[%add3A_36, %dma_wait3A_120] : memref<256x16xi32, #tpu.memory_space<hbm>> -> memref<1x16xi32, #tpu.memory_space<hbm>>
        %dma_wait3A_122 = tpu.memref_squeeze %dma_wait3A_121 : memref<1x16xi32, #tpu.memory_space<hbm>> -> memref<16xi32, #tpu.memory_space<hbm>>
        %dma_wait3A_123 = arith.constant 0 : i32
        %dma_wait3A_124 = tpu.memref_slice %arg3[%add3A_36, %dma_wait3A_123] : memref<256x16xi32, #tpu.memory_space<hbm>> -> memref<1x16xi32, #tpu.memory_space<hbm>>
        %dma_wait3A_125 = tpu.memref_squeeze %dma_wait3A_124 : memref<1x16xi32, #tpu.memory_space<hbm>> -> memref<16xi32, #tpu.memory_space<hbm>>
        tpu.wait_dma2 semaphore(%run_scoped3A : memref<!tpu.dma_semaphore, #tpu.memory_space<semaphore_mem>>) src(%arg6 : memref<16xi32, #tpu.memory_space<vmem>>) dst(%dma_wait3A_125 : memref<16xi32, #tpu.memory_space<hbm>>)
        tpu.yield
      }) : () -> ()
      %scan3A_113 = arith.constant 0 : i32
      scf.yield %scan3A_113 : i32
    }
    %scan3A_33 = arith.constant 8 : i32
    return
  }
}

#map = affine_map<(d0, d1) -> (0, 0)>
module attributes {stable_mosaic.version = 14 : i64} {
  func.func @_sc_body(%arg0: i32, %arg1: i32, %arg2: memref<256x100352xi32, #tpu.memory_space<hbm>>, %arg3: memref<256x16xi32, #tpu.memory_space<hbm>>, %arg4: memref<100352xi32, #tpu.memory_space<vmem>>, %arg5: memref<8192xi32, #tpu.memory_space<vmem>>, %arg6: memref<16xi32, #tpu.memory_space<vmem>>, %arg7: memref<!tpu.dma_semaphore, #tpu.memory_space<semaphore_mem>>, %arg8: memref<!tpu.dma_semaphore, #tpu.memory_space<semaphore_mem>>) attributes {dimension_semantics = [#tpu.dimension_semantics<core_parallel>, #tpu.dimension_semantics<subcore_parallel>], iteration_bounds = array<i64: 2, 16>, scalar_prefetch = 0 : i64, scratch_operands = 5 : i64, tpu.core_type = #tpu.core_type<sc_vector_subcore>, window_params = [{transform_indices = #map}, {transform_indices = #map}]} {
    %mul3A = arith.constant 2 : i32
    %mul3A_0 = arith.muli %arg1, %mul3A : i32
    %add3A = arith.addi %mul3A_0, %arg0 : i32
    %mul3A_1 = arith.constant 8 : i32
    %mul3A_2 = arith.muli %add3A, %mul3A_1 : i32
    %broadcast_in_dim3A = arith.constant 0 : i32
    %broadcast_in_dim3A_3 = vector.broadcast %broadcast_in_dim3A : i32 to vector<16xi32>
    %broadcast_in_dim3A_4 = arith.constant 1 : i32
    %broadcast_in_dim3A_5 = vector.broadcast %broadcast_in_dim3A_4 : i32 to vector<16xi32>
    %parallel_loop3A = arith.constant 0 : i32
    %parallel_loop3A_6 = arith.constant 512 : i32
    %parallel_loop3A_7 = arith.constant 1 : i32
    scf.for %parallel_loop3A_34 = %parallel_loop3A to %parallel_loop3A_6 step %parallel_loop3A_7  : i32 {
      %parallel_loop3A_35 = arith.constant 16 : i32
      %parallel_loop3A_36 = arith.muli %parallel_loop3A_34, %parallel_loop3A_35 : i32
      %parallel_loop3A_37 = arith.index_cast %parallel_loop3A_36 : i32 to index
      %parallel_loop3A_38 = tpu.vector_load %arg5[%parallel_loop3A_37] {strides = array<i32>} : memref<8192xi32, #tpu.memory_space<vmem>>, vector<16xi32>,
      tpu.vector_store %arg5[%parallel_loop3A_37], %broadcast_in_dim3A_3 {strides = array<i32>} : memref<8192xi32, #tpu.memory_space<vmem>>, vector<16xi32>,
    } {sc.loop_unroll_factor = 16 : i64, sc.parallel_access}
    %dma_start3A = arith.constant 0 : i32
    %dma_start3A_8 = tpu.memref_slice %arg4[%dma_start3A] : memref<100352xi32, #tpu.memory_space<vmem>> -> memref<50176xi32, #tpu.memory_space<vmem>>
    %dma_start3A_9 = arith.constant 0 : i32
    %dma_start3A_10 = tpu.memref_slice %arg2[%mul3A_2, %dma_start3A_9] : memref<256x100352xi32, #tpu.memory_space<hbm>> -> memref<1x50176xi32, #tpu.memory_space<hbm>>
    %dma_start3A_11 = tpu.memref_squeeze %dma_start3A_10 : memref<1x50176xi32, #tpu.memory_space<hbm>> -> memref<50176xi32, #tpu.memory_space<hbm>>
    %dma_start3A_12 = arith.constant 0 : i32
    %dma_start3A_13 = tpu.memref_slice %arg4[%dma_start3A_12] : memref<100352xi32, #tpu.memory_space<vmem>> -> memref<50176xi32, #tpu.memory_space<vmem>>
    %dma_start3A_14 = arith.constant 0 : i32
    %dma_start3A_15 = tpu.memref_slice %arg2[%mul3A_2, %dma_start3A_14] : memref<256x100352xi32, #tpu.memory_space<hbm>> -> memref<1x50176xi32, #tpu.memory_space<hbm>>
    %dma_start3A_16 = tpu.memref_squeeze %dma_start3A_15 : memref<1x50176xi32, #tpu.memory_space<hbm>> -> memref<50176xi32, #tpu.memory_space<hbm>>
    tpu.enqueue_dma source(%dma_start3A_16 : memref<50176xi32, #tpu.memory_space<hbm>>) target(%dma_start3A_13 : memref<50176xi32, #tpu.memory_space<vmem>>) target_semaphore(%arg7 : memref<!tpu.dma_semaphore, #tpu.memory_space<semaphore_mem>>)
    %dma_start3A_17 = arith.constant 50176 : i32
    %dma_start3A_18 = tpu.memref_slice %arg4[%dma_start3A_17] : memref<100352xi32, #tpu.memory_space<vmem>> -> memref<50176xi32, #tpu.memory_space<vmem>>
    %dma_start3A_19 = arith.constant 50176 : i32
    %dma_start3A_20 = tpu.memref_slice %arg2[%mul3A_2, %dma_start3A_19] : memref<256x100352xi32, #tpu.memory_space<hbm>> -> memref<1x50176xi32, #tpu.memory_space<hbm>>
    %dma_start3A_21 = tpu.memref_squeeze %dma_start3A_20 : memref<1x50176xi32, #tpu.memory_space<hbm>> -> memref<50176xi32, #tpu.memory_space<hbm>>
    %dma_start3A_22 = arith.constant 50176 : i32
    %dma_start3A_23 = tpu.memref_slice %arg4[%dma_start3A_22] : memref<100352xi32, #tpu.memory_space<vmem>> -> memref<50176xi32, #tpu.memory_space<vmem>>
    %dma_start3A_24 = arith.constant 50176 : i32
    %dma_start3A_25 = tpu.memref_slice %arg2[%mul3A_2, %dma_start3A_24] : memref<256x100352xi32, #tpu.memory_space<hbm>> -> memref<1x50176xi32, #tpu.memory_space<hbm>>
    %dma_start3A_26 = tpu.memref_squeeze %dma_start3A_25 : memref<1x50176xi32, #tpu.memory_space<hbm>> -> memref<50176xi32, #tpu.memory_space<hbm>>
    tpu.enqueue_dma source(%dma_start3A_26 : memref<50176xi32, #tpu.memory_space<hbm>>) target(%dma_start3A_23 : memref<50176xi32, #tpu.memory_space<vmem>>) target_semaphore(%arg8 : memref<!tpu.dma_semaphore, #tpu.memory_space<semaphore_mem>>)
    %scan3A = arith.constant 1000 : i32
    %scan3A_27 = arith.constant 0 : i32
    %scan3A_28 = arith.constant 0 : i32
    %scan3A_29 = arith.constant 8 : i32
    %scan3A_30 = arith.addi %scan3A_28, %scan3A_29 : i32
    %scan3A_31 = arith.constant 1 : i32
    %scan3A_32 = scf.for %scan3A_34 = %scan3A_28 to %scan3A_30 step %scan3A_31 iter_args(%scan3A_35 = %scan3A_27) -> (i32)  : i32 {
      %add3A_36 = arith.addi %mul3A_2, %scan3A_34 : i32
      %dma_wait3A = arith.constant 0 : i32
      %dma_wait3A_37 = tpu.memref_slice %arg4[%dma_wait3A] : memref<100352xi32, #tpu.memory_space<vmem>> -> memref<50176xi32, #tpu.memory_space<vmem>>
      %dma_wait3A_38 = arith.constant 0 : i32
      %dma_wait3A_39 = tpu.memref_slice %arg2[%add3A_36, %dma_wait3A_38] : memref<256x100352xi32, #tpu.memory_space<hbm>> -> memref<1x50176xi32, #tpu.memory_space<hbm>>
      %dma_wait3A_40 = tpu.memref_squeeze %dma_wait3A_39 : memref<1x50176xi32, #tpu.memory_space<hbm>> -> memref<50176xi32, #tpu.memory_space<hbm>>
      %dma_wait3A_41 = arith.constant 0 : i32
      %dma_wait3A_42 = tpu.memref_slice %arg4[%dma_wait3A_41] : memref<100352xi32, #tpu.memory_space<vmem>> -> memref<50176xi32, #tpu.memory_space<vmem>>
      %dma_wait3A_43 = arith.constant 0 : i32
      %dma_wait3A_44 = tpu.memref_slice %arg2[%add3A_36, %dma_wait3A_43] : memref<256x100352xi32, #tpu.memory_space<hbm>> -> memref<1x50176xi32, #tpu.memory_space<hbm>>
      %dma_wait3A_45 = tpu.memref_squeeze %dma_wait3A_44 : memref<1x50176xi32, #tpu.memory_space<hbm>> -> memref<50176xi32, #tpu.memory_space<hbm>>
      tpu.wait_dma2 semaphore(%arg7 : memref<!tpu.dma_semaphore, #tpu.memory_space<semaphore_mem>>) src(%dma_wait3A_45 : memref<50176xi32, #tpu.memory_space<hbm>>) dst(%dma_wait3A_42 : memref<50176xi32, #tpu.memory_space<vmem>>)
      %parallel_loop3A_46 = arith.constant 0 : i32
      %parallel_loop3A_47 = arith.constant 3136 : i32
      %parallel_loop3A_48 = arith.constant 1 : i32
      scf.for %parallel_loop3A_114 = %parallel_loop3A_46 to %parallel_loop3A_47 step %parallel_loop3A_48  : i32 {
        %parallel_loop3A_115 = arith.constant 16 : i32
        %parallel_loop3A_116 = arith.muli %parallel_loop3A_114, %parallel_loop3A_115 : i32
        %parallel_loop3A_117 = arith.index_cast %parallel_loop3A_116 : i32 to index
        %parallel_loop3A_118 = tpu.vector_load %arg4[%parallel_loop3A_117] {strides = array<i32>} : memref<100352xi32, #tpu.memory_space<vmem>>, vector<16xi32>,
        %parallel_loop3A_119 = arith.constant 11 : i32
        %parallel_loop3A_120 = vector.broadcast %parallel_loop3A_119 : i32 to vector<16xi32>
        %parallel_loop3A_121 = arith.shrsi %parallel_loop3A_118, %parallel_loop3A_120 : vector<16xi32>
        tpu.vector_store_idx %arg5[%parallel_loop3A_121], %broadcast_in_dim3A_5 {add = true} : memref<8192xi32, #tpu.memory_space<vmem>>[vector<16xi32>], vector<16xi32>,
      } {sc.loop_unroll_factor = 16 : i64, sc.parallel_access}
      %lt3A = arith.constant 7 : i32
      %lt3A_49 = arith.cmpi slt, %scan3A_34, %lt3A : i32
      %convert_element_type3A = arith.extui %lt3A_49 : i1 to i32
      %cond3A = arith.constant 0 : i32
      %cond3A_50 = arith.cmpi ne, %convert_element_type3A, %cond3A : i32
      scf.if %cond3A_50 {
        %add3A_114 = arith.constant 1 : i32
        %add3A_115 = arith.addi %add3A_36, %add3A_114 : i32
        %dma_start3A_116 = arith.constant 0 : i32
        %dma_start3A_117 = tpu.memref_slice %arg4[%dma_start3A_116] : memref<100352xi32, #tpu.memory_space<vmem>> -> memref<50176xi32, #tpu.memory_space<vmem>>
        %dma_start3A_118 = arith.constant 0 : i32
        %dma_start3A_119 = tpu.memref_slice %arg2[%add3A_115, %dma_start3A_118] : memref<256x100352xi32, #tpu.memory_space<hbm>> -> memref<1x50176xi32, #tpu.memory_space<hbm>>
        %dma_start3A_120 = tpu.memref_squeeze %dma_start3A_119 : memref<1x50176xi32, #tpu.memory_space<hbm>> -> memref<50176xi32, #tpu.memory_space<hbm>>
        %dma_start3A_121 = arith.constant 0 : i32
        %dma_start3A_122 = tpu.memref_slice %arg4[%dma_start3A_121] : memref<100352xi32, #tpu.memory_space<vmem>> -> memref<50176xi32, #tpu.memory_space<vmem>>
        %dma_start3A_123 = arith.constant 0 : i32
        %dma_start3A_124 = tpu.memref_slice %arg2[%add3A_115, %dma_start3A_123] : memref<256x100352xi32, #tpu.memory_space<hbm>> -> memref<1x50176xi32, #tpu.memory_space<hbm>>
        %dma_start3A_125 = tpu.memref_squeeze %dma_start3A_124 : memref<1x50176xi32, #tpu.memory_space<hbm>> -> memref<50176xi32, #tpu.memory_space<hbm>>
        tpu.enqueue_dma source(%dma_start3A_125 : memref<50176xi32, #tpu.memory_space<hbm>>) target(%dma_start3A_122 : memref<50176xi32, #tpu.memory_space<vmem>>) target_semaphore(%arg7 : memref<!tpu.dma_semaphore, #tpu.memory_space<semaphore_mem>>)
      } else {
      }
      %dma_wait3A_51 = arith.constant 50176 : i32
      %dma_wait3A_52 = tpu.memref_slice %arg4[%dma_wait3A_51] : memref<100352xi32, #tpu.memory_space<vmem>> -> memref<50176xi32, #tpu.memory_space<vmem>>
      %dma_wait3A_53 = arith.constant 50176 : i32
      %dma_wait3A_54 = tpu.memref_slice %arg2[%add3A_36, %dma_wait3A_53] : memref<256x100352xi32, #tpu.memory_space<hbm>> -> memref<1x50176xi32, #tpu.memory_space<hbm>>
      %dma_wait3A_55 = tpu.memref_squeeze %dma_wait3A_54 : memref<1x50176xi32, #tpu.memory_space<hbm>> -> memref<50176xi32, #tpu.memory_space<hbm>>
      %dma_wait3A_56 = arith.constant 50176 : i32
      %dma_wait3A_57 = tpu.memref_slice %arg4[%dma_wait3A_56] : memref<100352xi32, #tpu.memory_space<vmem>> -> memref<50176xi32, #tpu.memory_space<vmem>>
      %dma_wait3A_58 = arith.constant 50176 : i32
      %dma_wait3A_59 = tpu.memref_slice %arg2[%add3A_36, %dma_wait3A_58] : memref<256x100352xi32, #tpu.memory_space<hbm>> -> memref<1x50176xi32, #tpu.memory_space<hbm>>
      %dma_wait3A_60 = tpu.memref_squeeze %dma_wait3A_59 : memref<1x50176xi32, #tpu.memory_space<hbm>> -> memref<50176xi32, #tpu.memory_space<hbm>>
      tpu.wait_dma2 semaphore(%arg8 : memref<!tpu.dma_semaphore, #tpu.memory_space<semaphore_mem>>) src(%dma_wait3A_60 : memref<50176xi32, #tpu.memory_space<hbm>>) dst(%dma_wait3A_57 : memref<50176xi32, #tpu.memory_space<vmem>>)
      %parallel_loop3A_61 = arith.constant 3136 : i32
      %parallel_loop3A_62 = arith.constant 6272 : i32
      %parallel_loop3A_63 = arith.constant 1 : i32
      scf.for %parallel_loop3A_114 = %parallel_loop3A_61 to %parallel_loop3A_62 step %parallel_loop3A_63  : i32 {
        %parallel_loop3A_115 = arith.constant 16 : i32
        %parallel_loop3A_116 = arith.muli %parallel_loop3A_114, %parallel_loop3A_115 : i32
        %parallel_loop3A_117 = arith.index_cast %parallel_loop3A_116 : i32 to index
        %parallel_loop3A_118 = tpu.vector_load %arg4[%parallel_loop3A_117] {strides = array<i32>} : memref<100352xi32, #tpu.memory_space<vmem>>, vector<16xi32>,
        %parallel_loop3A_119 = arith.constant 11 : i32
        %parallel_loop3A_120 = vector.broadcast %parallel_loop3A_119 : i32 to vector<16xi32>
        %parallel_loop3A_121 = arith.shrsi %parallel_loop3A_118, %parallel_loop3A_120 : vector<16xi32>
        tpu.vector_store_idx %arg5[%parallel_loop3A_121], %broadcast_in_dim3A_5 {add = true} : memref<8192xi32, #tpu.memory_space<vmem>>[vector<16xi32>], vector<16xi32>,
      } {sc.loop_unroll_factor = 16 : i64, sc.parallel_access}
      %lt3A_64 = arith.constant 7 : i32
      %lt3A_65 = arith.cmpi slt, %scan3A_34, %lt3A_64 : i32
      %convert_element_type3A_66 = arith.extui %lt3A_65 : i1 to i32
      %cond3A_67 = arith.constant 0 : i32
      %cond3A_68 = arith.cmpi ne, %convert_element_type3A_66, %cond3A_67 : i32
      scf.if %cond3A_68 {
        %add3A_114 = arith.constant 1 : i32
        %add3A_115 = arith.addi %add3A_36, %add3A_114 : i32
        %dma_start3A_116 = arith.constant 50176 : i32
        %dma_start3A_117 = tpu.memref_slice %arg4[%dma_start3A_116] : memref<100352xi32, #tpu.memory_space<vmem>> -> memref<50176xi32, #tpu.memory_space<vmem>>
        %dma_start3A_118 = arith.constant 50176 : i32
        %dma_start3A_119 = tpu.memref_slice %arg2[%add3A_115, %dma_start3A_118] : memref<256x100352xi32, #tpu.memory_space<hbm>> -> memref<1x50176xi32, #tpu.memory_space<hbm>>
        %dma_start3A_120 = tpu.memref_squeeze %dma_start3A_119 : memref<1x50176xi32, #tpu.memory_space<hbm>> -> memref<50176xi32, #tpu.memory_space<hbm>>
        %dma_start3A_121 = arith.constant 50176 : i32
        %dma_start3A_122 = tpu.memref_slice %arg4[%dma_start3A_121] : memref<100352xi32, #tpu.memory_space<vmem>> -> memref<50176xi32, #tpu.memory_space<vmem>>
        %dma_start3A_123 = arith.constant 50176 : i32
        %dma_start3A_124 = tpu.memref_slice %arg2[%add3A_115, %dma_start3A_123] : memref<256x100352xi32, #tpu.memory_space<hbm>> -> memref<1x50176xi32, #tpu.memory_space<hbm>>
        %dma_start3A_125 = tpu.memref_squeeze %dma_start3A_124 : memref<1x50176xi32, #tpu.memory_space<hbm>> -> memref<50176xi32, #tpu.memory_space<hbm>>
        tpu.enqueue_dma source(%dma_start3A_125 : memref<50176xi32, #tpu.memory_space<hbm>>) target(%dma_start3A_122 : memref<50176xi32, #tpu.memory_space<vmem>>) target_semaphore(%arg8 : memref<!tpu.dma_semaphore, #tpu.memory_space<semaphore_mem>>)
      } else {
      }
      %scan3A_69 = arith.constant 0 : i32
      %scan3A_70 = arith.constant -1 : i32
      %scan3A_71 = arith.constant 0 : i32
      %scan3A_72 = arith.constant 0 : i32
      %scan3A_73 = arith.constant 32 : i32
      %scan3A_74 = arith.addi %scan3A_72, %scan3A_73 : i32
      %scan3A_75 = arith.constant 1 : i32
      %scan3A_76:3 = scf.for %scan3A_114 = %scan3A_72 to %scan3A_74 step %scan3A_75 iter_args(%scan3A_115 = %scan3A_69, %scan3A_116 = %scan3A_70, %scan3A_117 = %scan3A_71) -> (i32, i32, i32)  : i32 {
        %mul3A_118 = arith.constant 16 : i32
        %mul3A_119 = arith.muli %scan3A_114, %mul3A_118 : i32
        %add3A_120 = arith.constant 0 : i32
        %add3A_121 = arith.addi %mul3A_119, %add3A_120 : i32
        %mul3A_122 = arith.constant 16 : i32
        %mul3A_123 = arith.muli %add3A_121, %mul3A_122 : i32
        %get3A_124 = arith.index_cast %mul3A_123 : i32 to index
        %get3A_125 = tpu.vector_load %arg5[%get3A_124] {strides = array<i32>} : memref<8192xi32, #tpu.memory_space<vmem>>, vector<16xi32>,
        %add3A_126 = arith.addi %broadcast_in_dim3A_3, %get3A_125 : vector<16xi32>
        %mul3A_127 = arith.constant 16 : i32
        %mul3A_128 = arith.muli %scan3A_114, %mul3A_127 : i32
        %add3A_129 = arith.constant 1 : i32
        %add3A_130 = arith.addi %mul3A_128, %add3A_129 : i32
        %mul3A_131 = arith.constant 16 : i32
        %mul3A_132 = arith.muli %add3A_130, %mul3A_131 : i32
        %get3A_133 = arith.index_cast %mul3A_132 : i32 to index
        %get3A_134 = tpu.vector_load %arg5[%get3A_133] {strides = array<i32>} : memref<8192xi32, #tpu.memory_space<vmem>>, vector<16xi32>,
        %add3A_135 = arith.addi %add3A_126, %get3A_134 : vector<16xi32>
        %mul3A_136 = arith.constant 16 : i32
        %mul3A_137 = arith.muli %scan3A_114, %mul3A_136 : i32
        %add3A_138 = arith.constant 2 : i32
        %add3A_139 = arith.addi %mul3A_137, %add3A_138 : i32
        %mul3A_140 = arith.constant 16 : i32
        %mul3A_141 = arith.muli %add3A_139, %mul3A_140 : i32
        %get3A_142 = arith.index_cast %mul3A_141 : i32 to index
        %get3A_143 = tpu.vector_load %arg5[%get3A_142] {strides = array<i32>} : memref<8192xi32, #tpu.memory_space<vmem>>, vector<16xi32>,
        %add3A_144 = arith.addi %add3A_135, %get3A_143 : vector<16xi32>
        %mul3A_145 = arith.constant 16 : i32
        %mul3A_146 = arith.muli %scan3A_114, %mul3A_145 : i32
        %add3A_147 = arith.constant 3 : i32
        %add3A_148 = arith.addi %mul3A_146, %add3A_147 : i32
        %mul3A_149 = arith.constant 16 : i32
        %mul3A_150 = arith.muli %add3A_148, %mul3A_149 : i32
        %get3A_151 = arith.index_cast %mul3A_150 : i32 to index
        %get3A_152 = tpu.vector_load %arg5[%get3A_151] {strides = array<i32>} : memref<8192xi32, #tpu.memory_space<vmem>>, vector<16xi32>,
        %add3A_153 = arith.addi %add3A_144, %get3A_152 : vector<16xi32>
        %mul3A_154 = arith.constant 16 : i32
        %mul3A_155 = arith.muli %scan3A_114, %mul3A_154 : i32
        %add3A_156 = arith.constant 4 : i32
        %add3A_157 = arith.addi %mul3A_155, %add3A_156 : i32
        %mul3A_158 = arith.constant 16 : i32
        %mul3A_159 = arith.muli %add3A_157, %mul3A_158 : i32
        %get3A_160 = arith.index_cast %mul3A_159 : i32 to index
        %get3A_161 = tpu.vector_load %arg5[%get3A_160] {strides = array<i32>} : memref<8192xi32, #tpu.memory_space<vmem>>, vector<16xi32>,
        %add3A_162 = arith.addi %add3A_153, %get3A_161 : vector<16xi32>
        %mul3A_163 = arith.constant 16 : i32
        %mul3A_164 = arith.muli %scan3A_114, %mul3A_163 : i32
        %add3A_165 = arith.constant 5 : i32
        %add3A_166 = arith.addi %mul3A_164, %add3A_165 : i32
        %mul3A_167 = arith.constant 16 : i32
        %mul3A_168 = arith.muli %add3A_166, %mul3A_167 : i32
        %get3A_169 = arith.index_cast %mul3A_168 : i32 to index
        %get3A_170 = tpu.vector_load %arg5[%get3A_169] {strides = array<i32>} : memref<8192xi32, #tpu.memory_space<vmem>>, vector<16xi32>,
        %add3A_171 = arith.addi %add3A_162, %get3A_170 : vector<16xi32>
        %mul3A_172 = arith.constant 16 : i32
        %mul3A_173 = arith.muli %scan3A_114, %mul3A_172 : i32
        %add3A_174 = arith.constant 6 : i32
        %add3A_175 = arith.addi %mul3A_173, %add3A_174 : i32
        %mul3A_176 = arith.constant 16 : i32
        %mul3A_177 = arith.muli %add3A_175, %mul3A_176 : i32
        %get3A_178 = arith.index_cast %mul3A_177 : i32 to index
        %get3A_179 = tpu.vector_load %arg5[%get3A_178] {strides = array<i32>} : memref<8192xi32, #tpu.memory_space<vmem>>, vector<16xi32>,
        %add3A_180 = arith.addi %add3A_171, %get3A_179 : vector<16xi32>
        %mul3A_181 = arith.constant 16 : i32
        %mul3A_182 = arith.muli %scan3A_114, %mul3A_181 : i32
        %add3A_183 = arith.constant 7 : i32
        %add3A_184 = arith.addi %mul3A_182, %add3A_183 : i32
        %mul3A_185 = arith.constant 16 : i32
        %mul3A_186 = arith.muli %add3A_184, %mul3A_185 : i32
        %get3A_187 = arith.index_cast %mul3A_186 : i32 to index
        %get3A_188 = tpu.vector_load %arg5[%get3A_187] {strides = array<i32>} : memref<8192xi32, #tpu.memory_space<vmem>>, vector<16xi32>,
        %add3A_189 = arith.addi %add3A_180, %get3A_188 : vector<16xi32>
        %mul3A_190 = arith.constant 16 : i32
        %mul3A_191 = arith.muli %scan3A_114, %mul3A_190 : i32
        %add3A_192 = arith.constant 8 : i32
        %add3A_193 = arith.addi %mul3A_191, %add3A_192 : i32
        %mul3A_194 = arith.constant 16 : i32
        %mul3A_195 = arith.muli %add3A_193, %mul3A_194 : i32
        %get3A_196 = arith.index_cast %mul3A_195 : i32 to index
        %get3A_197 = tpu.vector_load %arg5[%get3A_196] {strides = array<i32>} : memref<8192xi32, #tpu.memory_space<vmem>>, vector<16xi32>,
        %add3A_198 = arith.addi %add3A_189, %get3A_197 : vector<16xi32>
        %mul3A_199 = arith.constant 16 : i32
        %mul3A_200 = arith.muli %scan3A_114, %mul3A_199 : i32
        %add3A_201 = arith.constant 9 : i32
        %add3A_202 = arith.addi %mul3A_200, %add3A_201 : i32
        %mul3A_203 = arith.constant 16 : i32
        %mul3A_204 = arith.muli %add3A_202, %mul3A_203 : i32
        %get3A_205 = arith.index_cast %mul3A_204 : i32 to index
        %get3A_206 = tpu.vector_load %arg5[%get3A_205] {strides = array<i32>} : memref<8192xi32, #tpu.memory_space<vmem>>, vector<16xi32>,
        %add3A_207 = arith.addi %add3A_198, %get3A_206 : vector<16xi32>
        %mul3A_208 = arith.constant 16 : i32
        %mul3A_209 = arith.muli %scan3A_114, %mul3A_208 : i32
        %add3A_210 = arith.constant 10 : i32
        %add3A_211 = arith.addi %mul3A_209, %add3A_210 : i32
        %mul3A_212 = arith.constant 16 : i32
        %mul3A_213 = arith.muli %add3A_211, %mul3A_212 : i32
        %get3A_214 = arith.index_cast %mul3A_213 : i32 to index
        %get3A_215 = tpu.vector_load %arg5[%get3A_214] {strides = array<i32>} : memref<8192xi32, #tpu.memory_space<vmem>>, vector<16xi32>,
        %add3A_216 = arith.addi %add3A_207, %get3A_215 : vector<16xi32>
        %mul3A_217 = arith.constant 16 : i32
        %mul3A_218 = arith.muli %scan3A_114, %mul3A_217 : i32
        %add3A_219 = arith.constant 11 : i32
        %add3A_220 = arith.addi %mul3A_218, %add3A_219 : i32
        %mul3A_221 = arith.constant 16 : i32
        %mul3A_222 = arith.muli %add3A_220, %mul3A_221 : i32
        %get3A_223 = arith.index_cast %mul3A_222 : i32 to index
        %get3A_224 = tpu.vector_load %arg5[%get3A_223] {strides = array<i32>} : memref<8192xi32, #tpu.memory_space<vmem>>, vector<16xi32>,
        %add3A_225 = arith.addi %add3A_216, %get3A_224 : vector<16xi32>
        %mul3A_226 = arith.constant 16 : i32
        %mul3A_227 = arith.muli %scan3A_114, %mul3A_226 : i32
        %add3A_228 = arith.constant 12 : i32
        %add3A_229 = arith.addi %mul3A_227, %add3A_228 : i32
        %mul3A_230 = arith.constant 16 : i32
        %mul3A_231 = arith.muli %add3A_229, %mul3A_230 : i32
        %get3A_232 = arith.index_cast %mul3A_231 : i32 to index
        %get3A_233 = tpu.vector_load %arg5[%get3A_232] {strides = array<i32>} : memref<8192xi32, #tpu.memory_space<vmem>>, vector<16xi32>,
        %add3A_234 = arith.addi %add3A_225, %get3A_233 : vector<16xi32>
        %mul3A_235 = arith.constant 16 : i32
        %mul3A_236 = arith.muli %scan3A_114, %mul3A_235 : i32
        %add3A_237 = arith.constant 13 : i32
        %add3A_238 = arith.addi %mul3A_236, %add3A_237 : i32
        %mul3A_239 = arith.constant 16 : i32
        %mul3A_240 = arith.muli %add3A_238, %mul3A_239 : i32
        %get3A_241 = arith.index_cast %mul3A_240 : i32 to index
        %get3A_242 = tpu.vector_load %arg5[%get3A_241] {strides = array<i32>} : memref<8192xi32, #tpu.memory_space<vmem>>, vector<16xi32>,
        %add3A_243 = arith.addi %add3A_234, %get3A_242 : vector<16xi32>
        %mul3A_244 = arith.constant 16 : i32
        %mul3A_245 = arith.muli %scan3A_114, %mul3A_244 : i32
        %add3A_246 = arith.constant 14 : i32
        %add3A_247 = arith.addi %mul3A_245, %add3A_246 : i32
        %mul3A_248 = arith.constant 16 : i32
        %mul3A_249 = arith.muli %add3A_247, %mul3A_248 : i32
        %get3A_250 = arith.index_cast %mul3A_249 : i32 to index
        %get3A_251 = tpu.vector_load %arg5[%get3A_250] {strides = array<i32>} : memref<8192xi32, #tpu.memory_space<vmem>>, vector<16xi32>,
        %add3A_252 = arith.addi %add3A_243, %get3A_251 : vector<16xi32>
        %mul3A_253 = arith.constant 16 : i32
        %mul3A_254 = arith.muli %scan3A_114, %mul3A_253 : i32
        %add3A_255 = arith.constant 15 : i32
        %add3A_256 = arith.addi %mul3A_254, %add3A_255 : i32
        %mul3A_257 = arith.constant 16 : i32
        %mul3A_258 = arith.muli %add3A_256, %mul3A_257 : i32
        %get3A_259 = arith.index_cast %mul3A_258 : i32 to index
        %get3A_260 = tpu.vector_load %arg5[%get3A_259] {strides = array<i32>} : memref<8192xi32, #tpu.memory_space<vmem>>, vector<16xi32>,
        %add3A_261 = arith.addi %add3A_252, %get3A_260 : vector<16xi32>
        %reduce_sum3A = arith.constant true
        %reduce_sum3A_262 = vector.broadcast %reduce_sum3A : i1 to vector<16xi1>
        %reduce_sum3A_263 = tpu.scan <sum>, %add3A_261 masked %reduce_sum3A_262 : vector<16xi32>, vector<16xi1> -> vector<16xi32>
        %reduce_sum3A_264 = vector.extract %reduce_sum3A_263[15] : i32 from vector<16xi32>
        %lt3A_265 = arith.constant 0 : i32
        %lt3A_266 = arith.cmpi slt, %scan3A_116, %lt3A_265 : i32
        %add3A_267 = arith.addi %scan3A_115, %reduce_sum3A_264 : i32
        %ge3A_268 = arith.cmpi sge, %add3A_267, %scan3A : i32
        %and3A = arith.andi %lt3A_266, %ge3A_268 : i1
        %add3A_269 = arith.addi %scan3A_115, %reduce_sum3A_264 : i32
        %select_n3A = arith.select %and3A, %scan3A_114, %scan3A_116 : i32
        %select_n3A_270 = arith.select %and3A, %scan3A_115, %scan3A_117 : i32
        scf.yield %add3A_269, %select_n3A, %select_n3A_270 : i32, i32, i32
      }
      %scan3A_77 = arith.constant 32 : i32
      %scan3A_78 = arith.constant -1 : i32
      %scan3A_79 = arith.constant 0 : i32
      %scan3A_80 = arith.constant 0 : i32
      %scan3A_81 = arith.constant 16 : i32
      %scan3A_82 = arith.addi %scan3A_80, %scan3A_81 : i32
      %scan3A_83 = arith.constant 1 : i32
      %scan3A_84:3 = scf.for %scan3A_114 = %scan3A_80 to %scan3A_82 step %scan3A_83 iter_args(%scan3A_115 = %scan3A_76#2, %scan3A_116 = %scan3A_78, %scan3A_117 = %scan3A_79) -> (i32, i32, i32)  : i32 {
        %mul3A_118 = arith.constant 16 : i32
        %mul3A_119 = arith.muli %scan3A_76#1, %mul3A_118 : i32
        %add3A_120 = arith.addi %mul3A_119, %scan3A_114 : i32
        %mul3A_121 = arith.constant 16 : i32
        %mul3A_122 = arith.muli %add3A_120, %mul3A_121 : i32
        %get3A_123 = arith.index_cast %mul3A_122 : i32 to index
        %get3A_124 = tpu.vector_load %arg5[%get3A_123] {strides = array<i32>} : memref<8192xi32, #tpu.memory_space<vmem>>, vector<16xi32>,
        %reduce_sum3A = arith.constant true
        %reduce_sum3A_125 = vector.broadcast %reduce_sum3A : i1 to vector<16xi1>
        %reduce_sum3A_126 = tpu.scan <sum>, %get3A_124 masked %reduce_sum3A_125 : vector<16xi32>, vector<16xi1> -> vector<16xi32>
        %reduce_sum3A_127 = vector.extract %reduce_sum3A_126[15] : i32 from vector<16xi32>
        %lt3A_128 = arith.constant 0 : i32
        %lt3A_129 = arith.cmpi slt, %scan3A_116, %lt3A_128 : i32
        %add3A_130 = arith.addi %scan3A_115, %reduce_sum3A_127 : i32
        %ge3A_131 = arith.cmpi sge, %add3A_130, %scan3A : i32
        %and3A = arith.andi %lt3A_129, %ge3A_131 : i1
        %add3A_132 = arith.addi %scan3A_115, %reduce_sum3A_127 : i32
        %select_n3A = arith.select %and3A, %scan3A_114, %scan3A_116 : i32
        %select_n3A_133 = arith.select %and3A, %scan3A_115, %scan3A_117 : i32
        scf.yield %add3A_132, %select_n3A, %select_n3A_133 : i32, i32, i32
      }
      %scan3A_85 = arith.constant 16 : i32
      %mul3A_86 = arith.constant 16 : i32
      %mul3A_87 = arith.muli %scan3A_76#1, %mul3A_86 : i32
      %add3A_88 = arith.addi %mul3A_87, %scan3A_84#1 : i32
      %mul3A_89 = arith.constant 16 : i32
      %mul3A_90 = arith.muli %add3A_88, %mul3A_89 : i32
      %get3A = arith.index_cast %mul3A_90 : i32 to index
      %get3A_91 = tpu.vector_load %arg5[%get3A] {strides = array<i32>} : memref<8192xi32, #tpu.memory_space<vmem>>, vector<16xi32>,
      %broadcast_in_dim3A_92 = arith.constant true
      %broadcast_in_dim3A_93 = vector.broadcast %broadcast_in_dim3A_92 : i1 to vector<16xi1>
      %masked_cumsum3A = tpu.scan <sum>, %get3A_91 masked %broadcast_in_dim3A_93 : vector<16xi32>, vector<16xi1> -> vector<16xi32>
      %add3A_94 = vector.broadcast %scan3A_84#2 : i32 to vector<16xi32>
      %add3A_95 = arith.addi %add3A_94, %masked_cumsum3A : vector<16xi32>
      %ge3A = vector.broadcast %scan3A : i32 to vector<16xi32>
      %ge3A_96 = arith.cmpi sge, %add3A_95, %ge3A : vector<16xi32>
      %all_reduce_ffs3A = tpu.all_reduce %ge3A_96 {dim = 0 : i64, kind = #tpu.reduction_kind<find_first_set>} : vector<16xi1> -> vector<16xi32>
      %mul3A_97 = arith.constant 256 : i32
      %mul3A_98 = arith.muli %scan3A_76#1, %mul3A_97 : i32
      %mul3A_99 = arith.constant 16 : i32
      %mul3A_100 = arith.muli %scan3A_84#1, %mul3A_99 : i32
      %add3A_101 = arith.addi %mul3A_98, %mul3A_100 : i32
      %add3A_102 = vector.broadcast %add3A_101 : i32 to vector<16xi32>
      %add3A_103 = arith.addi %add3A_102, %all_reduce_ffs3A : vector<16xi32>
      %add3A_104 = arith.constant 1 : i32
      %add3A_105 = vector.broadcast %add3A_104 : i32 to vector<16xi32>
      %add3A_106 = arith.addi %add3A_103, %add3A_105 : vector<16xi32>
      %shift_left3A = arith.constant 11 : i32
      %shift_left3A_107 = vector.broadcast %shift_left3A : i32 to vector<16xi32>
      %shift_left3A_108 = arith.shli %add3A_106, %shift_left3A_107 : vector<16xi32>
      %parallel_loop3A_109 = arith.constant 0 : i32
      %parallel_loop3A_110 = arith.constant 512 : i32
      %parallel_loop3A_111 = arith.constant 1 : i32
      scf.for %parallel_loop3A_114 = %parallel_loop3A_109 to %parallel_loop3A_110 step %parallel_loop3A_111  : i32 {
        %parallel_loop3A_115 = arith.constant 16 : i32
        %parallel_loop3A_116 = arith.muli %parallel_loop3A_114, %parallel_loop3A_115 : i32
        %parallel_loop3A_117 = arith.index_cast %parallel_loop3A_116 : i32 to index
        %parallel_loop3A_118 = tpu.vector_load %arg5[%parallel_loop3A_117] {strides = array<i32>} : memref<8192xi32, #tpu.memory_space<vmem>>, vector<16xi32>,
        tpu.vector_store %arg5[%parallel_loop3A_117], %broadcast_in_dim3A_3 {strides = array<i32>} : memref<8192xi32, #tpu.memory_space<vmem>>, vector<16xi32>,
      } {sc.loop_unroll_factor = 16 : i64, sc.parallel_access}
      %swap3A = arith.constant 0 : index
      %swap3A_112 = tpu.vector_load %arg6[%swap3A] {strides = array<i32>} : memref<16xi32, #tpu.memory_space<vmem>>, vector<16xi32>,
      tpu.vector_store %arg6[%swap3A], %shift_left3A_108 {strides = array<i32>} : memref<16xi32, #tpu.memory_space<vmem>>, vector<16xi32>,
      "tpu.region"() ({
        %run_scoped3A = tpu.sem_alloc : memref<!tpu.dma_semaphore, #tpu.memory_space<semaphore_mem>>
        %dma_start3A_114 = arith.constant 0 : i32
        %dma_start3A_115 = tpu.memref_slice %arg3[%add3A_36, %dma_start3A_114] : memref<256x16xi32, #tpu.memory_space<hbm>> -> memref<1x16xi32, #tpu.memory_space<hbm>>
        %dma_start3A_116 = tpu.memref_squeeze %dma_start3A_115 : memref<1x16xi32, #tpu.memory_space<hbm>> -> memref<16xi32, #tpu.memory_space<hbm>>
        %dma_start3A_117 = arith.constant 0 : i32
        %dma_start3A_118 = tpu.memref_slice %arg3[%add3A_36, %dma_start3A_117] : memref<256x16xi32, #tpu.memory_space<hbm>> -> memref<1x16xi32, #tpu.memory_space<hbm>>
        %dma_start3A_119 = tpu.memref_squeeze %dma_start3A_118 : memref<1x16xi32, #tpu.memory_space<hbm>> -> memref<16xi32, #tpu.memory_space<hbm>>
        tpu.enqueue_dma source(%arg6 : memref<16xi32, #tpu.memory_space<vmem>>) target(%dma_start3A_119 : memref<16xi32, #tpu.memory_space<hbm>>) target_semaphore(%run_scoped3A : memref<!tpu.dma_semaphore, #tpu.memory_space<semaphore_mem>>)
        %dma_wait3A_120 = arith.constant 0 : i32
        %dma_wait3A_121 = tpu.memref_slice %arg3[%add3A_36, %dma_wait3A_120] : memref<256x16xi32, #tpu.memory_space<hbm>> -> memref<1x16xi32, #tpu.memory_space<hbm>>
        %dma_wait3A_122 = tpu.memref_squeeze %dma_wait3A_121 : memref<1x16xi32, #tpu.memory_space<hbm>> -> memref<16xi32, #tpu.memory_space<hbm>>
        %dma_wait3A_123 = arith.constant 0 : i32
        %dma_wait3A_124 = tpu.memref_slice %arg3[%add3A_36, %dma_wait3A_123] : memref<256x16xi32, #tpu.memory_space<hbm>> -> memref<1x16xi32, #tpu.memory_space<hbm>>
        %dma_wait3A_125 = tpu.memref_squeeze %dma_wait3A_124 : memref<1x16xi32, #tpu.memory_space<hbm>> -> memref<16xi32, #tpu.memory_space<hbm>>
        tpu.wait_dma2 semaphore(%run_scoped3A : memref<!tpu.dma_semaphore, #tpu.memory_space<semaphore_mem>>) src(%arg6 : memref<16xi32, #tpu.memory_space<vmem>>) dst(%dma_wait3A_125 : memref<16xi32, #tpu.memory_space<hbm>>)
        tpu.yield
      }) : () -> ()
      %scan3A_113 = arith.constant 0 : i32
      scf.yield %scan3A_113 : i32
    }
    %scan3A_33 = arith.constant 8 : i32
    return
  }
}

#map = affine_map<(d0, d1) -> (0, 0)>
module attributes {stable_mosaic.version = 14 : i64} {
  func.func @_sc_body(%arg0: i32, %arg1: i32, %arg2: memref<256x100352xi32, #tpu.memory_space<hbm>>, %arg3: memref<256x16xi32, #tpu.memory_space<hbm>>, %arg4: memref<100352xi32, #tpu.memory_space<vmem>>, %arg5: memref<8192xi32, #tpu.memory_space<vmem>>, %arg6: memref<16xi32, #tpu.memory_space<vmem>>, %arg7: memref<!tpu.dma_semaphore, #tpu.memory_space<semaphore_mem>>, %arg8: memref<!tpu.dma_semaphore, #tpu.memory_space<semaphore_mem>>) attributes {dimension_semantics = [#tpu.dimension_semantics<core_parallel>, #tpu.dimension_semantics<subcore_parallel>], iteration_bounds = array<i64: 2, 16>, scalar_prefetch = 0 : i64, scratch_operands = 5 : i64, tpu.core_type = #tpu.core_type<sc_vector_subcore>, window_params = [{transform_indices = #map}, {transform_indices = #map}]} {
    %mul3A = arith.constant 2 : i32
    %mul3A_0 = arith.muli %arg1, %mul3A : i32
    %add3A = arith.addi %mul3A_0, %arg0 : i32
    %mul3A_1 = arith.constant 8 : i32
    %mul3A_2 = arith.muli %add3A, %mul3A_1 : i32
    %broadcast_in_dim3A = arith.constant 0 : i32
    %broadcast_in_dim3A_3 = vector.broadcast %broadcast_in_dim3A : i32 to vector<16xi32>
    %broadcast_in_dim3A_4 = arith.constant 1 : i32
    %broadcast_in_dim3A_5 = vector.broadcast %broadcast_in_dim3A_4 : i32 to vector<16xi32>
    %parallel_loop3A = arith.constant 0 : i32
    %parallel_loop3A_6 = arith.constant 512 : i32
    %parallel_loop3A_7 = arith.constant 1 : i32
    scf.for %parallel_loop3A_34 = %parallel_loop3A to %parallel_loop3A_6 step %parallel_loop3A_7  : i32 {
      %parallel_loop3A_35 = arith.constant 16 : i32
      %parallel_loop3A_36 = arith.muli %parallel_loop3A_34, %parallel_loop3A_35 : i32
      %parallel_loop3A_37 = arith.index_cast %parallel_loop3A_36 : i32 to index
      %parallel_loop3A_38 = tpu.vector_load %arg5[%parallel_loop3A_37] {strides = array<i32>} : memref<8192xi32, #tpu.memory_space<vmem>>, vector<16xi32>,
      tpu.vector_store %arg5[%parallel_loop3A_37], %broadcast_in_dim3A_3 {strides = array<i32>} : memref<8192xi32, #tpu.memory_space<vmem>>, vector<16xi32>,
    } {sc.loop_unroll_factor = 16 : i64, sc.parallel_access}
    %dma_start3A = arith.constant 0 : i32
    %dma_start3A_8 = tpu.memref_slice %arg4[%dma_start3A] : memref<100352xi32, #tpu.memory_space<vmem>> -> memref<50176xi32, #tpu.memory_space<vmem>>
    %dma_start3A_9 = arith.constant 0 : i32
    %dma_start3A_10 = tpu.memref_slice %arg2[%mul3A_2, %dma_start3A_9] : memref<256x100352xi32, #tpu.memory_space<hbm>> -> memref<1x50176xi32, #tpu.memory_space<hbm>>
    %dma_start3A_11 = tpu.memref_squeeze %dma_start3A_10 : memref<1x50176xi32, #tpu.memory_space<hbm>> -> memref<50176xi32, #tpu.memory_space<hbm>>
    %dma_start3A_12 = arith.constant 0 : i32
    %dma_start3A_13 = tpu.memref_slice %arg4[%dma_start3A_12] : memref<100352xi32, #tpu.memory_space<vmem>> -> memref<50176xi32, #tpu.memory_space<vmem>>
    %dma_start3A_14 = arith.constant 0 : i32
    %dma_start3A_15 = tpu.memref_slice %arg2[%mul3A_2, %dma_start3A_14] : memref<256x100352xi32, #tpu.memory_space<hbm>> -> memref<1x50176xi32, #tpu.memory_space<hbm>>
    %dma_start3A_16 = tpu.memref_squeeze %dma_start3A_15 : memref<1x50176xi32, #tpu.memory_space<hbm>> -> memref<50176xi32, #tpu.memory_space<hbm>>
    tpu.enqueue_dma source(%dma_start3A_16 : memref<50176xi32, #tpu.memory_space<hbm>>) target(%dma_start3A_13 : memref<50176xi32, #tpu.memory_space<vmem>>) target_semaphore(%arg7 : memref<!tpu.dma_semaphore, #tpu.memory_space<semaphore_mem>>)
    %dma_start3A_17 = arith.constant 50176 : i32
    %dma_start3A_18 = tpu.memref_slice %arg4[%dma_start3A_17] : memref<100352xi32, #tpu.memory_space<vmem>> -> memref<50176xi32, #tpu.memory_space<vmem>>
    %dma_start3A_19 = arith.constant 50176 : i32
    %dma_start3A_20 = tpu.memref_slice %arg2[%mul3A_2, %dma_start3A_19] : memref<256x100352xi32, #tpu.memory_space<hbm>> -> memref<1x50176xi32, #tpu.memory_space<hbm>>
    %dma_start3A_21 = tpu.memref_squeeze %dma_start3A_20 : memref<1x50176xi32, #tpu.memory_space<hbm>> -> memref<50176xi32, #tpu.memory_space<hbm>>
    %dma_start3A_22 = arith.constant 50176 : i32
    %dma_start3A_23 = tpu.memref_slice %arg4[%dma_start3A_22] : memref<100352xi32, #tpu.memory_space<vmem>> -> memref<50176xi32, #tpu.memory_space<vmem>>
    %dma_start3A_24 = arith.constant 50176 : i32
    %dma_start3A_25 = tpu.memref_slice %arg2[%mul3A_2, %dma_start3A_24] : memref<256x100352xi32, #tpu.memory_space<hbm>> -> memref<1x50176xi32, #tpu.memory_space<hbm>>
    %dma_start3A_26 = tpu.memref_squeeze %dma_start3A_25 : memref<1x50176xi32, #tpu.memory_space<hbm>> -> memref<50176xi32, #tpu.memory_space<hbm>>
    tpu.enqueue_dma source(%dma_start3A_26 : memref<50176xi32, #tpu.memory_space<hbm>>) target(%dma_start3A_23 : memref<50176xi32, #tpu.memory_space<vmem>>) target_semaphore(%arg8 : memref<!tpu.dma_semaphore, #tpu.memory_space<semaphore_mem>>)
    %scan3A = arith.constant 1000 : i32
    %scan3A_27 = arith.constant 0 : i32
    %scan3A_28 = arith.constant 0 : i32
    %scan3A_29 = arith.constant 8 : i32
    %scan3A_30 = arith.addi %scan3A_28, %scan3A_29 : i32
    %scan3A_31 = arith.constant 1 : i32
    %scan3A_32 = scf.for %scan3A_34 = %scan3A_28 to %scan3A_30 step %scan3A_31 iter_args(%scan3A_35 = %scan3A_27) -> (i32)  : i32 {
      %add3A_36 = arith.addi %mul3A_2, %scan3A_34 : i32
      %dma_wait3A = arith.constant 0 : i32
      %dma_wait3A_37 = tpu.memref_slice %arg4[%dma_wait3A] : memref<100352xi32, #tpu.memory_space<vmem>> -> memref<50176xi32, #tpu.memory_space<vmem>>
      %dma_wait3A_38 = arith.constant 0 : i32
      %dma_wait3A_39 = tpu.memref_slice %arg2[%add3A_36, %dma_wait3A_38] : memref<256x100352xi32, #tpu.memory_space<hbm>> -> memref<1x50176xi32, #tpu.memory_space<hbm>>
      %dma_wait3A_40 = tpu.memref_squeeze %dma_wait3A_39 : memref<1x50176xi32, #tpu.memory_space<hbm>> -> memref<50176xi32, #tpu.memory_space<hbm>>
      %dma_wait3A_41 = arith.constant 0 : i32
      %dma_wait3A_42 = tpu.memref_slice %arg4[%dma_wait3A_41] : memref<100352xi32, #tpu.memory_space<vmem>> -> memref<50176xi32, #tpu.memory_space<vmem>>
      %dma_wait3A_43 = arith.constant 0 : i32
      %dma_wait3A_44 = tpu.memref_slice %arg2[%add3A_36, %dma_wait3A_43] : memref<256x100352xi32, #tpu.memory_space<hbm>> -> memref<1x50176xi32, #tpu.memory_space<hbm>>
      %dma_wait3A_45 = tpu.memref_squeeze %dma_wait3A_44 : memref<1x50176xi32, #tpu.memory_space<hbm>> -> memref<50176xi32, #tpu.memory_space<hbm>>
      tpu.wait_dma2 semaphore(%arg7 : memref<!tpu.dma_semaphore, #tpu.memory_space<semaphore_mem>>) src(%dma_wait3A_45 : memref<50176xi32, #tpu.memory_space<hbm>>) dst(%dma_wait3A_42 : memref<50176xi32, #tpu.memory_space<vmem>>)
      %parallel_loop3A_46 = arith.constant 0 : i32
      %parallel_loop3A_47 = arith.constant 3136 : i32
      %parallel_loop3A_48 = arith.constant 1 : i32
      scf.for %parallel_loop3A_114 = %parallel_loop3A_46 to %parallel_loop3A_47 step %parallel_loop3A_48  : i32 {
        %parallel_loop3A_115 = arith.constant 16 : i32
        %parallel_loop3A_116 = arith.muli %parallel_loop3A_114, %parallel_loop3A_115 : i32
        %parallel_loop3A_117 = arith.index_cast %parallel_loop3A_116 : i32 to index
        %parallel_loop3A_118 = tpu.vector_load %arg4[%parallel_loop3A_117] {strides = array<i32>} : memref<100352xi32, #tpu.memory_space<vmem>>, vector<16xi32>,
        %parallel_loop3A_119 = arith.constant 11 : i32
        %parallel_loop3A_120 = vector.broadcast %parallel_loop3A_119 : i32 to vector<16xi32>
        %parallel_loop3A_121 = arith.shrsi %parallel_loop3A_118, %parallel_loop3A_120 : vector<16xi32>
        tpu.vector_store_idx %arg5[%parallel_loop3A_121], %broadcast_in_dim3A_5 {add = true} : memref<8192xi32, #tpu.memory_space<vmem>>[vector<16xi32>], vector<16xi32>,
      } {sc.loop_unroll_factor = 16 : i64, sc.parallel_access}
      %lt3A = arith.constant 7 : i32
      %lt3A_49 = arith.cmpi slt, %scan3A_34, %lt3A : i32
      %convert_element_type3A = arith.extui %lt3A_49 : i1 to i32
      %cond3A = arith.constant 0 : i32
      %cond3A_50 = arith.cmpi ne, %convert_element_type3A, %cond3A : i32
      scf.if %cond3A_50 {
        %add3A_114 = arith.constant 1 : i32
        %add3A_115 = arith.addi %add3A_36, %add3A_114 : i32
        %dma_start3A_116 = arith.constant 0 : i32
        %dma_start3A_117 = tpu.memref_slice %arg4[%dma_start3A_116] : memref<100352xi32, #tpu.memory_space<vmem>> -> memref<50176xi32, #tpu.memory_space<vmem>>
        %dma_start3A_118 = arith.constant 0 : i32
        %dma_start3A_119 = tpu.memref_slice %arg2[%add3A_115, %dma_start3A_118] : memref<256x100352xi32, #tpu.memory_space<hbm>> -> memref<1x50176xi32, #tpu.memory_space<hbm>>
        %dma_start3A_120 = tpu.memref_squeeze %dma_start3A_119 : memref<1x50176xi32, #tpu.memory_space<hbm>> -> memref<50176xi32, #tpu.memory_space<hbm>>
        %dma_start3A_121 = arith.constant 0 : i32
        %dma_start3A_122 = tpu.memref_slice %arg4[%dma_start3A_121] : memref<100352xi32, #tpu.memory_space<vmem>> -> memref<50176xi32, #tpu.memory_space<vmem>>
        %dma_start3A_123 = arith.constant 0 : i32
        %dma_start3A_124 = tpu.memref_slice %arg2[%add3A_115, %dma_start3A_123] : memref<256x100352xi32, #tpu.memory_space<hbm>> -> memref<1x50176xi32, #tpu.memory_space<hbm>>
        %dma_start3A_125 = tpu.memref_squeeze %dma_start3A_124 : memref<1x50176xi32, #tpu.memory_space<hbm>> -> memref<50176xi32, #tpu.memory_space<hbm>>
        tpu.enqueue_dma source(%dma_start3A_125 : memref<50176xi32, #tpu.memory_space<hbm>>) target(%dma_start3A_122 : memref<50176xi32, #tpu.memory_space<vmem>>) target_semaphore(%arg7 : memref<!tpu.dma_semaphore, #tpu.memory_space<semaphore_mem>>)
      } else {
      }
      %dma_wait3A_51 = arith.constant 50176 : i32
      %dma_wait3A_52 = tpu.memref_slice %arg4[%dma_wait3A_51] : memref<100352xi32, #tpu.memory_space<vmem>> -> memref<50176xi32, #tpu.memory_space<vmem>>
      %dma_wait3A_53 = arith.constant 50176 : i32
      %dma_wait3A_54 = tpu.memref_slice %arg2[%add3A_36, %dma_wait3A_53] : memref<256x100352xi32, #tpu.memory_space<hbm>> -> memref<1x50176xi32, #tpu.memory_space<hbm>>
      %dma_wait3A_55 = tpu.memref_squeeze %dma_wait3A_54 : memref<1x50176xi32, #tpu.memory_space<hbm>> -> memref<50176xi32, #tpu.memory_space<hbm>>
      %dma_wait3A_56 = arith.constant 50176 : i32
      %dma_wait3A_57 = tpu.memref_slice %arg4[%dma_wait3A_56] : memref<100352xi32, #tpu.memory_space<vmem>> -> memref<50176xi32, #tpu.memory_space<vmem>>
      %dma_wait3A_58 = arith.constant 50176 : i32
      %dma_wait3A_59 = tpu.memref_slice %arg2[%add3A_36, %dma_wait3A_58] : memref<256x100352xi32, #tpu.memory_space<hbm>> -> memref<1x50176xi32, #tpu.memory_space<hbm>>
      %dma_wait3A_60 = tpu.memref_squeeze %dma_wait3A_59 : memref<1x50176xi32, #tpu.memory_space<hbm>> -> memref<50176xi32, #tpu.memory_space<hbm>>
      tpu.wait_dma2 semaphore(%arg8 : memref<!tpu.dma_semaphore, #tpu.memory_space<semaphore_mem>>) src(%dma_wait3A_60 : memref<50176xi32, #tpu.memory_space<hbm>>) dst(%dma_wait3A_57 : memref<50176xi32, #tpu.memory_space<vmem>>)
      %parallel_loop3A_61 = arith.constant 3136 : i32
      %parallel_loop3A_62 = arith.constant 6272 : i32
      %parallel_loop3A_63 = arith.constant 1 : i32
      scf.for %parallel_loop3A_114 = %parallel_loop3A_61 to %parallel_loop3A_62 step %parallel_loop3A_63  : i32 {
        %parallel_loop3A_115 = arith.constant 16 : i32
        %parallel_loop3A_116 = arith.muli %parallel_loop3A_114, %parallel_loop3A_115 : i32
        %parallel_loop3A_117 = arith.index_cast %parallel_loop3A_116 : i32 to index
        %parallel_loop3A_118 = tpu.vector_load %arg4[%parallel_loop3A_117] {strides = array<i32>} : memref<100352xi32, #tpu.memory_space<vmem>>, vector<16xi32>,
        %parallel_loop3A_119 = arith.constant 11 : i32
        %parallel_loop3A_120 = vector.broadcast %parallel_loop3A_119 : i32 to vector<16xi32>
        %parallel_loop3A_121 = arith.shrsi %parallel_loop3A_118, %parallel_loop3A_120 : vector<16xi32>
        tpu.vector_store_idx %arg5[%parallel_loop3A_121], %broadcast_in_dim3A_5 {add = true} : memref<8192xi32, #tpu.memory_space<vmem>>[vector<16xi32>], vector<16xi32>,
      } {sc.loop_unroll_factor = 16 : i64, sc.parallel_access}
      %lt3A_64 = arith.constant 7 : i32
      %lt3A_65 = arith.cmpi slt, %scan3A_34, %lt3A_64 : i32
      %convert_element_type3A_66 = arith.extui %lt3A_65 : i1 to i32
      %cond3A_67 = arith.constant 0 : i32
      %cond3A_68 = arith.cmpi ne, %convert_element_type3A_66, %cond3A_67 : i32
      scf.if %cond3A_68 {
        %add3A_114 = arith.constant 1 : i32
        %add3A_115 = arith.addi %add3A_36, %add3A_114 : i32
        %dma_start3A_116 = arith.constant 50176 : i32
        %dma_start3A_117 = tpu.memref_slice %arg4[%dma_start3A_116] : memref<100352xi32, #tpu.memory_space<vmem>> -> memref<50176xi32, #tpu.memory_space<vmem>>
        %dma_start3A_118 = arith.constant 50176 : i32
        %dma_start3A_119 = tpu.memref_slice %arg2[%add3A_115, %dma_start3A_118] : memref<256x100352xi32, #tpu.memory_space<hbm>> -> memref<1x50176xi32, #tpu.memory_space<hbm>>
        %dma_start3A_120 = tpu.memref_squeeze %dma_start3A_119 : memref<1x50176xi32, #tpu.memory_space<hbm>> -> memref<50176xi32, #tpu.memory_space<hbm>>
        %dma_start3A_121 = arith.constant 50176 : i32
        %dma_start3A_122 = tpu.memref_slice %arg4[%dma_start3A_121] : memref<100352xi32, #tpu.memory_space<vmem>> -> memref<50176xi32, #tpu.memory_space<vmem>>
        %dma_start3A_123 = arith.constant 50176 : i32
        %dma_start3A_124 = tpu.memref_slice %arg2[%add3A_115, %dma_start3A_123] : memref<256x100352xi32, #tpu.memory_space<hbm>> -> memref<1x50176xi32, #tpu.memory_space<hbm>>
        %dma_start3A_125 = tpu.memref_squeeze %dma_start3A_124 : memref<1x50176xi32, #tpu.memory_space<hbm>> -> memref<50176xi32, #tpu.memory_space<hbm>>
        tpu.enqueue_dma source(%dma_start3A_125 : memref<50176xi32, #tpu.memory_space<hbm>>) target(%dma_start3A_122 : memref<50176xi32, #tpu.memory_space<vmem>>) target_semaphore(%arg8 : memref<!tpu.dma_semaphore, #tpu.memory_space<semaphore_mem>>)
      } else {
      }
      %scan3A_69 = arith.constant 0 : i32
      %scan3A_70 = arith.constant -1 : i32
      %scan3A_71 = arith.constant 0 : i32
      %scan3A_72 = arith.constant 0 : i32
      %scan3A_73 = arith.constant 32 : i32
      %scan3A_74 = arith.addi %scan3A_72, %scan3A_73 : i32
      %scan3A_75 = arith.constant 1 : i32
      %scan3A_76:3 = scf.for %scan3A_114 = %scan3A_72 to %scan3A_74 step %scan3A_75 iter_args(%scan3A_115 = %scan3A_69, %scan3A_116 = %scan3A_70, %scan3A_117 = %scan3A_71) -> (i32, i32, i32)  : i32 {
        %mul3A_118 = arith.constant 16 : i32
        %mul3A_119 = arith.muli %scan3A_114, %mul3A_118 : i32
        %add3A_120 = arith.constant 0 : i32
        %add3A_121 = arith.addi %mul3A_119, %add3A_120 : i32
        %mul3A_122 = arith.constant 16 : i32
        %mul3A_123 = arith.muli %add3A_121, %mul3A_122 : i32
        %get3A_124 = arith.index_cast %mul3A_123 : i32 to index
        %get3A_125 = tpu.vector_load %arg5[%get3A_124] {strides = array<i32>} : memref<8192xi32, #tpu.memory_space<vmem>>, vector<16xi32>,
        %add3A_126 = arith.addi %broadcast_in_dim3A_3, %get3A_125 : vector<16xi32>
        %mul3A_127 = arith.constant 16 : i32
        %mul3A_128 = arith.muli %scan3A_114, %mul3A_127 : i32
        %add3A_129 = arith.constant 1 : i32
        %add3A_130 = arith.addi %mul3A_128, %add3A_129 : i32
        %mul3A_131 = arith.constant 16 : i32
        %mul3A_132 = arith.muli %add3A_130, %mul3A_131 : i32
        %get3A_133 = arith.index_cast %mul3A_132 : i32 to index
        %get3A_134 = tpu.vector_load %arg5[%get3A_133] {strides = array<i32>} : memref<8192xi32, #tpu.memory_space<vmem>>, vector<16xi32>,
        %add3A_135 = arith.addi %add3A_126, %get3A_134 : vector<16xi32>
        %mul3A_136 = arith.constant 16 : i32
        %mul3A_137 = arith.muli %scan3A_114, %mul3A_136 : i32
        %add3A_138 = arith.constant 2 : i32
        %add3A_139 = arith.addi %mul3A_137, %add3A_138 : i32
        %mul3A_140 = arith.constant 16 : i32
        %mul3A_141 = arith.muli %add3A_139, %mul3A_140 : i32
        %get3A_142 = arith.index_cast %mul3A_141 : i32 to index
        %get3A_143 = tpu.vector_load %arg5[%get3A_142] {strides = array<i32>} : memref<8192xi32, #tpu.memory_space<vmem>>, vector<16xi32>,
        %add3A_144 = arith.addi %add3A_135, %get3A_143 : vector<16xi32>
        %mul3A_145 = arith.constant 16 : i32
        %mul3A_146 = arith.muli %scan3A_114, %mul3A_145 : i32
        %add3A_147 = arith.constant 3 : i32
        %add3A_148 = arith.addi %mul3A_146, %add3A_147 : i32
        %mul3A_149 = arith.constant 16 : i32
        %mul3A_150 = arith.muli %add3A_148, %mul3A_149 : i32
        %get3A_151 = arith.index_cast %mul3A_150 : i32 to index
        %get3A_152 = tpu.vector_load %arg5[%get3A_151] {strides = array<i32>} : memref<8192xi32, #tpu.memory_space<vmem>>, vector<16xi32>,
        %add3A_153 = arith.addi %add3A_144, %get3A_152 : vector<16xi32>
        %mul3A_154 = arith.constant 16 : i32
        %mul3A_155 = arith.muli %scan3A_114, %mul3A_154 : i32
        %add3A_156 = arith.constant 4 : i32
        %add3A_157 = arith.addi %mul3A_155, %add3A_156 : i32
        %mul3A_158 = arith.constant 16 : i32
        %mul3A_159 = arith.muli %add3A_157, %mul3A_158 : i32
        %get3A_160 = arith.index_cast %mul3A_159 : i32 to index
        %get3A_161 = tpu.vector_load %arg5[%get3A_160] {strides = array<i32>} : memref<8192xi32, #tpu.memory_space<vmem>>, vector<16xi32>,
        %add3A_162 = arith.addi %add3A_153, %get3A_161 : vector<16xi32>
        %mul3A_163 = arith.constant 16 : i32
        %mul3A_164 = arith.muli %scan3A_114, %mul3A_163 : i32
        %add3A_165 = arith.constant 5 : i32
        %add3A_166 = arith.addi %mul3A_164, %add3A_165 : i32
        %mul3A_167 = arith.constant 16 : i32
        %mul3A_168 = arith.muli %add3A_166, %mul3A_167 : i32
        %get3A_169 = arith.index_cast %mul3A_168 : i32 to index
        %get3A_170 = tpu.vector_load %arg5[%get3A_169] {strides = array<i32>} : memref<8192xi32, #tpu.memory_space<vmem>>, vector<16xi32>,
        %add3A_171 = arith.addi %add3A_162, %get3A_170 : vector<16xi32>
        %mul3A_172 = arith.constant 16 : i32
        %mul3A_173 = arith.muli %scan3A_114, %mul3A_172 : i32
        %add3A_174 = arith.constant 6 : i32
        %add3A_175 = arith.addi %mul3A_173, %add3A_174 : i32
        %mul3A_176 = arith.constant 16 : i32
        %mul3A_177 = arith.muli %add3A_175, %mul3A_176 : i32
        %get3A_178 = arith.index_cast %mul3A_177 : i32 to index
        %get3A_179 = tpu.vector_load %arg5[%get3A_178] {strides = array<i32>} : memref<8192xi32, #tpu.memory_space<vmem>>, vector<16xi32>,
        %add3A_180 = arith.addi %add3A_171, %get3A_179 : vector<16xi32>
        %mul3A_181 = arith.constant 16 : i32
        %mul3A_182 = arith.muli %scan3A_114, %mul3A_181 : i32
        %add3A_183 = arith.constant 7 : i32
        %add3A_184 = arith.addi %mul3A_182, %add3A_183 : i32
        %mul3A_185 = arith.constant 16 : i32
        %mul3A_186 = arith.muli %add3A_184, %mul3A_185 : i32
        %get3A_187 = arith.index_cast %mul3A_186 : i32 to index
        %get3A_188 = tpu.vector_load %arg5[%get3A_187] {strides = array<i32>} : memref<8192xi32, #tpu.memory_space<vmem>>, vector<16xi32>,
        %add3A_189 = arith.addi %add3A_180, %get3A_188 : vector<16xi32>
        %mul3A_190 = arith.constant 16 : i32
        %mul3A_191 = arith.muli %scan3A_114, %mul3A_190 : i32
        %add3A_192 = arith.constant 8 : i32
        %add3A_193 = arith.addi %mul3A_191, %add3A_192 : i32
        %mul3A_194 = arith.constant 16 : i32
        %mul3A_195 = arith.muli %add3A_193, %mul3A_194 : i32
        %get3A_196 = arith.index_cast %mul3A_195 : i32 to index
        %get3A_197 = tpu.vector_load %arg5[%get3A_196] {strides = array<i32>} : memref<8192xi32, #tpu.memory_space<vmem>>, vector<16xi32>,
        %add3A_198 = arith.addi %add3A_189, %get3A_197 : vector<16xi32>
        %mul3A_199 = arith.constant 16 : i32
        %mul3A_200 = arith.muli %scan3A_114, %mul3A_199 : i32
        %add3A_201 = arith.constant 9 : i32
        %add3A_202 = arith.addi %mul3A_200, %add3A_201 : i32
        %mul3A_203 = arith.constant 16 : i32
        %mul3A_204 = arith.muli %add3A_202, %mul3A_203 : i32
        %get3A_205 = arith.index_cast %mul3A_204 : i32 to index
        %get3A_206 = tpu.vector_load %arg5[%get3A_205] {strides = array<i32>} : memref<8192xi32, #tpu.memory_space<vmem>>, vector<16xi32>,
        %add3A_207 = arith.addi %add3A_198, %get3A_206 : vector<16xi32>
        %mul3A_208 = arith.constant 16 : i32
        %mul3A_209 = arith.muli %scan3A_114, %mul3A_208 : i32
        %add3A_210 = arith.constant 10 : i32
        %add3A_211 = arith.addi %mul3A_209, %add3A_210 : i32
        %mul3A_212 = arith.constant 16 : i32
        %mul3A_213 = arith.muli %add3A_211, %mul3A_212 : i32
        %get3A_214 = arith.index_cast %mul3A_213 : i32 to index
        %get3A_215 = tpu.vector_load %arg5[%get3A_214] {strides = array<i32>} : memref<8192xi32, #tpu.memory_space<vmem>>, vector<16xi32>,
        %add3A_216 = arith.addi %add3A_207, %get3A_215 : vector<16xi32>
        %mul3A_217 = arith.constant 16 : i32
        %mul3A_218 = arith.muli %scan3A_114, %mul3A_217 : i32
        %add3A_219 = arith.constant 11 : i32
        %add3A_220 = arith.addi %mul3A_218, %add3A_219 : i32
        %mul3A_221 = arith.constant 16 : i32
        %mul3A_222 = arith.muli %add3A_220, %mul3A_221 : i32
        %get3A_223 = arith.index_cast %mul3A_222 : i32 to index
        %get3A_224 = tpu.vector_load %arg5[%get3A_223] {strides = array<i32>} : memref<8192xi32, #tpu.memory_space<vmem>>, vector<16xi32>,
        %add3A_225 = arith.addi %add3A_216, %get3A_224 : vector<16xi32>
        %mul3A_226 = arith.constant 16 : i32
        %mul3A_227 = arith.muli %scan3A_114, %mul3A_226 : i32
        %add3A_228 = arith.constant 12 : i32
        %add3A_229 = arith.addi %mul3A_227, %add3A_228 : i32
        %mul3A_230 = arith.constant 16 : i32
        %mul3A_231 = arith.muli %add3A_229, %mul3A_230 : i32
        %get3A_232 = arith.index_cast %mul3A_231 : i32 to index
        %get3A_233 = tpu.vector_load %arg5[%get3A_232] {strides = array<i32>} : memref<8192xi32, #tpu.memory_space<vmem>>, vector<16xi32>,
        %add3A_234 = arith.addi %add3A_225, %get3A_233 : vector<16xi32>
        %mul3A_235 = arith.constant 16 : i32
        %mul3A_236 = arith.muli %scan3A_114, %mul3A_235 : i32
        %add3A_237 = arith.constant 13 : i32
        %add3A_238 = arith.addi %mul3A_236, %add3A_237 : i32
        %mul3A_239 = arith.constant 16 : i32
        %mul3A_240 = arith.muli %add3A_238, %mul3A_239 : i32
        %get3A_241 = arith.index_cast %mul3A_240 : i32 to index
        %get3A_242 = tpu.vector_load %arg5[%get3A_241] {strides = array<i32>} : memref<8192xi32, #tpu.memory_space<vmem>>, vector<16xi32>,
        %add3A_243 = arith.addi %add3A_234, %get3A_242 : vector<16xi32>
        %mul3A_244 = arith.constant 16 : i32
        %mul3A_245 = arith.muli %scan3A_114, %mul3A_244 : i32
        %add3A_246 = arith.constant 14 : i32
        %add3A_247 = arith.addi %mul3A_245, %add3A_246 : i32
        %mul3A_248 = arith.constant 16 : i32
        %mul3A_249 = arith.muli %add3A_247, %mul3A_248 : i32
        %get3A_250 = arith.index_cast %mul3A_249 : i32 to index
        %get3A_251 = tpu.vector_load %arg5[%get3A_250] {strides = array<i32>} : memref<8192xi32, #tpu.memory_space<vmem>>, vector<16xi32>,
        %add3A_252 = arith.addi %add3A_243, %get3A_251 : vector<16xi32>
        %mul3A_253 = arith.constant 16 : i32
        %mul3A_254 = arith.muli %scan3A_114, %mul3A_253 : i32
        %add3A_255 = arith.constant 15 : i32
        %add3A_256 = arith.addi %mul3A_254, %add3A_255 : i32
        %mul3A_257 = arith.constant 16 : i32
        %mul3A_258 = arith.muli %add3A_256, %mul3A_257 : i32
        %get3A_259 = arith.index_cast %mul3A_258 : i32 to index
        %get3A_260 = tpu.vector_load %arg5[%get3A_259] {strides = array<i32>} : memref<8192xi32, #tpu.memory_space<vmem>>, vector<16xi32>,
        %add3A_261 = arith.addi %add3A_252, %get3A_260 : vector<16xi32>
        %reduce_sum3A = arith.constant true
        %reduce_sum3A_262 = vector.broadcast %reduce_sum3A : i1 to vector<16xi1>
        %reduce_sum3A_263 = tpu.scan <sum>, %add3A_261 masked %reduce_sum3A_262 : vector<16xi32>, vector<16xi1> -> vector<16xi32>
        %reduce_sum3A_264 = vector.extract %reduce_sum3A_263[15] : i32 from vector<16xi32>
        %lt3A_265 = arith.constant 0 : i32
        %lt3A_266 = arith.cmpi slt, %scan3A_116, %lt3A_265 : i32
        %add3A_267 = arith.addi %scan3A_115, %reduce_sum3A_264 : i32
        %ge3A_268 = arith.cmpi sge, %add3A_267, %scan3A : i32
        %and3A = arith.andi %lt3A_266, %ge3A_268 : i1
        %add3A_269 = arith.addi %scan3A_115, %reduce_sum3A_264 : i32
        %select_n3A = arith.select %and3A, %scan3A_114, %scan3A_116 : i32
        %select_n3A_270 = arith.select %and3A, %scan3A_115, %scan3A_117 : i32
        scf.yield %add3A_269, %select_n3A, %select_n3A_270 : i32, i32, i32
      }
      %scan3A_77 = arith.constant 32 : i32
      %scan3A_78 = arith.constant -1 : i32
      %scan3A_79 = arith.constant 0 : i32
      %scan3A_80 = arith.constant 0 : i32
      %scan3A_81 = arith.constant 16 : i32
      %scan3A_82 = arith.addi %scan3A_80, %scan3A_81 : i32
      %scan3A_83 = arith.constant 1 : i32
      %scan3A_84:3 = scf.for %scan3A_114 = %scan3A_80 to %scan3A_82 step %scan3A_83 iter_args(%scan3A_115 = %scan3A_76#2, %scan3A_116 = %scan3A_78, %scan3A_117 = %scan3A_79) -> (i32, i32, i32)  : i32 {
        %mul3A_118 = arith.constant 16 : i32
        %mul3A_119 = arith.muli %scan3A_76#1, %mul3A_118 : i32
        %add3A_120 = arith.addi %mul3A_119, %scan3A_114 : i32
        %mul3A_121 = arith.constant 16 : i32
        %mul3A_122 = arith.muli %add3A_120, %mul3A_121 : i32
        %get3A_123 = arith.index_cast %mul3A_122 : i32 to index
        %get3A_124 = tpu.vector_load %arg5[%get3A_123] {strides = array<i32>} : memref<8192xi32, #tpu.memory_space<vmem>>, vector<16xi32>,
        %reduce_sum3A = arith.constant true
        %reduce_sum3A_125 = vector.broadcast %reduce_sum3A : i1 to vector<16xi1>
        %reduce_sum3A_126 = tpu.scan <sum>, %get3A_124 masked %reduce_sum3A_125 : vector<16xi32>, vector<16xi1> -> vector<16xi32>
        %reduce_sum3A_127 = vector.extract %reduce_sum3A_126[15] : i32 from vector<16xi32>
        %lt3A_128 = arith.constant 0 : i32
        %lt3A_129 = arith.cmpi slt, %scan3A_116, %lt3A_128 : i32
        %add3A_130 = arith.addi %scan3A_115, %reduce_sum3A_127 : i32
        %ge3A_131 = arith.cmpi sge, %add3A_130, %scan3A : i32
        %and3A = arith.andi %lt3A_129, %ge3A_131 : i1
        %add3A_132 = arith.addi %scan3A_115, %reduce_sum3A_127 : i32
        %select_n3A = arith.select %and3A, %scan3A_114, %scan3A_116 : i32
        %select_n3A_133 = arith.select %and3A, %scan3A_115, %scan3A_117 : i32
        scf.yield %add3A_132, %select_n3A, %select_n3A_133 : i32, i32, i32
      }
      %scan3A_85 = arith.constant 16 : i32
      %mul3A_86 = arith.constant 16 : i32
      %mul3A_87 = arith.muli %scan3A_76#1, %mul3A_86 : i32
      %add3A_88 = arith.addi %mul3A_87, %scan3A_84#1 : i32
      %mul3A_89 = arith.constant 16 : i32
      %mul3A_90 = arith.muli %add3A_88, %mul3A_89 : i32
      %get3A = arith.index_cast %mul3A_90 : i32 to index
      %get3A_91 = tpu.vector_load %arg5[%get3A] {strides = array<i32>} : memref<8192xi32, #tpu.memory_space<vmem>>, vector<16xi32>,
      %broadcast_in_dim3A_92 = arith.constant true
      %broadcast_in_dim3A_93 = vector.broadcast %broadcast_in_dim3A_92 : i1 to vector<16xi1>
      %masked_cumsum3A = tpu.scan <sum>, %get3A_91 masked %broadcast_in_dim3A_93 : vector<16xi32>, vector<16xi1> -> vector<16xi32>
      %add3A_94 = vector.broadcast %scan3A_84#2 : i32 to vector<16xi32>
      %add3A_95 = arith.addi %add3A_94, %masked_cumsum3A : vector<16xi32>
      %ge3A = vector.broadcast %scan3A : i32 to vector<16xi32>
      %ge3A_96 = arith.cmpi sge, %add3A_95, %ge3A : vector<16xi32>
      %all_reduce_ffs3A = tpu.all_reduce %ge3A_96 {dim = 0 : i64, kind = #tpu.reduction_kind<find_first_set>} : vector<16xi1> -> vector<16xi32>
      %mul3A_97 = arith.constant 256 : i32
      %mul3A_98 = arith.muli %scan3A_76#1, %mul3A_97 : i32
      %mul3A_99 = arith.constant 16 : i32
      %mul3A_100 = arith.muli %scan3A_84#1, %mul3A_99 : i32
      %add3A_101 = arith.addi %mul3A_98, %mul3A_100 : i32
      %add3A_102 = vector.broadcast %add3A_101 : i32 to vector<16xi32>
      %add3A_103 = arith.addi %add3A_102, %all_reduce_ffs3A : vector<16xi32>
      %add3A_104 = arith.constant 1 : i32
      %add3A_105 = vector.broadcast %add3A_104 : i32 to vector<16xi32>
      %add3A_106 = arith.addi %add3A_103, %add3A_105 : vector<16xi32>
      %shift_left3A = arith.constant 11 : i32
      %shift_left3A_107 = vector.broadcast %shift_left3A : i32 to vector<16xi32>
      %shift_left3A_108 = arith.shli %add3A_106, %shift_left3A_107 : vector<16xi32>
      %parallel_loop3A_109 = arith.constant 0 : i32
      %parallel_loop3A_110 = arith.constant 512 : i32
      %parallel_loop3A_111 = arith.constant 1 : i32
      scf.for %parallel_loop3A_114 = %parallel_loop3A_109 to %parallel_loop3A_110 step %parallel_loop3A_111  : i32 {
        %parallel_loop3A_115 = arith.constant 16 : i32
        %parallel_loop3A_116 = arith.muli %parallel_loop3A_114, %parallel_loop3A_115 : i32
        %parallel_loop3A_117 = arith.index_cast %parallel_loop3A_116 : i32 to index
        %parallel_loop3A_118 = tpu.vector_load %arg5[%parallel_loop3A_117] {strides = array<i32>} : memref<8192xi32, #tpu.memory_space<vmem>>, vector<16xi32>,
        tpu.vector_store %arg5[%parallel_loop3A_117], %broadcast_in_dim3A_3 {strides = array<i32>} : memref<8192xi32, #tpu.memory_space<vmem>>, vector<16xi32>,
      } {sc.loop_unroll_factor = 16 : i64, sc.parallel_access}
      %swap3A = arith.constant 0 : index
      %swap3A_112 = tpu.vector_load %arg6[%swap3A] {strides = array<i32>} : memref<16xi32, #tpu.memory_space<vmem>>, vector<16xi32>,
      tpu.vector_store %arg6[%swap3A], %shift_left3A_108 {strides = array<i32>} : memref<16xi32, #tpu.memory_space<vmem>>, vector<16xi32>,
      "tpu.region"() ({
        %run_scoped3A = tpu.sem_alloc : memref<!tpu.dma_semaphore, #tpu.memory_space<semaphore_mem>>
        %dma_start3A_114 = arith.constant 0 : i32
        %dma_start3A_115 = tpu.memref_slice %arg3[%add3A_36, %dma_start3A_114] : memref<256x16xi32, #tpu.memory_space<hbm>> -> memref<1x16xi32, #tpu.memory_space<hbm>>
        %dma_start3A_116 = tpu.memref_squeeze %dma_start3A_115 : memref<1x16xi32, #tpu.memory_space<hbm>> -> memref<16xi32, #tpu.memory_space<hbm>>
        %dma_start3A_117 = arith.constant 0 : i32
        %dma_start3A_118 = tpu.memref_slice %arg3[%add3A_36, %dma_start3A_117] : memref<256x16xi32, #tpu.memory_space<hbm>> -> memref<1x16xi32, #tpu.memory_space<hbm>>
        %dma_start3A_119 = tpu.memref_squeeze %dma_start3A_118 : memref<1x16xi32, #tpu.memory_space<hbm>> -> memref<16xi32, #tpu.memory_space<hbm>>
        tpu.enqueue_dma source(%arg6 : memref<16xi32, #tpu.memory_space<vmem>>) target(%dma_start3A_119 : memref<16xi32, #tpu.memory_space<hbm>>) target_semaphore(%run_scoped3A : memref<!tpu.dma_semaphore, #tpu.memory_space<semaphore_mem>>)
        %dma_wait3A_120 = arith.constant 0 : i32
        %dma_wait3A_121 = tpu.memref_slice %arg3[%add3A_36, %dma_wait3A_120] : memref<256x16xi32, #tpu.memory_space<hbm>> -> memref<1x16xi32, #tpu.memory_space<hbm>>
        %dma_wait3A_122 = tpu.memref_squeeze %dma_wait3A_121 : memref<1x16xi32, #tpu.memory_space<hbm>> -> memref<16xi32, #tpu.memory_space<hbm>>
        %dma_wait3A_123 = arith.constant 0 : i32
        %dma_wait3A_124 = tpu.memref_slice %arg3[%add3A_36, %dma_wait3A_123] : memref<256x16xi32, #tpu.memory_space<hbm>> -> memref<1x16xi32, #tpu.memory_space<hbm>>
        %dma_wait3A_125 = tpu.memref_squeeze %dma_wait3A_124 : memref<1x16xi32, #tpu.memory_space<hbm>> -> memref<16xi32, #tpu.memory_space<hbm>>
        tpu.wait_dma2 semaphore(%run_scoped3A : memref<!tpu.dma_semaphore, #tpu.memory_space<semaphore_mem>>) src(%arg6 : memref<16xi32, #tpu.memory_space<vmem>>) dst(%dma_wait3A_125 : memref<16xi32, #tpu.memory_space<hbm>>)
        tpu.yield
      }) : () -> ()
      %scan3A_113 = arith.constant 0 : i32
      scf.yield %scan3A_113 : i32
    }
    %scan3A_33 = arith.constant 8 : i32
    return
  }
}

#map = affine_map<(d0, d1) -> (0, 0)>
module attributes {stable_mosaic.version = 14 : i64} {
  func.func @_sc_body(%arg0: i32, %arg1: i32, %arg2: memref<256x100352xi32, #tpu.memory_space<hbm>>, %arg3: memref<256x16xi32, #tpu.memory_space<hbm>>, %arg4: memref<100352xi32, #tpu.memory_space<vmem>>, %arg5: memref<8192xi32, #tpu.memory_space<vmem>>, %arg6: memref<16xi32, #tpu.memory_space<vmem>>, %arg7: memref<!tpu.dma_semaphore, #tpu.memory_space<semaphore_mem>>, %arg8: memref<!tpu.dma_semaphore, #tpu.memory_space<semaphore_mem>>) attributes {dimension_semantics = [#tpu.dimension_semantics<core_parallel>, #tpu.dimension_semantics<subcore_parallel>], iteration_bounds = array<i64: 2, 16>, scalar_prefetch = 0 : i64, scratch_operands = 5 : i64, tpu.core_type = #tpu.core_type<sc_vector_subcore>, window_params = [{transform_indices = #map}, {transform_indices = #map}]} {
    %mul3A = arith.constant 2 : i32
    %mul3A_0 = arith.muli %arg1, %mul3A : i32
    %add3A = arith.addi %mul3A_0, %arg0 : i32
    %mul3A_1 = arith.constant 8 : i32
    %mul3A_2 = arith.muli %add3A, %mul3A_1 : i32
    %broadcast_in_dim3A = arith.constant 0 : i32
    %broadcast_in_dim3A_3 = vector.broadcast %broadcast_in_dim3A : i32 to vector<16xi32>
    %broadcast_in_dim3A_4 = arith.constant 1 : i32
    %broadcast_in_dim3A_5 = vector.broadcast %broadcast_in_dim3A_4 : i32 to vector<16xi32>
    %parallel_loop3A = arith.constant 0 : i32
    %parallel_loop3A_6 = arith.constant 512 : i32
    %parallel_loop3A_7 = arith.constant 1 : i32
    scf.for %parallel_loop3A_34 = %parallel_loop3A to %parallel_loop3A_6 step %parallel_loop3A_7  : i32 {
      %parallel_loop3A_35 = arith.constant 16 : i32
      %parallel_loop3A_36 = arith.muli %parallel_loop3A_34, %parallel_loop3A_35 : i32
      %parallel_loop3A_37 = arith.index_cast %parallel_loop3A_36 : i32 to index
      %parallel_loop3A_38 = tpu.vector_load %arg5[%parallel_loop3A_37] {strides = array<i32>} : memref<8192xi32, #tpu.memory_space<vmem>>, vector<16xi32>,
      tpu.vector_store %arg5[%parallel_loop3A_37], %broadcast_in_dim3A_3 {strides = array<i32>} : memref<8192xi32, #tpu.memory_space<vmem>>, vector<16xi32>,
    } {sc.loop_unroll_factor = 16 : i64, sc.parallel_access}
    %dma_start3A = arith.constant 0 : i32
    %dma_start3A_8 = tpu.memref_slice %arg4[%dma_start3A] : memref<100352xi32, #tpu.memory_space<vmem>> -> memref<50176xi32, #tpu.memory_space<vmem>>
    %dma_start3A_9 = arith.constant 0 : i32
    %dma_start3A_10 = tpu.memref_slice %arg2[%mul3A_2, %dma_start3A_9] : memref<256x100352xi32, #tpu.memory_space<hbm>> -> memref<1x50176xi32, #tpu.memory_space<hbm>>
    %dma_start3A_11 = tpu.memref_squeeze %dma_start3A_10 : memref<1x50176xi32, #tpu.memory_space<hbm>> -> memref<50176xi32, #tpu.memory_space<hbm>>
    %dma_start3A_12 = arith.constant 0 : i32
    %dma_start3A_13 = tpu.memref_slice %arg4[%dma_start3A_12] : memref<100352xi32, #tpu.memory_space<vmem>> -> memref<50176xi32, #tpu.memory_space<vmem>>
    %dma_start3A_14 = arith.constant 0 : i32
    %dma_start3A_15 = tpu.memref_slice %arg2[%mul3A_2, %dma_start3A_14] : memref<256x100352xi32, #tpu.memory_space<hbm>> -> memref<1x50176xi32, #tpu.memory_space<hbm>>
    %dma_start3A_16 = tpu.memref_squeeze %dma_start3A_15 : memref<1x50176xi32, #tpu.memory_space<hbm>> -> memref<50176xi32, #tpu.memory_space<hbm>>
    tpu.enqueue_dma source(%dma_start3A_16 : memref<50176xi32, #tpu.memory_space<hbm>>) target(%dma_start3A_13 : memref<50176xi32, #tpu.memory_space<vmem>>) target_semaphore(%arg7 : memref<!tpu.dma_semaphore, #tpu.memory_space<semaphore_mem>>)
    %dma_start3A_17 = arith.constant 50176 : i32
    %dma_start3A_18 = tpu.memref_slice %arg4[%dma_start3A_17] : memref<100352xi32, #tpu.memory_space<vmem>> -> memref<50176xi32, #tpu.memory_space<vmem>>
    %dma_start3A_19 = arith.constant 50176 : i32
    %dma_start3A_20 = tpu.memref_slice %arg2[%mul3A_2, %dma_start3A_19] : memref<256x100352xi32, #tpu.memory_space<hbm>> -> memref<1x50176xi32, #tpu.memory_space<hbm>>
    %dma_start3A_21 = tpu.memref_squeeze %dma_start3A_20 : memref<1x50176xi32, #tpu.memory_space<hbm>> -> memref<50176xi32, #tpu.memory_space<hbm>>
    %dma_start3A_22 = arith.constant 50176 : i32
    %dma_start3A_23 = tpu.memref_slice %arg4[%dma_start3A_22] : memref<100352xi32, #tpu.memory_space<vmem>> -> memref<50176xi32, #tpu.memory_space<vmem>>
    %dma_start3A_24 = arith.constant 50176 : i32
    %dma_start3A_25 = tpu.memref_slice %arg2[%mul3A_2, %dma_start3A_24] : memref<256x100352xi32, #tpu.memory_space<hbm>> -> memref<1x50176xi32, #tpu.memory_space<hbm>>
    %dma_start3A_26 = tpu.memref_squeeze %dma_start3A_25 : memref<1x50176xi32, #tpu.memory_space<hbm>> -> memref<50176xi32, #tpu.memory_space<hbm>>
    tpu.enqueue_dma source(%dma_start3A_26 : memref<50176xi32, #tpu.memory_space<hbm>>) target(%dma_start3A_23 : memref<50176xi32, #tpu.memory_space<vmem>>) target_semaphore(%arg8 : memref<!tpu.dma_semaphore, #tpu.memory_space<semaphore_mem>>)
    %scan3A = arith.constant 1000 : i32
    %scan3A_27 = arith.constant 0 : i32
    %scan3A_28 = arith.constant 0 : i32
    %scan3A_29 = arith.constant 8 : i32
    %scan3A_30 = arith.addi %scan3A_28, %scan3A_29 : i32
    %scan3A_31 = arith.constant 1 : i32
    %scan3A_32 = scf.for %scan3A_34 = %scan3A_28 to %scan3A_30 step %scan3A_31 iter_args(%scan3A_35 = %scan3A_27) -> (i32)  : i32 {
      %add3A_36 = arith.addi %mul3A_2, %scan3A_34 : i32
      %dma_wait3A = arith.constant 0 : i32
      %dma_wait3A_37 = tpu.memref_slice %arg4[%dma_wait3A] : memref<100352xi32, #tpu.memory_space<vmem>> -> memref<50176xi32, #tpu.memory_space<vmem>>
      %dma_wait3A_38 = arith.constant 0 : i32
      %dma_wait3A_39 = tpu.memref_slice %arg2[%add3A_36, %dma_wait3A_38] : memref<256x100352xi32, #tpu.memory_space<hbm>> -> memref<1x50176xi32, #tpu.memory_space<hbm>>
      %dma_wait3A_40 = tpu.memref_squeeze %dma_wait3A_39 : memref<1x50176xi32, #tpu.memory_space<hbm>> -> memref<50176xi32, #tpu.memory_space<hbm>>
      %dma_wait3A_41 = arith.constant 0 : i32
      %dma_wait3A_42 = tpu.memref_slice %arg4[%dma_wait3A_41] : memref<100352xi32, #tpu.memory_space<vmem>> -> memref<50176xi32, #tpu.memory_space<vmem>>
      %dma_wait3A_43 = arith.constant 0 : i32
      %dma_wait3A_44 = tpu.memref_slice %arg2[%add3A_36, %dma_wait3A_43] : memref<256x100352xi32, #tpu.memory_space<hbm>> -> memref<1x50176xi32, #tpu.memory_space<hbm>>
      %dma_wait3A_45 = tpu.memref_squeeze %dma_wait3A_44 : memref<1x50176xi32, #tpu.memory_space<hbm>> -> memref<50176xi32, #tpu.memory_space<hbm>>
      tpu.wait_dma2 semaphore(%arg7 : memref<!tpu.dma_semaphore, #tpu.memory_space<semaphore_mem>>) src(%dma_wait3A_45 : memref<50176xi32, #tpu.memory_space<hbm>>) dst(%dma_wait3A_42 : memref<50176xi32, #tpu.memory_space<vmem>>)
      %parallel_loop3A_46 = arith.constant 0 : i32
      %parallel_loop3A_47 = arith.constant 3136 : i32
      %parallel_loop3A_48 = arith.constant 1 : i32
      scf.for %parallel_loop3A_114 = %parallel_loop3A_46 to %parallel_loop3A_47 step %parallel_loop3A_48  : i32 {
        %parallel_loop3A_115 = arith.constant 16 : i32
        %parallel_loop3A_116 = arith.muli %parallel_loop3A_114, %parallel_loop3A_115 : i32
        %parallel_loop3A_117 = arith.index_cast %parallel_loop3A_116 : i32 to index
        %parallel_loop3A_118 = tpu.vector_load %arg4[%parallel_loop3A_117] {strides = array<i32>} : memref<100352xi32, #tpu.memory_space<vmem>>, vector<16xi32>,
        %parallel_loop3A_119 = arith.constant 11 : i32
        %parallel_loop3A_120 = vector.broadcast %parallel_loop3A_119 : i32 to vector<16xi32>
        %parallel_loop3A_121 = arith.shrsi %parallel_loop3A_118, %parallel_loop3A_120 : vector<16xi32>
        tpu.vector_store_idx %arg5[%parallel_loop3A_121], %broadcast_in_dim3A_5 {add = true} : memref<8192xi32, #tpu.memory_space<vmem>>[vector<16xi32>], vector<16xi32>,
      } {sc.loop_unroll_factor = 16 : i64, sc.parallel_access}
      %lt3A = arith.constant 7 : i32
      %lt3A_49 = arith.cmpi slt, %scan3A_34, %lt3A : i32
      %convert_element_type3A = arith.extui %lt3A_49 : i1 to i32
      %cond3A = arith.constant 0 : i32
      %cond3A_50 = arith.cmpi ne, %convert_element_type3A, %cond3A : i32
      scf.if %cond3A_50 {
        %add3A_114 = arith.constant 1 : i32
        %add3A_115 = arith.addi %add3A_36, %add3A_114 : i32
        %dma_start3A_116 = arith.constant 0 : i32
        %dma_start3A_117 = tpu.memref_slice %arg4[%dma_start3A_116] : memref<100352xi32, #tpu.memory_space<vmem>> -> memref<50176xi32, #tpu.memory_space<vmem>>
        %dma_start3A_118 = arith.constant 0 : i32
        %dma_start3A_119 = tpu.memref_slice %arg2[%add3A_115, %dma_start3A_118] : memref<256x100352xi32, #tpu.memory_space<hbm>> -> memref<1x50176xi32, #tpu.memory_space<hbm>>
        %dma_start3A_120 = tpu.memref_squeeze %dma_start3A_119 : memref<1x50176xi32, #tpu.memory_space<hbm>> -> memref<50176xi32, #tpu.memory_space<hbm>>
        %dma_start3A_121 = arith.constant 0 : i32
        %dma_start3A_122 = tpu.memref_slice %arg4[%dma_start3A_121] : memref<100352xi32, #tpu.memory_space<vmem>> -> memref<50176xi32, #tpu.memory_space<vmem>>
        %dma_start3A_123 = arith.constant 0 : i32
        %dma_start3A_124 = tpu.memref_slice %arg2[%add3A_115, %dma_start3A_123] : memref<256x100352xi32, #tpu.memory_space<hbm>> -> memref<1x50176xi32, #tpu.memory_space<hbm>>
        %dma_start3A_125 = tpu.memref_squeeze %dma_start3A_124 : memref<1x50176xi32, #tpu.memory_space<hbm>> -> memref<50176xi32, #tpu.memory_space<hbm>>
        tpu.enqueue_dma source(%dma_start3A_125 : memref<50176xi32, #tpu.memory_space<hbm>>) target(%dma_start3A_122 : memref<50176xi32, #tpu.memory_space<vmem>>) target_semaphore(%arg7 : memref<!tpu.dma_semaphore, #tpu.memory_space<semaphore_mem>>)
      } else {
      }
      %dma_wait3A_51 = arith.constant 50176 : i32
      %dma_wait3A_52 = tpu.memref_slice %arg4[%dma_wait3A_51] : memref<100352xi32, #tpu.memory_space<vmem>> -> memref<50176xi32, #tpu.memory_space<vmem>>
      %dma_wait3A_53 = arith.constant 50176 : i32
      %dma_wait3A_54 = tpu.memref_slice %arg2[%add3A_36, %dma_wait3A_53] : memref<256x100352xi32, #tpu.memory_space<hbm>> -> memref<1x50176xi32, #tpu.memory_space<hbm>>
      %dma_wait3A_55 = tpu.memref_squeeze %dma_wait3A_54 : memref<1x50176xi32, #tpu.memory_space<hbm>> -> memref<50176xi32, #tpu.memory_space<hbm>>
      %dma_wait3A_56 = arith.constant 50176 : i32
      %dma_wait3A_57 = tpu.memref_slice %arg4[%dma_wait3A_56] : memref<100352xi32, #tpu.memory_space<vmem>> -> memref<50176xi32, #tpu.memory_space<vmem>>
      %dma_wait3A_58 = arith.constant 50176 : i32
      %dma_wait3A_59 = tpu.memref_slice %arg2[%add3A_36, %dma_wait3A_58] : memref<256x100352xi32, #tpu.memory_space<hbm>> -> memref<1x50176xi32, #tpu.memory_space<hbm>>
      %dma_wait3A_60 = tpu.memref_squeeze %dma_wait3A_59 : memref<1x50176xi32, #tpu.memory_space<hbm>> -> memref<50176xi32, #tpu.memory_space<hbm>>
      tpu.wait_dma2 semaphore(%arg8 : memref<!tpu.dma_semaphore, #tpu.memory_space<semaphore_mem>>) src(%dma_wait3A_60 : memref<50176xi32, #tpu.memory_space<hbm>>) dst(%dma_wait3A_57 : memref<50176xi32, #tpu.memory_space<vmem>>)
      %parallel_loop3A_61 = arith.constant 3136 : i32
      %parallel_loop3A_62 = arith.constant 6272 : i32
      %parallel_loop3A_63 = arith.constant 1 : i32
      scf.for %parallel_loop3A_114 = %parallel_loop3A_61 to %parallel_loop3A_62 step %parallel_loop3A_63  : i32 {
        %parallel_loop3A_115 = arith.constant 16 : i32
        %parallel_loop3A_116 = arith.muli %parallel_loop3A_114, %parallel_loop3A_115 : i32
        %parallel_loop3A_117 = arith.index_cast %parallel_loop3A_116 : i32 to index
        %parallel_loop3A_118 = tpu.vector_load %arg4[%parallel_loop3A_117] {strides = array<i32>} : memref<100352xi32, #tpu.memory_space<vmem>>, vector<16xi32>,
        %parallel_loop3A_119 = arith.constant 11 : i32
        %parallel_loop3A_120 = vector.broadcast %parallel_loop3A_119 : i32 to vector<16xi32>
        %parallel_loop3A_121 = arith.shrsi %parallel_loop3A_118, %parallel_loop3A_120 : vector<16xi32>
        tpu.vector_store_idx %arg5[%parallel_loop3A_121], %broadcast_in_dim3A_5 {add = true} : memref<8192xi32, #tpu.memory_space<vmem>>[vector<16xi32>], vector<16xi32>,
      } {sc.loop_unroll_factor = 16 : i64, sc.parallel_access}
      %lt3A_64 = arith.constant 7 : i32
      %lt3A_65 = arith.cmpi slt, %scan3A_34, %lt3A_64 : i32
      %convert_element_type3A_66 = arith.extui %lt3A_65 : i1 to i32
      %cond3A_67 = arith.constant 0 : i32
      %cond3A_68 = arith.cmpi ne, %convert_element_type3A_66, %cond3A_67 : i32
      scf.if %cond3A_68 {
        %add3A_114 = arith.constant 1 : i32
        %add3A_115 = arith.addi %add3A_36, %add3A_114 : i32
        %dma_start3A_116 = arith.constant 50176 : i32
        %dma_start3A_117 = tpu.memref_slice %arg4[%dma_start3A_116] : memref<100352xi32, #tpu.memory_space<vmem>> -> memref<50176xi32, #tpu.memory_space<vmem>>
        %dma_start3A_118 = arith.constant 50176 : i32
        %dma_start3A_119 = tpu.memref_slice %arg2[%add3A_115, %dma_start3A_118] : memref<256x100352xi32, #tpu.memory_space<hbm>> -> memref<1x50176xi32, #tpu.memory_space<hbm>>
        %dma_start3A_120 = tpu.memref_squeeze %dma_start3A_119 : memref<1x50176xi32, #tpu.memory_space<hbm>> -> memref<50176xi32, #tpu.memory_space<hbm>>
        %dma_start3A_121 = arith.constant 50176 : i32
        %dma_start3A_122 = tpu.memref_slice %arg4[%dma_start3A_121] : memref<100352xi32, #tpu.memory_space<vmem>> -> memref<50176xi32, #tpu.memory_space<vmem>>
        %dma_start3A_123 = arith.constant 50176 : i32
        %dma_start3A_124 = tpu.memref_slice %arg2[%add3A_115, %dma_start3A_123] : memref<256x100352xi32, #tpu.memory_space<hbm>> -> memref<1x50176xi32, #tpu.memory_space<hbm>>
        %dma_start3A_125 = tpu.memref_squeeze %dma_start3A_124 : memref<1x50176xi32, #tpu.memory_space<hbm>> -> memref<50176xi32, #tpu.memory_space<hbm>>
        tpu.enqueue_dma source(%dma_start3A_125 : memref<50176xi32, #tpu.memory_space<hbm>>) target(%dma_start3A_122 : memref<50176xi32, #tpu.memory_space<vmem>>) target_semaphore(%arg8 : memref<!tpu.dma_semaphore, #tpu.memory_space<semaphore_mem>>)
      } else {
      }
      %scan3A_69 = arith.constant 0 : i32
      %scan3A_70 = arith.constant -1 : i32
      %scan3A_71 = arith.constant 0 : i32
      %scan3A_72 = arith.constant 0 : i32
      %scan3A_73 = arith.constant 32 : i32
      %scan3A_74 = arith.addi %scan3A_72, %scan3A_73 : i32
      %scan3A_75 = arith.constant 1 : i32
      %scan3A_76:3 = scf.for %scan3A_114 = %scan3A_72 to %scan3A_74 step %scan3A_75 iter_args(%scan3A_115 = %scan3A_69, %scan3A_116 = %scan3A_70, %scan3A_117 = %scan3A_71) -> (i32, i32, i32)  : i32 {
        %mul3A_118 = arith.constant 16 : i32
        %mul3A_119 = arith.muli %scan3A_114, %mul3A_118 : i32
        %add3A_120 = arith.constant 0 : i32
        %add3A_121 = arith.addi %mul3A_119, %add3A_120 : i32
        %mul3A_122 = arith.constant 16 : i32
        %mul3A_123 = arith.muli %add3A_121, %mul3A_122 : i32
        %get3A_124 = arith.index_cast %mul3A_123 : i32 to index
        %get3A_125 = tpu.vector_load %arg5[%get3A_124] {strides = array<i32>} : memref<8192xi32, #tpu.memory_space<vmem>>, vector<16xi32>,
        %add3A_126 = arith.addi %broadcast_in_dim3A_3, %get3A_125 : vector<16xi32>
        %mul3A_127 = arith.constant 16 : i32
        %mul3A_128 = arith.muli %scan3A_114, %mul3A_127 : i32
        %add3A_129 = arith.constant 1 : i32
        %add3A_130 = arith.addi %mul3A_128, %add3A_129 : i32
        %mul3A_131 = arith.constant 16 : i32
        %mul3A_132 = arith.muli %add3A_130, %mul3A_131 : i32
        %get3A_133 = arith.index_cast %mul3A_132 : i32 to index
        %get3A_134 = tpu.vector_load %arg5[%get3A_133] {strides = array<i32>} : memref<8192xi32, #tpu.memory_space<vmem>>, vector<16xi32>,
        %add3A_135 = arith.addi %add3A_126, %get3A_134 : vector<16xi32>
        %mul3A_136 = arith.constant 16 : i32
        %mul3A_137 = arith.muli %scan3A_114, %mul3A_136 : i32
        %add3A_138 = arith.constant 2 : i32
        %add3A_139 = arith.addi %mul3A_137, %add3A_138 : i32
        %mul3A_140 = arith.constant 16 : i32
        %mul3A_141 = arith.muli %add3A_139, %mul3A_140 : i32
        %get3A_142 = arith.index_cast %mul3A_141 : i32 to index
        %get3A_143 = tpu.vector_load %arg5[%get3A_142] {strides = array<i32>} : memref<8192xi32, #tpu.memory_space<vmem>>, vector<16xi32>,
        %add3A_144 = arith.addi %add3A_135, %get3A_143 : vector<16xi32>
        %mul3A_145 = arith.constant 16 : i32
        %mul3A_146 = arith.muli %scan3A_114, %mul3A_145 : i32
        %add3A_147 = arith.constant 3 : i32
        %add3A_148 = arith.addi %mul3A_146, %add3A_147 : i32
        %mul3A_149 = arith.constant 16 : i32
        %mul3A_150 = arith.muli %add3A_148, %mul3A_149 : i32
        %get3A_151 = arith.index_cast %mul3A_150 : i32 to index
        %get3A_152 = tpu.vector_load %arg5[%get3A_151] {strides = array<i32>} : memref<8192xi32, #tpu.memory_space<vmem>>, vector<16xi32>,
        %add3A_153 = arith.addi %add3A_144, %get3A_152 : vector<16xi32>
        %mul3A_154 = arith.constant 16 : i32
        %mul3A_155 = arith.muli %scan3A_114, %mul3A_154 : i32
        %add3A_156 = arith.constant 4 : i32
        %add3A_157 = arith.addi %mul3A_155, %add3A_156 : i32
        %mul3A_158 = arith.constant 16 : i32
        %mul3A_159 = arith.muli %add3A_157, %mul3A_158 : i32
        %get3A_160 = arith.index_cast %mul3A_159 : i32 to index
        %get3A_161 = tpu.vector_load %arg5[%get3A_160] {strides = array<i32>} : memref<8192xi32, #tpu.memory_space<vmem>>, vector<16xi32>,
        %add3A_162 = arith.addi %add3A_153, %get3A_161 : vector<16xi32>
        %mul3A_163 = arith.constant 16 : i32
        %mul3A_164 = arith.muli %scan3A_114, %mul3A_163 : i32
        %add3A_165 = arith.constant 5 : i32
        %add3A_166 = arith.addi %mul3A_164, %add3A_165 : i32
        %mul3A_167 = arith.constant 16 : i32
        %mul3A_168 = arith.muli %add3A_166, %mul3A_167 : i32
        %get3A_169 = arith.index_cast %mul3A_168 : i32 to index
        %get3A_170 = tpu.vector_load %arg5[%get3A_169] {strides = array<i32>} : memref<8192xi32, #tpu.memory_space<vmem>>, vector<16xi32>,
        %add3A_171 = arith.addi %add3A_162, %get3A_170 : vector<16xi32>
        %mul3A_172 = arith.constant 16 : i32
        %mul3A_173 = arith.muli %scan3A_114, %mul3A_172 : i32
        %add3A_174 = arith.constant 6 : i32
        %add3A_175 = arith.addi %mul3A_173, %add3A_174 : i32
        %mul3A_176 = arith.constant 16 : i32
        %mul3A_177 = arith.muli %add3A_175, %mul3A_176 : i32
        %get3A_178 = arith.index_cast %mul3A_177 : i32 to index
        %get3A_179 = tpu.vector_load %arg5[%get3A_178] {strides = array<i32>} : memref<8192xi32, #tpu.memory_space<vmem>>, vector<16xi32>,
        %add3A_180 = arith.addi %add3A_171, %get3A_179 : vector<16xi32>
        %mul3A_181 = arith.constant 16 : i32
        %mul3A_182 = arith.muli %scan3A_114, %mul3A_181 : i32
        %add3A_183 = arith.constant 7 : i32
        %add3A_184 = arith.addi %mul3A_182, %add3A_183 : i32
        %mul3A_185 = arith.constant 16 : i32
        %mul3A_186 = arith.muli %add3A_184, %mul3A_185 : i32
        %get3A_187 = arith.index_cast %mul3A_186 : i32 to index
        %get3A_188 = tpu.vector_load %arg5[%get3A_187] {strides = array<i32>} : memref<8192xi32, #tpu.memory_space<vmem>>, vector<16xi32>,
        %add3A_189 = arith.addi %add3A_180, %get3A_188 : vector<16xi32>
        %mul3A_190 = arith.constant 16 : i32
        %mul3A_191 = arith.muli %scan3A_114, %mul3A_190 : i32
        %add3A_192 = arith.constant 8 : i32
        %add3A_193 = arith.addi %mul3A_191, %add3A_192 : i32
        %mul3A_194 = arith.constant 16 : i32
        %mul3A_195 = arith.muli %add3A_193, %mul3A_194 : i32
        %get3A_196 = arith.index_cast %mul3A_195 : i32 to index
        %get3A_197 = tpu.vector_load %arg5[%get3A_196] {strides = array<i32>} : memref<8192xi32, #tpu.memory_space<vmem>>, vector<16xi32>,
        %add3A_198 = arith.addi %add3A_189, %get3A_197 : vector<16xi32>
        %mul3A_199 = arith.constant 16 : i32
        %mul3A_200 = arith.muli %scan3A_114, %mul3A_199 : i32
        %add3A_201 = arith.constant 9 : i32
        %add3A_202 = arith.addi %mul3A_200, %add3A_201 : i32
        %mul3A_203 = arith.constant 16 : i32
        %mul3A_204 = arith.muli %add3A_202, %mul3A_203 : i32
        %get3A_205 = arith.index_cast %mul3A_204 : i32 to index
        %get3A_206 = tpu.vector_load %arg5[%get3A_205] {strides = array<i32>} : memref<8192xi32, #tpu.memory_space<vmem>>, vector<16xi32>,
        %add3A_207 = arith.addi %add3A_198, %get3A_206 : vector<16xi32>
        %mul3A_208 = arith.constant 16 : i32
        %mul3A_209 = arith.muli %scan3A_114, %mul3A_208 : i32
        %add3A_210 = arith.constant 10 : i32
        %add3A_211 = arith.addi %mul3A_209, %add3A_210 : i32
        %mul3A_212 = arith.constant 16 : i32
        %mul3A_213 = arith.muli %add3A_211, %mul3A_212 : i32
        %get3A_214 = arith.index_cast %mul3A_213 : i32 to index
        %get3A_215 = tpu.vector_load %arg5[%get3A_214] {strides = array<i32>} : memref<8192xi32, #tpu.memory_space<vmem>>, vector<16xi32>,
        %add3A_216 = arith.addi %add3A_207, %get3A_215 : vector<16xi32>
        %mul3A_217 = arith.constant 16 : i32
        %mul3A_218 = arith.muli %scan3A_114, %mul3A_217 : i32
        %add3A_219 = arith.constant 11 : i32
        %add3A_220 = arith.addi %mul3A_218, %add3A_219 : i32
        %mul3A_221 = arith.constant 16 : i32
        %mul3A_222 = arith.muli %add3A_220, %mul3A_221 : i32
        %get3A_223 = arith.index_cast %mul3A_222 : i32 to index
        %get3A_224 = tpu.vector_load %arg5[%get3A_223] {strides = array<i32>} : memref<8192xi32, #tpu.memory_space<vmem>>, vector<16xi32>,
        %add3A_225 = arith.addi %add3A_216, %get3A_224 : vector<16xi32>
        %mul3A_226 = arith.constant 16 : i32
        %mul3A_227 = arith.muli %scan3A_114, %mul3A_226 : i32
        %add3A_228 = arith.constant 12 : i32
        %add3A_229 = arith.addi %mul3A_227, %add3A_228 : i32
        %mul3A_230 = arith.constant 16 : i32
        %mul3A_231 = arith.muli %add3A_229, %mul3A_230 : i32
        %get3A_232 = arith.index_cast %mul3A_231 : i32 to index
        %get3A_233 = tpu.vector_load %arg5[%get3A_232] {strides = array<i32>} : memref<8192xi32, #tpu.memory_space<vmem>>, vector<16xi32>,
        %add3A_234 = arith.addi %add3A_225, %get3A_233 : vector<16xi32>
        %mul3A_235 = arith.constant 16 : i32
        %mul3A_236 = arith.muli %scan3A_114, %mul3A_235 : i32
        %add3A_237 = arith.constant 13 : i32
        %add3A_238 = arith.addi %mul3A_236, %add3A_237 : i32
        %mul3A_239 = arith.constant 16 : i32
        %mul3A_240 = arith.muli %add3A_238, %mul3A_239 : i32
        %get3A_241 = arith.index_cast %mul3A_240 : i32 to index
        %get3A_242 = tpu.vector_load %arg5[%get3A_241] {strides = array<i32>} : memref<8192xi32, #tpu.memory_space<vmem>>, vector<16xi32>,
        %add3A_243 = arith.addi %add3A_234, %get3A_242 : vector<16xi32>
        %mul3A_244 = arith.constant 16 : i32
        %mul3A_245 = arith.muli %scan3A_114, %mul3A_244 : i32
        %add3A_246 = arith.constant 14 : i32
        %add3A_247 = arith.addi %mul3A_245, %add3A_246 : i32
        %mul3A_248 = arith.constant 16 : i32
        %mul3A_249 = arith.muli %add3A_247, %mul3A_248 : i32
        %get3A_250 = arith.index_cast %mul3A_249 : i32 to index
        %get3A_251 = tpu.vector_load %arg5[%get3A_250] {strides = array<i32>} : memref<8192xi32, #tpu.memory_space<vmem>>, vector<16xi32>,
        %add3A_252 = arith.addi %add3A_243, %get3A_251 : vector<16xi32>
        %mul3A_253 = arith.constant 16 : i32
        %mul3A_254 = arith.muli %scan3A_114, %mul3A_253 : i32
        %add3A_255 = arith.constant 15 : i32
        %add3A_256 = arith.addi %mul3A_254, %add3A_255 : i32
        %mul3A_257 = arith.constant 16 : i32
        %mul3A_258 = arith.muli %add3A_256, %mul3A_257 : i32
        %get3A_259 = arith.index_cast %mul3A_258 : i32 to index
        %get3A_260 = tpu.vector_load %arg5[%get3A_259] {strides = array<i32>} : memref<8192xi32, #tpu.memory_space<vmem>>, vector<16xi32>,
        %add3A_261 = arith.addi %add3A_252, %get3A_260 : vector<16xi32>
        %reduce_sum3A = arith.constant true
        %reduce_sum3A_262 = vector.broadcast %reduce_sum3A : i1 to vector<16xi1>
        %reduce_sum3A_263 = tpu.scan <sum>, %add3A_261 masked %reduce_sum3A_262 : vector<16xi32>, vector<16xi1> -> vector<16xi32>
        %reduce_sum3A_264 = vector.extract %reduce_sum3A_263[15] : i32 from vector<16xi32>
        %lt3A_265 = arith.constant 0 : i32
        %lt3A_266 = arith.cmpi slt, %scan3A_116, %lt3A_265 : i32
        %add3A_267 = arith.addi %scan3A_115, %reduce_sum3A_264 : i32
        %ge3A_268 = arith.cmpi sge, %add3A_267, %scan3A : i32
        %and3A = arith.andi %lt3A_266, %ge3A_268 : i1
        %add3A_269 = arith.addi %scan3A_115, %reduce_sum3A_264 : i32
        %select_n3A = arith.select %and3A, %scan3A_114, %scan3A_116 : i32
        %select_n3A_270 = arith.select %and3A, %scan3A_115, %scan3A_117 : i32
        scf.yield %add3A_269, %select_n3A, %select_n3A_270 : i32, i32, i32
      }
      %scan3A_77 = arith.constant 32 : i32
      %scan3A_78 = arith.constant -1 : i32
      %scan3A_79 = arith.constant 0 : i32
      %scan3A_80 = arith.constant 0 : i32
      %scan3A_81 = arith.constant 16 : i32
      %scan3A_82 = arith.addi %scan3A_80, %scan3A_81 : i32
      %scan3A_83 = arith.constant 1 : i32
      %scan3A_84:3 = scf.for %scan3A_114 = %scan3A_80 to %scan3A_82 step %scan3A_83 iter_args(%scan3A_115 = %scan3A_76#2, %scan3A_116 = %scan3A_78, %scan3A_117 = %scan3A_79) -> (i32, i32, i32)  : i32 {
        %mul3A_118 = arith.constant 16 : i32
        %mul3A_119 = arith.muli %scan3A_76#1, %mul3A_118 : i32
        %add3A_120 = arith.addi %mul3A_119, %scan3A_114 : i32
        %mul3A_121 = arith.constant 16 : i32
        %mul3A_122 = arith.muli %add3A_120, %mul3A_121 : i32
        %get3A_123 = arith.index_cast %mul3A_122 : i32 to index
        %get3A_124 = tpu.vector_load %arg5[%get3A_123] {strides = array<i32>} : memref<8192xi32, #tpu.memory_space<vmem>>, vector<16xi32>,
        %reduce_sum3A = arith.constant true
        %reduce_sum3A_125 = vector.broadcast %reduce_sum3A : i1 to vector<16xi1>
        %reduce_sum3A_126 = tpu.scan <sum>, %get3A_124 masked %reduce_sum3A_125 : vector<16xi32>, vector<16xi1> -> vector<16xi32>
        %reduce_sum3A_127 = vector.extract %reduce_sum3A_126[15] : i32 from vector<16xi32>
        %lt3A_128 = arith.constant 0 : i32
        %lt3A_129 = arith.cmpi slt, %scan3A_116, %lt3A_128 : i32
        %add3A_130 = arith.addi %scan3A_115, %reduce_sum3A_127 : i32
        %ge3A_131 = arith.cmpi sge, %add3A_130, %scan3A : i32
        %and3A = arith.andi %lt3A_129, %ge3A_131 : i1
        %add3A_132 = arith.addi %scan3A_115, %reduce_sum3A_127 : i32
        %select_n3A = arith.select %and3A, %scan3A_114, %scan3A_116 : i32
        %select_n3A_133 = arith.select %and3A, %scan3A_115, %scan3A_117 : i32
        scf.yield %add3A_132, %select_n3A, %select_n3A_133 : i32, i32, i32
      }
      %scan3A_85 = arith.constant 16 : i32
      %mul3A_86 = arith.constant 16 : i32
      %mul3A_87 = arith.muli %scan3A_76#1, %mul3A_86 : i32
      %add3A_88 = arith.addi %mul3A_87, %scan3A_84#1 : i32
      %mul3A_89 = arith.constant 16 : i32
      %mul3A_90 = arith.muli %add3A_88, %mul3A_89 : i32
      %get3A = arith.index_cast %mul3A_90 : i32 to index
      %get3A_91 = tpu.vector_load %arg5[%get3A] {strides = array<i32>} : memref<8192xi32, #tpu.memory_space<vmem>>, vector<16xi32>,
      %broadcast_in_dim3A_92 = arith.constant true
      %broadcast_in_dim3A_93 = vector.broadcast %broadcast_in_dim3A_92 : i1 to vector<16xi1>
      %masked_cumsum3A = tpu.scan <sum>, %get3A_91 masked %broadcast_in_dim3A_93 : vector<16xi32>, vector<16xi1> -> vector<16xi32>
      %add3A_94 = vector.broadcast %scan3A_84#2 : i32 to vector<16xi32>
      %add3A_95 = arith.addi %add3A_94, %masked_cumsum3A : vector<16xi32>
      %ge3A = vector.broadcast %scan3A : i32 to vector<16xi32>
      %ge3A_96 = arith.cmpi sge, %add3A_95, %ge3A : vector<16xi32>
      %all_reduce_ffs3A = tpu.all_reduce %ge3A_96 {dim = 0 : i64, kind = #tpu.reduction_kind<find_first_set>} : vector<16xi1> -> vector<16xi32>
      %mul3A_97 = arith.constant 256 : i32
      %mul3A_98 = arith.muli %scan3A_76#1, %mul3A_97 : i32
      %mul3A_99 = arith.constant 16 : i32
      %mul3A_100 = arith.muli %scan3A_84#1, %mul3A_99 : i32
      %add3A_101 = arith.addi %mul3A_98, %mul3A_100 : i32
      %add3A_102 = vector.broadcast %add3A_101 : i32 to vector<16xi32>
      %add3A_103 = arith.addi %add3A_102, %all_reduce_ffs3A : vector<16xi32>
      %add3A_104 = arith.constant 1 : i32
      %add3A_105 = vector.broadcast %add3A_104 : i32 to vector<16xi32>
      %add3A_106 = arith.addi %add3A_103, %add3A_105 : vector<16xi32>
      %shift_left3A = arith.constant 11 : i32
      %shift_left3A_107 = vector.broadcast %shift_left3A : i32 to vector<16xi32>
      %shift_left3A_108 = arith.shli %add3A_106, %shift_left3A_107 : vector<16xi32>
      %parallel_loop3A_109 = arith.constant 0 : i32
      %parallel_loop3A_110 = arith.constant 512 : i32
      %parallel_loop3A_111 = arith.constant 1 : i32
      scf.for %parallel_loop3A_114 = %parallel_loop3A_109 to %parallel_loop3A_110 step %parallel_loop3A_111  : i32 {
        %parallel_loop3A_115 = arith.constant 16 : i32
        %parallel_loop3A_116 = arith.muli %parallel_loop3A_114, %parallel_loop3A_115 : i32
        %parallel_loop3A_117 = arith.index_cast %parallel_loop3A_116 : i32 to index
        %parallel_loop3A_118 = tpu.vector_load %arg5[%parallel_loop3A_117] {strides = array<i32>} : memref<8192xi32, #tpu.memory_space<vmem>>, vector<16xi32>,
        tpu.vector_store %arg5[%parallel_loop3A_117], %broadcast_in_dim3A_3 {strides = array<i32>} : memref<8192xi32, #tpu.memory_space<vmem>>, vector<16xi32>,
      } {sc.loop_unroll_factor = 16 : i64, sc.parallel_access}
      %swap3A = arith.constant 0 : index
      %swap3A_112 = tpu.vector_load %arg6[%swap3A] {strides = array<i32>} : memref<16xi32, #tpu.memory_space<vmem>>, vector<16xi32>,
      tpu.vector_store %arg6[%swap3A], %shift_left3A_108 {strides = array<i32>} : memref<16xi32, #tpu.memory_space<vmem>>, vector<16xi32>,
      "tpu.region"() ({
        %run_scoped3A = tpu.sem_alloc : memref<!tpu.dma_semaphore, #tpu.memory_space<semaphore_mem>>
        %dma_start3A_114 = arith.constant 0 : i32
        %dma_start3A_115 = tpu.memref_slice %arg3[%add3A_36, %dma_start3A_114] : memref<256x16xi32, #tpu.memory_space<hbm>> -> memref<1x16xi32, #tpu.memory_space<hbm>>
        %dma_start3A_116 = tpu.memref_squeeze %dma_start3A_115 : memref<1x16xi32, #tpu.memory_space<hbm>> -> memref<16xi32, #tpu.memory_space<hbm>>
        %dma_start3A_117 = arith.constant 0 : i32
        %dma_start3A_118 = tpu.memref_slice %arg3[%add3A_36, %dma_start3A_117] : memref<256x16xi32, #tpu.memory_space<hbm>> -> memref<1x16xi32, #tpu.memory_space<hbm>>
        %dma_start3A_119 = tpu.memref_squeeze %dma_start3A_118 : memref<1x16xi32, #tpu.memory_space<hbm>> -> memref<16xi32, #tpu.memory_space<hbm>>
        tpu.enqueue_dma source(%arg6 : memref<16xi32, #tpu.memory_space<vmem>>) target(%dma_start3A_119 : memref<16xi32, #tpu.memory_space<hbm>>) target_semaphore(%run_scoped3A : memref<!tpu.dma_semaphore, #tpu.memory_space<semaphore_mem>>)
        %dma_wait3A_120 = arith.constant 0 : i32
        %dma_wait3A_121 = tpu.memref_slice %arg3[%add3A_36, %dma_wait3A_120] : memref<256x16xi32, #tpu.memory_space<hbm>> -> memref<1x16xi32, #tpu.memory_space<hbm>>
        %dma_wait3A_122 = tpu.memref_squeeze %dma_wait3A_121 : memref<1x16xi32, #tpu.memory_space<hbm>> -> memref<16xi32, #tpu.memory_space<hbm>>
        %dma_wait3A_123 = arith.constant 0 : i32
        %dma_wait3A_124 = tpu.memref_slice %arg3[%add3A_36, %dma_wait3A_123] : memref<256x16xi32, #tpu.memory_space<hbm>> -> memref<1x16xi32, #tpu.memory_space<hbm>>
        %dma_wait3A_125 = tpu.memref_squeeze %dma_wait3A_124 : memref<1x16xi32, #tpu.memory_space<hbm>> -> memref<16xi32, #tpu.memory_space<hbm>>
        tpu.wait_dma2 semaphore(%run_scoped3A : memref<!tpu.dma_semaphore, #tpu.memory_space<semaphore_mem>>) src(%arg6 : memref<16xi32, #tpu.memory_space<vmem>>) dst(%dma_wait3A_125 : memref<16xi32, #tpu.memory_space<hbm>>)
        tpu.yield
      }) : () -> ()
      %scan3A_113 = arith.constant 0 : i32
      scf.yield %scan3A_113 : i32
    }
    %scan3A_33 = arith.constant 8 : i32
    return
  }
}

module attributes {stable_mosaic.version = 14 : i64} {
  func.func @_tc_body(%arg0: i32, %arg1: memref<256x32xf32, #tpu.memory_space<vmem>>, %arg2: memref<32x3584xf32, #tpu.memory_space<vmem>>, %arg3: memref<1x3584xi32, #tpu.memory_space<vmem>>, %arg4: memref<256x3584xi32, #tpu.memory_space<vmem>>, %arg5: memref<256x128xf32, #tpu.memory_space<vmem>>, %arg6: memref<256x128xf32, #tpu.memory_space<vmem>>) attributes {dimension_semantics = [#tpu.dimension_semantics<arbitrary>], iteration_bounds = array<i64: 56>, scalar_prefetch = 0 : i64, scratch_operands = 0 : i64, tpu.core_type = #tpu.core_type<tc>, window_params = [{pipeline_mode = #tpu.pipeline_mode<synchronous>, transform_indices = @transform_0, window_bounds = array<i64: 256, 32>}, {transform_indices = @transform_1, window_bounds = array<i64: 32, 3584>}, {transform_indices = @transform_2, window_bounds = array<i64: 1, 3584>}, {transform_indices = @transform_3, window_bounds = array<i64: 256, 3584>}, {pipeline_mode = #tpu.pipeline_mode<synchronous>, transform_indices = @transform_4, window_bounds = array<i64: 256, 128>}, {pipeline_mode = #tpu.pipeline_mode<synchronous>, transform_indices = @transform_5, window_bounds = array<i64: 256, 128>}]} {
    %get3A = arith.constant 0 : index
    %get3A_0 = arith.constant 0 : index
    %get3A_1 = vector.load %arg1[%get3A, %get3A_0] : memref<256x32xf32, #tpu.memory_space<vmem>>, vector<256x32xf32>
    %mul3A = arith.constant -2.000000e+00 : f32
    %mul3A_2 = vector.broadcast %mul3A : f32 to vector<256x32xf32>
    %mul3A_3 = arith.mulf %get3A_1, %mul3A_2 : vector<256x32xf32>
    %get3A_4 = arith.constant 0 : index
    %get3A_5 = arith.constant 0 : index
    %get3A_6 = vector.load %arg2[%get3A_4, %get3A_5] : memref<32x3584xf32, #tpu.memory_space<vmem>>, vector<32x3584xf32>
    %mul3A_7 = arith.mulf %get3A_6, %get3A_6 : vector<32x3584xf32>
    %reduce_sum3A = arith.constant dense<0.000000e+00> : vector<3584xf32>
    %reduce_sum3A_8 = vector.multi_reduction <add>, %mul3A_7, %reduce_sum3A [0] : vector<32x3584xf32> to vector<3584xf32>
    %broadcast_in_dim3A = vector.shape_cast %reduce_sum3A_8 : vector<3584xf32> to vector<1x3584xf32>
    %dot_general3A = arith.constant dense<0.000000e+00> : vector<256x3584xf32>
    %dot_general3A_9 = tpu.matmul %mul3A_3, %get3A_6, %dot_general3A {dimension_numbers = #tpu.dot_dimension_numbers<[1], [0], [0], [1], [0, 0, 1, 1], [], []>, transpose_lhs_hint = false} : vector<256x32xf32>, vector<32x3584xf32>, vector<256x3584xf32> -> vector<256x3584xf32>
    %add3A = vector.broadcast %broadcast_in_dim3A : vector<1x3584xf32> to vector<256x3584xf32>
    %add3A_10 = arith.addf %dot_general3A_9, %add3A : vector<256x3584xf32>
    %iota3A = tpu.iota {dimensions = array<i32: 1>} : vector<1x3584xi32>
    %lt3A = arith.constant 3232 : i32
    %lt3A_11 = vector.broadcast %lt3A : i32 to vector<1x3584xi32>
    %lt3A_12 = arith.cmpi slt, %iota3A, %lt3A_11 : vector<1x3584xi32>
    %eq3A = arith.constant 0 : i32
    %eq3A_13 = arith.cmpi eq, %arg0, %eq3A : i32
    %convert_element_type3A = arith.extui %eq3A_13 : i1 to i32
    %cond3A = arith.constant 0 : i32
    %cond3A_14 = arith.cmpi ne, %convert_element_type3A, %cond3A : i32
    scf.if %cond3A_14 {
      %broadcast_in_dim3A_29 = arith.constant 1.000000e+30 : f32
      %broadcast_in_dim3A_30 = vector.broadcast %broadcast_in_dim3A_29 : f32 to vector<256x128xf32>
      %swap3A = arith.constant 0 : index
      %swap3A_31 = arith.constant 0 : index
      %swap3A_32 = vector.load %arg5[%swap3A, %swap3A_31] : memref<256x128xf32, #tpu.memory_space<vmem>>, vector<256x128xf32>
      tpu.vector_store %arg5[%swap3A, %swap3A_31], %broadcast_in_dim3A_30 {strides = array<i32>} : memref<256x128xf32, #tpu.memory_space<vmem>>, vector<256x128xf32>,
      %broadcast_in_dim3A_33 = arith.constant -1.000000e+30 : f32
      %broadcast_in_dim3A_34 = vector.broadcast %broadcast_in_dim3A_33 : f32 to vector<256x128xf32>
      %swap3A_35 = arith.constant 0 : index
      %swap3A_36 = arith.constant 0 : index
      %swap3A_37 = vector.load %arg6[%swap3A_35, %swap3A_36] : memref<256x128xf32, #tpu.memory_space<vmem>>, vector<256x128xf32>
      tpu.vector_store %arg6[%swap3A_35, %swap3A_36], %broadcast_in_dim3A_34 {strides = array<i32>} : memref<256x128xf32, #tpu.memory_space<vmem>>, vector<256x128xf32>,
    } else {
    }
    %lt3A_15 = arith.constant 27 : i32
    %lt3A_16 = arith.cmpi slt, %arg0, %lt3A_15 : i32
    %convert_element_type3A_17 = arith.extui %lt3A_16 : i1 to i32
    %cond3A_18 = arith.constant 0 : i32
    %cond3A_19 = arith.cmpi ne, %convert_element_type3A_17, %cond3A_18 : i32
    scf.if %cond3A_19 {
      %reduce_min3A = arith.constant dense<0x7F800000> : vector<256xf32>
      %reduce_min3A_29 = vector.multi_reduction <minimumf>, %add3A_10, %reduce_min3A [1] : vector<256x3584xf32> to vector<256xf32>
      %broadcast_in_dim3A_30 = vector.shape_cast %reduce_min3A_29 : vector<256xf32> to vector<256x1xf32>
      %reduce_max3A = arith.constant dense<0xFF800000> : vector<256xf32>
      %reduce_max3A_31 = vector.multi_reduction <maximumf>, %add3A_10, %reduce_max3A [1] : vector<256x3584xf32> to vector<256xf32>
      %broadcast_in_dim3A_32 = vector.shape_cast %reduce_max3A_31 : vector<256xf32> to vector<256x1xf32>
      %get3A_33 = arith.constant 0 : index
      %get3A_34 = arith.constant 0 : index
      %get3A_35 = vector.load %arg5[%get3A_33, %get3A_34] : memref<256x128xf32, #tpu.memory_space<vmem>>, vector<256x128xf32>
      %broadcast_in_dim3A_36 = vector.shape_cast %broadcast_in_dim3A_30 : vector<256x1xf32> to vector<256x1xf32>
      %broadcast_in_dim3A_37 = vector.broadcast %broadcast_in_dim3A_36 : vector<256x1xf32> to vector<256x128xf32>
      %min3A = arith.minimumf %get3A_35, %broadcast_in_dim3A_37 : vector<256x128xf32>
      %swap3A = arith.constant 0 : index
      %swap3A_38 = arith.constant 0 : index
      %swap3A_39 = vector.load %arg5[%swap3A, %swap3A_38] : memref<256x128xf32, #tpu.memory_space<vmem>>, vector<256x128xf32>
      tpu.vector_store %arg5[%swap3A, %swap3A_38], %min3A {strides = array<i32>} : memref<256x128xf32, #tpu.memory_space<vmem>>, vector<256x128xf32>,
      %get3A_40 = arith.constant 0 : index
      %get3A_41 = arith.constant 0 : index
      %get3A_42 = vector.load %arg6[%get3A_40, %get3A_41] : memref<256x128xf32, #tpu.memory_space<vmem>>, vector<256x128xf32>
      %broadcast_in_dim3A_43 = vector.shape_cast %broadcast_in_dim3A_32 : vector<256x1xf32> to vector<256x1xf32>
      %broadcast_in_dim3A_44 = vector.broadcast %broadcast_in_dim3A_43 : vector<256x1xf32> to vector<256x128xf32>
      %max3A = arith.maximumf %get3A_42, %broadcast_in_dim3A_44 : vector<256x128xf32>
      %swap3A_45 = arith.constant 0 : index
      %swap3A_46 = arith.constant 0 : index
      %swap3A_47 = vector.load %arg6[%swap3A_45, %swap3A_46] : memref<256x128xf32, #tpu.memory_space<vmem>>, vector<256x128xf32>
      tpu.vector_store %arg6[%swap3A_45, %swap3A_46], %max3A {strides = array<i32>} : memref<256x128xf32, #tpu.memory_space<vmem>>, vector<256x128xf32>,
    } else {
    }
    %eq3A_20 = arith.constant 27 : i32
    %eq3A_21 = arith.cmpi eq, %arg0, %eq3A_20 : i32
    %convert_element_type3A_22 = arith.extui %eq3A_21 : i1 to i32
    %cond3A_23 = arith.constant 0 : i32
    %cond3A_24 = arith.cmpi ne, %convert_element_type3A_22, %cond3A_23 : i32
    scf.if %cond3A_24 {
      %jit3A = arith.constant 1.000000e+30 : f32
      %broadcast_in_dim3A_29 = vector.shape_cast %lt3A_12 : vector<1x3584xi1> to vector<1x3584xi1>
      %broadcast_in_dim3A_30 = vector.broadcast %broadcast_in_dim3A_29 : vector<1x3584xi1> to vector<256x3584xi1>
      %broadcast_in_dim3A_31 = vector.broadcast %jit3A : f32 to vector<256x3584xf32>
      %select_n3A = arith.select %broadcast_in_dim3A_30, %add3A_10, %broadcast_in_dim3A_31 : vector<256x3584xi1>, vector<256x3584xf32>
      %reduce_min3A = arith.constant dense<0x7F800000> : vector<256xf32>
      %reduce_min3A_32 = vector.multi_reduction <minimumf>, %select_n3A, %reduce_min3A [1] : vector<256x3584xf32> to vector<256xf32>
      %broadcast_in_dim3A_33 = vector.shape_cast %reduce_min3A_32 : vector<256xf32> to vector<256x1xf32>
      %jit3A_34 = arith.constant -1.000000e+30 : f32
      %broadcast_in_dim3A_35 = vector.shape_cast %lt3A_12 : vector<1x3584xi1> to vector<1x3584xi1>
      %broadcast_in_dim3A_36 = vector.broadcast %broadcast_in_dim3A_35 : vector<1x3584xi1> to vector<256x3584xi1>
      %broadcast_in_dim3A_37 = vector.broadcast %jit3A_34 : f32 to vector<256x3584xf32>
      %select_n3A_38 = arith.select %broadcast_in_dim3A_36, %add3A_10, %broadcast_in_dim3A_37 : vector<256x3584xi1>, vector<256x3584xf32>
      %reduce_max3A = arith.constant dense<0xFF800000> : vector<256xf32>
      %reduce_max3A_39 = vector.multi_reduction <maximumf>, %select_n3A_38, %reduce_max3A [1] : vector<256x3584xf32> to vector<256xf32>
      %broadcast_in_dim3A_40 = vector.shape_cast %reduce_max3A_39 : vector<256xf32> to vector<256x1xf32>
      %get3A_41 = arith.constant 0 : index
      %get3A_42 = arith.constant 0 : index
      %get3A_43 = vector.load %arg5[%get3A_41, %get3A_42] : memref<256x128xf32, #tpu.memory_space<vmem>>, vector<256x128xf32>
      %broadcast_in_dim3A_44 = vector.shape_cast %broadcast_in_dim3A_33 : vector<256x1xf32> to vector<256x1xf32>
      %broadcast_in_dim3A_45 = vector.broadcast %broadcast_in_dim3A_44 : vector<256x1xf32> to vector<256x128xf32>
      %min3A = arith.minimumf %get3A_43, %broadcast_in_dim3A_45 : vector<256x128xf32>
      %swap3A = arith.constant 0 : index
      %swap3A_46 = arith.constant 0 : index
      %swap3A_47 = vector.load %arg5[%swap3A, %swap3A_46] : memref<256x128xf32, #tpu.memory_space<vmem>>, vector<256x128xf32>
      tpu.vector_store %arg5[%swap3A, %swap3A_46], %min3A {strides = array<i32>} : memref<256x128xf32, #tpu.memory_space<vmem>>, vector<256x128xf32>,
      %get3A_48 = arith.constant 0 : index
      %get3A_49 = arith.constant 0 : index
      %get3A_50 = vector.load %arg6[%get3A_48, %get3A_49] : memref<256x128xf32, #tpu.memory_space<vmem>>, vector<256x128xf32>
      %broadcast_in_dim3A_51 = vector.shape_cast %broadcast_in_dim3A_40 : vector<256x1xf32> to vector<256x1xf32>
      %broadcast_in_dim3A_52 = vector.broadcast %broadcast_in_dim3A_51 : vector<256x1xf32> to vector<256x128xf32>
      %max3A = arith.maximumf %get3A_50, %broadcast_in_dim3A_52 : vector<256x128xf32>
      %swap3A_53 = arith.constant 0 : index
      %swap3A_54 = arith.constant 0 : index
      %swap3A_55 = vector.load %arg6[%swap3A_53, %swap3A_54] : memref<256x128xf32, #tpu.memory_space<vmem>>, vector<256x128xf32>
      tpu.vector_store %arg6[%swap3A_53, %swap3A_54], %max3A {strides = array<i32>} : memref<256x128xf32, #tpu.memory_space<vmem>>, vector<256x128xf32>,
    } else {
    }
    %ge3A = arith.constant 28 : i32
    %ge3A_25 = arith.cmpi sge, %arg0, %ge3A : i32
    %convert_element_type3A_26 = arith.extui %ge3A_25 : i1 to i32
    %cond3A_27 = arith.constant 0 : i32
    %cond3A_28 = arith.cmpi ne, %convert_element_type3A_26, %cond3A_27 : i32
    scf.if %cond3A_28 {
      %get3A_29 = arith.constant 0 : index
      %get3A_30 = arith.constant 0 : index
      %get3A_31 = vector.load %arg5[%get3A_29, %get3A_30] : memref<256x128xf32, #tpu.memory_space<vmem>>, vector<256x1xf32>
      %get3A_32 = arith.constant 0 : index
      %get3A_33 = arith.constant 0 : index
      %get3A_34 = vector.load %arg6[%get3A_32, %get3A_33] : memref<256x128xf32, #tpu.memory_space<vmem>>, vector<256x1xf32>
      %sub3A = arith.subf %get3A_34, %get3A_31 : vector<256x1xf32>
      %max3A = arith.constant 9.99999968E-21 : f32
      %max3A_35 = vector.broadcast %max3A : f32 to vector<256x1xf32>
      %max3A_36 = arith.maximumf %sub3A, %max3A_35 : vector<256x1xf32>
      %div3A = arith.constant 0x497FFFF0 : f32
      %div3A_37 = vector.broadcast %div3A : f32 to vector<256x1xf32>
      %div3A_38 = arith.divf %div3A_37, %max3A_36 : vector<256x1xf32>
      %neg3A = arith.constant 0.000000e+00 : f32
      %neg3A_39 = vector.broadcast %neg3A : f32 to vector<256x1xf32>
      %neg3A_40 = arith.subf %neg3A_39, %get3A_31 : vector<256x1xf32>
      %mul3A_41 = arith.mulf %neg3A_40, %div3A_38 : vector<256x1xf32>
      %mul3A_42 = vector.broadcast %div3A_38 : vector<256x1xf32> to vector<256x3584xf32>
      %mul3A_43 = arith.mulf %add3A_10, %mul3A_42 : vector<256x3584xf32>
      %add3A_44 = vector.broadcast %mul3A_41 : vector<256x1xf32> to vector<256x3584xf32>
      %add3A_45 = arith.addf %mul3A_43, %add3A_44 : vector<256x3584xf32>
      %min3A = arith.constant 0x497FFFF0 : f32
      %min3A_46 = vector.broadcast %min3A : f32 to vector<256x3584xf32>
      %min3A_47 = arith.minimumf %add3A_45, %min3A_46 : vector<256x3584xf32>
      %convert_element_type3A_48 = arith.fptosi %min3A_47 : vector<256x3584xf32> to vector<256x3584xi32>
      %mul3A_49 = arith.constant 16 : i32
      %mul3A_50 = vector.broadcast %mul3A_49 : i32 to vector<256x3584xi32>
      %mul3A_51 = arith.muli %convert_element_type3A_48, %mul3A_50 : vector<256x3584xi32>
      %get3A_52 = arith.constant 0 : index
      %get3A_53 = arith.constant 0 : index
      %get3A_54 = vector.load %arg3[%get3A_52, %get3A_53] : memref<1x3584xi32, #tpu.memory_space<vmem>>, vector<1x3584xi32>
      %broadcast_in_dim3A_55 = vector.shape_cast %get3A_54 : vector<1x3584xi32> to vector<1x3584xi32>
      %broadcast_in_dim3A_56 = vector.broadcast %broadcast_in_dim3A_55 : vector<1x3584xi32> to vector<256x3584xi32>
      %add3A_57 = arith.addi %mul3A_51, %broadcast_in_dim3A_56 : vector<256x3584xi32>
      %lt3A_58 = arith.constant 55 : i32
      %lt3A_59 = arith.cmpi slt, %arg0, %lt3A_58 : i32
      %convert_element_type3A_60 = arith.extui %lt3A_59 : i1 to i32
      %cond3A_61 = arith.constant 0 : i32
      %cond3A_62 = arith.cmpi ne, %convert_element_type3A_60, %cond3A_61 : i32
      scf.if %cond3A_62 {
        %swap3A = arith.constant 0 : index
        %swap3A_68 = arith.constant 0 : index
        %swap3A_69 = vector.load %arg4[%swap3A, %swap3A_68] : memref<256x3584xi32, #tpu.memory_space<vmem>>, vector<256x3584xi32>
        tpu.vector_store %arg4[%swap3A, %swap3A_68], %add3A_57 {strides = array<i32>} : memref<256x3584xi32, #tpu.memory_space<vmem>>, vector<256x3584xi32>,
      } else {
      }
      %eq3A_63 = arith.constant 55 : i32
      %eq3A_64 = arith.cmpi eq, %arg0, %eq3A_63 : i32
      %convert_element_type3A_65 = arith.extui %eq3A_64 : i1 to i32
      %cond3A_66 = arith.constant 0 : i32
      %cond3A_67 = arith.cmpi ne, %convert_element_type3A_65, %cond3A_66 : i32
      scf.if %cond3A_67 {
        %jit3A = arith.constant 16777215 : i32
        %broadcast_in_dim3A_68 = vector.shape_cast %lt3A_12 : vector<1x3584xi1> to vector<1x3584xi1>
        %broadcast_in_dim3A_69 = vector.broadcast %broadcast_in_dim3A_68 : vector<1x3584xi1> to vector<256x3584xi1>
        %broadcast_in_dim3A_70 = vector.broadcast %jit3A : i32 to vector<256x3584xi32>
        %select_n3A = arith.select %broadcast_in_dim3A_69, %add3A_57, %broadcast_in_dim3A_70 : vector<256x3584xi1>, vector<256x3584xi32>
        %swap3A = arith.constant 0 : index
        %swap3A_71 = arith.constant 0 : index
        %swap3A_72 = vector.load %arg4[%swap3A, %swap3A_71] : memref<256x3584xi32, #tpu.memory_space<vmem>>, vector<256x3584xi32>
        tpu.vector_store %arg4[%swap3A, %swap3A_71], %select_n3A {strides = array<i32>} : memref<256x3584xi32, #tpu.memory_space<vmem>>, vector<256x3584xi32>,
      } else {
      }
    } else {
    }
    return
  }
  func.func @transform_0(%arg0: i32) -> (i32, i32) {
    %c0_i32 = arith.constant 0 : i32
    %c0_i32_0 = arith.constant 0 : i32
    %c0_i32_1 = arith.constant 0 : i32
    return %c0_i32, %c0_i32_0 : i32, i32
  }
  func.func @transform_1(%arg0: i32) -> (i32, i32) {
    %ge3A = arith.constant 28 : i32
    %ge3A_0 = arith.cmpi sge, %arg0, %ge3A : i32
    %sub3A = arith.constant 28 : i32
    %sub3A_1 = arith.subi %arg0, %sub3A : i32
    %select_n3A = arith.select %ge3A_0, %sub3A_1, %arg0 : i32
    %c0_i32 = arith.constant 0 : i32
    %c0_i32_2 = arith.constant 0 : i32
    return %c0_i32, %select_n3A : i32, i32
  }
  func.func @transform_2(%arg0: i32) -> (i32, i32) {
    %ge3A = arith.constant 28 : i32
    %ge3A_0 = arith.cmpi sge, %arg0, %ge3A : i32
    %sub3A = arith.constant 28 : i32
    %sub3A_1 = arith.subi %arg0, %sub3A : i32
    %select_n3A = arith.select %ge3A_0, %sub3A_1, %arg0 : i32
    %c0_i32 = arith.constant 0 : i32
    %c0_i32_2 = arith.constant 0 : i32
    return %c0_i32, %select_n3A : i32, i32
  }
  func.func @transform_3(%arg0: i32) -> (i32, i32) {
    %sub3A = arith.constant 28 : i32
    %sub3A_0 = arith.subi %arg0, %sub3A : i32
    %max3A = arith.constant 0 : i32
    %max3A_1 = arith.maxsi %sub3A_0, %max3A : i32
    %c0_i32 = arith.constant 0 : i32
    %c0_i32_2 = arith.constant 0 : i32
    return %c0_i32, %max3A_1 : i32, i32
  }
  func.func @transform_4(%arg0: i32) -> (i32, i32) {
    %c0_i32 = arith.constant 0 : i32
    %c0_i32_0 = arith.constant 0 : i32
    %c0_i32_1 = arith.constant 0 : i32
    return %c0_i32, %c0_i32_0 : i32, i32
  }
  func.func @transform_5(%arg0: i32) -> (i32, i32) {
    %c0_i32 = arith.constant 0 : i32
    %c0_i32_0 = arith.constant 0 : i32
    %c0_i32_1 = arith.constant 0 : i32
    return %c0_i32, %c0_i32_0 : i32, i32
  }
}

module attributes {stable_mosaic.version = 14 : i64} {
  func.func @_tc_c_body(%arg0: i32, %arg1: memref<256x32xf32, #tpu.memory_space<vmem>>, %arg2: memref<32x3584xf32, #tpu.memory_space<vmem>>, %arg3: memref<1x3584xi32, #tpu.memory_space<vmem>>, %arg4: memref<256x128xf32, #tpu.memory_space<vmem>>, %arg5: memref<256x128xf32, #tpu.memory_space<vmem>>, %arg6: memref<256x16xi32, #tpu.memory_space<vmem>>, %arg7: memref<256x16xf32, #tpu.memory_space<vmem>>) attributes {dimension_semantics = [#tpu.dimension_semantics<arbitrary>], iteration_bounds = array<i64: 28>, scalar_prefetch = 0 : i64, scratch_operands = 0 : i64, tpu.core_type = #tpu.core_type<tc>, window_params = [{pipeline_mode = #tpu.pipeline_mode<synchronous>, transform_indices = @transform_0, window_bounds = array<i64: 256, 32>}, {transform_indices = @transform_1, window_bounds = array<i64: 32, 3584>}, {transform_indices = @transform_2, window_bounds = array<i64: 1, 3584>}, {pipeline_mode = #tpu.pipeline_mode<synchronous>, transform_indices = @transform_3, window_bounds = array<i64: 256, 128>}, {pipeline_mode = #tpu.pipeline_mode<synchronous>, transform_indices = @transform_4, window_bounds = array<i64: 256, 128>}, {pipeline_mode = #tpu.pipeline_mode<synchronous>, transform_indices = @transform_5, window_bounds = array<i64: 256, 16>}, {pipeline_mode = #tpu.pipeline_mode<synchronous>, transform_indices = @transform_6, window_bounds = array<i64: 256, 16>}]} {
    %get3A = arith.constant 0 : index
    %get3A_0 = arith.constant 0 : index
    %get3A_1 = vector.load %arg1[%get3A, %get3A_0] : memref<256x32xf32, #tpu.memory_space<vmem>>, vector<256x32xf32>
    %mul3A = arith.constant -2.000000e+00 : f32
    %mul3A_2 = vector.broadcast %mul3A : f32 to vector<256x32xf32>
    %mul3A_3 = arith.mulf %get3A_1, %mul3A_2 : vector<256x32xf32>
    %get3A_4 = arith.constant 0 : index
    %get3A_5 = arith.constant 0 : index
    %get3A_6 = vector.load %arg2[%get3A_4, %get3A_5] : memref<32x3584xf32, #tpu.memory_space<vmem>>, vector<32x3584xf32>
    %mul3A_7 = arith.mulf %get3A_6, %get3A_6 : vector<32x3584xf32>
    %reduce_sum3A = arith.constant dense<0.000000e+00> : vector<3584xf32>
    %reduce_sum3A_8 = vector.multi_reduction <add>, %mul3A_7, %reduce_sum3A [0] : vector<32x3584xf32> to vector<3584xf32>
    %broadcast_in_dim3A = vector.shape_cast %reduce_sum3A_8 : vector<3584xf32> to vector<1x3584xf32>
    %dot_general3A = arith.constant dense<0.000000e+00> : vector<256x3584xf32>
    %dot_general3A_9 = tpu.matmul %mul3A_3, %get3A_6, %dot_general3A {dimension_numbers = #tpu.dot_dimension_numbers<[1], [0], [0], [1], [0, 0, 1, 1], [], []>, transpose_lhs_hint = false} : vector<256x32xf32>, vector<32x3584xf32>, vector<256x3584xf32> -> vector<256x3584xf32>
    %add3A = vector.broadcast %broadcast_in_dim3A : vector<1x3584xf32> to vector<256x3584xf32>
    %add3A_10 = arith.addf %dot_general3A_9, %add3A : vector<256x3584xf32>
    %get3A_11 = arith.constant 0 : index
    %get3A_12 = arith.constant 0 : index
    %get3A_13 = vector.load %arg4[%get3A_11, %get3A_12] : memref<256x128xf32, #tpu.memory_space<vmem>>, vector<256x1xf32>
    %get3A_14 = arith.constant 0 : index
    %get3A_15 = arith.constant 0 : index
    %get3A_16 = vector.load %arg5[%get3A_14, %get3A_15] : memref<256x128xf32, #tpu.memory_space<vmem>>, vector<256x1xf32>
    %sub3A = arith.subf %get3A_16, %get3A_13 : vector<256x1xf32>
    %max3A = arith.constant 9.99999968E-21 : f32
    %max3A_17 = vector.broadcast %max3A : f32 to vector<256x1xf32>
    %max3A_18 = arith.maximumf %sub3A, %max3A_17 : vector<256x1xf32>
    %div3A = arith.constant 0x497FFFF0 : f32
    %div3A_19 = vector.broadcast %div3A : f32 to vector<256x1xf32>
    %div3A_20 = arith.divf %div3A_19, %max3A_18 : vector<256x1xf32>
    %neg3A = arith.constant 0.000000e+00 : f32
    %neg3A_21 = vector.broadcast %neg3A : f32 to vector<256x1xf32>
    %neg3A_22 = arith.subf %neg3A_21, %get3A_13 : vector<256x1xf32>
    %mul3A_23 = arith.mulf %neg3A_22, %div3A_20 : vector<256x1xf32>
    %mul3A_24 = vector.broadcast %div3A_20 : vector<256x1xf32> to vector<256x3584xf32>
    %mul3A_25 = arith.mulf %add3A_10, %mul3A_24 : vector<256x3584xf32>
    %add3A_26 = vector.broadcast %mul3A_23 : vector<256x1xf32> to vector<256x3584xf32>
    %add3A_27 = arith.addf %mul3A_25, %add3A_26 : vector<256x3584xf32>
    %min3A = arith.constant 0x497FFFF0 : f32
    %min3A_28 = vector.broadcast %min3A : f32 to vector<256x3584xf32>
    %min3A_29 = arith.minimumf %add3A_27, %min3A_28 : vector<256x3584xf32>
    %convert_element_type3A = arith.fptosi %min3A_29 : vector<256x3584xf32> to vector<256x3584xi32>
    %mul3A_30 = arith.constant 16 : i32
    %mul3A_31 = vector.broadcast %mul3A_30 : i32 to vector<256x3584xi32>
    %mul3A_32 = arith.muli %convert_element_type3A, %mul3A_31 : vector<256x3584xi32>
    %get3A_33 = arith.constant 0 : index
    %get3A_34 = arith.constant 0 : index
    %get3A_35 = vector.load %arg3[%get3A_33, %get3A_34] : memref<1x3584xi32, #tpu.memory_space<vmem>>, vector<1x3584xi32>
    %broadcast_in_dim3A_36 = vector.shape_cast %get3A_35 : vector<1x3584xi32> to vector<1x3584xi32>
    %broadcast_in_dim3A_37 = vector.broadcast %broadcast_in_dim3A_36 : vector<1x3584xi32> to vector<256x3584xi32>
    %add3A_38 = arith.addi %mul3A_32, %broadcast_in_dim3A_37 : vector<256x3584xi32>
    %get3A_39 = arith.constant 0 : index
    %get3A_40 = arith.constant 0 : index
    %get3A_41 = vector.load %arg6[%get3A_39, %get3A_40] : memref<256x16xi32, #tpu.memory_space<vmem>>, vector<256x1xi32>
    %lt3A = vector.broadcast %get3A_41 : vector<256x1xi32> to vector<256x3584xi32>
    %lt3A_42 = arith.cmpi slt, %add3A_38, %lt3A : vector<256x3584xi32>
    %iota3A = tpu.iota {dimensions = array<i32: 1>} : vector<1x3584xi32>
    %lt3A_43 = arith.constant 3232 : i32
    %lt3A_44 = vector.broadcast %lt3A_43 : i32 to vector<1x3584xi32>
    %lt3A_45 = arith.cmpi slt, %iota3A, %lt3A_44 : vector<1x3584xi32>
    %get3A_46 = arith.constant 0 : index
    %get3A_47 = arith.constant 0 : index
    %get3A_48 = vector.load %arg3[%get3A_46, %get3A_47] : memref<1x3584xi32, #tpu.memory_space<vmem>>, vector<1x3584xi32>
    %broadcast_in_dim3A_49 = vector.shape_cast %get3A_48 : vector<1x3584xi32> to vector<1x3584xi32>
    %broadcast_in_dim3A_50 = vector.broadcast %broadcast_in_dim3A_49 : vector<1x3584xi32> to vector<16x3584xi32>
    %iota3A_51 = tpu.iota {dimensions = array<i32: 0>} : vector<16x3584xi32>
    %eq3A = arith.cmpi eq, %broadcast_in_dim3A_50, %iota3A_51 : vector<16x3584xi32>
    %convert_element_type3A_52 = arith.extui %eq3A : vector<16x3584xi1> to vector<16x3584xi32>
    %convert_element_type3A_53 = arith.sitofp %convert_element_type3A_52 : vector<16x3584xi32> to vector<16x3584xf32>
    %eq3A_54 = arith.constant 0 : i32
    %eq3A_55 = arith.cmpi eq, %arg0, %eq3A_54 : i32
    %convert_element_type3A_56 = arith.extui %eq3A_55 : i1 to i32
    %cond3A = arith.constant 0 : i32
    %cond3A_57 = arith.cmpi ne, %convert_element_type3A_56, %cond3A : i32
    scf.if %cond3A_57 {
      %convert_element_type3A_69 = arith.extui %lt3A_42 : vector<256x3584xi1> to vector<256x3584xi32>
      %convert_element_type3A_70 = arith.sitofp %convert_element_type3A_69 : vector<256x3584xi32> to vector<256x3584xf32>
      %dot_general3A_71 = arith.constant dense<0.000000e+00> : vector<256x16xf32>
      %dot_general3A_72 = tpu.matmul %convert_element_type3A_70, %convert_element_type3A_53, %dot_general3A_71 {dimension_numbers = #tpu.dot_dimension_numbers<[1], [1], [0], [0], [0, 0, 1, 0], [], []>, transpose_lhs_hint = false} : vector<256x3584xf32>, vector<16x3584xf32>, vector<256x16xf32> -> vector<256x16xf32>
      %swap3A = arith.constant 0 : index
      %swap3A_73 = arith.constant 0 : index
      %swap3A_74 = vector.load %arg7[%swap3A, %swap3A_73] : memref<256x16xf32, #tpu.memory_space<vmem>>, vector<256x16xf32>
      tpu.vector_store %arg7[%swap3A, %swap3A_73], %dot_general3A_72 {strides = array<i32>} : memref<256x16xf32, #tpu.memory_space<vmem>>, vector<256x16xf32>,
    } else {
    }
    %gt3A = arith.constant 0 : i32
    %gt3A_58 = arith.cmpi sgt, %arg0, %gt3A : i32
    %lt3A_59 = arith.constant 27 : i32
    %lt3A_60 = arith.cmpi slt, %arg0, %lt3A_59 : i32
    %and3A = arith.andi %gt3A_58, %lt3A_60 : i1
    %convert_element_type3A_61 = arith.extui %and3A : i1 to i32
    %cond3A_62 = arith.constant 0 : i32
    %cond3A_63 = arith.cmpi ne, %convert_element_type3A_61, %cond3A_62 : i32
    scf.if %cond3A_63 {
      %get3A_69 = arith.constant 0 : index
      %get3A_70 = arith.constant 0 : index
      %get3A_71 = vector.load %arg7[%get3A_69, %get3A_70] : memref<256x16xf32, #tpu.memory_space<vmem>>, vector<256x16xf32>
      %convert_element_type3A_72 = arith.extui %lt3A_42 : vector<256x3584xi1> to vector<256x3584xi32>
      %convert_element_type3A_73 = arith.sitofp %convert_element_type3A_72 : vector<256x3584xi32> to vector<256x3584xf32>
      %dot_general3A_74 = arith.constant dense<0.000000e+00> : vector<256x16xf32>
      %dot_general3A_75 = tpu.matmul %convert_element_type3A_73, %convert_element_type3A_53, %dot_general3A_74 {dimension_numbers = #tpu.dot_dimension_numbers<[1], [1], [0], [0], [0, 0, 1, 0], [], []>, transpose_lhs_hint = false} : vector<256x3584xf32>, vector<16x3584xf32>, vector<256x16xf32> -> vector<256x16xf32>
      %add3A_76 = arith.addf %get3A_71, %dot_general3A_75 : vector<256x16xf32>
      %swap3A = arith.constant 0 : index
      %swap3A_77 = arith.constant 0 : index
      %swap3A_78 = vector.load %arg7[%swap3A, %swap3A_77] : memref<256x16xf32, #tpu.memory_space<vmem>>, vector<256x16xf32>
      tpu.vector_store %arg7[%swap3A, %swap3A_77], %add3A_76 {strides = array<i32>} : memref<256x16xf32, #tpu.memory_space<vmem>>, vector<256x16xf32>,
    } else {
    }
    %eq3A_64 = arith.constant 27 : i32
    %eq3A_65 = arith.cmpi eq, %arg0, %eq3A_64 : i32
    %convert_element_type3A_66 = arith.extui %eq3A_65 : i1 to i32
    %cond3A_67 = arith.constant 0 : i32
    %cond3A_68 = arith.cmpi ne, %convert_element_type3A_66, %cond3A_67 : i32
    scf.if %cond3A_68 {
      %get3A_69 = arith.constant 0 : index
      %get3A_70 = arith.constant 0 : index
      %get3A_71 = vector.load %arg7[%get3A_69, %get3A_70] : memref<256x16xf32, #tpu.memory_space<vmem>>, vector<256x16xf32>
      %and3A_72 = vector.broadcast %lt3A_45 : vector<1x3584xi1> to vector<256x3584xi1>
      %and3A_73 = arith.andi %lt3A_42, %and3A_72 : vector<256x3584xi1>
      %convert_element_type3A_74 = arith.extui %and3A_73 : vector<256x3584xi1> to vector<256x3584xi32>
      %convert_element_type3A_75 = arith.sitofp %convert_element_type3A_74 : vector<256x3584xi32> to vector<256x3584xf32>
      %dot_general3A_76 = arith.constant dense<0.000000e+00> : vector<256x16xf32>
      %dot_general3A_77 = tpu.matmul %convert_element_type3A_75, %convert_element_type3A_53, %dot_general3A_76 {dimension_numbers = #tpu.dot_dimension_numbers<[1], [1], [0], [0], [0, 0, 1, 0], [], []>, transpose_lhs_hint = false} : vector<256x3584xf32>, vector<16x3584xf32>, vector<256x16xf32> -> vector<256x16xf32>
      %add3A_78 = arith.addf %get3A_71, %dot_general3A_77 : vector<256x16xf32>
      %reduce_sum3A_79 = arith.constant dense<0.000000e+00> : vector<256xf32>
      %reduce_sum3A_80 = vector.multi_reduction <add>, %add3A_78, %reduce_sum3A_79 [1] : vector<256x16xf32> to vector<256xf32>
      %broadcast_in_dim3A_81 = vector.shape_cast %reduce_sum3A_80 : vector<256xf32> to vector<256x1xf32>
      %div3A_82 = vector.broadcast %broadcast_in_dim3A_81 : vector<256x1xf32> to vector<256x16xf32>
      %div3A_83 = arith.divf %add3A_78, %div3A_82 : vector<256x16xf32>
      %swap3A = arith.constant 0 : index
      %swap3A_84 = arith.constant 0 : index
      %swap3A_85 = vector.load %arg7[%swap3A, %swap3A_84] : memref<256x16xf32, #tpu.memory_space<vmem>>, vector<256x16xf32>
      tpu.vector_store %arg7[%swap3A, %swap3A_84], %div3A_83 {strides = array<i32>} : memref<256x16xf32, #tpu.memory_space<vmem>>, vector<256x16xf32>,
    } else {
    }
    return
  }
  func.func @transform_0(%arg0: i32) -> (i32, i32) {
    %c0_i32 = arith.constant 0 : i32
    %c0_i32_0 = arith.constant 0 : i32
    %c0_i32_1 = arith.constant 0 : i32
    return %c0_i32, %c0_i32_0 : i32, i32
  }
  func.func @transform_1(%arg0: i32) -> (i32, i32) {
    %c0_i32 = arith.constant 0 : i32
    %c0_i32_0 = arith.constant 0 : i32
    return %c0_i32, %arg0 : i32, i32
  }
  func.func @transform_2(%arg0: i32) -> (i32, i32) {
    %c0_i32 = arith.constant 0 : i32
    %c0_i32_0 = arith.constant 0 : i32
    return %c0_i32, %arg0 : i32, i32
  }
  func.func @transform_3(%arg0: i32) -> (i32, i32) {
    %c0_i32 = arith.constant 0 : i32
    %c0_i32_0 = arith.constant 0 : i32
    %c0_i32_1 = arith.constant 0 : i32
    return %c0_i32, %c0_i32_0 : i32, i32
  }
  func.func @transform_4(%arg0: i32) -> (i32, i32) {
    %c0_i32 = arith.constant 0 : i32
    %c0_i32_0 = arith.constant 0 : i32
    %c0_i32_1 = arith.constant 0 : i32
    return %c0_i32, %c0_i32_0 : i32, i32
  }
  func.func @transform_5(%arg0: i32) -> (i32, i32) {
    %c0_i32 = arith.constant 0 : i32
    %c0_i32_0 = arith.constant 0 : i32
    %c0_i32_1 = arith.constant 0 : i32
    return %c0_i32, %c0_i32_0 : i32, i32
  }
  func.func @transform_6(%arg0: i32) -> (i32, i32) {
    %c0_i32 = arith.constant 0 : i32
    %c0_i32_0 = arith.constant 0 : i32
    %c0_i32_1 = arith.constant 0 : i32
    return %c0_i32, %c0_i32_0 : i32, i32
  }
}

</mosaic_0001>

<sc_bundles>
// kernel: kernel.14.cloned.1.call-start
scs
__scs_entry_jumppad:
0x0: {  	(pc) =	sbr.rel $0x88, $3  }
0x1: {  	(tag) =	ssettag $0x0;
	lr =	simm.s32 $0x1  }
0x2: {  	[smem:$0x3F9E] =	sst lr;
	_ =	strace $0xD0000000  }
0x3: {  	_ = 	snop  }
0x4: {  	_ = 	snop  }
0x5: {  	_ = 	snop  }
0x6: {  	_ = 	snop  }
0x7: {  	_ = 	snop  }
__scs_overlays_trampoline_lowered:
0x8: {  	[smem:$0x3FAD] =	sst s0  }
0x9: {  	[smem:$0x3FAE] =	sst s1  }
0xa: {  	[smem:$0x3FAF] =	sst s2  }
0xb: {  	[smem:$0x3FB0] =	sst s3  }
0xc: {  	[smem:$0x3FB1] =	sst s4  }
0xd: {  	[smem:$0x3FB2] =	sst s5  }
0xe: {  	[smem:$0x3FB3] =	sst s6  }
0xf: {  	[smem:$0x3FB4] =	sst s7  }
0x10: {  	[smem:$0x3FB5] =	sst s8  }
0x11: {  	[smem:$0x3FB6] =	sst s9;
	s0 =	simm.s32 @!p0 $0x0  }
0x12: {  	s1 =	sld [smem:$0x3F9C];
	s0 =	simm.s32 @p0 $0x1  }
0x13: {  	[smem:$0x3FB7] =	sst s0;
	s0 =	simm.s32 @!p1 $0x0  }
0x14: {  	s2 =	sld [smem:$0x3F9B];
	s0 =	simm.s32 @p1 $0x1  }
0x15: {  	[smem:$0x3FB8] =	sst s0;
	s0 =	simm.s32 @!p2 $0x0  }
0x16: {  	s3 =	sld [smem:$0x3FDB];
	s0 =	simm.s32 @p2 $0x1  }
0x17: {  	s4 =	simm.s32 $0x1BF5;
	[smem:$0x3FBA] =	sst s0  }
0x18: {  	s0 =	sld [smem:$0x3F9D];
	_ =	swait.ge [sflag:s4], $0x0  }
0x19: {  	s7 =	sld [smem:$0x3F9E]  }
0x1a: {  	s8 =	sadd.s32 $0xFFFFE003, lr  }
0x1b: {  	s9 =	sadd.s32 $0xFFFFFEF7, lr;
	s5 =	simm.s32 $0xFFFFFFFF;
	p2 =	slt.u32 s8, $0xFFFFF086  }
0x1c: {  	p1 =	slt.u32 s9, $0xF7A;
	s5 =	simm.s32 @!p2 $0x0  }
0x1d: {  	s5 =	simm.s32 @p1 $0x1;
	p0 =	seq.s32 s7, s2  }
0x1e: {  	s7 =	smul.u32 @!p0 $0xF7A, s2;
	p2 =	seq.s32 @!p0 s5, $0x0  }
0x1f: {  	s9 =	smul.u32 $0xF7A, s1;
	s8 =	simm.s32 @!p0 $0x1BF5;
	p2 =	por !p2, p0  }
0x20: {  	[sflag:s8] =	ssyncset.s32 @!p0 $0xFFFFF086;
	s6 =	sadd.s32 @!p0 s3, s7;
	s7 =	simm.s32 @!p0 $0x108  }
0x21: {  	s3 =	sadd.s32 s3, s9;
	s6 =	sadd.s32 @!p0 $0x88, s6;
	s7 =	simm.s32 @p2 $0x1082  }
0x22: {  	[simem:s7], [sflag:s8] =	dma.local @!p0 [hbm:s6], $0xF7A  }
0x23: {  	s9 =	sor.u32 $0xD0000000, s2;
	s6 =	simm.s32 $0x108;
	_ =	swait.ge @!p0 [sflag:s8], $0x0  }
0x24: {  	s3 =	sadd.s32 $0x88, s3;
	s6 =	simm.s32 @!p1 $0x1082;
	[sflag:s4] =	ssyncset.s32 $0xFFFFF086  }
0x25: {  	[simem:s6], [sflag:s4] =	dma.local [hbm:s3], $0xF7A  }
0x26: {  	[smem:$0x3F9E] =	sst s1;
	(tag) =	ssettag s2;
	_ =	strace s9  }
0x27: {  	s1 =	sld [smem:$0x3FAE]  }
0x28: {  	s2 =	sld [smem:$0x3FAF]  }
0x29: {  	s4 =	sld [smem:$0x3FB1]  }
0x2a: {  	p0 =	seq.s32 s5, $0x0;
	s5 =	sld [smem:$0x3FB2]  }
0x2b: {  	s6 =	sld [smem:$0x3FB3]  }
0x2c: {  	s7 =	sld [smem:$0x3FB4]  }
0x2d: {  	s3 =	simm.s32 $0x108;
	s8 =	sld [smem:$0x3FB5]  }
0x2e: {  	s3 =	simm.s32 @!p0 $0x1082;
	s9 =	sld [smem:$0x3FB6]  }
0x2f: {  	lr =	sadd.s32 s0, s3;
	s0 =	sld [smem:$0x3FAD]  }
0x30: {  	s3 =	sld [smem:$0x3FB0]  }
0x31: {  	[smem:$0x3FB9] =	sst s10  }
0x32: {  	s10 =	sld [smem:$0x3FB7];
	_ =	sdelay $0x3  }
0x33: {  	p0 =	seq.s32 s10, $0x1;
	s10 =	sld [smem:$0x3FB9];
	_ =	sdelay $0x3  }
0x34: {  	[smem:$0x3FB9] =	sst s10  }
0x35: {  	s10 =	sld [smem:$0x3FB8];
	_ =	sdelay $0x3  }
0x36: {  	p1 =	seq.s32 s10, $0x1;
	s10 =	sld [smem:$0x3FB9];
	_ =	sdelay $0x3  }
0x37: {  	[smem:$0x3FB9] =	sst s10  }
0x38: {  	s10 =	sld [smem:$0x3FBA]  }
0x39: {  	_ = 	snop;
	(pc) =	sbr.ind lr, $3  }
0x3a: {  	_ = 	snop  }
0x3b: {  	_ = 	snop  }
0x3c: {  	p2 =	seq.s32 s10, $0x1;
	s10 =	sld [smem:$0x3FB9]  }
0x3d: {  	_ =	shalt  }
0x3e: {  	_ =	shalt  }
0x3f: {  	_ =	shalt  }
0x40: {  	_ =	shalt  }
0x41: {  	_ =	shalt  }
0x42: {  	_ =	shalt  }
0x43: {  	_ =	shalt  }
0x44: {  	_ =	shalt  }
0x45: {  	_ =	shalt  }
0x46: {  	_ =	shalt  }
0x47: {  	_ =	shalt  }
0x48: {  	_ =	shalt  }
0x49: {  	_ =	shalt  }
0x4a: {  	_ =	shalt  }
0x4b: {  	_ =	shalt  }
0x4c: {  	_ =	shalt  }
0x4d: {  	_ =	shalt  }
0x4e: {  	_ =	shalt  }
0x4f: {  	_ =	shalt  }
0x50: {  	_ =	shalt  }
0x51: {  	_ =	shalt  }
0x52: {  	_ =	shalt  }
0x53: {  	_ =	shalt  }
0x54: {  	_ =	shalt  }
0x55: {  	_ =	shalt  }
0x56: {  	_ =	shalt  }
0x57: {  	_ =	shalt  }
0x58: {  	_ =	shalt  }
0x59: {  	_ =	shalt  }
0x5a: {  	_ =	shalt  }
0x5b: {  	_ =	shalt  }
0x5c: {  	_ =	shalt  }
0x5d: {  	_ =	shalt  }
0x5e: {  	_ =	shalt  }
0x5f: {  	_ =	shalt  }
0x60: {  	_ =	shalt  }
0x61: {  	_ =	shalt  }
0x62: {  	_ =	shalt  }
0x63: {  	_ =	shalt  }
0x64: {  	_ =	shalt  }
0x65: {  	_ =	shalt  }
0x66: {  	_ =	shalt  }
0x67: {  	_ =	shalt  }
0x68: {  	_ =	shalt  }
0x69: {  	_ =	shalt  }
0x6a: {  	_ =	shalt  }
0x6b: {  	_ =	shalt  }
0x6c: {  	_ =	shalt  }
0x6d: {  	_ =	shalt  }
0x6e: {  	_ =	shalt  }
0x6f: {  	_ =	shalt  }
0x70: {  	_ =	shalt  }
0x71: {  	_ =	shalt  }
0x72: {  	_ =	shalt  }
0x73: {  	_ =	shalt  }
0x74: {  	_ =	shalt  }
0x75: {  	_ =	shalt  }
0x76: {  	_ =	shalt  }
0x77: {  	_ =	shalt  }
0x78: {  	_ =	shalt  }
0x79: {  	_ =	shalt  }
0x7a: {  	_ =	shalt  }
0x7b: {  	_ =	shalt  }
0x7c: {  	_ =	shalt  }
0x7d: {  	_ =	shalt  }
0x7e: {  	_ =	shalt  }
0x7f: {  	_ =	shalt  }
0x80: {  	_ =	shalt  }
0x81: {  	_ =	shalt  }
0x82: {  	_ =	shalt  }
0x83: {  	_ =	shalt  }
0x84: {  	_ =	shalt  }
0x85: {  	_ =	shalt  }
0x86: {  	_ =	shalt  }
0x87: {  	_ =	shalt  }
.Lfunc_end0:
.L_simem_size_0:
called_computation_lowered:
.L_overlay_start_0:
0x88: {  	s2 =	sld [smem:$0x3FD9]  }
0x89: {  	s3 =	sld [smem:$0x3FFE];
	_ =	sdelay $0x1  }
0x8a: {  	s1 =	srdreg.scid  }
0x8b: {  	s0 =	sand.u32 $0x1, s1  }
0x8c: {  	s17 =	sshll.u32 s0, $0xA;
	s2 =	sadd.s32 s3, s2  }
0x8d: {  	s2 =	sadd.s32 s2, s17  }
0x8e: {  	[smem:$0x3FC5] =	sst s2  }
0x8f: {  	_ = 	snop  }
0x90: {  	(tm) =	ssettm $0x1  }
0x91: {  	s18 =	sld [smem:$0x3FFB];
	_ =	sdelay $0x3  }
0x92: {  	_ =	strace s18  }
0x93: {  	s2 =	sld [smem:$0x3FFC];
	_ =	sdelay $0x3  }
0x94: {  	_ =	strace s2  }
0x95: {  	s2 =	sld [smem:$0x3FFD];
	_ =	sdelay $0x3  }
0x96: {  	_ =	strace s2  }
0x97: {  	_ =	strace $0x8FFFFFFF  }
0x98: {  	s19 =	sld [smem:$0x3FDB];
	_ =	sdelay $0x1  }
0x99: {  	s20 =	simm.s32 $_scs_section_size  }
0x9a: {  	s4 =	simm.s32 $_size__tile_overlayer_lowered;
	s5 =	simm.s32 $_tile_overlayer_lowered  }
0x9b: {  	s6 =	simm.s32 $0x1BFF;
	s21 =	sshll.u32 s5, $0x1;
	s3 =	sadd.s32 s20, s19  }
0x9c: {  	s22 =	simm.s32 $0x0;
	s4 =	sshll.u32 s4, $0x1;
	s5 =	sadd.s32 s21, s3  }
0x9d: {  	[timem:s22], [sflag:s6] =	dma.local [hbm:s5], s4  }
0x9e: {  	_ =	swait.ge [sflag:s6], s4  }
0x9f: {  	s4 =	ssub.s32 $0x0, s4;
	[sflag:s6] =	ssyncset.done $0x0  }
0xa0: {  	[sflag:s6] =	ssyncadd.s32 s4;
	_ =	sdelay $0x1  }
0xa1: {  	s23 =	simm.s32 $0x1B8B  }
0xa2: {  	_ =	swait.ge [sflag:s23], $0x1  }
0xa3: {  	[sflag:s23] =	ssyncset.done $0x0  }
0xa4: {  	[sflag:s23] =	ssyncadd.s32 $0xFFFFFFFF  }
0xa5: {  	s4 =	sld [smem:$0x0]  }
0xa6: {  	s5 =	sand.u32 $0xFFFFFFFE, s1  }
0xa7: {  	p0 =	sne.s32 s1, s5  }
0xa8: {  	s5 =	sshll.u32 @p0 s5, $0xE  }
0xa9: {  	s5 =	sadd.s32 @p0 $0x11B8D, s5;
	s6 =	sshll.u32 @p0 s4, $0x11  }
0xaa: {  	s5 =	sor.u32 @p0 s6, s5  }
0xab: {  	[sflag:s5] =	ssyncadd.remote.s32 @p0 $0x1;
	_ =	sdelay $0x1  }
0xac: {  	s5 =	simm.s32 @p0 $0x1B8D  }
0xad: {  	_ =	swait.eq @p0 [sflag:s5], $0x1  }
0xae: {  	[sflag:s5] =	ssyncadd.s32 @p0 $0xFFFFFFFF  }
0xaf: {  	s6 =	sshll.u32 @!p0 s1, $0xE  }
0xb0: {  	s6 =	sor.u32 @!p0 $0x4000, s6;
	s5 =	simm.s32 @!p0 $0x1B8D  }
0xb1: {  	s4 =	sshll.u32 @!p0 s4, $0x11;
	s6 =	sadd.s32 @!p0 $0x11B8D, s6;
	_ =	swait.eq @!p0 [sflag:s5], $0x1  }
0xb2: {  	s4 =	sor.u32 @!p0 s4, s6;
	[sflag:s5] =	ssyncadd.s32 @!p0 $0xFFFFFFFF  }
0xb3: {  	s25 =	simm.s32 $0x1B8E;
	s24 =	sld [smem:$0x3FFE];
	[sflag:s4] =	ssyncadd.remote.s32 @!p0 $0x1  }
0xb4: {  	s26 =	simm.s32 $execute0_lowered;
	[smem:$0x3FD2] =	sst s25  }
0xb5: {  	s5 =	sshll.u32 s26, $0x1;
	_ =	strace $0x8000004F;
	[dreg:$0x1] =	wrdreg $0xFFFFFFFF  }
0xb6: {  	s28 =	simm.s32 $_size_execute0_lowered;
	s3 =	sadd.s32 s3, s5;
	[dreg:$0x0] =	wrdreg $0x0  }
0xb7: {  	s5 =	sshll.u32 s28, $0x1;
	[dreg:$0x2] =	wrdreg s3  }
0xb8: {  	[dreg:$0x3] =	wrdreg s5  }
0xb9: {  	[dreg:$0x4] =	wrdreg $0xC0  }
0xba: {  	_ =	task [dreg:s22], $0x5FFFF  }
0xbb: {  	[dreg:$0x1] =	wrdreg $0xFFFFFFFF  }
0xbc: {  	[dreg:$0x0] =	wrdreg $0x60  }
0xbd: {  	[dreg:$0x2] =	wrdreg s24  }
0xbe: {  	[dreg:$0x3] =	wrdreg $0x9  }
0xbf: {  	_ =	task.clear_ibuf [dreg:s22], $0x4FFFF;
	_ =	strace $0x9000004F  }
0xc0: {  	s29 =	simm.s32 $0x9;
	_ =	strace $0x80000051  }
0xc1: {  	_ =	swait.ge [sflag:s29], $0x1  }
0xc2: {  	[sflag:s29] =	ssyncadd.s32 $0xFFFFFFFF  }
0xc3: {  	_ =	strace $0x90000051  }
0xc4: {  	_ =	sfence  }
0xc5: {  	s30 =	sld [smem:$0x0];
	_ =	sdelay $0x2  }
0xc6: {  	s31 =	sshll.u32 s1, $0xD;
	s1 =	sshrl.u32 s1, $0x2  }
0xc7: {  	s4 =	sand.u32 $0x4000, s31;
	s1 =	sadd.s32 s1, s30  }
0xc8: {  	s0 =	sor.u32 s4, s0;
	s1 =	sshll.u32 s1, $0x11  }
0xc9: {  	s0 =	sor.u32 s1, s0  }
0xca: {  	s0 =	sadd.s32 $0x8F2B, s0  }
0xcb: {  	[sflag:s0] =	ssyncadd.remote.s32 $0x1  }
0xcc: {  	_ =	sfence.sel $0xFFFF  }
0xcd: {  	[dreg:$0x0] =	wrdreg $0xFFFFFFFF;
	(pc) =	sbr.abs _section_cstart, $3  }
0xce: {  	[dreg:$0x1] =	wrdreg $0xFFFFFFFF  }
0xcf: {  	_ =	task.clear_ibuf [dreg:s22], $0x2FFFF;
	_ =	strace $0x9FFFFFFF  }
0xd0: {  	(tm) =	ssettm $0x7FFFFFFF  }
0xd1: {  	_ =	shalt  }
tec
execute0_lowered:
.L_overlay_start_1:
0x0: {  	(tag) =	ssettag $0x1  }
0x1: {  	s0 =	srdreg.scid  }
0x2: {  	s1 =	stileid.u32;
	s31 =	rddreg [dreg:$0x0];
	s0 =	sand.u32 $0x1, s0  }
0x3: {  	s3 =	simm.s32 $0x0;
	s1 =	sshll.u32 s1, $0x4;
	s2 =	sshll.u32 s0, $0x3  }
0x4: {  	s10 =	simm.s32 $0x400;
	s12 =	simm.s32 $0x1;
	s2 =	sor.u32 s2, s1  }
0x5: {  	s13 =	simm.s32 $0x18800;
	s14 =	simm.s32 $0x2;
	s4 =	sshrl.u32 s2, $0x3  }
0x6: {  	s15 =	simm.s32 $0x1A800;
	s16 =	simm.s32 $0x3;
	s5 =	smul.u32 $0xC4000, s4  }
0x7: {  	s17 =	simm.s32 $0x0;
	[smem:$0x7FF] =	sst s3;
	s0 =	ssub.s32 $0x2, s0  }
0x8: {  	s6 =	sshrl.u32 s0, $0x1;
	s4 =	sadd.s32 $0x940E00, s31;
	s5 =	sshrl.u32 s5, $0x3  }
0x9: {  	_ =	strace $0x80000050;
	s0 =	ssub.s32 s0, s6;
	s5 =	sadd.s32 s4, s5  }
0xa: {  	v0 =	vimm.s32 $0x0;
	v1 =	vimm.s32 $0x1;
	s6 =	sadd.s32 $0xC50E00, s31;
	s8 =	smax.u32 s0, $0x1;
	s7 =	sadd.s32 $0xC400, s5  }
.LBB2_1:
0xb: {  	s18 =	simm.s32 $0x18880  }
0xc: {  	[tilespmem:s18+$0xFFFFFF80] =	vst v0  }
0xd: {  	[tilespmem:s18+$0x70] =	vst v0  }
0xe: {  	[tilespmem:s18+$0x60] =	vst v0  }
0xf: {  	[tilespmem:s18+$0x50] =	vst v0  }
0x10: {  	[tilespmem:s18+$0x40] =	vst v0  }
0x11: {  	[tilespmem:s18+$0x30] =	vst v0  }
0x12: {  	[tilespmem:s18+$0x20] =	vst v0  }
0x13: {  	[tilespmem:s18+$0x10] =	vst v0  }
0x14: {  	[tilespmem:s18+$0x0] =	vst v0  }
0x15: {  	[tilespmem:s18+$0xFFFFFFF0] =	vst v0  }
0x16: {  	[tilespmem:s18+$0xFFFFFFE0] =	vst v0  }
0x17: {  	[tilespmem:s18+$0xFFFFFFD0] =	vst v0  }
0x18: {  	[tilespmem:s18+$0xFFFFFFC0] =	vst v0  }
0x19: {  	[tilespmem:s18+$0xFFFFFFB0] =	vst v0  }
0x1a: {  	s0 =	simm.s32 $0x0;
	[tilespmem:s18+$0xFFFFFFA0] =	vst v0  }
.LBB2_2:
0x1b: {  	s0 =	sadd.s32 $0x10, s0;
	[tilespmem:s18+$0xFFFFFF90] =	vst v0;
	s18 =	sadd.s32 $0x100, s18  }
0x1c: {  	[tilespmem:s18+$0xFFFFFF80] =	vst v0;
	p0 =	slt.u32 s0, $0x1F0  }
0x1d: {  	[tilespmem:s18+$0x70] =	vst v0  }
0x1e: {  	[tilespmem:s18+$0x60] =	vst v0  }
0x1f: {  	[tilespmem:s18+$0x50] =	vst v0  }
0x20: {  	[tilespmem:s18+$0x40] =	vst v0  }
0x21: {  	[tilespmem:s18+$0x30] =	vst v0  }
0x22: {  	[tilespmem:s18+$0x20] =	vst v0  }
0x23: {  	[tilespmem:s18+$0x10] =	vst v0  }
0x24: {  	[tilespmem:s18+$0x0] =	vst v0  }
0x25: {  	[tilespmem:s18+$0xFFFFFFF0] =	vst v0  }
.Ltmp0:
0x26: {  	[tilespmem:s18+$0xFFFFFFE0] =	vst v0;
	(pc) =	sbr.rel @p0 .LBB2_2-.Ltmp0, $4  }
0x27: {  	[tilespmem:s18+$0xFFFFFFD0] =	vst v0  }
0x28: {  	[tilespmem:s18+$0xFFFFFFC0] =	vst v0  }
0x29: {  	[tilespmem:s18+$0xFFFFFFB0] =	vst v0  }
0x2a: {  	[tilespmem:s18+$0xFFFFFFA0] =	vst v0  }
0x2b: {  	[tilespmem:s18+$0xFFFFFF90] =	vst v0;
	s18 =	simm.s32 $0x0;
	s0 =	simm.s32 $0x80  }
0x2c: {  	[tilespmem:s18], [sflag:$0x1] =	stream.strided.gather [hbm4b:s5+s0], $0xC400, s10, s0, $0x38;
	[tilespmem:$0x1A880] =	vst v63  }
0x2d: {  	s1 =	simm.s32 $0xC400  }
0x2e: {  	[tilespmem:s1], [sflag:$0x2] =	stream.strided.gather [hbm4b:s7+s0], $0xC400, s10, s0, $0x38;
	[tilespmem:$0x1A880] =	vst v63  }
.LBB2_4:
0x2f: {  	_ =	swait.ge [sflag:s12], $0xC400  }
0x30: {  	[sflag:s12] =	ssyncset.done $0x0  }
0x31: {  	s19 =	simm.s32 $0x80;
	[sflag:s12] =	ssyncadd.s32 $0xFFFF3C00  }
0x32: {  	v2 =	vld [tilespmem:s19+$0x10]  }
0x33: {  	v3 =	vld [tilespmem:s19+$0x0]  }
0x34: {  	v4 =	vld [tilespmem:s19+$0xFFFFFF80]  }
0x35: {  	v5 =	vld [tilespmem:s19+$0x70]  }
0x36: {  	v6 =	vld [tilespmem:s19+$0xFFFFFFA0]  }
0x37: {  	v7 =	vld [tilespmem:s19+$0xFFFFFFB0]  }
0x38: {  	v8 =	vld [tilespmem:s19+$0xFFFFFFC0]  }
0x39: {  	v10 =	vld [tilespmem:s19+$0x50]  }
0x3a: {  	v11 =	vld [tilespmem:s19+$0x40];
	v4 =	vshra.s32 v4, $0xB  }
0x3b: {  	v9 =	vld [tilespmem:s19+$0x60];
	v5 =	vshra.s32 v5, $0xB  }
0x3c: {  	v12 =	vld [tilespmem:s19+$0x30]  }
0x3d: {  	v13 =	vld [tilespmem:s19+$0x20]  }
0x3e: {  	v14 =	vld [tilespmem:s19+$0xFFFFFFD0];
	v59 =	vshra.s32 v10, $0xB  }
0x3f: {  	v60 =	vshra.s32 v11, $0xB;
	[tilespmem:v4+s13+$0x0] =	vst.idx.add.s32.msk $0xffff, v1  }
0x40: {  	v4 =	vshra.s32 v9, $0xB;
	[tilespmem:v5+s13+$0x0] =	vst.idx.add.s32.msk $0xffff, v1  }
0x41: {  	v5 =	vld [tilespmem:s19+$0xFFFFFFF0]  }
0x42: {  	v61 =	vld [tilespmem:s19+$0xFFFFFFE0];
	v2 =	vshra.s32 v2, $0xB  }
0x43: {  	v13 =	vshra.s32 v13, $0xB;
	[tilespmem:v59+s13+$0x0] =	vst.idx.add.s32.msk $0xffff, v1  }
0x44: {  	v3 =	vshra.s32 v3, $0xB;
	[tilespmem:v60+s13+$0x0] =	vst.idx.add.s32.msk $0xffff, v1  }
0x45: {  	v62 =	vshra.s32 v12, $0xB;
	[tilespmem:v4+s13+$0x0] =	vst.idx.add.s32.msk $0xffff, v1  }
0x46: {  	v63 =	vshra.s32 v14, $0xB;
	v4 =	vshra.s32 v5, $0xB;
	v5 =	vld [tilespmem:s19+$0xFFFFFF90]  }
0x47: {  	[tilespmem:v2+s13+$0x0] =	vst.idx.add.s32.msk $0xffff, v1;
	v2 =	vshra.s32 v7, $0xB  }
0x48: {  	v8 =	vshra.s32 v8, $0xB;
	[tilespmem:v13+s13+$0x0] =	vst.idx.add.s32.msk $0xffff, v1  }
0x49: {  	v6 =	vshra.s32 v6, $0xB;
	[tilespmem:v3+s13+$0x0] =	vst.idx.add.s32.msk $0xffff, v1  }
0x4a: {  	[tilespmem:v62+s13+$0x0] =	vst.idx.add.s32.msk $0xffff, v1  }
0x4b: {  	[tilespmem:v63+s13+$0x0] =	vst.idx.add.s32.msk $0xffff, v1;
	v3 =	vshra.s32 v5, $0xB  }
0x4c: {  	[tilespmem:v2+s13+$0x0] =	vst.idx.add.s32.msk $0xffff, v1;
	v2 =	vshra.s32 v61, $0xB  }
0x4d: {  	[tilespmem:v8+s13+$0x0] =	vst.idx.add.s32.msk $0xffff, v1  }
0x4e: {  	[tilespmem:v6+s13+$0x0] =	vst.idx.add.s32.msk $0xffff, v1  }
0x4f: {  	s20 =	simm.s32 $0x0;
	[tilespmem:v4+s13+$0x0] =	vst.idx.add.s32.msk $0xffff, v1  }
.LBB2_5:
0x50: {  	s20 =	sadd.s32 $0x10, s20;
	[tilespmem:v3+s13+$0x0] =	vst.idx.add.s32.msk $0xffff, v1;
	s19 =	sadd.s32 $0x100, s19  }
0x51: {  	p0 =	slt.u32 s20, $0xC30;
	[tilespmem:v2+s13+$0x0] =	vst.idx.add.s32.msk $0xffff, v1  }
0x52: {  	v2 =	vld [tilespmem:s19+$0x10]  }
0x53: {  	v3 =	vld [tilespmem:s19+$0x0]  }
0x54: {  	v4 =	vld [tilespmem:s19+$0xFFFFFF80]  }
0x55: {  	v5 =	vld [tilespmem:s19+$0x70]  }
0x56: {  	v6 =	vld [tilespmem:s19+$0xFFFFFFA0]  }
0x57: {  	v7 =	vld [tilespmem:s19+$0xFFFFFFB0]  }
0x58: {  	v8 =	vld [tilespmem:s19+$0xFFFFFFC0]  }
0x59: {  	v4 =	vshra.s32 v4, $0xB;
	v9 =	vld [tilespmem:s19+$0x60]  }
0x5a: {  	v10 =	vld [tilespmem:s19+$0x50];
	v5 =	vshra.s32 v5, $0xB  }
0x5b: {  	v11 =	vld [tilespmem:s19+$0x40]  }
0x5c: {  	v12 =	vld [tilespmem:s19+$0x30]  }
0x5d: {  	v13 =	vld [tilespmem:s19+$0x20]  }
0x5e: {  	[tilespmem:v4+s13+$0x0] =	vst.idx.add.s32.msk $0xffff, v1;
	v4 =	vshra.s32 v9, $0xB  }
0x5f: {  	v9 =	vshra.s32 v10, $0xB;
	[tilespmem:v5+s13+$0x0] =	vst.idx.add.s32.msk $0xffff, v1  }
0x60: {  	v5 =	vld [tilespmem:s19+$0xFFFFFFF0];
	v10 =	vshra.s32 v11, $0xB  }
0x61: {  	v11 =	vld [tilespmem:s19+$0xFFFFFFE0]  }
0x62: {  	v14 =	vld [tilespmem:s19+$0xFFFFFFD0];
	v13 =	vshra.s32 v13, $0xB  }
0x63: {  	v15 =	vshra.s32 v2, $0xB;
	[tilespmem:v4+s13+$0x0] =	vst.idx.add.s32.msk $0xffff, v1  }
0x64: {  	v3 =	vshra.s32 v3, $0xB;
	[tilespmem:v9+s13+$0x0] =	vst.idx.add.s32.msk $0xffff, v1  }
0x65: {  	v4 =	vshra.s32 v5, $0xB;
	[tilespmem:v10+s13+$0x0] =	vst.idx.add.s32.msk $0xffff, v1  }
0x66: {  	v9 =	vshra.s32 v12, $0xB;
	v5 =	vld [tilespmem:s19+$0xFFFFFF90];
	v2 =	vshra.s32 v11, $0xB  }
0x67: {  	v10 =	vshra.s32 v14, $0xB;
	[tilespmem:v13+s13+$0x0] =	vst.idx.add.s32.msk $0xffff, v1  }
0x68: {  	v8 =	vshra.s32 v8, $0xB;
	[tilespmem:v15+s13+$0x0] =	vst.idx.add.s32.msk $0xffff, v1  }
0x69: {  	v7 =	vshra.s32 v7, $0xB;
	[tilespmem:v3+s13+$0x0] =	vst.idx.add.s32.msk $0xffff, v1  }
0x6a: {  	v6 =	vshra.s32 v6, $0xB;
	[tilespmem:v4+s13+$0x0] =	vst.idx.add.s32.msk $0xffff, v1  }
.Ltmp1:
0x6b: {  	v3 =	vshra.s32 v5, $0xB;
	[tilespmem:v9+s13+$0x0] =	vst.idx.add.s32.msk $0xffff, v1;
	(pc) =	sbr.rel @p0 .LBB2_5-.Ltmp1, $4  }
0x6c: {  	[tilespmem:v10+s13+$0x0] =	vst.idx.add.s32.msk $0xffff, v1  }
0x6d: {  	[tilespmem:v8+s13+$0x0] =	vst.idx.add.s32.msk $0xffff, v1  }
0x6e: {  	[tilespmem:v7+s13+$0x0] =	vst.idx.add.s32.msk $0xffff, v1  }
0x6f: {  	[tilespmem:v6+s13+$0x0] =	vst.idx.add.s32.msk $0xffff, v1  }
0x70: {  	s19 =	sor.u32 s2, s18;
	p0 =	seq.s32 s18, $0x7  }
0x71: {  	s0 =	sadd.s32 @!p0 $0x1, s19  }
0x72: {  	s1 =	sshrl.u32 @!p0 s0, $0x3  }
0x73: {  	s0 =	sshll.u32 @!p0 s0, $0x7;
	s1 =	smul.u32 @!p0 $0xC4000, s1  }
0x74: {  	s0 =	sand.u32 @!p0 $0x380, s0  }
0x75: {  	s0 =	sor.u32 @!p0 s0, s1  }
0x76: {  	[tilespmem:v3+s13+$0x0] =	vst.idx.add.s32.msk $0xffff, v1;
	s11 =	simm.s32 @!p0 $0x400;
	s0 =	sshrl.u32 @!p0 s0, $0x3  }
0x77: {  	[tilespmem:v2+s13+$0x0] =	vst.idx.add.s32.msk $0xffff, v1;
	s20 =	simm.s32 @!p0 $0x0;
	s1 =	simm.s32 @!p0 $0x80;
	s0 =	sadd.s32 @!p0 s4, s0  }
0x78: {  	[tilespmem:s20], [sflag:$0x1] =	stream.strided.gather @!p0 [hbm4b:s0+s1], $0xC400, s11, s1, $0x38;
	[tilespmem:$0x1A880] =	vst v63  }
0x79: {  	_ =	swait.ge [sflag:s14], $0xC400  }
0x7a: {  	[sflag:s14] =	ssyncset.done $0x0  }
0x7b: {  	s20 =	simm.s32 $0xC4F0;
	[sflag:s14] =	ssyncadd.s32 $0xFFFF3C00  }
0x7c: {  	v2 =	vld [tilespmem:s20+$0xFFFFFFA0]  }
0x7d: {  	v3 =	vld [tilespmem:s20+$0xFFFFFF90]  }
0x7e: {  	v4 =	vld [tilespmem:s20+$0xFFFFFF10]  }
0x7f: {  	v5 =	vld [tilespmem:s20+$0x0]  }
0x80: {  	v6 =	vld [tilespmem:s20+$0xFFFFFF30]  }
0x81: {  	v7 =	vld [tilespmem:s20+$0xFFFFFF40]  }
0x82: {  	v8 =	vld [tilespmem:s20+$0xFFFFFF50]  }
0x83: {  	v10 =	vld [tilespmem:s20+$0xFFFFFFE0]  }
0x84: {  	v11 =	vld [tilespmem:s20+$0xFFFFFFD0];
	v4 =	vshra.s32 v4, $0xB  }
0x85: {  	v9 =	vld [tilespmem:s20+$0xFFFFFFF0];
	v5 =	vshra.s32 v5, $0xB  }
0x86: {  	v12 =	vld [tilespmem:s20+$0xFFFFFFC0]  }
0x87: {  	v13 =	vld [tilespmem:s20+$0xFFFFFFB0]  }
0x88: {  	v14 =	vld [tilespmem:s20+$0xFFFFFF60];
	v59 =	vshra.s32 v10, $0xB  }
0x89: {  	v60 =	vshra.s32 v11, $0xB;
	[tilespmem:v4+s13+$0x0] =	vst.idx.add.s32.msk $0xffff, v1  }
0x8a: {  	v4 =	vshra.s32 v9, $0xB;
	[tilespmem:v5+s13+$0x0] =	vst.idx.add.s32.msk $0xffff, v1  }
0x8b: {  	v5 =	vld [tilespmem:s20+$0xFFFFFF80]  }
0x8c: {  	v61 =	vld [tilespmem:s20+$0xFFFFFF70];
	v2 =	vshra.s32 v2, $0xB  }
0x8d: {  	v13 =	vshra.s32 v13, $0xB;
	[tilespmem:v59+s13+$0x0] =	vst.idx.add.s32.msk $0xffff, v1  }
0x8e: {  	v3 =	vshra.s32 v3, $0xB;
	[tilespmem:v60+s13+$0x0] =	vst.idx.add.s32.msk $0xffff, v1  }
0x8f: {  	v62 =	vshra.s32 v12, $0xB;
	[tilespmem:v4+s13+$0x0] =	vst.idx.add.s32.msk $0xffff, v1  }
0x90: {  	v63 =	vshra.s32 v14, $0xB;
	v4 =	vshra.s32 v5, $0xB;
	v5 =	vld [tilespmem:s20+$0xFFFFFF20]  }
0x91: {  	[tilespmem:v2+s13+$0x0] =	vst.idx.add.s32.msk $0xffff, v1;
	v2 =	vshra.s32 v7, $0xB  }
0x92: {  	v8 =	vshra.s32 v8, $0xB;
	[tilespmem:v13+s13+$0x0] =	vst.idx.add.s32.msk $0xffff, v1  }
0x93: {  	v6 =	vshra.s32 v6, $0xB;
	[tilespmem:v3+s13+$0x0] =	vst.idx.add.s32.msk $0xffff, v1  }
0x94: {  	[tilespmem:v62+s13+$0x0] =	vst.idx.add.s32.msk $0xffff, v1  }
0x95: {  	[tilespmem:v63+s13+$0x0] =	vst.idx.add.s32.msk $0xffff, v1;
	v3 =	vshra.s32 v5, $0xB  }
0x96: {  	[tilespmem:v2+s13+$0x0] =	vst.idx.add.s32.msk $0xffff, v1;
	v2 =	vshra.s32 v61, $0xB  }
0x97: {  	[tilespmem:v8+s13+$0x0] =	vst.idx.add.s32.msk $0xffff, v1  }
0x98: {  	[tilespmem:v6+s13+$0x0] =	vst.idx.add.s32.msk $0xffff, v1  }
0x99: {  	s21 =	simm.s32 $0xC40;
	[tilespmem:v4+s13+$0x0] =	vst.idx.add.s32.msk $0xffff, v1  }
.LBB2_7:
0x9a: {  	s21 =	sadd.s32 $0x10, s21;
	[tilespmem:v3+s13+$0x0] =	vst.idx.add.s32.msk $0xffff, v1;
	s20 =	sadd.s32 $0x100, s20  }
0x9b: {  	p0 =	slt.u32 s21, $0x1870;
	[tilespmem:v2+s13+$0x0] =	vst.idx.add.s32.msk $0xffff, v1  }
0x9c: {  	v2 =	vld [tilespmem:s20+$0xFFFFFFA0]  }
0x9d: {  	v3 =	vld [tilespmem:s20+$0xFFFFFF90]  }
0x9e: {  	v4 =	vld [tilespmem:s20+$0xFFFFFF10]  }
0x9f: {  	v5 =	vld [tilespmem:s20+$0x0]  }
0xa0: {  	v6 =	vld [tilespmem:s20+$0xFFFFFF30]  }
0xa1: {  	v7 =	vld [tilespmem:s20+$0xFFFFFF40]  }
0xa2: {  	v8 =	vld [tilespmem:s20+$0xFFFFFF50]  }
0xa3: {  	v4 =	vshra.s32 v4, $0xB;
	v9 =	vld [tilespmem:s20+$0xFFFFFFF0]  }
0xa4: {  	v10 =	vld [tilespmem:s20+$0xFFFFFFE0];
	v5 =	vshra.s32 v5, $0xB  }
0xa5: {  	v11 =	vld [tilespmem:s20+$0xFFFFFFD0]  }
0xa6: {  	v12 =	vld [tilespmem:s20+$0xFFFFFFC0]  }
0xa7: {  	v13 =	vld [tilespmem:s20+$0xFFFFFFB0]  }
0xa8: {  	[tilespmem:v4+s13+$0x0] =	vst.idx.add.s32.msk $0xffff, v1;
	v4 =	vshra.s32 v9, $0xB  }
0xa9: {  	v9 =	vshra.s32 v10, $0xB;
	[tilespmem:v5+s13+$0x0] =	vst.idx.add.s32.msk $0xffff, v1  }
0xaa: {  	v5 =	vld [tilespmem:s20+$0xFFFFFF80];
	v10 =	vshra.s32 v11, $0xB  }
0xab: {  	v11 =	vld [tilespmem:s20+$0xFFFFFF70]  }
0xac: {  	v14 =	vld [tilespmem:s20+$0xFFFFFF60];
	v13 =	vshra.s32 v13, $0xB  }
0xad: {  	v15 =	vshra.s32 v2, $0xB;
	[tilespmem:v4+s13+$0x0] =	vst.idx.add.s32.msk $0xffff, v1  }
0xae: {  	v3 =	vshra.s32 v3, $0xB;
	[tilespmem:v9+s13+$0x0] =	vst.idx.add.s32.msk $0xffff, v1  }
0xaf: {  	v4 =	vshra.s32 v5, $0xB;
	[tilespmem:v10+s13+$0x0] =	vst.idx.add.s32.msk $0xffff, v1  }
0xb0: {  	v9 =	vshra.s32 v12, $0xB;
	v5 =	vld [tilespmem:s20+$0xFFFFFF20];
	v2 =	vshra.s32 v11, $0xB  }
0xb1: {  	v10 =	vshra.s32 v14, $0xB;
	[tilespmem:v13+s13+$0x0] =	vst.idx.add.s32.msk $0xffff, v1  }
0xb2: {  	v8 =	vshra.s32 v8, $0xB;
	[tilespmem:v15+s13+$0x0] =	vst.idx.add.s32.msk $0xffff, v1  }
0xb3: {  	v7 =	vshra.s32 v7, $0xB;
	[tilespmem:v3+s13+$0x0] =	vst.idx.add.s32.msk $0xffff, v1  }
0xb4: {  	v6 =	vshra.s32 v6, $0xB;
	[tilespmem:v4+s13+$0x0] =	vst.idx.add.s32.msk $0xffff, v1  }
.Ltmp2:
0xb5: {  	v3 =	vshra.s32 v5, $0xB;
	[tilespmem:v9+s13+$0x0] =	vst.idx.add.s32.msk $0xffff, v1;
	(pc) =	sbr.rel @p0 .LBB2_7-.Ltmp2, $4  }
0xb6: {  	[tilespmem:v10+s13+$0x0] =	vst.idx.add.s32.msk $0xffff, v1  }
0xb7: {  	[tilespmem:v8+s13+$0x0] =	vst.idx.add.s32.msk $0xffff, v1  }
0xb8: {  	[tilespmem:v7+s13+$0x0] =	vst.idx.add.s32.msk $0xffff, v1  }
0xb9: {  	[tilespmem:v6+s13+$0x0] =	vst.idx.add.s32.msk $0xffff, v1  }
0xba: {  	p0 =	sne.s32 s18, $0x7  }
0xbb: {  	s0 =	sadd.s32 @p0 $0x1, s19  }
0xbc: {  	s1 =	sshrl.u32 @p0 s0, $0x3  }
0xbd: {  	s0 =	sshll.u32 @p0 s0, $0x7;
	s1 =	smul.u32 @p0 $0xC4000, s1  }
0xbe: {  	s0 =	sand.u32 @p0 $0x380, s0  }
0xbf: {  	s0 =	sor.u32 @p0 s0, s1  }
0xc0: {  	s0 =	sadd.s32 @p0 $0x62000, s0  }
0xc1: {  	[tilespmem:v3+s13+$0x0] =	vst.idx.add.s32.msk $0xffff, v1;
	s25 =	simm.s32 $0x18880;
	s11 =	simm.s32 @p0 $0x400;
	s0 =	sshrl.u32 @p0 s0, $0x3  }
0xc2: {  	[tilespmem:v2+s13+$0x0] =	vst.idx.add.s32.msk $0xffff, v1;
	s20 =	simm.s32 @p0 $0xC400;
	s1 =	simm.s32 @p0 $0x80;
	s0 =	sadd.s32 @p0 s4, s0  }
0xc3: {  	[tilespmem:s20], [sflag:$0x2] =	stream.strided.gather @p0 [hbm4b:s0+s1], $0xC400, s11, s1, $0x38;
	[tilespmem:$0x1A880] =	vst v63  }
0xc4: {  	v2 =	vld [tilespmem:s25+$0xFFFFFF80]  }
0xc5: {  	v3 =	vld [tilespmem:s25+$0xFFFFFF90]  }
0xc6: {  	v4 =	vld [tilespmem:s25+$0xFFFFFFA0]  }
0xc7: {  	v5 =	vld [tilespmem:s25+$0xFFFFFFB0]  }
0xc8: {  	v6 =	vld [tilespmem:s25+$0xFFFFFFC0]  }
0xc9: {  	v7 =	vld [tilespmem:s25+$0xFFFFFFD0]  }
0xca: {  	v2 =	vadd.s32 v2, v3;
	v3 =	vld [tilespmem:s25+$0xFFFFFFE0]  }
0xcb: {  	v2 =	vadd.s32 v4, v2;
	v4 =	vld [tilespmem:s25+$0xFFFFFFF0]  }
0xcc: {  	v2 =	vadd.s32 v5, v2;
	v5 =	vld [tilespmem:s25+$0x0]  }
0xcd: {  	v2 =	vadd.s32 v6, v2;
	v6 =	vld [tilespmem:s25+$0x10]  }
0xce: {  	v2 =	vadd.s32 v7, v2;
	v7 =	vld [tilespmem:s25+$0x20]  }
0xcf: {  	v2 =	vadd.s32 v3, v2;
	v3 =	vld [tilespmem:s25+$0x30]  }
0xd0: {  	v2 =	vadd.s32 v4, v2;
	v4 =	vld [tilespmem:s25+$0x40]  }
0xd1: {  	v2 =	vadd.s32 v5, v2;
	v5 =	vld [tilespmem:s25+$0x50]  }
0xd2: {  	v2 =	vadd.s32 v6, v2;
	v6 =	vld [tilespmem:s25+$0x60]  }
0xd3: {  	s26 =	simm.s32 $0x18980;
	v2 =	vadd.s32 v7, v2;
	v7 =	vld [tilespmem:s25+$0x70]  }
0xd4: {  	v8 =	vld [tilespmem:s26+$0xFFFFFF80];
	v2 =	vadd.s32 v3, v2  }
0xd5: {  	v9 =	vld [tilespmem:s26+$0xFFFFFFF0];
	v2 =	vadd.s32 v4, v2  }
0xd6: {  	v3 =	vld [tilespmem:s26+$0xFFFFFF90];
	v2 =	vadd.s32 v5, v2  }
0xd7: {  	v4 =	vld [tilespmem:s26+$0xFFFFFFA0];
	v2 =	vadd.s32 v6, v2  }
0xd8: {  	v5 =	vld [tilespmem:s26+$0xFFFFFFB0];
	v2 =	vadd.s32 v7, v2  }
0xd9: {  	v6 =	vld [tilespmem:s26+$0xFFFFFFC0];
	(xrf0) =	vadd.scan.msk.s32 $0xffff, v2  }
0xda: {  	v7 =	vld [tilespmem:s26+$0xFFFFFFD0]  }
0xdb: {  	v2 =	vld [tilespmem:s26+$0xFFFFFFE0];
	v3 =	vadd.s32 v8, v3  }
0xdc: {  	v10 =	vld [tilespmem:s26+$0x0];
	v3 =	vadd.s32 v4, v3  }
0xdd: {  	v62 =	vld [tilespmem:s26+$0x70];
	v3 =	vadd.s32 v5, v3  }
0xde: {  	v8 =	vld [tilespmem:s26+$0x10];
	v3 =	vadd.s32 v6, v3  }
0xdf: {  	v4 =	vld [tilespmem:s26+$0x20];
	v3 =	vadd.s32 v7, v3;
	v11, _, _ =	vpop (xrf0)  }
0xe0: {  	v5 =	vld [tilespmem:s26+$0x30];
	v2 =	vadd.s32 v2, v3;
	(v2sf) =	vpush v11, $0xF  }
0xe1: {  	v6 =	vld [tilespmem:s26+$0x40];
	v2 =	vadd.s32 v9, v2  }
0xe2: {  	v7 =	vld [tilespmem:s26+$0x50];
	v2 =	vadd.s32 v10, v2  }
0xe3: {  	s30 =	simm.s32 $0x18A80;
	v3 =	vld [tilespmem:s26+$0x60];
	v2 =	vadd.s32 v8, v2  }
0xe4: {  	v63 =	vld [tilespmem:s30+$0xFFFFFF80];
	v2 =	vadd.s32 v4, v2  }
0xe5: {  	v8 =	vld [tilespmem:s30+$0xFFFFFF90];
	v2 =	vadd.s32 v5, v2  }
0xe6: {  	v4 =	vld [tilespmem:s30+$0xFFFFFFA0];
	v2 =	vadd.s32 v6, v2  }
0xe7: {  	v5 =	vld [tilespmem:s30+$0xFFFFFFB0];
	v2 =	vadd.s32 v7, v2  }
0xe8: {  	v6 =	vld [tilespmem:s30+$0xFFFFFFC0];
	v2 =	vadd.s32 v3, v2  }
0xe9: {  	v7 =	vld [tilespmem:s30+$0xFFFFFFD0];
	v2 =	vadd.s32 v62, v2  }
0xea: {  	v3 =	vadd.s32 v63, v8;
	v8 =	vld [tilespmem:s30+$0xFFFFFFE0];
	(xrf0) =	vadd.scan.msk.s32 $0xffff, v2  }
0xeb: {  	v3 =	vadd.s32 v4, v3;
	v4 =	vld [tilespmem:s30+$0xFFFFFFF0]  }
0xec: {  	v2 =	vadd.s32 v5, v3;
	v5 =	vld [tilespmem:s30+$0x0]  }
0xed: {  	v2 =	vadd.s32 v6, v2;
	v6 =	vld [tilespmem:s30+$0x10]  }
0xee: {  	v2 =	vadd.s32 v7, v2;
	v7 =	vld [tilespmem:s30+$0x20]  }
0xef: {  	s21 =	simm.s32 $0xFFFFFFFF;
	v3 =	vld [tilespmem:s30+$0x30];
	v2 =	vadd.s32 v8, v2;
	s31 =	spop (v2sf)  }
0xf0: {  	s24 =	simm.s32 $0x1;
	s22 =	simm.s32 $0x2;
	v4 =	vadd.s32 v4, v2;
	v2 =	vld [tilespmem:s30+$0x40];
	v8, _, _ =	vpop (xrf0);
	s23 =	sadd.s32 $0x0, s31  }
0xf1: {  	p6 =	por $0x1, $0x1;
	s29 =	simm.s32 $0x18B80;
	v5 =	vadd.s32 v5, v4;
	v4 =	vld [tilespmem:s30+$0x50];
	(v2sf) =	vpush v8, $0xF;
	p1 =	sgt.s32 s23, $0x3E7  }
0xf2: {  	s28 =	simm.s32 $0x0;
	s20 =	simm.s32 $0x0;
	v6 =	vadd.s32 v6, v5;
	v5 =	vld [tilespmem:s30+$0x60];
	p0 =	por !p6, !p1  }
0xf3: {  	s25 =	simm.s32 $0x0;
	s26 =	simm.s32 $0x3;
	v7 =	vadd.s32 v7, v6;
	v6 =	vld [tilespmem:s30+$0x70];
	p1 =	por !p0, !p0  }
.LBB2_9:
0xf4: {  	p0 =	seq.s32 s26, $0x1F;
	s21 =	smov.u32 @p1 s28;
	s20 =	smov.u32 @p1 s25  }
0xf5: {  	v8 =	vld [tilespmem:s29+$0xFFFFFF80];
	v3 =	vadd.s32 v3, v7;
	s28 =	smov.u32 s24;
	s24 =	smov.u32 s22;
	s22 =	smov.u32 s26  }
0xf6: {  	s26 =	sadd.s32 $0x1, s26;
	s25 =	smov.u32 s23;
	v7 =	vld [tilespmem:s29+$0xFFFFFF90];
	v2 =	vadd.s32 v2, v3  }
0xf7: {  	v3 =	vld [tilespmem:s29+$0xFFFFFFA0];
	v2 =	vadd.s32 v4, v2  }
0xf8: {  	v4 =	vld [tilespmem:s29+$0xFFFFFFB0];
	v2 =	vadd.s32 v5, v2  }
0xf9: {  	v5 =	vld [tilespmem:s29+$0xFFFFFFC0];
	v2 =	vadd.s32 v6, v2  }
0xfa: {  	v6 =	vld [tilespmem:s29+$0xFFFFFFD0];
	(xrf0) =	vadd.scan.msk.s32 $0xffff, v2  }
0xfb: {  	v2 =	vadd.s32 v8, v7;
	v7 =	vld [tilespmem:s29+$0xFFFFFFE0]  }
0xfc: {  	v2 =	vadd.s32 v3, v2;
	v8 =	vld [tilespmem:s29+$0xFFFFFFF0]  }
0xfd: {  	v2 =	vadd.s32 v4, v2;
	v4 =	vld [tilespmem:s29+$0x0]  }
0xfe: {  	v2 =	vadd.s32 v5, v2;
	v5 =	vld [tilespmem:s29+$0x10]  }
0xff: {  	v2 =	vadd.s32 v6, v2;
	v6 =	vld [tilespmem:s29+$0x20]  }
.Ltmp3:
0x100: {  	v2 =	vadd.s32 v7, v2;
	v3 =	vld [tilespmem:s29+$0x30];
	v7, _, _ =	vpop (xrf0);
	s0 =	spop (v2sf);
	(pc) =	sbr.rel @!p0 .LBB2_9-.Ltmp3, $4  }
0x101: {  	v8 =	vadd.s32 v8, v2;
	v2 =	vld [tilespmem:s29+$0x40];
	(v2sf) =	vpush v7, $0xF;
	s23 =	sadd.s32 s23, s0  }
0x102: {  	p1 =	slt.s32 s21, $0x0;
	v7 =	vadd.s32 v4, v8;
	v4 =	vld [tilespmem:s29+$0x50];
	p2 =	sgt.s32 s23, $0x3E7  }
0x103: {  	v7 =	vadd.s32 v5, v7;
	v5 =	vld [tilespmem:s29+$0x60];
	p1 =	por !p1, !p2  }
0x104: {  	v7 =	vadd.s32 v6, v7;
	v6 =	vld [tilespmem:s29+$0x70];
	s29 =	sadd.s32 $0x100, s29;
	p1 =	por !p1, !p1  }
0x105: {  	v3 =	vadd.s32 v3, v7  }
0x106: {  	v2 =	vadd.s32 v2, v3  }
0x107: {  	v2 =	vadd.s32 v4, v2  }
0x108: {  	v2 =	vadd.s32 v5, v2  }
0x109: {  	v2 =	vadd.s32 v6, v2  }
0x10a: {  	(xrf0) =	vadd.scan.msk.s32 $0xffff, v2;
	_ =	sdelay $0x5  }
0x10b: {  	v2, _, _ =	vpop (xrf0)  }
0x10c: {  	(v2sf) =	vpush v2, $0xF;
	_ =	sdelay $0xa  }
0x10d: {  	s0 =	spop (v2sf)  }
0x10e: {  	s21 =	smov.u32 @p1 s28;
	s0 =	sadd.s32 s23, s0  }
0x10f: {  	p0 =	slt.s32 s21, $0x0;
	p2 =	sgt.s32 s0, $0x3E7  }
0x110: {  	p0 =	por !p0, !p2  }
0x111: {  	p0 =	por !p0, !p0;
	s1 =	spop (v2sf)  }
0x112: {  	s21 =	smov.u32 @p0 s24;
	s1 =	sadd.s32 s0, s1  }
0x113: {  	p6 =	slt.s32 s21, $0x0;
	p3 =	sgt.s32 s1, $0x3E7  }
0x114: {  	s20 =	smov.u32 @p1 s25;
	p4 =	por !p6, !p3  }
0x115: {  	s20 =	smov.u32 @p0 s23;
	p0 =	por !p4, !p4  }
0x116: {  	s21 =	smov.u32 @p0 s22  }
0x117: {  	s1 =	sshll.u32 s21, $0xA  }
0x118: {  	s20 =	smov.u32 @p0 s0;
	s22 =	simm.s32 $0x0;
	s0 =	sshra.s32 s1, $0x2  }
0x119: {  	s9 =	sand.u32 $0x80, s22;
	s25 =	sadd.s32 $0x18800, s0  }
0x11a: {  	s11 =	sand.u32 $0x70, s22;
	s0 =	sadd.s32 s9, s25  }
0x11b: {  	s0 =	sadd.s32 s11, s0  }
0x11c: {  	v2 =	vld [tilespmem:s0+$0x0];
	_ =	sdelay $0x4  }
0x11d: {  	(xrf0) =	vadd.scan.msk.s32 $0xffff, v2;
	_ =	sdelay $0x2  }
0x11e: {  	s24 =	simm.s32 $0x10  }
0x11f: {  	s26 =	sand.u32 $0x80, s24  }
0x120: {  	s1 =	sadd.s32 s26, s25;
	s0 =	sand.u32 $0x70, s24  }
0x121: {  	s0 =	sadd.s32 s0, s1;
	v2, _, _ =	vpop (xrf0)  }
0x122: {  	s11 =	simm.s32 $0x20;
	(v2sf) =	vpush v2, $0xF;
	v2 =	vld [tilespmem:s0+$0x0]  }
0x123: {  	s9 =	sand.u32 $0x80, s11  }
0x124: {  	s26 =	sand.u32 $0x70, s11;
	s9 =	sadd.s32 s9, s25  }
0x125: {  	s11 =	sadd.s32 s26, s9  }
0x126: {  	v3 =	vld [tilespmem:s11+$0x0]  }
0x127: {  	(xrf0) =	vadd.scan.msk.s32 $0xffff, v2;
	_ =	sdelay $0x3  }
0x128: {  	(xrf0) =	vadd.scan.msk.s32 $0xffff, v3;
	_ =	sdelay $0x1  }
0x129: {  	v3, _, _ =	vpop (xrf0)  }
0x12a: {  	s24 =	simm.s32 $0x30;
	(v2sf) =	vpush v3, $0xF  }
0x12b: {  	s26 =	sand.u32 $0x80, s24  }
0x12c: {  	s1 =	sadd.s32 s26, s25;
	s0 =	sand.u32 $0x70, s24  }
0x12d: {  	s0 =	sadd.s32 s0, s1;
	v3, _, _ =	vpop (xrf0)  }
0x12e: {  	v2 =	vld [tilespmem:s0+$0x0];
	s9 =	spop (v2sf);
	(v2sf) =	vpush v3, $0xF  }
0x12f: {  	s30 =	simm.s32 $0x1;
	s29 =	simm.s32 $0x2  }
0x130: {  	s28 =	simm.s32 $0x3;
	s31 =	simm.s32 $0x5;
	p5 =	por $0x1, $0x1  }
0x131: {  	s23 =	simm.s32 $0xFFFFFFFF;
	s1 =	simm.s32 $0x40;
	s24 =	sadd.s32 s20, s9  }
0x132: {  	s26 =	simm.s32 $0x4;
	s11 =	sand.u32 $0x80, s1;
	p6 =	sgt.s32 s24, $0x3E7  }
0x133: {  	s0 =	sadd.s32 s11, s25;
	(xrf0) =	vadd.scan.msk.s32 $0xffff, v2;
	s9 =	sand.u32 $0x70, s1;
	p0 =	por !p5, !p6  }
0x134: {  	s11 =	sadd.s32 s9, s0;
	s0 =	simm.s32 $0x0;
	p0 =	por !p0, !p0  }
.LBB2_11:
0x135: {  	p1 =	sne.s32 s31, $0xF;
	s23 =	smov.u32 @p0 s0;
	s22 =	smov.u32 @p0 s20  }
0x136: {  	v2 =	vld [tilespmem:s11+$0x0];
	s0 =	smov.u32 s30;
	s30 =	smov.u32 s29;
	s29 =	smov.u32 s28  }
0x137: {  	s28 =	smov.u32 s26;
	s26 =	smov.u32 s31;
	s31 =	sadd.s32 $0x1, s31  }
0x138: {  	s20 =	smov.u32 s24  }
.Ltmp4:
0x139: {  	v3, _, _ =	vpop (xrf0);
	s11 =	spop (v2sf);
	(pc) =	sbr.rel @p1 .LBB2_11-.Ltmp4, $4  }
0x13a: {  	s1 =	sadd.s32 $0x10, s1;
	(v2sf) =	vpush v3, $0xF;
	s24 =	sadd.s32 s24, s11  }
0x13b: {  	p0 =	slt.s32 s23, $0x0;
	s11 =	sand.u32 $0x80, s1;
	(xrf0) =	vadd.scan.msk.s32 $0xffff, v2;
	p2 =	sgt.s32 s24, $0x3E7  }
0x13c: {  	s9 =	sand.u32 $0x70, s1;
	s11 =	sadd.s32 s11, s25;
	p0 =	por !p0, !p2  }
0x13d: {  	s11 =	sadd.s32 s9, s11;
	p0 =	por !p0, !p0  }
0x13e: {  	v2 =	vld [tilespmem:s11+$0x0];
	_ =	sdelay $0x4  }
0x13f: {  	(xrf0) =	vadd.scan.msk.s32 $0xffff, v2;
	_ =	sdelay $0x1  }
0x140: {  	v2, _, _ =	vpop (xrf0)  }
0x141: {  	(v2sf) =	vpush v2, $0xF;
	_ =	sdelay $0x2  }
0x142: {  	v2, _, _ =	vpop (xrf0)  }
0x143: {  	(v2sf) =	vpush v2, $0xF;
	_ =	sdelay $0x2  }
0x144: {  	s1 =	spop (v2sf)  }
0x145: {  	s23 =	smov.u32 @p0 s0;
	s0 =	sadd.s32 s24, s1  }
0x146: {  	p1 =	slt.s32 s23, $0x0;
	p2 =	sgt.s32 s0, $0x3E7  }
0x147: {  	p1 =	por !p1, !p2  }
0x148: {  	p1 =	por !p1, !p1;
	s25 =	spop (v2sf)  }
0x149: {  	s23 =	smov.u32 @p1 s30;
	s1 =	sadd.s32 s0, s25  }
0x14a: {  	p4 =	slt.s32 s23, $0x0;
	p3 =	sgt.s32 s1, $0x3E7  }
0x14b: {  	p2 =	por !p4, !p3  }
0x14c: {  	p2 =	por !p2, !p2;
	s9 =	spop (v2sf)  }
0x14d: {  	s23 =	smov.u32 @p2 s29;
	s9 =	sadd.s32 s1, s9  }
0x14e: {  	p5 =	slt.s32 s23, $0x0;
	p4 =	sgt.s32 s9, $0x3E7  }
0x14f: {  	p3 =	por !p5, !p4  }
0x150: {  	p3 =	por !p3, !p3;
	s30 =	spop (v2sf)  }
0x151: {  	s23 =	smov.u32 @p3 s28;
	s11 =	sadd.s32 s9, s30  }
0x152: {  	p6 =	slt.s32 s23, $0x0;
	p5 =	sgt.s32 s11, $0x3E7  }
0x153: {  	p4 =	por !p6, !p5  }
0x154: {  	p4 =	por !p4, !p4  }
0x155: {  	s23 =	smov.u32 @p4 s26  }
0x156: {  	s31 =	sshll.u32 s21, $0x8;
	s23 =	sshll.u32 s23, $0x4  }
0x157: {  	s21 =	sadd.s32 s31, s23  }
0x158: {  	s23 =	sand.u32 $0x70, s23;
	s11 =	sand.u32 $0xFFFFFF80, s21  }
0x159: {  	s11 =	sor.u32 s23, s11;
	s23 =	simm.s32 $0x18880  }
0x15a: {  	v2 =	vld [tilespmem:s11+$0x18800];
	[tilespmem:s23+$0xFFFFFF80] =	vst v0  }
0x15b: {  	[tilespmem:s23+$0x70] =	vst v0  }
0x15c: {  	[tilespmem:s23+$0x60] =	vst v0  }
0x15d: {  	[tilespmem:s23+$0x50] =	vst v0  }
0x15e: {  	[tilespmem:s23+$0x40] =	vst v0  }
0x15f: {  	[tilespmem:s23+$0x30] =	vst v0;
	(xrf0) =	vadd.scan.msk.s32 $0xffff, v2  }
0x160: {  	[tilespmem:s23+$0x20] =	vst v0  }
0x161: {  	s22 =	smov.u32 @p0 s20;
	[tilespmem:s23+$0x10] =	vst v0  }
0x162: {  	s22 =	smov.u32 @p1 s24;
	[tilespmem:s23+$0x0] =	vst v0  }
0x163: {  	s22 =	smov.u32 @p2 s0;
	[tilespmem:s23+$0xFFFFFFF0] =	vst v0  }
0x164: {  	s22 =	smov.u32 @p3 s1;
	[tilespmem:s23+$0xFFFFFFE0] =	vst v0  }
0x165: {  	s22 =	smov.u32 @p4 s9;
	[tilespmem:s23+$0xFFFFFFD0] =	vst v0;
	v2, _, _ =	vpop (xrf0)  }
0x166: {  	[tilespmem:s23+$0xFFFFFFC0] =	vst v0;
	v2 =	vadd.s32 s22, v2  }
0x167: {  	[tilespmem:s23+$0xFFFFFFB0] =	vst v0;
	vm0 =	vgt.s32 v2, $0x3E7  }
0x168: {  	s0 =	simm.s32 $0x0;
	[tilespmem:s23+$0xFFFFFFA0] =	vst v0;
	v2 =	vmctz.xlane vm0  }
.LBB2_13:
0x169: {  	s0 =	sadd.s32 $0x10, s0;
	[tilespmem:s23+$0xFFFFFF90] =	vst v0;
	s23 =	sadd.s32 $0x100, s23  }
0x16a: {  	[tilespmem:s23+$0xFFFFFF80] =	vst v0;
	p0 =	slt.u32 s0, $0x1F0  }
0x16b: {  	[tilespmem:s23+$0x70] =	vst v0  }
0x16c: {  	[tilespmem:s23+$0x60] =	vst v0  }
0x16d: {  	[tilespmem:s23+$0x50] =	vst v0  }
0x16e: {  	[tilespmem:s23+$0x40] =	vst v0  }
0x16f: {  	[tilespmem:s23+$0x30] =	vst v0  }
0x170: {  	[tilespmem:s23+$0x20] =	vst v0  }
0x171: {  	[tilespmem:s23+$0x10] =	vst v0  }
0x172: {  	[tilespmem:s23+$0x0] =	vst v0  }
0x173: {  	[tilespmem:s23+$0xFFFFFFF0] =	vst v0  }
.Ltmp5:
0x174: {  	[tilespmem:s23+$0xFFFFFFE0] =	vst v0;
	(pc) =	sbr.rel @p0 .LBB2_13-.Ltmp5, $4  }
0x175: {  	[tilespmem:s23+$0xFFFFFFD0] =	vst v0  }
0x176: {  	[tilespmem:s23+$0xFFFFFFC0] =	vst v0  }
0x177: {  	[tilespmem:s23+$0xFFFFFFB0] =	vst v0  }
0x178: {  	[tilespmem:s23+$0xFFFFFFA0] =	vst v0  }
0x179: {  	v2 =	vadd.s32 s21, v2  }
0x17a: {  	s18 =	sadd.s32 $0x1, s18;
	v2 =	vshll.u32 v2, $0xB  }
0x17b: {  	[tilespmem:s23+$0xFFFFFF90] =	vst v0;
	s0 =	sshll.u32 s19, $0x4;
	p0 =	sne.s32 s18, $0x8;
	v2 =	vadd.s32 $0x800, v2  }
.Ltmp6:
0x17c: {  	s0 =	sadd.s32 s6, s0;
	[tilespmem:$0x1A800] =	vst v2;
	(pc) =	sbr.rel @p0 .LBB2_4-.Ltmp6, $4  }
0x17d: {  	[hbm4b:s0+s3] =	stream.linear.scatter [tilespmem:s15], [sflag:$0x3], $0x80, $0x38;
	[tilespmem:$0x1A880] =	vst v63  }
0x17e: {  	_ =	swait.ge [sflag:s16], $0x80  }
0x17f: {  	[sflag:s16] =	ssyncset.done $0x0  }
0x180: {  	[sflag:s16] =	ssyncadd.s32 $0xFFFFFF80  }
0x181: {  	s17 =	sadd.s32 $0x1, s17  }
0x182: {  	p0 =	sne.s32 s17, s8  }
.Ltmp7:
0x183: {  	_ = 	snop;
	(pc) =	sbr.rel @p0 .LBB2_1-.Ltmp7, $1  }
0x184: {  	_ =	sdelay $0x3  }
0x185: {  	_ =	sfence.sel $0x180000  }
0x186: {  	[bflag:$0x0] =	sbarrier.arrive $0xFFFF  }
0x187: {  	_ =	strace $0x90000050  }
0x188: {  	s0 =	stileid.u32;
	[bflag:$0x2] =	sbarrier.arrive $0xFFFF  }
0x189: {  	p0 =	sne.s32 s0, $0x0;
	s0 =	rddreg [dreg:$0x1]  }
0x18a: {  	s0 =	sadd.s32 @!p0 $0x100000, s0  }
0x18b: {  	[sflag:s0] =	ssyncadd.tile.s32 @!p0 $0x1;
	_ =	shalt  }
.Lfunc_end2:
_tile_overlayer_lowered:
.L_overlay_start_2:
0x18c: {  	(tag) =	ssettag $0x2  }
0x18d: {  	s0 =	rddreg [dreg:$0x0];
	s2 =	stileid.u32  }
0x18e: {  	s1 =	rddreg [dreg:$0x1];
	p0 =	sne.s32 s2, $0x0  }
0x18f: {  	s3 =	rddreg [dreg:$0x2];
	[bflag:$0x3] =	sbarrier.arrive $0xFFFF;
	s2 =	simm.s32 @!p0 $0x1C03  }
0x190: {  	[timem:s3], [sflag:s2] =	dma.local @!p0 [hbm:s0], s1  }
0x191: {  	s0 =	simm.s32 @!p0 $0x3  }
0x192: {  	_ =	swait.ge @!p0 [sflag:s0], s1  }
0x193: {  	s1 =	ssub.s32 @!p0 $0x0, s1;
	[sflag:s0] =	ssyncset.done @!p0 $0x0  }
0x194: {  	[sflag:s0] =	ssyncadd.s32 @!p0 s1  }
0x195: {  	[bflag:$0x3] =	sbarrier.arrive $0xFFFF  }
0x196: {  	_ =	shalt  }

// kernel: kernel.17.cloned.1.call-start
scs
__scs_entry_jumppad:
0x0: {  	(pc) =	sbr.rel $0x88, $3  }
0x1: {  	(tag) =	ssettag $0x0;
	lr =	simm.s32 $0x1  }
0x2: {  	[smem:$0x3F9E] =	sst lr;
	_ =	strace $0xD0000000  }
0x3: {  	_ = 	snop  }
0x4: {  	_ = 	snop  }
0x5: {  	_ = 	snop  }
0x6: {  	_ = 	snop  }
0x7: {  	_ = 	snop  }
__scs_overlays_trampoline_lowered:
0x8: {  	[smem:$0x3FAD] =	sst s0  }
0x9: {  	[smem:$0x3FAE] =	sst s1  }
0xa: {  	[smem:$0x3FAF] =	sst s2  }
0xb: {  	[smem:$0x3FB0] =	sst s3  }
0xc: {  	[smem:$0x3FB1] =	sst s4  }
0xd: {  	[smem:$0x3FB2] =	sst s5  }
0xe: {  	[smem:$0x3FB3] =	sst s6  }
0xf: {  	[smem:$0x3FB4] =	sst s7  }
0x10: {  	[smem:$0x3FB5] =	sst s8  }
0x11: {  	[smem:$0x3FB6] =	sst s9;
	s0 =	simm.s32 @!p0 $0x0  }
0x12: {  	s1 =	sld [smem:$0x3F9C];
	s0 =	simm.s32 @p0 $0x1  }
0x13: {  	[smem:$0x3FB7] =	sst s0;
	s0 =	simm.s32 @!p1 $0x0  }
0x14: {  	s2 =	sld [smem:$0x3F9B];
	s0 =	simm.s32 @p1 $0x1  }
0x15: {  	[smem:$0x3FB8] =	sst s0;
	s0 =	simm.s32 @!p2 $0x0  }
0x16: {  	s3 =	sld [smem:$0x3FDB];
	s0 =	simm.s32 @p2 $0x1  }
0x17: {  	s4 =	simm.s32 $0x1BF5;
	[smem:$0x3FBA] =	sst s0  }
0x18: {  	s0 =	sld [smem:$0x3F9D];
	_ =	swait.ge [sflag:s4], $0x0  }
0x19: {  	s7 =	sld [smem:$0x3F9E]  }
0x1a: {  	s8 =	sadd.s32 $0xFFFFE003, lr  }
0x1b: {  	s9 =	sadd.s32 $0xFFFFFEF7, lr;
	s5 =	simm.s32 $0xFFFFFFFF;
	p2 =	slt.u32 s8, $0xFFFFF086  }
0x1c: {  	p1 =	slt.u32 s9, $0xF7A;
	s5 =	simm.s32 @!p2 $0x0  }
0x1d: {  	s5 =	simm.s32 @p1 $0x1;
	p0 =	seq.s32 s7, s2  }
0x1e: {  	s7 =	smul.u32 @!p0 $0xF7A, s2;
	p2 =	seq.s32 @!p0 s5, $0x0  }
0x1f: {  	s9 =	smul.u32 $0xF7A, s1;
	s8 =	simm.s32 @!p0 $0x1BF5;
	p2 =	por !p2, p0  }
0x20: {  	[sflag:s8] =	ssyncset.s32 @!p0 $0xFFFFF086;
	s6 =	sadd.s32 @!p0 s3, s7;
	s7 =	simm.s32 @!p0 $0x108  }
0x21: {  	s3 =	sadd.s32 s3, s9;
	s6 =	sadd.s32 @!p0 $0x88, s6;
	s7 =	simm.s32 @p2 $0x1082  }
0x22: {  	[simem:s7], [sflag:s8] =	dma.local @!p0 [hbm:s6], $0xF7A  }
0x23: {  	s9 =	sor.u32 $0xD0000000, s2;
	s6 =	simm.s32 $0x108;
	_ =	swait.ge @!p0 [sflag:s8], $0x0  }
0x24: {  	s3 =	sadd.s32 $0x88, s3;
	s6 =	simm.s32 @!p1 $0x1082;
	[sflag:s4] =	ssyncset.s32 $0xFFFFF086  }
0x25: {  	[simem:s6], [sflag:s4] =	dma.local [hbm:s3], $0xF7A  }
0x26: {  	[smem:$0x3F9E] =	sst s1;
	(tag) =	ssettag s2;
	_ =	strace s9  }
0x27: {  	s1 =	sld [smem:$0x3FAE]  }
0x28: {  	s2 =	sld [smem:$0x3FAF]  }
0x29: {  	s4 =	sld [smem:$0x3FB1]  }
0x2a: {  	p0 =	seq.s32 s5, $0x0;
	s5 =	sld [smem:$0x3FB2]  }
0x2b: {  	s6 =	sld [smem:$0x3FB3]  }
0x2c: {  	s7 =	sld [smem:$0x3FB4]  }
0x2d: {  	s3 =	simm.s32 $0x108;
	s8 =	sld [smem:$0x3FB5]  }
0x2e: {  	s3 =	simm.s32 @!p0 $0x1082;
	s9 =	sld [smem:$0x3FB6]  }
0x2f: {  	lr =	sadd.s32 s0, s3;
	s0 =	sld [smem:$0x3FAD]  }
0x30: {  	s3 =	sld [smem:$0x3FB0]  }
0x31: {  	[smem:$0x3FB9] =	sst s10  }
0x32: {  	s10 =	sld [smem:$0x3FB7];
	_ =	sdelay $0x3  }
0x33: {  	p0 =	seq.s32 s10, $0x1;
	s10 =	sld [smem:$0x3FB9];
	_ =	sdelay $0x3  }
0x34: {  	[smem:$0x3FB9] =	sst s10  }
0x35: {  	s10 =	sld [smem:$0x3FB8];
	_ =	sdelay $0x3  }
0x36: {  	p1 =	seq.s32 s10, $0x1;
	s10 =	sld [smem:$0x3FB9];
	_ =	sdelay $0x3  }
0x37: {  	[smem:$0x3FB9] =	sst s10  }
0x38: {  	s10 =	sld [smem:$0x3FBA]  }
0x39: {  	_ = 	snop;
	(pc) =	sbr.ind lr, $3  }
0x3a: {  	_ = 	snop  }
0x3b: {  	_ = 	snop  }
0x3c: {  	p2 =	seq.s32 s10, $0x1;
	s10 =	sld [smem:$0x3FB9]  }
0x3d: {  	_ =	shalt  }
0x3e: {  	_ =	shalt  }
0x3f: {  	_ =	shalt  }
0x40: {  	_ =	shalt  }
0x41: {  	_ =	shalt  }
0x42: {  	_ =	shalt  }
0x43: {  	_ =	shalt  }
0x44: {  	_ =	shalt  }
0x45: {  	_ =	shalt  }
0x46: {  	_ =	shalt  }
0x47: {  	_ =	shalt  }
0x48: {  	_ =	shalt  }
0x49: {  	_ =	shalt  }
0x4a: {  	_ =	shalt  }
0x4b: {  	_ =	shalt  }
0x4c: {  	_ =	shalt  }
0x4d: {  	_ =	shalt  }
0x4e: {  	_ =	shalt  }
0x4f: {  	_ =	shalt  }
0x50: {  	_ =	shalt  }
0x51: {  	_ =	shalt  }
0x52: {  	_ =	shalt  }
0x53: {  	_ =	shalt  }
0x54: {  	_ =	shalt  }
0x55: {  	_ =	shalt  }
0x56: {  	_ =	shalt  }
0x57: {  	_ =	shalt  }
0x58: {  	_ =	shalt  }
0x59: {  	_ =	shalt  }
0x5a: {  	_ =	shalt  }
0x5b: {  	_ =	shalt  }
0x5c: {  	_ =	shalt  }
0x5d: {  	_ =	shalt  }
0x5e: {  	_ =	shalt  }
0x5f: {  	_ =	shalt  }
0x60: {  	_ =	shalt  }
0x61: {  	_ =	shalt  }
0x62: {  	_ =	shalt  }
0x63: {  	_ =	shalt  }
0x64: {  	_ =	shalt  }
0x65: {  	_ =	shalt  }
0x66: {  	_ =	shalt  }
0x67: {  	_ =	shalt  }
0x68: {  	_ =	shalt  }
0x69: {  	_ =	shalt  }
0x6a: {  	_ =	shalt  }
0x6b: {  	_ =	shalt  }
0x6c: {  	_ =	shalt  }
0x6d: {  	_ =	shalt  }
0x6e: {  	_ =	shalt  }
0x6f: {  	_ =	shalt  }
0x70: {  	_ =	shalt  }
0x71: {  	_ =	shalt  }
0x72: {  	_ =	shalt  }
0x73: {  	_ =	shalt  }
0x74: {  	_ =	shalt  }
0x75: {  	_ =	shalt  }
0x76: {  	_ =	shalt  }
0x77: {  	_ =	shalt  }
0x78: {  	_ =	shalt  }
0x79: {  	_ =	shalt  }
0x7a: {  	_ =	shalt  }
0x7b: {  	_ =	shalt  }
0x7c: {  	_ =	shalt  }
0x7d: {  	_ =	shalt  }
0x7e: {  	_ =	shalt  }
0x7f: {  	_ =	shalt  }
0x80: {  	_ =	shalt  }
0x81: {  	_ =	shalt  }
0x82: {  	_ =	shalt  }
0x83: {  	_ =	shalt  }
0x84: {  	_ =	shalt  }
0x85: {  	_ =	shalt  }
0x86: {  	_ =	shalt  }
0x87: {  	_ =	shalt  }
.Lfunc_end0:
.L_simem_size_0:
called_computation.1_lowered:
.L_overlay_start_0:
0x88: {  	s2 =	sld [smem:$0x3FD9]  }
0x89: {  	s3 =	sld [smem:$0x3FFE];
	_ =	sdelay $0x1  }
0x8a: {  	s1 =	srdreg.scid  }
0x8b: {  	s0 =	sand.u32 $0x1, s1  }
0x8c: {  	s17 =	sshll.u32 s0, $0xA;
	s2 =	sadd.s32 s3, s2  }
0x8d: {  	s2 =	sadd.s32 s2, s17  }
0x8e: {  	[smem:$0x3FC5] =	sst s2  }
0x8f: {  	_ = 	snop  }
0x90: {  	(tm) =	ssettm $0x1  }
0x91: {  	s18 =	sld [smem:$0x3FFB];
	_ =	sdelay $0x3  }
0x92: {  	_ =	strace s18  }
0x93: {  	s2 =	sld [smem:$0x3FFC];
	_ =	sdelay $0x3  }
0x94: {  	_ =	strace s2  }
0x95: {  	s2 =	sld [smem:$0x3FFD];
	_ =	sdelay $0x3  }
0x96: {  	_ =	strace s2  }
0x97: {  	_ =	strace $0x8FFFFFFF  }
0x98: {  	s19 =	sld [smem:$0x3FDB];
	_ =	sdelay $0x1  }
0x99: {  	s20 =	simm.s32 $_scs_section_size  }
0x9a: {  	s4 =	simm.s32 $_size__tile_overlayer_lowered;
	s5 =	simm.s32 $_tile_overlayer_lowered  }
0x9b: {  	s6 =	simm.s32 $0x1BFF;
	s21 =	sshll.u32 s5, $0x1;
	s3 =	sadd.s32 s20, s19  }
0x9c: {  	s22 =	simm.s32 $0x0;
	s4 =	sshll.u32 s4, $0x1;
	s5 =	sadd.s32 s21, s3  }
0x9d: {  	[timem:s22], [sflag:s6] =	dma.local [hbm:s5], s4  }
0x9e: {  	_ =	swait.ge [sflag:s6], s4  }
0x9f: {  	s4 =	ssub.s32 $0x0, s4;
	[sflag:s6] =	ssyncset.done $0x0  }
0xa0: {  	[sflag:s6] =	ssyncadd.s32 s4;
	_ =	sdelay $0x1  }
0xa1: {  	s23 =	simm.s32 $0x1B8B  }
0xa2: {  	_ =	swait.ge [sflag:s23], $0x1  }
0xa3: {  	[sflag:s23] =	ssyncset.done $0x0  }
0xa4: {  	[sflag:s23] =	ssyncadd.s32 $0xFFFFFFFF  }
0xa5: {  	s4 =	sld [smem:$0x0]  }
0xa6: {  	s5 =	sand.u32 $0xFFFFFFFE, s1  }
0xa7: {  	p0 =	sne.s32 s1, s5  }
0xa8: {  	s5 =	sshll.u32 @p0 s5, $0xE  }
0xa9: {  	s5 =	sadd.s32 @p0 $0x11B8D, s5;
	s6 =	sshll.u32 @p0 s4, $0x11  }
0xaa: {  	s5 =	sor.u32 @p0 s6, s5  }
0xab: {  	[sflag:s5] =	ssyncadd.remote.s32 @p0 $0x1;
	_ =	sdelay $0x1  }
0xac: {  	s5 =	simm.s32 @p0 $0x1B8D  }
0xad: {  	_ =	swait.eq @p0 [sflag:s5], $0x1  }
0xae: {  	[sflag:s5] =	ssyncadd.s32 @p0 $0xFFFFFFFF  }
0xaf: {  	s6 =	sshll.u32 @!p0 s1, $0xE  }
0xb0: {  	s6 =	sor.u32 @!p0 $0x4000, s6;
	s5 =	simm.s32 @!p0 $0x1B8D  }
0xb1: {  	s4 =	sshll.u32 @!p0 s4, $0x11;
	s6 =	sadd.s32 @!p0 $0x11B8D, s6;
	_ =	swait.eq @!p0 [sflag:s5], $0x1  }
0xb2: {  	s4 =	sor.u32 @!p0 s4, s6;
	[sflag:s5] =	ssyncadd.s32 @!p0 $0xFFFFFFFF  }
0xb3: {  	s25 =	simm.s32 $0x1B8E;
	s24 =	sld [smem:$0x3FFE];
	[sflag:s4] =	ssyncadd.remote.s32 @!p0 $0x1  }
0xb4: {  	s26 =	simm.s32 $execute0_lowered;
	[smem:$0x3FD2] =	sst s25  }
0xb5: {  	s5 =	sshll.u32 s26, $0x1;
	_ =	strace $0x8000004C;
	[dreg:$0x1] =	wrdreg $0xFFFFFFFF  }
0xb6: {  	s28 =	simm.s32 $_size_execute0_lowered;
	s3 =	sadd.s32 s3, s5;
	[dreg:$0x0] =	wrdreg $0x0  }
0xb7: {  	s5 =	sshll.u32 s28, $0x1;
	[dreg:$0x2] =	wrdreg s3  }
0xb8: {  	[dreg:$0x3] =	wrdreg s5  }
0xb9: {  	[dreg:$0x4] =	wrdreg $0xC0  }
0xba: {  	_ =	task [dreg:s22], $0x5FFFF  }
0xbb: {  	[dreg:$0x1] =	wrdreg $0xFFFFFFFF  }
0xbc: {  	[dreg:$0x0] =	wrdreg $0x60  }
0xbd: {  	[dreg:$0x2] =	wrdreg s24  }
0xbe: {  	[dreg:$0x3] =	wrdreg $0xA  }
0xbf: {  	_ =	task.clear_ibuf [dreg:s22], $0x4FFFF;
	_ =	strace $0x9000004C  }
0xc0: {  	s29 =	simm.s32 $0xA;
	_ =	strace $0x8000004E  }
0xc1: {  	_ =	swait.ge [sflag:s29], $0x1  }
0xc2: {  	[sflag:s29] =	ssyncadd.s32 $0xFFFFFFFF  }
0xc3: {  	_ =	strace $0x9000004E  }
0xc4: {  	_ =	sfence  }
0xc5: {  	s30 =	sld [smem:$0x0];
	_ =	sdelay $0x2  }
0xc6: {  	s31 =	sshll.u32 s1, $0xD;
	s1 =	sshrl.u32 s1, $0x2  }
0xc7: {  	s4 =	sand.u32 $0x4000, s31;
	s1 =	sadd.s32 s1, s30  }
0xc8: {  	s0 =	sor.u32 s4, s0;
	s1 =	sshll.u32 s1, $0x11  }
0xc9: {  	s0 =	sor.u32 s1, s0  }
0xca: {  	s0 =	sadd.s32 $0x8F2B, s0  }
0xcb: {  	[sflag:s0] =	ssyncadd.remote.s32 $0x1  }
0xcc: {  	_ =	sfence.sel $0xFFFF  }
0xcd: {  	[dreg:$0x0] =	wrdreg $0xFFFFFFFF;
	(pc) =	sbr.abs _section_cstart, $3  }
0xce: {  	[dreg:$0x1] =	wrdreg $0xFFFFFFFF  }
0xcf: {  	_ =	task.clear_ibuf [dreg:s22], $0x2FFFF;
	_ =	strace $0x9FFFFFFF  }
0xd0: {  	(tm) =	ssettm $0x7FFFFFFF  }
0xd1: {  	_ =	shalt  }
tec
execute0_lowered:
.L_overlay_start_1:
0x0: {  	(tag) =	ssettag $0x1  }
0x1: {  	s0 =	srdreg.scid  }
0x2: {  	s1 =	stileid.u32;
	s31 =	rddreg [dreg:$0x0];
	s0 =	sand.u32 $0x1, s0  }
0x3: {  	s3 =	simm.s32 $0x0;
	s1 =	sshll.u32 s1, $0x4;
	s2 =	sshll.u32 s0, $0x3  }
0x4: {  	s10 =	simm.s32 $0x400;
	s12 =	simm.s32 $0x1;
	s2 =	sor.u32 s2, s1  }
0x5: {  	s13 =	simm.s32 $0x18800;
	s14 =	simm.s32 $0x2;
	s4 =	sshrl.u32 s2, $0x3  }
0x6: {  	s15 =	simm.s32 $0x1A800;
	s16 =	simm.s32 $0x3;
	s5 =	smul.u32 $0xC4000, s4  }
0x7: {  	s17 =	simm.s32 $0x0;
	[smem:$0x7FF] =	sst s3;
	s0 =	ssub.s32 $0x2, s0  }
0x8: {  	s6 =	sshrl.u32 s0, $0x1;
	s4 =	sadd.s32 $0x62DE00, s31;
	s5 =	sshrl.u32 s5, $0x3  }
0x9: {  	_ =	strace $0x8000004D;
	s0 =	ssub.s32 s0, s6;
	s5 =	sadd.s32 s4, s5  }
0xa: {  	v0 =	vimm.s32 $0x0;
	v1 =	vimm.s32 $0x1;
	s6 =	sadd.s32 $0x93FE00, s31;
	s8 =	smax.u32 s0, $0x1;
	s7 =	sadd.s32 $0xC400, s5  }
.LBB2_1:
0xb: {  	s18 =	simm.s32 $0x18880  }
0xc: {  	[tilespmem:s18+$0xFFFFFF80] =	vst v0  }
0xd: {  	[tilespmem:s18+$0x70] =	vst v0  }
0xe: {  	[tilespmem:s18+$0x60] =	vst v0  }
0xf: {  	[tilespmem:s18+$0x50] =	vst v0  }
0x10: {  	[tilespmem:s18+$0x40] =	vst v0  }
0x11: {  	[tilespmem:s18+$0x30] =	vst v0  }
0x12: {  	[tilespmem:s18+$0x20] =	vst v0  }
0x13: {  	[tilespmem:s18+$0x10] =	vst v0  }
0x14: {  	[tilespmem:s18+$0x0] =	vst v0  }
0x15: {  	[tilespmem:s18+$0xFFFFFFF0] =	vst v0  }
0x16: {  	[tilespmem:s18+$0xFFFFFFE0] =	vst v0  }
0x17: {  	[tilespmem:s18+$0xFFFFFFD0] =	vst v0  }
0x18: {  	[tilespmem:s18+$0xFFFFFFC0] =	vst v0  }
0x19: {  	[tilespmem:s18+$0xFFFFFFB0] =	vst v0  }
0x1a: {  	s0 =	simm.s32 $0x0;
	[tilespmem:s18+$0xFFFFFFA0] =	vst v0  }
.LBB2_2:
0x1b: {  	s0 =	sadd.s32 $0x10, s0;
	[tilespmem:s18+$0xFFFFFF90] =	vst v0;
	s18 =	sadd.s32 $0x100, s18  }
0x1c: {  	[tilespmem:s18+$0xFFFFFF80] =	vst v0;
	p0 =	slt.u32 s0, $0x1F0  }
0x1d: {  	[tilespmem:s18+$0x70] =	vst v0  }
0x1e: {  	[tilespmem:s18+$0x60] =	vst v0  }
0x1f: {  	[tilespmem:s18+$0x50] =	vst v0  }
0x20: {  	[tilespmem:s18+$0x40] =	vst v0  }
0x21: {  	[tilespmem:s18+$0x30] =	vst v0  }
0x22: {  	[tilespmem:s18+$0x20] =	vst v0  }
0x23: {  	[tilespmem:s18+$0x10] =	vst v0  }
0x24: {  	[tilespmem:s18+$0x0] =	vst v0  }
0x25: {  	[tilespmem:s18+$0xFFFFFFF0] =	vst v0  }
.Ltmp0:
0x26: {  	[tilespmem:s18+$0xFFFFFFE0] =	vst v0;
	(pc) =	sbr.rel @p0 .LBB2_2-.Ltmp0, $4  }
0x27: {  	[tilespmem:s18+$0xFFFFFFD0] =	vst v0  }
0x28: {  	[tilespmem:s18+$0xFFFFFFC0] =	vst v0  }
0x29: {  	[tilespmem:s18+$0xFFFFFFB0] =	vst v0  }
0x2a: {  	[tilespmem:s18+$0xFFFFFFA0] =	vst v0  }
0x2b: {  	[tilespmem:s18+$0xFFFFFF90] =	vst v0;
	s18 =	simm.s32 $0x0;
	s0 =	simm.s32 $0x80  }
0x2c: {  	[tilespmem:s18], [sflag:$0x1] =	stream.strided.gather [hbm4b:s5+s0], $0xC400, s10, s0, $0x38;
	[tilespmem:$0x1A880] =	vst v63  }
0x2d: {  	s1 =	simm.s32 $0xC400  }
0x2e: {  	[tilespmem:s1], [sflag:$0x2] =	stream.strided.gather [hbm4b:s7+s0], $0xC400, s10, s0, $0x38;
	[tilespmem:$0x1A880] =	vst v63  }
.LBB2_4:
0x2f: {  	_ =	swait.ge [sflag:s12], $0xC400  }
0x30: {  	[sflag:s12] =	ssyncset.done $0x0  }
0x31: {  	s19 =	simm.s32 $0x80;
	[sflag:s12] =	ssyncadd.s32 $0xFFFF3C00  }
0x32: {  	v2 =	vld [tilespmem:s19+$0x10]  }
0x33: {  	v3 =	vld [tilespmem:s19+$0x0]  }
0x34: {  	v4 =	vld [tilespmem:s19+$0xFFFFFF80]  }
0x35: {  	v5 =	vld [tilespmem:s19+$0x70]  }
0x36: {  	v6 =	vld [tilespmem:s19+$0xFFFFFFA0]  }
0x37: {  	v7 =	vld [tilespmem:s19+$0xFFFFFFB0]  }
0x38: {  	v8 =	vld [tilespmem:s19+$0xFFFFFFC0]  }
0x39: {  	v10 =	vld [tilespmem:s19+$0x50]  }
0x3a: {  	v11 =	vld [tilespmem:s19+$0x40];
	v4 =	vshra.s32 v4, $0xB  }
0x3b: {  	v9 =	vld [tilespmem:s19+$0x60];
	v5 =	vshra.s32 v5, $0xB  }
0x3c: {  	v12 =	vld [tilespmem:s19+$0x30]  }
0x3d: {  	v13 =	vld [tilespmem:s19+$0x20]  }
0x3e: {  	v14 =	vld [tilespmem:s19+$0xFFFFFFD0];
	v59 =	vshra.s32 v10, $0xB  }
0x3f: {  	v60 =	vshra.s32 v11, $0xB;
	[tilespmem:v4+s13+$0x0] =	vst.idx.add.s32.msk $0xffff, v1  }
0x40: {  	v4 =	vshra.s32 v9, $0xB;
	[tilespmem:v5+s13+$0x0] =	vst.idx.add.s32.msk $0xffff, v1  }
0x41: {  	v5 =	vld [tilespmem:s19+$0xFFFFFFF0]  }
0x42: {  	v61 =	vld [tilespmem:s19+$0xFFFFFFE0];
	v2 =	vshra.s32 v2, $0xB  }
0x43: {  	v13 =	vshra.s32 v13, $0xB;
	[tilespmem:v59+s13+$0x0] =	vst.idx.add.s32.msk $0xffff, v1  }
0x44: {  	v3 =	vshra.s32 v3, $0xB;
	[tilespmem:v60+s13+$0x0] =	vst.idx.add.s32.msk $0xffff, v1  }
0x45: {  	v62 =	vshra.s32 v12, $0xB;
	[tilespmem:v4+s13+$0x0] =	vst.idx.add.s32.msk $0xffff, v1  }
0x46: {  	v63 =	vshra.s32 v14, $0xB;
	v4 =	vshra.s32 v5, $0xB;
	v5 =	vld [tilespmem:s19+$0xFFFFFF90]  }
0x47: {  	[tilespmem:v2+s13+$0x0] =	vst.idx.add.s32.msk $0xffff, v1;
	v2 =	vshra.s32 v7, $0xB  }
0x48: {  	v8 =	vshra.s32 v8, $0xB;
	[tilespmem:v13+s13+$0x0] =	vst.idx.add.s32.msk $0xffff, v1  }
0x49: {  	v6 =	vshra.s32 v6, $0xB;
	[tilespmem:v3+s13+$0x0] =	vst.idx.add.s32.msk $0xffff, v1  }
0x4a: {  	[tilespmem:v62+s13+$0x0] =	vst.idx.add.s32.msk $0xffff, v1  }
0x4b: {  	[tilespmem:v63+s13+$0x0] =	vst.idx.add.s32.msk $0xffff, v1;
	v3 =	vshra.s32 v5, $0xB  }
0x4c: {  	[tilespmem:v2+s13+$0x0] =	vst.idx.add.s32.msk $0xffff, v1;
	v2 =	vshra.s32 v61, $0xB  }
0x4d: {  	[tilespmem:v8+s13+$0x0] =	vst.idx.add.s32.msk $0xffff, v1  }
0x4e: {  	[tilespmem:v6+s13+$0x0] =	vst.idx.add.s32.msk $0xffff, v1  }
0x4f: {  	s20 =	simm.s32 $0x0;
	[tilespmem:v4+s13+$0x0] =	vst.idx.add.s32.msk $0xffff, v1  }
.LBB2_5:
0x50: {  	s20 =	sadd.s32 $0x10, s20;
	[tilespmem:v3+s13+$0x0] =	vst.idx.add.s32.msk $0xffff, v1;
	s19 =	sadd.s32 $0x100, s19  }
0x51: {  	p0 =	slt.u32 s20, $0xC30;
	[tilespmem:v2+s13+$0x0] =	vst.idx.add.s32.msk $0xffff, v1  }
0x52: {  	v2 =	vld [tilespmem:s19+$0x10]  }
0x53: {  	v3 =	vld [tilespmem:s19+$0x0]  }
0x54: {  	v4 =	vld [tilespmem:s19+$0xFFFFFF80]  }
0x55: {  	v5 =	vld [tilespmem:s19+$0x70]  }
0x56: {  	v6 =	vld [tilespmem:s19+$0xFFFFFFA0]  }
0x57: {  	v7 =	vld [tilespmem:s19+$0xFFFFFFB0]  }
0x58: {  	v8 =	vld [tilespmem:s19+$0xFFFFFFC0]  }
0x59: {  	v4 =	vshra.s32 v4, $0xB;
	v9 =	vld [tilespmem:s19+$0x60]  }
0x5a: {  	v10 =	vld [tilespmem:s19+$0x50];
	v5 =	vshra.s32 v5, $0xB  }
0x5b: {  	v11 =	vld [tilespmem:s19+$0x40]  }
0x5c: {  	v12 =	vld [tilespmem:s19+$0x30]  }
0x5d: {  	v13 =	vld [tilespmem:s19+$0x20]  }
0x5e: {  	[tilespmem:v4+s13+$0x0] =	vst.idx.add.s32.msk $0xffff, v1;
	v4 =	vshra.s32 v9, $0xB  }
0x5f: {  	v9 =	vshra.s32 v10, $0xB;
	[tilespmem:v5+s13+$0x0] =	vst.idx.add.s32.msk $0xffff, v1  }
0x60: {  	v5 =	vld [tilespmem:s19+$0xFFFFFFF0];
	v10 =	vshra.s32 v11, $0xB  }
0x61: {  	v11 =	vld [tilespmem:s19+$0xFFFFFFE0]  }
0x62: {  	v14 =	vld [tilespmem:s19+$0xFFFFFFD0];
	v13 =	vshra.s32 v13, $0xB  }
0x63: {  	v15 =	vshra.s32 v2, $0xB;
	[tilespmem:v4+s13+$0x0] =	vst.idx.add.s32.msk $0xffff, v1  }
0x64: {  	v3 =	vshra.s32 v3, $0xB;
	[tilespmem:v9+s13+$0x0] =	vst.idx.add.s32.msk $0xffff, v1  }
0x65: {  	v4 =	vshra.s32 v5, $0xB;
	[tilespmem:v10+s13+$0x0] =	vst.idx.add.s32.msk $0xffff, v1  }
0x66: {  	v9 =	vshra.s32 v12, $0xB;
	v5 =	vld [tilespmem:s19+$0xFFFFFF90];
	v2 =	vshra.s32 v11, $0xB  }
0x67: {  	v10 =	vshra.s32 v14, $0xB;
	[tilespmem:v13+s13+$0x0] =	vst.idx.add.s32.msk $0xffff, v1  }
0x68: {  	v8 =	vshra.s32 v8, $0xB;
	[tilespmem:v15+s13+$0x0] =	vst.idx.add.s32.msk $0xffff, v1  }
0x69: {  	v7 =	vshra.s32 v7, $0xB;
	[tilespmem:v3+s13+$0x0] =	vst.idx.add.s32.msk $0xffff, v1  }
0x6a: {  	v6 =	vshra.s32 v6, $0xB;
	[tilespmem:v4+s13+$0x0] =	vst.idx.add.s32.msk $0xffff, v1  }
.Ltmp1:
0x6b: {  	v3 =	vshra.s32 v5, $0xB;
	[tilespmem:v9+s13+$0x0] =	vst.idx.add.s32.msk $0xffff, v1;
	(pc) =	sbr.rel @p0 .LBB2_5-.Ltmp1, $4  }
0x6c: {  	[tilespmem:v10+s13+$0x0] =	vst.idx.add.s32.msk $0xffff, v1  }
0x6d: {  	[tilespmem:v8+s13+$0x0] =	vst.idx.add.s32.msk $0xffff, v1  }
0x6e: {  	[tilespmem:v7+s13+$0x0] =	vst.idx.add.s32.msk $0xffff, v1  }
0x6f: {  	[tilespmem:v6+s13+$0x0] =	vst.idx.add.s32.msk $0xffff, v1  }
0x70: {  	s19 =	sor.u32 s2, s18;
	p0 =	seq.s32 s18, $0x7  }
0x71: {  	s0 =	sadd.s32 @!p0 $0x1, s19  }
0x72: {  	s1 =	sshrl.u32 @!p0 s0, $0x3  }
0x73: {  	s0 =	sshll.u32 @!p0 s0, $0x7;
	s1 =	smul.u32 @!p0 $0xC4000, s1  }
0x74: {  	s0 =	sand.u32 @!p0 $0x380, s0  }
0x75: {  	s0 =	sor.u32 @!p0 s0, s1  }
0x76: {  	[tilespmem:v3+s13+$0x0] =	vst.idx.add.s32.msk $0xffff, v1;
	s11 =	simm.s32 @!p0 $0x400;
	s0 =	sshrl.u32 @!p0 s0, $0x3  }
0x77: {  	[tilespmem:v2+s13+$0x0] =	vst.idx.add.s32.msk $0xffff, v1;
	s20 =	simm.s32 @!p0 $0x0;
	s1 =	simm.s32 @!p0 $0x80;
	s0 =	sadd.s32 @!p0 s4, s0  }
0x78: {  	[tilespmem:s20], [sflag:$0x1] =	stream.strided.gather @!p0 [hbm4b:s0+s1], $0xC400, s11, s1, $0x38;
	[tilespmem:$0x1A880] =	vst v63  }
0x79: {  	_ =	swait.ge [sflag:s14], $0xC400  }
0x7a: {  	[sflag:s14] =	ssyncset.done $0x0  }
0x7b: {  	s20 =	simm.s32 $0xC4F0;
	[sflag:s14] =	ssyncadd.s32 $0xFFFF3C00  }
0x7c: {  	v2 =	vld [tilespmem:s20+$0xFFFFFFA0]  }
0x7d: {  	v3 =	vld [tilespmem:s20+$0xFFFFFF90]  }
0x7e: {  	v4 =	vld [tilespmem:s20+$0xFFFFFF10]  }
0x7f: {  	v5 =	vld [tilespmem:s20+$0x0]  }
0x80: {  	v6 =	vld [tilespmem:s20+$0xFFFFFF30]  }
0x81: {  	v7 =	vld [tilespmem:s20+$0xFFFFFF40]  }
0x82: {  	v8 =	vld [tilespmem:s20+$0xFFFFFF50]  }
0x83: {  	v10 =	vld [tilespmem:s20+$0xFFFFFFE0]  }
0x84: {  	v11 =	vld [tilespmem:s20+$0xFFFFFFD0];
	v4 =	vshra.s32 v4, $0xB  }
0x85: {  	v9 =	vld [tilespmem:s20+$0xFFFFFFF0];
	v5 =	vshra.s32 v5, $0xB  }
0x86: {  	v12 =	vld [tilespmem:s20+$0xFFFFFFC0]  }
0x87: {  	v13 =	vld [tilespmem:s20+$0xFFFFFFB0]  }
0x88: {  	v14 =	vld [tilespmem:s20+$0xFFFFFF60];
	v59 =	vshra.s32 v10, $0xB  }
0x89: {  	v60 =	vshra.s32 v11, $0xB;
	[tilespmem:v4+s13+$0x0] =	vst.idx.add.s32.msk $0xffff, v1  }
0x8a: {  	v4 =	vshra.s32 v9, $0xB;
	[tilespmem:v5+s13+$0x0] =	vst.idx.add.s32.msk $0xffff, v1  }
0x8b: {  	v5 =	vld [tilespmem:s20+$0xFFFFFF80]  }
0x8c: {  	v61 =	vld [tilespmem:s20+$0xFFFFFF70];
	v2 =	vshra.s32 v2, $0xB  }
0x8d: {  	v13 =	vshra.s32 v13, $0xB;
	[tilespmem:v59+s13+$0x0] =	vst.idx.add.s32.msk $0xffff, v1  }
0x8e: {  	v3 =	vshra.s32 v3, $0xB;
	[tilespmem:v60+s13+$0x0] =	vst.idx.add.s32.msk $0xffff, v1  }
0x8f: {  	v62 =	vshra.s32 v12, $0xB;
	[tilespmem:v4+s13+$0x0] =	vst.idx.add.s32.msk $0xffff, v1  }
0x90: {  	v63 =	vshra.s32 v14, $0xB;
	v4 =	vshra.s32 v5, $0xB;
	v5 =	vld [tilespmem:s20+$0xFFFFFF20]  }
0x91: {  	[tilespmem:v2+s13+$0x0] =	vst.idx.add.s32.msk $0xffff, v1;
	v2 =	vshra.s32 v7, $0xB  }
0x92: {  	v8 =	vshra.s32 v8, $0xB;
	[tilespmem:v13+s13+$0x0] =	vst.idx.add.s32.msk $0xffff, v1  }
0x93: {  	v6 =	vshra.s32 v6, $0xB;
	[tilespmem:v3+s13+$0x0] =	vst.idx.add.s32.msk $0xffff, v1  }
0x94: {  	[tilespmem:v62+s13+$0x0] =	vst.idx.add.s32.msk $0xffff, v1  }
0x95: {  	[tilespmem:v63+s13+$0x0] =	vst.idx.add.s32.msk $0xffff, v1;
	v3 =	vshra.s32 v5, $0xB  }
0x96: {  	[tilespmem:v2+s13+$0x0] =	vst.idx.add.s32.msk $0xffff, v1;
	v2 =	vshra.s32 v61, $0xB  }
0x97: {  	[tilespmem:v8+s13+$0x0] =	vst.idx.add.s32.msk $0xffff, v1  }
0x98: {  	[tilespmem:v6+s13+$0x0] =	vst.idx.add.s32.msk $0xffff, v1  }
0x99: {  	s21 =	simm.s32 $0xC40;
	[tilespmem:v4+s13+$0x0] =	vst.idx.add.s32.msk $0xffff, v1  }
.LBB2_7:
0x9a: {  	s21 =	sadd.s32 $0x10, s21;
	[tilespmem:v3+s13+$0x0] =	vst.idx.add.s32.msk $0xffff, v1;
	s20 =	sadd.s32 $0x100, s20  }
0x9b: {  	p0 =	slt.u32 s21, $0x1870;
	[tilespmem:v2+s13+$0x0] =	vst.idx.add.s32.msk $0xffff, v1  }
0x9c: {  	v2 =	vld [tilespmem:s20+$0xFFFFFFA0]  }
0x9d: {  	v3 =	vld [tilespmem:s20+$0xFFFFFF90]  }
0x9e: {  	v4 =	vld [tilespmem:s20+$0xFFFFFF10]  }
0x9f: {  	v5 =	vld [tilespmem:s20+$0x0]  }
0xa0: {  	v6 =	vld [tilespmem:s20+$0xFFFFFF30]  }
0xa1: {  	v7 =	vld [tilespmem:s20+$0xFFFFFF40]  }
0xa2: {  	v8 =	vld [tilespmem:s20+$0xFFFFFF50]  }
0xa3: {  	v4 =	vshra.s32 v4, $0xB;
	v9 =	vld [tilespmem:s20+$0xFFFFFFF0]  }
0xa4: {  	v10 =	vld [tilespmem:s20+$0xFFFFFFE0];
	v5 =	vshra.s32 v5, $0xB  }
0xa5: {  	v11 =	vld [tilespmem:s20+$0xFFFFFFD0]  }
0xa6: {  	v12 =	vld [tilespmem:s20+$0xFFFFFFC0]  }
0xa7: {  	v13 =	vld [tilespmem:s20+$0xFFFFFFB0]  }
0xa8: {  	[tilespmem:v4+s13+$0x0] =	vst.idx.add.s32.msk $0xffff, v1;
	v4 =	vshra.s32 v9, $0xB  }
0xa9: {  	v9 =	vshra.s32 v10, $0xB;
	[tilespmem:v5+s13+$0x0] =	vst.idx.add.s32.msk $0xffff, v1  }
0xaa: {  	v5 =	vld [tilespmem:s20+$0xFFFFFF80];
	v10 =	vshra.s32 v11, $0xB  }
0xab: {  	v11 =	vld [tilespmem:s20+$0xFFFFFF70]  }
0xac: {  	v14 =	vld [tilespmem:s20+$0xFFFFFF60];
	v13 =	vshra.s32 v13, $0xB  }
0xad: {  	v15 =	vshra.s32 v2, $0xB;
	[tilespmem:v4+s13+$0x0] =	vst.idx.add.s32.msk $0xffff, v1  }
0xae: {  	v3 =	vshra.s32 v3, $0xB;
	[tilespmem:v9+s13+$0x0] =	vst.idx.add.s32.msk $0xffff, v1  }
0xaf: {  	v4 =	vshra.s32 v5, $0xB;
	[tilespmem:v10+s13+$0x0] =	vst.idx.add.s32.msk $0xffff, v1  }
0xb0: {  	v9 =	vshra.s32 v12, $0xB;
	v5 =	vld [tilespmem:s20+$0xFFFFFF20];
	v2 =	vshra.s32 v11, $0xB  }
0xb1: {  	v10 =	vshra.s32 v14, $0xB;
	[tilespmem:v13+s13+$0x0] =	vst.idx.add.s32.msk $0xffff, v1  }
0xb2: {  	v8 =	vshra.s32 v8, $0xB;
	[tilespmem:v15+s13+$0x0] =	vst.idx.add.s32.msk $0xffff, v1  }
0xb3: {  	v7 =	vshra.s32 v7, $0xB;
	[tilespmem:v3+s13+$0x0] =	vst.idx.add.s32.msk $0xffff, v1  }
0xb4: {  	v6 =	vshra.s32 v6, $0xB;
	[tilespmem:v4+s13+$0x0] =	vst.idx.add.s32.msk $0xffff, v1  }
.Ltmp2:
0xb5: {  	v3 =	vshra.s32 v5, $0xB;
	[tilespmem:v9+s13+$0x0] =	vst.idx.add.s32.msk $0xffff, v1;
	(pc) =	sbr.rel @p0 .LBB2_7-.Ltmp2, $4  }
0xb6: {  	[tilespmem:v10+s13+$0x0] =	vst.idx.add.s32.msk $0xffff, v1  }
0xb7: {  	[tilespmem:v8+s13+$0x0] =	vst.idx.add.s32.msk $0xffff, v1  }
0xb8: {  	[tilespmem:v7+s13+$0x0] =	vst.idx.add.s32.msk $0xffff, v1  }
0xb9: {  	[tilespmem:v6+s13+$0x0] =	vst.idx.add.s32.msk $0xffff, v1  }
0xba: {  	p0 =	sne.s32 s18, $0x7  }
0xbb: {  	s0 =	sadd.s32 @p0 $0x1, s19  }
0xbc: {  	s1 =	sshrl.u32 @p0 s0, $0x3  }
0xbd: {  	s0 =	sshll.u32 @p0 s0, $0x7;
	s1 =	smul.u32 @p0 $0xC4000, s1  }
0xbe: {  	s0 =	sand.u32 @p0 $0x380, s0  }
0xbf: {  	s0 =	sor.u32 @p0 s0, s1  }
0xc0: {  	s0 =	sadd.s32 @p0 $0x62000, s0  }
0xc1: {  	[tilespmem:v3+s13+$0x0] =	vst.idx.add.s32.msk $0xffff, v1;
	s25 =	simm.s32 $0x18880;
	s11 =	simm.s32 @p0 $0x400;
	s0 =	sshrl.u32 @p0 s0, $0x3  }
0xc2: {  	[tilespmem:v2+s13+$0x0] =	vst.idx.add.s32.msk $0xffff, v1;
	s20 =	simm.s32 @p0 $0xC400;
	s1 =	simm.s32 @p0 $0x80;
	s0 =	sadd.s32 @p0 s4, s0  }
0xc3: {  	[tilespmem:s20], [sflag:$0x2] =	stream.strided.gather @p0 [hbm4b:s0+s1], $0xC400, s11, s1, $0x38;
	[tilespmem:$0x1A880] =	vst v63  }
0xc4: {  	v2 =	vld [tilespmem:s25+$0xFFFFFF80]  }
0xc5: {  	v3 =	vld [tilespmem:s25+$0xFFFFFF90]  }
0xc6: {  	v4 =	vld [tilespmem:s25+$0xFFFFFFA0]  }
0xc7: {  	v5 =	vld [tilespmem:s25+$0xFFFFFFB0]  }
0xc8: {  	v6 =	vld [tilespmem:s25+$0xFFFFFFC0]  }
0xc9: {  	v7 =	vld [tilespmem:s25+$0xFFFFFFD0]  }
0xca: {  	v2 =	vadd.s32 v2, v3;
	v3 =	vld [tilespmem:s25+$0xFFFFFFE0]  }
0xcb: {  	v2 =	vadd.s32 v4, v2;
	v4 =	vld [tilespmem:s25+$0xFFFFFFF0]  }
0xcc: {  	v2 =	vadd.s32 v5, v2;
	v5 =	vld [tilespmem:s25+$0x0]  }
0xcd: {  	v2 =	vadd.s32 v6, v2;
	v6 =	vld [tilespmem:s25+$0x10]  }
0xce: {  	v2 =	vadd.s32 v7, v2;
	v7 =	vld [tilespmem:s25+$0x20]  }
0xcf: {  	v2 =	vadd.s32 v3, v2;
	v3 =	vld [tilespmem:s25+$0x30]  }
0xd0: {  	v2 =	vadd.s32 v4, v2;
	v4 =	vld [tilespmem:s25+$0x40]  }
0xd1: {  	v2 =	vadd.s32 v5, v2;
	v5 =	vld [tilespmem:s25+$0x50]  }
0xd2: {  	v2 =	vadd.s32 v6, v2;
	v6 =	vld [tilespmem:s25+$0x60]  }
0xd3: {  	s26 =	simm.s32 $0x18980;
	v2 =	vadd.s32 v7, v2;
	v7 =	vld [tilespmem:s25+$0x70]  }
0xd4: {  	v8 =	vld [tilespmem:s26+$0xFFFFFF80];
	v2 =	vadd.s32 v3, v2  }
0xd5: {  	v9 =	vld [tilespmem:s26+$0xFFFFFFF0];
	v2 =	vadd.s32 v4, v2  }
0xd6: {  	v3 =	vld [tilespmem:s26+$0xFFFFFF90];
	v2 =	vadd.s32 v5, v2  }
0xd7: {  	v4 =	vld [tilespmem:s26+$0xFFFFFFA0];
	v2 =	vadd.s32 v6, v2  }
0xd8: {  	v5 =	vld [tilespmem:s26+$0xFFFFFFB0];
	v2 =	vadd.s32 v7, v2  }
0xd9: {  	v6 =	vld [tilespmem:s26+$0xFFFFFFC0];
	(xrf0) =	vadd.scan.msk.s32 $0xffff, v2  }
0xda: {  	v7 =	vld [tilespmem:s26+$0xFFFFFFD0]  }
0xdb: {  	v2 =	vld [tilespmem:s26+$0xFFFFFFE0];
	v3 =	vadd.s32 v8, v3  }
0xdc: {  	v10 =	vld [tilespmem:s26+$0x0];
	v3 =	vadd.s32 v4, v3  }
0xdd: {  	v62 =	vld [tilespmem:s26+$0x70];
	v3 =	vadd.s32 v5, v3  }
0xde: {  	v8 =	vld [tilespmem:s26+$0x10];
	v3 =	vadd.s32 v6, v3  }
0xdf: {  	v4 =	vld [tilespmem:s26+$0x20];
	v3 =	vadd.s32 v7, v3;
	v11, _, _ =	vpop (xrf0)  }
0xe0: {  	v5 =	vld [tilespmem:s26+$0x30];
	v2 =	vadd.s32 v2, v3;
	(v2sf) =	vpush v11, $0xF  }
0xe1: {  	v6 =	vld [tilespmem:s26+$0x40];
	v2 =	vadd.s32 v9, v2  }
0xe2: {  	v7 =	vld [tilespmem:s26+$0x50];
	v2 =	vadd.s32 v10, v2  }
0xe3: {  	s30 =	simm.s32 $0x18A80;
	v3 =	vld [tilespmem:s26+$0x60];
	v2 =	vadd.s32 v8, v2  }
0xe4: {  	v63 =	vld [tilespmem:s30+$0xFFFFFF80];
	v2 =	vadd.s32 v4, v2  }
0xe5: {  	v8 =	vld [tilespmem:s30+$0xFFFFFF90];
	v2 =	vadd.s32 v5, v2  }
0xe6: {  	v4 =	vld [tilespmem:s30+$0xFFFFFFA0];
	v2 =	vadd.s32 v6, v2  }
0xe7: {  	v5 =	vld [tilespmem:s30+$0xFFFFFFB0];
	v2 =	vadd.s32 v7, v2  }
0xe8: {  	v6 =	vld [tilespmem:s30+$0xFFFFFFC0];
	v2 =	vadd.s32 v3, v2  }
0xe9: {  	v7 =	vld [tilespmem:s30+$0xFFFFFFD0];
	v2 =	vadd.s32 v62, v2  }
0xea: {  	v3 =	vadd.s32 v63, v8;
	v8 =	vld [tilespmem:s30+$0xFFFFFFE0];
	(xrf0) =	vadd.scan.msk.s32 $0xffff, v2  }
0xeb: {  	v3 =	vadd.s32 v4, v3;
	v4 =	vld [tilespmem:s30+$0xFFFFFFF0]  }
0xec: {  	v2 =	vadd.s32 v5, v3;
	v5 =	vld [tilespmem:s30+$0x0]  }
0xed: {  	v2 =	vadd.s32 v6, v2;
	v6 =	vld [tilespmem:s30+$0x10]  }
0xee: {  	v2 =	vadd.s32 v7, v2;
	v7 =	vld [tilespmem:s30+$0x20]  }
0xef: {  	s21 =	simm.s32 $0xFFFFFFFF;
	v3 =	vld [tilespmem:s30+$0x30];
	v2 =	vadd.s32 v8, v2;
	s31 =	spop (v2sf)  }
0xf0: {  	s24 =	simm.s32 $0x1;
	s22 =	simm.s32 $0x2;
	v4 =	vadd.s32 v4, v2;
	v2 =	vld [tilespmem:s30+$0x40];
	v8, _, _ =	vpop (xrf0);
	s23 =	sadd.s32 $0x0, s31  }
0xf1: {  	p6 =	por $0x1, $0x1;
	s29 =	simm.s32 $0x18B80;
	v5 =	vadd.s32 v5, v4;
	v4 =	vld [tilespmem:s30+$0x50];
	(v2sf) =	vpush v8, $0xF;
	p1 =	sgt.s32 s23, $0x3E7  }
0xf2: {  	s28 =	simm.s32 $0x0;
	s20 =	simm.s32 $0x0;
	v6 =	vadd.s32 v6, v5;
	v5 =	vld [tilespmem:s30+$0x60];
	p0 =	por !p6, !p1  }
0xf3: {  	s25 =	simm.s32 $0x0;
	s26 =	simm.s32 $0x3;
	v7 =	vadd.s32 v7, v6;
	v6 =	vld [tilespmem:s30+$0x70];
	p1 =	por !p0, !p0  }
.LBB2_9:
0xf4: {  	p0 =	seq.s32 s26, $0x1F;
	s21 =	smov.u32 @p1 s28;
	s20 =	smov.u32 @p1 s25  }
0xf5: {  	v8 =	vld [tilespmem:s29+$0xFFFFFF80];
	v3 =	vadd.s32 v3, v7;
	s28 =	smov.u32 s24;
	s24 =	smov.u32 s22;
	s22 =	smov.u32 s26  }
0xf6: {  	s26 =	sadd.s32 $0x1, s26;
	s25 =	smov.u32 s23;
	v7 =	vld [tilespmem:s29+$0xFFFFFF90];
	v2 =	vadd.s32 v2, v3  }
0xf7: {  	v3 =	vld [tilespmem:s29+$0xFFFFFFA0];
	v2 =	vadd.s32 v4, v2  }
0xf8: {  	v4 =	vld [tilespmem:s29+$0xFFFFFFB0];
	v2 =	vadd.s32 v5, v2  }
0xf9: {  	v5 =	vld [tilespmem:s29+$0xFFFFFFC0];
	v2 =	vadd.s32 v6, v2  }
0xfa: {  	v6 =	vld [tilespmem:s29+$0xFFFFFFD0];
	(xrf0) =	vadd.scan.msk.s32 $0xffff, v2  }
0xfb: {  	v2 =	vadd.s32 v8, v7;
	v7 =	vld [tilespmem:s29+$0xFFFFFFE0]  }
0xfc: {  	v2 =	vadd.s32 v3, v2;
	v8 =	vld [tilespmem:s29+$0xFFFFFFF0]  }
0xfd: {  	v2 =	vadd.s32 v4, v2;
	v4 =	vld [tilespmem:s29+$0x0]  }
0xfe: {  	v2 =	vadd.s32 v5, v2;
	v5 =	vld [tilespmem:s29+$0x10]  }
0xff: {  	v2 =	vadd.s32 v6, v2;
	v6 =	vld [tilespmem:s29+$0x20]  }
.Ltmp3:
0x100: {  	v2 =	vadd.s32 v7, v2;
	v3 =	vld [tilespmem:s29+$0x30];
	v7, _, _ =	vpop (xrf0);
	s0 =	spop (v2sf);
	(pc) =	sbr.rel @!p0 .LBB2_9-.Ltmp3, $4  }
0x101: {  	v8 =	vadd.s32 v8, v2;
	v2 =	vld [tilespmem:s29+$0x40];
	(v2sf) =	vpush v7, $0xF;
	s23 =	sadd.s32 s23, s0  }
0x102: {  	p1 =	slt.s32 s21, $0x0;
	v7 =	vadd.s32 v4, v8;
	v4 =	vld [tilespmem:s29+$0x50];
	p2 =	sgt.s32 s23, $0x3E7  }
0x103: {  	v7 =	vadd.s32 v5, v7;
	v5 =	vld [tilespmem:s29+$0x60];
	p1 =	por !p1, !p2  }
0x104: {  	v7 =	vadd.s32 v6, v7;
	v6 =	vld [tilespmem:s29+$0x70];
	s29 =	sadd.s32 $0x100, s29;
	p1 =	por !p1, !p1  }
0x105: {  	v3 =	vadd.s32 v3, v7  }
0x106: {  	v2 =	vadd.s32 v2, v3  }
0x107: {  	v2 =	vadd.s32 v4, v2  }
0x108: {  	v2 =	vadd.s32 v5, v2  }
0x109: {  	v2 =	vadd.s32 v6, v2  }
0x10a: {  	(xrf0) =	vadd.scan.msk.s32 $0xffff, v2;
	_ =	sdelay $0x5  }
0x10b: {  	v2, _, _ =	vpop (xrf0)  }
0x10c: {  	(v2sf) =	vpush v2, $0xF;
	_ =	sdelay $0xa  }
0x10d: {  	s0 =	spop (v2sf)  }
0x10e: {  	s21 =	smov.u32 @p1 s28;
	s0 =	sadd.s32 s23, s0  }
0x10f: {  	p0 =	slt.s32 s21, $0x0;
	p2 =	sgt.s32 s0, $0x3E7  }
0x110: {  	p0 =	por !p0, !p2  }
0x111: {  	p0 =	por !p0, !p0;
	s1 =	spop (v2sf)  }
0x112: {  	s21 =	smov.u32 @p0 s24;
	s1 =	sadd.s32 s0, s1  }
0x113: {  	p6 =	slt.s32 s21, $0x0;
	p3 =	sgt.s32 s1, $0x3E7  }
0x114: {  	s20 =	smov.u32 @p1 s25;
	p4 =	por !p6, !p3  }
0x115: {  	s20 =	smov.u32 @p0 s23;
	p0 =	por !p4, !p4  }
0x116: {  	s21 =	smov.u32 @p0 s22  }
0x117: {  	s1 =	sshll.u32 s21, $0xA  }
0x118: {  	s20 =	smov.u32 @p0 s0;
	s22 =	simm.s32 $0x0;
	s0 =	sshra.s32 s1, $0x2  }
0x119: {  	s9 =	sand.u32 $0x80, s22;
	s25 =	sadd.s32 $0x18800, s0  }
0x11a: {  	s11 =	sand.u32 $0x70, s22;
	s0 =	sadd.s32 s9, s25  }
0x11b: {  	s0 =	sadd.s32 s11, s0  }
0x11c: {  	v2 =	vld [tilespmem:s0+$0x0];
	_ =	sdelay $0x4  }
0x11d: {  	(xrf0) =	vadd.scan.msk.s32 $0xffff, v2;
	_ =	sdelay $0x2  }
0x11e: {  	s24 =	simm.s32 $0x10  }
0x11f: {  	s26 =	sand.u32 $0x80, s24  }
0x120: {  	s1 =	sadd.s32 s26, s25;
	s0 =	sand.u32 $0x70, s24  }
0x121: {  	s0 =	sadd.s32 s0, s1;
	v2, _, _ =	vpop (xrf0)  }
0x122: {  	s11 =	simm.s32 $0x20;
	(v2sf) =	vpush v2, $0xF;
	v2 =	vld [tilespmem:s0+$0x0]  }
0x123: {  	s9 =	sand.u32 $0x80, s11  }
0x124: {  	s26 =	sand.u32 $0x70, s11;
	s9 =	sadd.s32 s9, s25  }
0x125: {  	s11 =	sadd.s32 s26, s9  }
0x126: {  	v3 =	vld [tilespmem:s11+$0x0]  }
0x127: {  	(xrf0) =	vadd.scan.msk.s32 $0xffff, v2;
	_ =	sdelay $0x3  }
0x128: {  	(xrf0) =	vadd.scan.msk.s32 $0xffff, v3;
	_ =	sdelay $0x1  }
0x129: {  	v3, _, _ =	vpop (xrf0)  }
0x12a: {  	s24 =	simm.s32 $0x30;
	(v2sf) =	vpush v3, $0xF  }
0x12b: {  	s26 =	sand.u32 $0x80, s24  }
0x12c: {  	s1 =	sadd.s32 s26, s25;
	s0 =	sand.u32 $0x70, s24  }
0x12d: {  	s0 =	sadd.s32 s0, s1;
	v3, _, _ =	vpop (xrf0)  }
0x12e: {  	v2 =	vld [tilespmem:s0+$0x0];
	s9 =	spop (v2sf);
	(v2sf) =	vpush v3, $0xF  }
0x12f: {  	s30 =	simm.s32 $0x1;
	s29 =	simm.s32 $0x2  }
0x130: {  	s28 =	simm.s32 $0x3;
	s31 =	simm.s32 $0x5;
	p5 =	por $0x1, $0x1  }
0x131: {  	s23 =	simm.s32 $0xFFFFFFFF;
	s1 =	simm.s32 $0x40;
	s24 =	sadd.s32 s20, s9  }
0x132: {  	s26 =	simm.s32 $0x4;
	s11 =	sand.u32 $0x80, s1;
	p6 =	sgt.s32 s24, $0x3E7  }
0x133: {  	s0 =	sadd.s32 s11, s25;
	(xrf0) =	vadd.scan.msk.s32 $0xffff, v2;
	s9 =	sand.u32 $0x70, s1;
	p0 =	por !p5, !p6  }
0x134: {  	s11 =	sadd.s32 s9, s0;
	s0 =	simm.s32 $0x0;
	p0 =	por !p0, !p0  }
.LBB2_11:
0x135: {  	p1 =	sne.s32 s31, $0xF;
	s23 =	smov.u32 @p0 s0;
	s22 =	smov.u32 @p0 s20  }
0x136: {  	v2 =	vld [tilespmem:s11+$0x0];
	s0 =	smov.u32 s30;
	s30 =	smov.u32 s29;
	s29 =	smov.u32 s28  }
0x137: {  	s28 =	smov.u32 s26;
	s26 =	smov.u32 s31;
	s31 =	sadd.s32 $0x1, s31  }
0x138: {  	s20 =	smov.u32 s24  }
.Ltmp4:
0x139: {  	v3, _, _ =	vpop (xrf0);
	s11 =	spop (v2sf);
	(pc) =	sbr.rel @p1 .LBB2_11-.Ltmp4, $4  }
0x13a: {  	s1 =	sadd.s32 $0x10, s1;
	(v2sf) =	vpush v3, $0xF;
	s24 =	sadd.s32 s24, s11  }
0x13b: {  	p0 =	slt.s32 s23, $0x0;
	s11 =	sand.u32 $0x80, s1;
	(xrf0) =	vadd.scan.msk.s32 $0xffff, v2;
	p2 =	sgt.s32 s24, $0x3E7  }
0x13c: {  	s9 =	sand.u32 $0x70, s1;
	s11 =	sadd.s32 s11, s25;
	p0 =	por !p0, !p2  }
0x13d: {  	s11 =	sadd.s32 s9, s11;
	p0 =	por !p0, !p0  }
0x13e: {  	v2 =	vld [tilespmem:s11+$0x0];
	_ =	sdelay $0x4  }
0x13f: {  	(xrf0) =	vadd.scan.msk.s32 $0xffff, v2;
	_ =	sdelay $0x1  }
0x140: {  	v2, _, _ =	vpop (xrf0)  }
0x141: {  	(v2sf) =	vpush v2, $0xF;
	_ =	sdelay $0x2  }
0x142: {  	v2, _, _ =	vpop (xrf0)  }
0x143: {  	(v2sf) =	vpush v2, $0xF;
	_ =	sdelay $0x2  }
0x144: {  	s1 =	spop (v2sf)  }
0x145: {  	s23 =	smov.u32 @p0 s0;
	s0 =	sadd.s32 s24, s1  }
0x146: {  	p1 =	slt.s32 s23, $0x0;
	p2 =	sgt.s32 s0, $0x3E7  }
0x147: {  	p1 =	por !p1, !p2  }
0x148: {  	p1 =	por !p1, !p1;
	s25 =	spop (v2sf)  }
0x149: {  	s23 =	smov.u32 @p1 s30;
	s1 =	sadd.s32 s0, s25  }
0x14a: {  	p4 =	slt.s32 s23, $0x0;
	p3 =	sgt.s32 s1, $0x3E7  }
0x14b: {  	p2 =	por !p4, !p3  }
0x14c: {  	p2 =	por !p2, !p2;
	s9 =	spop (v2sf)  }
0x14d: {  	s23 =	smov.u32 @p2 s29;
	s9 =	sadd.s32 s1, s9  }
0x14e: {  	p5 =	slt.s32 s23, $0x0;
	p4 =	sgt.s32 s9, $0x3E7  }
0x14f: {  	p3 =	por !p5, !p4  }
0x150: {  	p3 =	por !p3, !p3;
	s30 =	spop (v2sf)  }
0x151: {  	s23 =	smov.u32 @p3 s28;
	s11 =	sadd.s32 s9, s30  }
0x152: {  	p6 =	slt.s32 s23, $0x0;
	p5 =	sgt.s32 s11, $0x3E7  }
0x153: {  	p4 =	por !p6, !p5  }
0x154: {  	p4 =	por !p4, !p4  }
0x155: {  	s23 =	smov.u32 @p4 s26  }
0x156: {  	s31 =	sshll.u32 s21, $0x8;
	s23 =	sshll.u32 s23, $0x4  }
0x157: {  	s21 =	sadd.s32 s31, s23  }
0x158: {  	s23 =	sand.u32 $0x70, s23;
	s11 =	sand.u32 $0xFFFFFF80, s21  }
0x159: {  	s11 =	sor.u32 s23, s11;
	s23 =	simm.s32 $0x18880  }
0x15a: {  	v2 =	vld [tilespmem:s11+$0x18800];
	[tilespmem:s23+$0xFFFFFF80] =	vst v0  }
0x15b: {  	[tilespmem:s23+$0x70] =	vst v0  }
0x15c: {  	[tilespmem:s23+$0x60] =	vst v0  }
0x15d: {  	[tilespmem:s23+$0x50] =	vst v0  }
0x15e: {  	[tilespmem:s23+$0x40] =	vst v0  }
0x15f: {  	[tilespmem:s23+$0x30] =	vst v0;
	(xrf0) =	vadd.scan.msk.s32 $0xffff, v2  }
0x160: {  	[tilespmem:s23+$0x20] =	vst v0  }
0x161: {  	s22 =	smov.u32 @p0 s20;
	[tilespmem:s23+$0x10] =	vst v0  }
0x162: {  	s22 =	smov.u32 @p1 s24;
	[tilespmem:s23+$0x0] =	vst v0  }
0x163: {  	s22 =	smov.u32 @p2 s0;
	[tilespmem:s23+$0xFFFFFFF0] =	vst v0  }
0x164: {  	s22 =	smov.u32 @p3 s1;
	[tilespmem:s23+$0xFFFFFFE0] =	vst v0  }
0x165: {  	s22 =	smov.u32 @p4 s9;
	[tilespmem:s23+$0xFFFFFFD0] =	vst v0;
	v2, _, _ =	vpop (xrf0)  }
0x166: {  	[tilespmem:s23+$0xFFFFFFC0] =	vst v0;
	v2 =	vadd.s32 s22, v2  }
0x167: {  	[tilespmem:s23+$0xFFFFFFB0] =	vst v0;
	vm0 =	vgt.s32 v2, $0x3E7  }
0x168: {  	s0 =	simm.s32 $0x0;
	[tilespmem:s23+$0xFFFFFFA0] =	vst v0;
	v2 =	vmctz.xlane vm0  }
.LBB2_13:
0x169: {  	s0 =	sadd.s32 $0x10, s0;
	[tilespmem:s23+$0xFFFFFF90] =	vst v0;
	s23 =	sadd.s32 $0x100, s23  }
0x16a: {  	[tilespmem:s23+$0xFFFFFF80] =	vst v0;
	p0 =	slt.u32 s0, $0x1F0  }
0x16b: {  	[tilespmem:s23+$0x70] =	vst v0  }
0x16c: {  	[tilespmem:s23+$0x60] =	vst v0  }
0x16d: {  	[tilespmem:s23+$0x50] =	vst v0  }
0x16e: {  	[tilespmem:s23+$0x40] =	vst v0  }
0x16f: {  	[tilespmem:s23+$0x30] =	vst v0  }
0x170: {  	[tilespmem:s23+$0x20] =	vst v0  }
0x171: {  	[tilespmem:s23+$0x10] =	vst v0  }
0x172: {  	[tilespmem:s23+$0x0] =	vst v0  }
0x173: {  	[tilespmem:s23+$0xFFFFFFF0] =	vst v0  }
.Ltmp5:
0x174: {  	[tilespmem:s23+$0xFFFFFFE0] =	vst v0;
	(pc) =	sbr.rel @p0 .LBB2_13-.Ltmp5, $4  }
0x175: {  	[tilespmem:s23+$0xFFFFFFD0] =	vst v0  }
0x176: {  	[tilespmem:s23+$0xFFFFFFC0] =	vst v0  }
0x177: {  	[tilespmem:s23+$0xFFFFFFB0] =	vst v0  }
0x178: {  	[tilespmem:s23+$0xFFFFFFA0] =	vst v0  }
0x179: {  	v2 =	vadd.s32 s21, v2  }
0x17a: {  	s18 =	sadd.s32 $0x1, s18;
	v2 =	vshll.u32 v2, $0xB  }
0x17b: {  	[tilespmem:s23+$0xFFFFFF90] =	vst v0;
	s0 =	sshll.u32 s19, $0x4;
	p0 =	sne.s32 s18, $0x8;
	v2 =	vadd.s32 $0x800, v2  }
.Ltmp6:
0x17c: {  	s0 =	sadd.s32 s6, s0;
	[tilespmem:$0x1A800] =	vst v2;
	(pc) =	sbr.rel @p0 .LBB2_4-.Ltmp6, $4  }
0x17d: {  	[hbm4b:s0+s3] =	stream.linear.scatter [tilespmem:s15], [sflag:$0x3], $0x80, $0x38;
	[tilespmem:$0x1A880] =	vst v63  }
0x17e: {  	_ =	swait.ge [sflag:s16], $0x80  }
0x17f: {  	[sflag:s16] =	ssyncset.done $0x0  }
0x180: {  	[sflag:s16] =	ssyncadd.s32 $0xFFFFFF80  }
0x181: {  	s17 =	sadd.s32 $0x1, s17  }
0x182: {  	p0 =	sne.s32 s17, s8  }
.Ltmp7:
0x183: {  	_ = 	snop;
	(pc) =	sbr.rel @p0 .LBB2_1-.Ltmp7, $1  }
0x184: {  	_ =	sdelay $0x3  }
0x185: {  	_ =	sfence.sel $0x180000  }
0x186: {  	[bflag:$0x0] =	sbarrier.arrive $0xFFFF  }
0x187: {  	_ =	strace $0x9000004D  }
0x188: {  	s0 =	stileid.u32;
	[bflag:$0x2] =	sbarrier.arrive $0xFFFF  }
0x189: {  	p0 =	sne.s32 s0, $0x0;
	s0 =	rddreg [dreg:$0x1]  }
0x18a: {  	s0 =	sadd.s32 @!p0 $0x100000, s0  }
0x18b: {  	[sflag:s0] =	ssyncadd.tile.s32 @!p0 $0x1;
	_ =	shalt  }
.Lfunc_end2:
_tile_overlayer_lowered:
.L_overlay_start_2:
0x18c: {  	(tag) =	ssettag $0x2  }
0x18d: {  	s0 =	rddreg [dreg:$0x0];
	s2 =	stileid.u32  }
0x18e: {  	s1 =	rddreg [dreg:$0x1];
	p0 =	sne.s32 s2, $0x0  }
0x18f: {  	s3 =	rddreg [dreg:$0x2];
	[bflag:$0x3] =	sbarrier.arrive $0xFFFF;
	s2 =	simm.s32 @!p0 $0x1C03  }
0x190: {  	[timem:s3], [sflag:s2] =	dma.local @!p0 [hbm:s0], s1  }
0x191: {  	s0 =	simm.s32 @!p0 $0x3  }
0x192: {  	_ =	swait.ge @!p0 [sflag:s0], s1  }
0x193: {  	s1 =	ssub.s32 @!p0 $0x0, s1;
	[sflag:s0] =	ssyncset.done @!p0 $0x0  }
0x194: {  	[sflag:s0] =	ssyncadd.s32 @!p0 s1  }
0x195: {  	[bflag:$0x3] =	sbarrier.arrive $0xFFFF  }
0x196: {  	_ =	shalt  }

// kernel: kernel.20.cloned.1.call-start
scs
__scs_entry_jumppad:
0x0: {  	(pc) =	sbr.rel $0x88, $3  }
0x1: {  	(tag) =	ssettag $0x0;
	lr =	simm.s32 $0x1  }
0x2: {  	[smem:$0x3F9E] =	sst lr;
	_ =	strace $0xD0000000  }
0x3: {  	_ = 	snop  }
0x4: {  	_ = 	snop  }
0x5: {  	_ = 	snop  }
0x6: {  	_ = 	snop  }
0x7: {  	_ = 	snop  }
__scs_overlays_trampoline_lowered:
0x8: {  	[smem:$0x3FAD] =	sst s0  }
0x9: {  	[smem:$0x3FAE] =	sst s1  }
0xa: {  	[smem:$0x3FAF] =	sst s2  }
0xb: {  	[smem:$0x3FB0] =	sst s3  }
0xc: {  	[smem:$0x3FB1] =	sst s4  }
0xd: {  	[smem:$0x3FB2] =	sst s5  }
0xe: {  	[smem:$0x3FB3] =	sst s6  }
0xf: {  	[smem:$0x3FB4] =	sst s7  }
0x10: {  	[smem:$0x3FB5] =	sst s8  }
0x11: {  	[smem:$0x3FB6] =	sst s9;
	s0 =	simm.s32 @!p0 $0x0  }
0x12: {  	s1 =	sld [smem:$0x3F9C];
	s0 =	simm.s32 @p0 $0x1  }
0x13: {  	[smem:$0x3FB7] =	sst s0;
	s0 =	simm.s32 @!p1 $0x0  }
0x14: {  	s2 =	sld [smem:$0x3F9B];
	s0 =	simm.s32 @p1 $0x1  }
0x15: {  	[smem:$0x3FB8] =	sst s0;
	s0 =	simm.s32 @!p2 $0x0  }
0x16: {  	s3 =	sld [smem:$0x3FDB];
	s0 =	simm.s32 @p2 $0x1  }
0x17: {  	s4 =	simm.s32 $0x1BF5;
	[smem:$0x3FBA] =	sst s0  }
0x18: {  	s0 =	sld [smem:$0x3F9D];
	_ =	swait.ge [sflag:s4], $0x0  }
0x19: {  	s7 =	sld [smem:$0x3F9E]  }
0x1a: {  	s8 =	sadd.s32 $0xFFFFE003, lr  }
0x1b: {  	s9 =	sadd.s32 $0xFFFFFEF7, lr;
	s5 =	simm.s32 $0xFFFFFFFF;
	p2 =	slt.u32 s8, $0xFFFFF086  }
0x1c: {  	p1 =	slt.u32 s9, $0xF7A;
	s5 =	simm.s32 @!p2 $0x0  }
0x1d: {  	s5 =	simm.s32 @p1 $0x1;
	p0 =	seq.s32 s7, s2  }
0x1e: {  	s7 =	smul.u32 @!p0 $0xF7A, s2;
	p2 =	seq.s32 @!p0 s5, $0x0  }
0x1f: {  	s9 =	smul.u32 $0xF7A, s1;
	s8 =	simm.s32 @!p0 $0x1BF5;
	p2 =	por !p2, p0  }
0x20: {  	[sflag:s8] =	ssyncset.s32 @!p0 $0xFFFFF086;
	s6 =	sadd.s32 @!p0 s3, s7;
	s7 =	simm.s32 @!p0 $0x108  }
0x21: {  	s3 =	sadd.s32 s3, s9;
	s6 =	sadd.s32 @!p0 $0x88, s6;
	s7 =	simm.s32 @p2 $0x1082  }
0x22: {  	[simem:s7], [sflag:s8] =	dma.local @!p0 [hbm:s6], $0xF7A  }
0x23: {  	s9 =	sor.u32 $0xD0000000, s2;
	s6 =	simm.s32 $0x108;
	_ =	swait.ge @!p0 [sflag:s8], $0x0  }
0x24: {  	s3 =	sadd.s32 $0x88, s3;
	s6 =	simm.s32 @!p1 $0x1082;
	[sflag:s4] =	ssyncset.s32 $0xFFFFF086  }
0x25: {  	[simem:s6], [sflag:s4] =	dma.local [hbm:s3], $0xF7A  }
0x26: {  	[smem:$0x3F9E] =	sst s1;
	(tag) =	ssettag s2;
	_ =	strace s9  }
0x27: {  	s1 =	sld [smem:$0x3FAE]  }
0x28: {  	s2 =	sld [smem:$0x3FAF]  }
0x29: {  	s4 =	sld [smem:$0x3FB1]  }
0x2a: {  	p0 =	seq.s32 s5, $0x0;
	s5 =	sld [smem:$0x3FB2]  }
0x2b: {  	s6 =	sld [smem:$0x3FB3]  }
0x2c: {  	s7 =	sld [smem:$0x3FB4]  }
0x2d: {  	s3 =	simm.s32 $0x108;
	s8 =	sld [smem:$0x3FB5]  }
0x2e: {  	s3 =	simm.s32 @!p0 $0x1082;
	s9 =	sld [smem:$0x3FB6]  }
0x2f: {  	lr =	sadd.s32 s0, s3;
	s0 =	sld [smem:$0x3FAD]  }
0x30: {  	s3 =	sld [smem:$0x3FB0]  }
0x31: {  	[smem:$0x3FB9] =	sst s10  }
0x32: {  	s10 =	sld [smem:$0x3FB7];
	_ =	sdelay $0x3  }
0x33: {  	p0 =	seq.s32 s10, $0x1;
	s10 =	sld [smem:$0x3FB9];
	_ =	sdelay $0x3  }
0x34: {  	[smem:$0x3FB9] =	sst s10  }
0x35: {  	s10 =	sld [smem:$0x3FB8];
	_ =	sdelay $0x3  }
0x36: {  	p1 =	seq.s32 s10, $0x1;
	s10 =	sld [smem:$0x3FB9];
	_ =	sdelay $0x3  }
0x37: {  	[smem:$0x3FB9] =	sst s10  }
0x38: {  	s10 =	sld [smem:$0x3FBA]  }
0x39: {  	_ = 	snop;
	(pc) =	sbr.ind lr, $3  }
0x3a: {  	_ = 	snop  }
0x3b: {  	_ = 	snop  }
0x3c: {  	p2 =	seq.s32 s10, $0x1;
	s10 =	sld [smem:$0x3FB9]  }
0x3d: {  	_ =	shalt  }
0x3e: {  	_ =	shalt  }
0x3f: {  	_ =	shalt  }
0x40: {  	_ =	shalt  }
0x41: {  	_ =	shalt  }
0x42: {  	_ =	shalt  }
0x43: {  	_ =	shalt  }
0x44: {  	_ =	shalt  }
0x45: {  	_ =	shalt  }
0x46: {  	_ =	shalt  }
0x47: {  	_ =	shalt  }
0x48: {  	_ =	shalt  }
0x49: {  	_ =	shalt  }
0x4a: {  	_ =	shalt  }
0x4b: {  	_ =	shalt  }
0x4c: {  	_ =	shalt  }
0x4d: {  	_ =	shalt  }
0x4e: {  	_ =	shalt  }
0x4f: {  	_ =	shalt  }
0x50: {  	_ =	shalt  }
0x51: {  	_ =	shalt  }
0x52: {  	_ =	shalt  }
0x53: {  	_ =	shalt  }
0x54: {  	_ =	shalt  }
0x55: {  	_ =	shalt  }
0x56: {  	_ =	shalt  }
0x57: {  	_ =	shalt  }
0x58: {  	_ =	shalt  }
0x59: {  	_ =	shalt  }
0x5a: {  	_ =	shalt  }
0x5b: {  	_ =	shalt  }
0x5c: {  	_ =	shalt  }
0x5d: {  	_ =	shalt  }
0x5e: {  	_ =	shalt  }
0x5f: {  	_ =	shalt  }
0x60: {  	_ =	shalt  }
0x61: {  	_ =	shalt  }
0x62: {  	_ =	shalt  }
0x63: {  	_ =	shalt  }
0x64: {  	_ =	shalt  }
0x65: {  	_ =	shalt  }
0x66: {  	_ =	shalt  }
0x67: {  	_ =	shalt  }
0x68: {  	_ =	shalt  }
0x69: {  	_ =	shalt  }
0x6a: {  	_ =	shalt  }
0x6b: {  	_ =	shalt  }
0x6c: {  	_ =	shalt  }
0x6d: {  	_ =	shalt  }
0x6e: {  	_ =	shalt  }
0x6f: {  	_ =	shalt  }
0x70: {  	_ =	shalt  }
0x71: {  	_ =	shalt  }
0x72: {  	_ =	shalt  }
0x73: {  	_ =	shalt  }
0x74: {  	_ =	shalt  }
0x75: {  	_ =	shalt  }
0x76: {  	_ =	shalt  }
0x77: {  	_ =	shalt  }
0x78: {  	_ =	shalt  }
0x79: {  	_ =	shalt  }
0x7a: {  	_ =	shalt  }
0x7b: {  	_ =	shalt  }
0x7c: {  	_ =	shalt  }
0x7d: {  	_ =	shalt  }
0x7e: {  	_ =	shalt  }
0x7f: {  	_ =	shalt  }
0x80: {  	_ =	shalt  }
0x81: {  	_ =	shalt  }
0x82: {  	_ =	shalt  }
0x83: {  	_ =	shalt  }
0x84: {  	_ =	shalt  }
0x85: {  	_ =	shalt  }
0x86: {  	_ =	shalt  }
0x87: {  	_ =	shalt  }
.Lfunc_end0:
.L_simem_size_0:
called_computation.2_lowered:
.L_overlay_start_0:
0x88: {  	s2 =	sld [smem:$0x3FD9]  }
0x89: {  	s3 =	sld [smem:$0x3FFE];
	_ =	sdelay $0x1  }
0x8a: {  	s1 =	srdreg.scid  }
0x8b: {  	s0 =	sand.u32 $0x1, s1  }
0x8c: {  	s17 =	sshll.u32 s0, $0xA;
	s2 =	sadd.s32 s3, s2  }
0x8d: {  	s2 =	sadd.s32 s2, s17  }
0x8e: {  	[smem:$0x3FC5] =	sst s2  }
0x8f: {  	_ = 	snop  }
0x90: {  	(tm) =	ssettm $0x1  }
0x91: {  	s18 =	sld [smem:$0x3FFB];
	_ =	sdelay $0x3  }
0x92: {  	_ =	strace s18  }
0x93: {  	s2 =	sld [smem:$0x3FFC];
	_ =	sdelay $0x3  }
0x94: {  	_ =	strace s2  }
0x95: {  	s2 =	sld [smem:$0x3FFD];
	_ =	sdelay $0x3  }
0x96: {  	_ =	strace s2  }
0x97: {  	_ =	strace $0x8FFFFFFF  }
0x98: {  	s19 =	sld [smem:$0x3FDB];
	_ =	sdelay $0x1  }
0x99: {  	s20 =	simm.s32 $_scs_section_size  }
0x9a: {  	s4 =	simm.s32 $_size__tile_overlayer_lowered;
	s5 =	simm.s32 $_tile_overlayer_lowered  }
0x9b: {  	s6 =	simm.s32 $0x1BFF;
	s21 =	sshll.u32 s5, $0x1;
	s3 =	sadd.s32 s20, s19  }
0x9c: {  	s22 =	simm.s32 $0x0;
	s4 =	sshll.u32 s4, $0x1;
	s5 =	sadd.s32 s21, s3  }
0x9d: {  	[timem:s22], [sflag:s6] =	dma.local [hbm:s5], s4  }
0x9e: {  	_ =	swait.ge [sflag:s6], s4  }
0x9f: {  	s4 =	ssub.s32 $0x0, s4;
	[sflag:s6] =	ssyncset.done $0x0  }
0xa0: {  	[sflag:s6] =	ssyncadd.s32 s4;
	_ =	sdelay $0x1  }
0xa1: {  	s23 =	simm.s32 $0x1B8B  }
0xa2: {  	_ =	swait.ge [sflag:s23], $0x1  }
0xa3: {  	[sflag:s23] =	ssyncset.done $0x0  }
0xa4: {  	[sflag:s23] =	ssyncadd.s32 $0xFFFFFFFF  }
0xa5: {  	s4 =	sld [smem:$0x0]  }
0xa6: {  	s5 =	sand.u32 $0xFFFFFFFE, s1  }
0xa7: {  	p0 =	sne.s32 s1, s5  }
0xa8: {  	s5 =	sshll.u32 @p0 s5, $0xE  }
0xa9: {  	s5 =	sadd.s32 @p0 $0x11B8D, s5;
	s6 =	sshll.u32 @p0 s4, $0x11  }
0xaa: {  	s5 =	sor.u32 @p0 s6, s5  }
0xab: {  	[sflag:s5] =	ssyncadd.remote.s32 @p0 $0x1;
	_ =	sdelay $0x1  }
0xac: {  	s5 =	simm.s32 @p0 $0x1B8D  }
0xad: {  	_ =	swait.eq @p0 [sflag:s5], $0x1  }
0xae: {  	[sflag:s5] =	ssyncadd.s32 @p0 $0xFFFFFFFF  }
0xaf: {  	s6 =	sshll.u32 @!p0 s1, $0xE  }
0xb0: {  	s6 =	sor.u32 @!p0 $0x4000, s6;
	s5 =	simm.s32 @!p0 $0x1B8D  }
0xb1: {  	s4 =	sshll.u32 @!p0 s4, $0x11;
	s6 =	sadd.s32 @!p0 $0x11B8D, s6;
	_ =	swait.eq @!p0 [sflag:s5], $0x1  }
0xb2: {  	s4 =	sor.u32 @!p0 s4, s6;
	[sflag:s5] =	ssyncadd.s32 @!p0 $0xFFFFFFFF  }
0xb3: {  	s25 =	simm.s32 $0x1B8E;
	s24 =	sld [smem:$0x3FFE];
	[sflag:s4] =	ssyncadd.remote.s32 @!p0 $0x1  }
0xb4: {  	s26 =	simm.s32 $execute0_lowered;
	[smem:$0x3FD2] =	sst s25  }
0xb5: {  	s5 =	sshll.u32 s26, $0x1;
	_ =	strace $0x80000049;
	[dreg:$0x1] =	wrdreg $0xFFFFFFFF  }
0xb6: {  	s28 =	simm.s32 $_size_execute0_lowered;
	s3 =	sadd.s32 s3, s5;
	[dreg:$0x0] =	wrdreg $0x0  }
0xb7: {  	s5 =	sshll.u32 s28, $0x1;
	[dreg:$0x2] =	wrdreg s3  }
0xb8: {  	[dreg:$0x3] =	wrdreg s5  }
0xb9: {  	[dreg:$0x4] =	wrdreg $0xC0  }
0xba: {  	_ =	task [dreg:s22], $0x5FFFF  }
0xbb: {  	[dreg:$0x1] =	wrdreg $0xFFFFFFFF  }
0xbc: {  	[dreg:$0x0] =	wrdreg $0x60  }
0xbd: {  	[dreg:$0x2] =	wrdreg s24  }
0xbe: {  	[dreg:$0x3] =	wrdreg $0xB  }
0xbf: {  	_ =	task.clear_ibuf [dreg:s22], $0x4FFFF;
	_ =	strace $0x90000049  }
0xc0: {  	s29 =	simm.s32 $0xB;
	_ =	strace $0x8000004B  }
0xc1: {  	_ =	swait.ge [sflag:s29], $0x1  }
0xc2: {  	[sflag:s29] =	ssyncadd.s32 $0xFFFFFFFF  }
0xc3: {  	_ =	strace $0x9000004B  }
0xc4: {  	_ =	sfence  }
0xc5: {  	s30 =	sld [smem:$0x0];
	_ =	sdelay $0x2  }
0xc6: {  	s31 =	sshll.u32 s1, $0xD;
	s1 =	sshrl.u32 s1, $0x2  }
0xc7: {  	s4 =	sand.u32 $0x4000, s31;
	s1 =	sadd.s32 s1, s30  }
0xc8: {  	s0 =	sor.u32 s4, s0;
	s1 =	sshll.u32 s1, $0x11  }
0xc9: {  	s0 =	sor.u32 s1, s0  }
0xca: {  	s0 =	sadd.s32 $0x8F2B, s0  }
0xcb: {  	[sflag:s0] =	ssyncadd.remote.s32 $0x1  }
0xcc: {  	_ =	sfence.sel $0xFFFF  }
0xcd: {  	[dreg:$0x0] =	wrdreg $0xFFFFFFFF;
	(pc) =	sbr.abs _section_cstart, $3  }
0xce: {  	[dreg:$0x1] =	wrdreg $0xFFFFFFFF  }
0xcf: {  	_ =	task.clear_ibuf [dreg:s22], $0x2FFFF;
	_ =	strace $0x9FFFFFFF  }
0xd0: {  	(tm) =	ssettm $0x7FFFFFFF  }
0xd1: {  	_ =	shalt  }
tec
execute0_lowered:
.L_overlay_start_1:
0x0: {  	(tag) =	ssettag $0x1  }
0x1: {  	s0 =	srdreg.scid  }
0x2: {  	s1 =	stileid.u32;
	s31 =	rddreg [dreg:$0x0];
	s0 =	sand.u32 $0x1, s0  }
0x3: {  	s3 =	simm.s32 $0x0;
	s1 =	sshll.u32 s1, $0x4;
	s2 =	sshll.u32 s0, $0x3  }
0x4: {  	s10 =	simm.s32 $0x400;
	s12 =	simm.s32 $0x1;
	s2 =	sor.u32 s2, s1  }
0x5: {  	s13 =	simm.s32 $0x18800;
	s14 =	simm.s32 $0x2;
	s4 =	sshrl.u32 s2, $0x3  }
0x6: {  	s15 =	simm.s32 $0x1A800;
	s16 =	simm.s32 $0x3;
	s5 =	smul.u32 $0xC4000, s4  }
0x7: {  	s17 =	simm.s32 $0x0;
	[smem:$0x7FF] =	sst s3;
	s0 =	ssub.s32 $0x2, s0  }
0x8: {  	s6 =	sshrl.u32 s0, $0x1;
	s4 =	sadd.s32 $0x319E00, s31;
	s5 =	sshrl.u32 s5, $0x3  }
0x9: {  	_ =	strace $0x8000004A;
	s0 =	ssub.s32 s0, s6;
	s5 =	sadd.s32 s4, s5  }
0xa: {  	v0 =	vimm.s32 $0x0;
	v1 =	vimm.s32 $0x1;
	s6 =	sadd.s32 $0x62BE00, s31;
	s8 =	smax.u32 s0, $0x1;
	s7 =	sadd.s32 $0xC400, s5  }
.LBB2_1:
0xb: {  	s18 =	simm.s32 $0x18880  }
0xc: {  	[tilespmem:s18+$0xFFFFFF80] =	vst v0  }
0xd: {  	[tilespmem:s18+$0x70] =	vst v0  }
0xe: {  	[tilespmem:s18+$0x60] =	vst v0  }
0xf: {  	[tilespmem:s18+$0x50] =	vst v0  }
0x10: {  	[tilespmem:s18+$0x40] =	vst v0  }
0x11: {  	[tilespmem:s18+$0x30] =	vst v0  }
0x12: {  	[tilespmem:s18+$0x20] =	vst v0  }
0x13: {  	[tilespmem:s18+$0x10] =	vst v0  }
0x14: {  	[tilespmem:s18+$0x0] =	vst v0  }
0x15: {  	[tilespmem:s18+$0xFFFFFFF0] =	vst v0  }
0x16: {  	[tilespmem:s18+$0xFFFFFFE0] =	vst v0  }
0x17: {  	[tilespmem:s18+$0xFFFFFFD0] =	vst v0  }
0x18: {  	[tilespmem:s18+$0xFFFFFFC0] =	vst v0  }
0x19: {  	[tilespmem:s18+$0xFFFFFFB0] =	vst v0  }
0x1a: {  	s0 =	simm.s32 $0x0;
	[tilespmem:s18+$0xFFFFFFA0] =	vst v0  }
.LBB2_2:
0x1b: {  	s0 =	sadd.s32 $0x10, s0;
	[tilespmem:s18+$0xFFFFFF90] =	vst v0;
	s18 =	sadd.s32 $0x100, s18  }
0x1c: {  	[tilespmem:s18+$0xFFFFFF80] =	vst v0;
	p0 =	slt.u32 s0, $0x1F0  }
0x1d: {  	[tilespmem:s18+$0x70] =	vst v0  }
0x1e: {  	[tilespmem:s18+$0x60] =	vst v0  }
0x1f: {  	[tilespmem:s18+$0x50] =	vst v0  }
0x20: {  	[tilespmem:s18+$0x40] =	vst v0  }
0x21: {  	[tilespmem:s18+$0x30] =	vst v0  }
0x22: {  	[tilespmem:s18+$0x20] =	vst v0  }
0x23: {  	[tilespmem:s18+$0x10] =	vst v0  }
0x24: {  	[tilespmem:s18+$0x0] =	vst v0  }
0x25: {  	[tilespmem:s18+$0xFFFFFFF0] =	vst v0  }
.Ltmp0:
0x26: {  	[tilespmem:s18+$0xFFFFFFE0] =	vst v0;
	(pc) =	sbr.rel @p0 .LBB2_2-.Ltmp0, $4  }
0x27: {  	[tilespmem:s18+$0xFFFFFFD0] =	vst v0  }
0x28: {  	[tilespmem:s18+$0xFFFFFFC0] =	vst v0  }
0x29: {  	[tilespmem:s18+$0xFFFFFFB0] =	vst v0  }
0x2a: {  	[tilespmem:s18+$0xFFFFFFA0] =	vst v0  }
0x2b: {  	[tilespmem:s18+$0xFFFFFF90] =	vst v0;
	s18 =	simm.s32 $0x0;
	s0 =	simm.s32 $0x80  }
0x2c: {  	[tilespmem:s18], [sflag:$0x1] =	stream.strided.gather [hbm4b:s5+s0], $0xC400, s10, s0, $0x38;
	[tilespmem:$0x1A880] =	vst v63  }
0x2d: {  	s1 =	simm.s32 $0xC400  }
0x2e: {  	[tilespmem:s1], [sflag:$0x2] =	stream.strided.gather [hbm4b:s7+s0], $0xC400, s10, s0, $0x38;
	[tilespmem:$0x1A880] =	vst v63  }
.LBB2_4:
0x2f: {  	_ =	swait.ge [sflag:s12], $0xC400  }
0x30: {  	[sflag:s12] =	ssyncset.done $0x0  }
0x31: {  	s19 =	simm.s32 $0x80;
	[sflag:s12] =	ssyncadd.s32 $0xFFFF3C00  }
0x32: {  	v2 =	vld [tilespmem:s19+$0x10]  }
0x33: {  	v3 =	vld [tilespmem:s19+$0x0]  }
0x34: {  	v4 =	vld [tilespmem:s19+$0xFFFFFF80]  }
0x35: {  	v5 =	vld [tilespmem:s19+$0x70]  }
0x36: {  	v6 =	vld [tilespmem:s19+$0xFFFFFFA0]  }
0x37: {  	v7 =	vld [tilespmem:s19+$0xFFFFFFB0]  }
0x38: {  	v8 =	vld [tilespmem:s19+$0xFFFFFFC0]  }
0x39: {  	v10 =	vld [tilespmem:s19+$0x50]  }
0x3a: {  	v11 =	vld [tilespmem:s19+$0x40];
	v4 =	vshra.s32 v4, $0xB  }
0x3b: {  	v9 =	vld [tilespmem:s19+$0x60];
	v5 =	vshra.s32 v5, $0xB  }
0x3c: {  	v12 =	vld [tilespmem:s19+$0x30]  }
0x3d: {  	v13 =	vld [tilespmem:s19+$0x20]  }
0x3e: {  	v14 =	vld [tilespmem:s19+$0xFFFFFFD0];
	v59 =	vshra.s32 v10, $0xB  }
0x3f: {  	v60 =	vshra.s32 v11, $0xB;
	[tilespmem:v4+s13+$0x0] =	vst.idx.add.s32.msk $0xffff, v1  }
0x40: {  	v4 =	vshra.s32 v9, $0xB;
	[tilespmem:v5+s13+$0x0] =	vst.idx.add.s32.msk $0xffff, v1  }
0x41: {  	v5 =	vld [tilespmem:s19+$0xFFFFFFF0]  }
0x42: {  	v61 =	vld [tilespmem:s19+$0xFFFFFFE0];
	v2 =	vshra.s32 v2, $0xB  }
0x43: {  	v13 =	vshra.s32 v13, $0xB;
	[tilespmem:v59+s13+$0x0] =	vst.idx.add.s32.msk $0xffff, v1  }
0x44: {  	v3 =	vshra.s32 v3, $0xB;
	[tilespmem:v60+s13+$0x0] =	vst.idx.add.s32.msk $0xffff, v1  }
0x45: {  	v62 =	vshra.s32 v12, $0xB;
	[tilespmem:v4+s13+$0x0] =	vst.idx.add.s32.msk $0xffff, v1  }
0x46: {  	v63 =	vshra.s32 v14, $0xB;
	v4 =	vshra.s32 v5, $0xB;
	v5 =	vld [tilespmem:s19+$0xFFFFFF90]  }
0x47: {  	[tilespmem:v2+s13+$0x0] =	vst.idx.add.s32.msk $0xffff, v1;
	v2 =	vshra.s32 v7, $0xB  }
0x48: {  	v8 =	vshra.s32 v8, $0xB;
	[tilespmem:v13+s13+$0x0] =	vst.idx.add.s32.msk $0xffff, v1  }
0x49: {  	v6 =	vshra.s32 v6, $0xB;
	[tilespmem:v3+s13+$0x0] =	vst.idx.add.s32.msk $0xffff, v1  }
0x4a: {  	[tilespmem:v62+s13+$0x0] =	vst.idx.add.s32.msk $0xffff, v1  }
0x4b: {  	[tilespmem:v63+s13+$0x0] =	vst.idx.add.s32.msk $0xffff, v1;
	v3 =	vshra.s32 v5, $0xB  }
0x4c: {  	[tilespmem:v2+s13+$0x0] =	vst.idx.add.s32.msk $0xffff, v1;
	v2 =	vshra.s32 v61, $0xB  }
0x4d: {  	[tilespmem:v8+s13+$0x0] =	vst.idx.add.s32.msk $0xffff, v1  }
0x4e: {  	[tilespmem:v6+s13+$0x0] =	vst.idx.add.s32.msk $0xffff, v1  }
0x4f: {  	s20 =	simm.s32 $0x0;
	[tilespmem:v4+s13+$0x0] =	vst.idx.add.s32.msk $0xffff, v1  }
.LBB2_5:
0x50: {  	s20 =	sadd.s32 $0x10, s20;
	[tilespmem:v3+s13+$0x0] =	vst.idx.add.s32.msk $0xffff, v1;
	s19 =	sadd.s32 $0x100, s19  }
0x51: {  	p0 =	slt.u32 s20, $0xC30;
	[tilespmem:v2+s13+$0x0] =	vst.idx.add.s32.msk $0xffff, v1  }
0x52: {  	v2 =	vld [tilespmem:s19+$0x10]  }
0x53: {  	v3 =	vld [tilespmem:s19+$0x0]  }
0x54: {  	v4 =	vld [tilespmem:s19+$0xFFFFFF80]  }
0x55: {  	v5 =	vld [tilespmem:s19+$0x70]  }
0x56: {  	v6 =	vld [tilespmem:s19+$0xFFFFFFA0]  }
0x57: {  	v7 =	vld [tilespmem:s19+$0xFFFFFFB0]  }
0x58: {  	v8 =	vld [tilespmem:s19+$0xFFFFFFC0]  }
0x59: {  	v4 =	vshra.s32 v4, $0xB;
	v9 =	vld [tilespmem:s19+$0x60]  }
0x5a: {  	v10 =	vld [tilespmem:s19+$0x50];
	v5 =	vshra.s32 v5, $0xB  }
0x5b: {  	v11 =	vld [tilespmem:s19+$0x40]  }
0x5c: {  	v12 =	vld [tilespmem:s19+$0x30]  }
0x5d: {  	v13 =	vld [tilespmem:s19+$0x20]  }
0x5e: {  	[tilespmem:v4+s13+$0x0] =	vst.idx.add.s32.msk $0xffff, v1;
	v4 =	vshra.s32 v9, $0xB  }
0x5f: {  	v9 =	vshra.s32 v10, $0xB;
	[tilespmem:v5+s13+$0x0] =	vst.idx.add.s32.msk $0xffff, v1  }
0x60: {  	v5 =	vld [tilespmem:s19+$0xFFFFFFF0];
	v10 =	vshra.s32 v11, $0xB  }
0x61: {  	v11 =	vld [tilespmem:s19+$0xFFFFFFE0]  }
0x62: {  	v14 =	vld [tilespmem:s19+$0xFFFFFFD0];
	v13 =	vshra.s32 v13, $0xB  }
0x63: {  	v15 =	vshra.s32 v2, $0xB;
	[tilespmem:v4+s13+$0x0] =	vst.idx.add.s32.msk $0xffff, v1  }
0x64: {  	v3 =	vshra.s32 v3, $0xB;
	[tilespmem:v9+s13+$0x0] =	vst.idx.add.s32.msk $0xffff, v1  }
0x65: {  	v4 =	vshra.s32 v5, $0xB;
	[tilespmem:v10+s13+$0x0] =	vst.idx.add.s32.msk $0xffff, v1  }
0x66: {  	v9 =	vshra.s32 v12, $0xB;
	v5 =	vld [tilespmem:s19+$0xFFFFFF90];
	v2 =	vshra.s32 v11, $0xB  }
0x67: {  	v10 =	vshra.s32 v14, $0xB;
	[tilespmem:v13+s13+$0x0] =	vst.idx.add.s32.msk $0xffff, v1  }
0x68: {  	v8 =	vshra.s32 v8, $0xB;
	[tilespmem:v15+s13+$0x0] =	vst.idx.add.s32.msk $0xffff, v1  }
0x69: {  	v7 =	vshra.s32 v7, $0xB;
	[tilespmem:v3+s13+$0x0] =	vst.idx.add.s32.msk $0xffff, v1  }
0x6a: {  	v6 =	vshra.s32 v6, $0xB;
	[tilespmem:v4+s13+$0x0] =	vst.idx.add.s32.msk $0xffff, v1  }
.Ltmp1:
0x6b: {  	v3 =	vshra.s32 v5, $0xB;
	[tilespmem:v9+s13+$0x0] =	vst.idx.add.s32.msk $0xffff, v1;
	(pc) =	sbr.rel @p0 .LBB2_5-.Ltmp1, $4  }
0x6c: {  	[tilespmem:v10+s13+$0x0] =	vst.idx.add.s32.msk $0xffff, v1  }
0x6d: {  	[tilespmem:v8+s13+$0x0] =	vst.idx.add.s32.msk $0xffff, v1  }
0x6e: {  	[tilespmem:v7+s13+$0x0] =	vst.idx.add.s32.msk $0xffff, v1  }
0x6f: {  	[tilespmem:v6+s13+$0x0] =	vst.idx.add.s32.msk $0xffff, v1  }
0x70: {  	s19 =	sor.u32 s2, s18;
	p0 =	seq.s32 s18, $0x7  }
0x71: {  	s0 =	sadd.s32 @!p0 $0x1, s19  }
0x72: {  	s1 =	sshrl.u32 @!p0 s0, $0x3  }
0x73: {  	s0 =	sshll.u32 @!p0 s0, $0x7;
	s1 =	smul.u32 @!p0 $0xC4000, s1  }
0x74: {  	s0 =	sand.u32 @!p0 $0x380, s0  }
0x75: {  	s0 =	sor.u32 @!p0 s0, s1  }
0x76: {  	[tilespmem:v3+s13+$0x0] =	vst.idx.add.s32.msk $0xffff, v1;
	s11 =	simm.s32 @!p0 $0x400;
	s0 =	sshrl.u32 @!p0 s0, $0x3  }
0x77: {  	[tilespmem:v2+s13+$0x0] =	vst.idx.add.s32.msk $0xffff, v1;
	s20 =	simm.s32 @!p0 $0x0;
	s1 =	simm.s32 @!p0 $0x80;
	s0 =	sadd.s32 @!p0 s4, s0  }
0x78: {  	[tilespmem:s20], [sflag:$0x1] =	stream.strided.gather @!p0 [hbm4b:s0+s1], $0xC400, s11, s1, $0x38;
	[tilespmem:$0x1A880] =	vst v63  }
0x79: {  	_ =	swait.ge [sflag:s14], $0xC400  }
0x7a: {  	[sflag:s14] =	ssyncset.done $0x0  }
0x7b: {  	s20 =	simm.s32 $0xC4F0;
	[sflag:s14] =	ssyncadd.s32 $0xFFFF3C00  }
0x7c: {  	v2 =	vld [tilespmem:s20+$0xFFFFFFA0]  }
0x7d: {  	v3 =	vld [tilespmem:s20+$0xFFFFFF90]  }
0x7e: {  	v4 =	vld [tilespmem:s20+$0xFFFFFF10]  }
0x7f: {  	v5 =	vld [tilespmem:s20+$0x0]  }
0x80: {  	v6 =	vld [tilespmem:s20+$0xFFFFFF30]  }
0x81: {  	v7 =	vld [tilespmem:s20+$0xFFFFFF40]  }
0x82: {  	v8 =	vld [tilespmem:s20+$0xFFFFFF50]  }
0x83: {  	v10 =	vld [tilespmem:s20+$0xFFFFFFE0]  }
0x84: {  	v11 =	vld [tilespmem:s20+$0xFFFFFFD0];
	v4 =	vshra.s32 v4, $0xB  }
0x85: {  	v9 =	vld [tilespmem:s20+$0xFFFFFFF0];
	v5 =	vshra.s32 v5, $0xB  }
0x86: {  	v12 =	vld [tilespmem:s20+$0xFFFFFFC0]  }
0x87: {  	v13 =	vld [tilespmem:s20+$0xFFFFFFB0]  }
0x88: {  	v14 =	vld [tilespmem:s20+$0xFFFFFF60];
	v59 =	vshra.s32 v10, $0xB  }
0x89: {  	v60 =	vshra.s32 v11, $0xB;
	[tilespmem:v4+s13+$0x0] =	vst.idx.add.s32.msk $0xffff, v1  }
0x8a: {  	v4 =	vshra.s32 v9, $0xB;
	[tilespmem:v5+s13+$0x0] =	vst.idx.add.s32.msk $0xffff, v1  }
0x8b: {  	v5 =	vld [tilespmem:s20+$0xFFFFFF80]  }
0x8c: {  	v61 =	vld [tilespmem:s20+$0xFFFFFF70];
	v2 =	vshra.s32 v2, $0xB  }
0x8d: {  	v13 =	vshra.s32 v13, $0xB;
	[tilespmem:v59+s13+$0x0] =	vst.idx.add.s32.msk $0xffff, v1  }
0x8e: {  	v3 =	vshra.s32 v3, $0xB;
	[tilespmem:v60+s13+$0x0] =	vst.idx.add.s32.msk $0xffff, v1  }
0x8f: {  	v62 =	vshra.s32 v12, $0xB;
	[tilespmem:v4+s13+$0x0] =	vst.idx.add.s32.msk $0xffff, v1  }
0x90: {  	v63 =	vshra.s32 v14, $0xB;
	v4 =	vshra.s32 v5, $0xB;
	v5 =	vld [tilespmem:s20+$0xFFFFFF20]  }
0x91: {  	[tilespmem:v2+s13+$0x0] =	vst.idx.add.s32.msk $0xffff, v1;
	v2 =	vshra.s32 v7, $0xB  }
0x92: {  	v8 =	vshra.s32 v8, $0xB;
	[tilespmem:v13+s13+$0x0] =	vst.idx.add.s32.msk $0xffff, v1  }
0x93: {  	v6 =	vshra.s32 v6, $0xB;
	[tilespmem:v3+s13+$0x0] =	vst.idx.add.s32.msk $0xffff, v1  }
0x94: {  	[tilespmem:v62+s13+$0x0] =	vst.idx.add.s32.msk $0xffff, v1  }
0x95: {  	[tilespmem:v63+s13+$0x0] =	vst.idx.add.s32.msk $0xffff, v1;
	v3 =	vshra.s32 v5, $0xB  }
0x96: {  	[tilespmem:v2+s13+$0x0] =	vst.idx.add.s32.msk $0xffff, v1;
	v2 =	vshra.s32 v61, $0xB  }
0x97: {  	[tilespmem:v8+s13+$0x0] =	vst.idx.add.s32.msk $0xffff, v1  }
0x98: {  	[tilespmem:v6+s13+$0x0] =	vst.idx.add.s32.msk $0xffff, v1  }
0x99: {  	s21 =	simm.s32 $0xC40;
	[tilespmem:v4+s13+$0x0] =	vst.idx.add.s32.msk $0xffff, v1  }
.LBB2_7:
0x9a: {  	s21 =	sadd.s32 $0x10, s21;
	[tilespmem:v3+s13+$0x0] =	vst.idx.add.s32.msk $0xffff, v1;
	s20 =	sadd.s32 $0x100, s20  }
0x9b: {  	p0 =	slt.u32 s21, $0x1870;
	[tilespmem:v2+s13+$0x0] =	vst.idx.add.s32.msk $0xffff, v1  }
0x9c: {  	v2 =	vld [tilespmem:s20+$0xFFFFFFA0]  }
0x9d: {  	v3 =	vld [tilespmem:s20+$0xFFFFFF90]  }
0x9e: {  	v4 =	vld [tilespmem:s20+$0xFFFFFF10]  }
0x9f: {  	v5 =	vld [tilespmem:s20+$0x0]  }
0xa0: {  	v6 =	vld [tilespmem:s20+$0xFFFFFF30]  }
0xa1: {  	v7 =	vld [tilespmem:s20+$0xFFFFFF40]  }
0xa2: {  	v8 =	vld [tilespmem:s20+$0xFFFFFF50]  }
0xa3: {  	v4 =	vshra.s32 v4, $0xB;
	v9 =	vld [tilespmem:s20+$0xFFFFFFF0]  }
0xa4: {  	v10 =	vld [tilespmem:s20+$0xFFFFFFE0];
	v5 =	vshra.s32 v5, $0xB  }
0xa5: {  	v11 =	vld [tilespmem:s20+$0xFFFFFFD0]  }
0xa6: {  	v12 =	vld [tilespmem:s20+$0xFFFFFFC0]  }
0xa7: {  	v13 =	vld [tilespmem:s20+$0xFFFFFFB0]  }
0xa8: {  	[tilespmem:v4+s13+$0x0] =	vst.idx.add.s32.msk $0xffff, v1;
	v4 =	vshra.s32 v9, $0xB  }
0xa9: {  	v9 =	vshra.s32 v10, $0xB;
	[tilespmem:v5+s13+$0x0] =	vst.idx.add.s32.msk $0xffff, v1  }
0xaa: {  	v5 =	vld [tilespmem:s20+$0xFFFFFF80];
	v10 =	vshra.s32 v11, $0xB  }
0xab: {  	v11 =	vld [tilespmem:s20+$0xFFFFFF70]  }
0xac: {  	v14 =	vld [tilespmem:s20+$0xFFFFFF60];
	v13 =	vshra.s32 v13, $0xB  }
0xad: {  	v15 =	vshra.s32 v2, $0xB;
	[tilespmem:v4+s13+$0x0] =	vst.idx.add.s32.msk $0xffff, v1  }
0xae: {  	v3 =	vshra.s32 v3, $0xB;
	[tilespmem:v9+s13+$0x0] =	vst.idx.add.s32.msk $0xffff, v1  }
0xaf: {  	v4 =	vshra.s32 v5, $0xB;
	[tilespmem:v10+s13+$0x0] =	vst.idx.add.s32.msk $0xffff, v1  }
0xb0: {  	v9 =	vshra.s32 v12, $0xB;
	v5 =	vld [tilespmem:s20+$0xFFFFFF20];
	v2 =	vshra.s32 v11, $0xB  }
0xb1: {  	v10 =	vshra.s32 v14, $0xB;
	[tilespmem:v13+s13+$0x0] =	vst.idx.add.s32.msk $0xffff, v1  }
0xb2: {  	v8 =	vshra.s32 v8, $0xB;
	[tilespmem:v15+s13+$0x0] =	vst.idx.add.s32.msk $0xffff, v1  }
0xb3: {  	v7 =	vshra.s32 v7, $0xB;
	[tilespmem:v3+s13+$0x0] =	vst.idx.add.s32.msk $0xffff, v1  }
0xb4: {  	v6 =	vshra.s32 v6, $0xB;
	[tilespmem:v4+s13+$0x0] =	vst.idx.add.s32.msk $0xffff, v1  }
.Ltmp2:
0xb5: {  	v3 =	vshra.s32 v5, $0xB;
	[tilespmem:v9+s13+$0x0] =	vst.idx.add.s32.msk $0xffff, v1;
	(pc) =	sbr.rel @p0 .LBB2_7-.Ltmp2, $4  }
0xb6: {  	[tilespmem:v10+s13+$0x0] =	vst.idx.add.s32.msk $0xffff, v1  }
0xb7: {  	[tilespmem:v8+s13+$0x0] =	vst.idx.add.s32.msk $0xffff, v1  }
0xb8: {  	[tilespmem:v7+s13+$0x0] =	vst.idx.add.s32.msk $0xffff, v1  }
0xb9: {  	[tilespmem:v6+s13+$0x0] =	vst.idx.add.s32.msk $0xffff, v1  }
0xba: {  	p0 =	sne.s32 s18, $0x7  }
0xbb: {  	s0 =	sadd.s32 @p0 $0x1, s19  }
0xbc: {  	s1 =	sshrl.u32 @p0 s0, $0x3  }
0xbd: {  	s0 =	sshll.u32 @p0 s0, $0x7;
	s1 =	smul.u32 @p0 $0xC4000, s1  }
0xbe: {  	s0 =	sand.u32 @p0 $0x380, s0  }
0xbf: {  	s0 =	sor.u32 @p0 s0, s1  }
0xc0: {  	s0 =	sadd.s32 @p0 $0x62000, s0  }
0xc1: {  	[tilespmem:v3+s13+$0x0] =	vst.idx.add.s32.msk $0xffff, v1;
	s25 =	simm.s32 $0x18880;
	s11 =	simm.s32 @p0 $0x400;
	s0 =	sshrl.u32 @p0 s0, $0x3  }
0xc2: {  	[tilespmem:v2+s13+$0x0] =	vst.idx.add.s32.msk $0xffff, v1;
	s20 =	simm.s32 @p0 $0xC400;
	s1 =	simm.s32 @p0 $0x80;
	s0 =	sadd.s32 @p0 s4, s0  }
0xc3: {  	[tilespmem:s20], [sflag:$0x2] =	stream.strided.gather @p0 [hbm4b:s0+s1], $0xC400, s11, s1, $0x38;
	[tilespmem:$0x1A880] =	vst v63  }
0xc4: {  	v2 =	vld [tilespmem:s25+$0xFFFFFF80]  }
0xc5: {  	v3 =	vld [tilespmem:s25+$0xFFFFFF90]  }
0xc6: {  	v4 =	vld [tilespmem:s25+$0xFFFFFFA0]  }
0xc7: {  	v5 =	vld [tilespmem:s25+$0xFFFFFFB0]  }
0xc8: {  	v6 =	vld [tilespmem:s25+$0xFFFFFFC0]  }
0xc9: {  	v7 =	vld [tilespmem:s25+$0xFFFFFFD0]  }
0xca: {  	v2 =	vadd.s32 v2, v3;
	v3 =	vld [tilespmem:s25+$0xFFFFFFE0]  }
0xcb: {  	v2 =	vadd.s32 v4, v2;
	v4 =	vld [tilespmem:s25+$0xFFFFFFF0]  }
0xcc: {  	v2 =	vadd.s32 v5, v2;
	v5 =	vld [tilespmem:s25+$0x0]  }
0xcd: {  	v2 =	vadd.s32 v6, v2;
	v6 =	vld [tilespmem:s25+$0x10]  }
0xce: {  	v2 =	vadd.s32 v7, v2;
	v7 =	vld [tilespmem:s25+$0x20]  }
0xcf: {  	v2 =	vadd.s32 v3, v2;
	v3 =	vld [tilespmem:s25+$0x30]  }
0xd0: {  	v2 =	vadd.s32 v4, v2;
	v4 =	vld [tilespmem:s25+$0x40]  }
0xd1: {  	v2 =	vadd.s32 v5, v2;
	v5 =	vld [tilespmem:s25+$0x50]  }
0xd2: {  	v2 =	vadd.s32 v6, v2;
	v6 =	vld [tilespmem:s25+$0x60]  }
0xd3: {  	s26 =	simm.s32 $0x18980;
	v2 =	vadd.s32 v7, v2;
	v7 =	vld [tilespmem:s25+$0x70]  }
0xd4: {  	v8 =	vld [tilespmem:s26+$0xFFFFFF80];
	v2 =	vadd.s32 v3, v2  }
0xd5: {  	v9 =	vld [tilespmem:s26+$0xFFFFFFF0];
	v2 =	vadd.s32 v4, v2  }
0xd6: {  	v3 =	vld [tilespmem:s26+$0xFFFFFF90];
	v2 =	vadd.s32 v5, v2  }
0xd7: {  	v4 =	vld [tilespmem:s26+$0xFFFFFFA0];
	v2 =	vadd.s32 v6, v2  }
0xd8: {  	v5 =	vld [tilespmem:s26+$0xFFFFFFB0];
	v2 =	vadd.s32 v7, v2  }
0xd9: {  	v6 =	vld [tilespmem:s26+$0xFFFFFFC0];
	(xrf0) =	vadd.scan.msk.s32 $0xffff, v2  }
0xda: {  	v7 =	vld [tilespmem:s26+$0xFFFFFFD0]  }
0xdb: {  	v2 =	vld [tilespmem:s26+$0xFFFFFFE0];
	v3 =	vadd.s32 v8, v3  }
0xdc: {  	v10 =	vld [tilespmem:s26+$0x0];
	v3 =	vadd.s32 v4, v3  }
0xdd: {  	v62 =	vld [tilespmem:s26+$0x70];
	v3 =	vadd.s32 v5, v3  }
0xde: {  	v8 =	vld [tilespmem:s26+$0x10];
	v3 =	vadd.s32 v6, v3  }
0xdf: {  	v4 =	vld [tilespmem:s26+$0x20];
	v3 =	vadd.s32 v7, v3;
	v11, _, _ =	vpop (xrf0)  }
0xe0: {  	v5 =	vld [tilespmem:s26+$0x30];
	v2 =	vadd.s32 v2, v3;
	(v2sf) =	vpush v11, $0xF  }
0xe1: {  	v6 =	vld [tilespmem:s26+$0x40];
	v2 =	vadd.s32 v9, v2  }
0xe2: {  	v7 =	vld [tilespmem:s26+$0x50];
	v2 =	vadd.s32 v10, v2  }
0xe3: {  	s30 =	simm.s32 $0x18A80;
	v3 =	vld [tilespmem:s26+$0x60];
	v2 =	vadd.s32 v8, v2  }
0xe4: {  	v63 =	vld [tilespmem:s30+$0xFFFFFF80];
	v2 =	vadd.s32 v4, v2  }
0xe5: {  	v8 =	vld [tilespmem:s30+$0xFFFFFF90];
	v2 =	vadd.s32 v5, v2  }
0xe6: {  	v4 =	vld [tilespmem:s30+$0xFFFFFFA0];
	v2 =	vadd.s32 v6, v2  }
0xe7: {  	v5 =	vld [tilespmem:s30+$0xFFFFFFB0];
	v2 =	vadd.s32 v7, v2  }
0xe8: {  	v6 =	vld [tilespmem:s30+$0xFFFFFFC0];
	v2 =	vadd.s32 v3, v2  }
0xe9: {  	v7 =	vld [tilespmem:s30+$0xFFFFFFD0];
	v2 =	vadd.s32 v62, v2  }
0xea: {  	v3 =	vadd.s32 v63, v8;
	v8 =	vld [tilespmem:s30+$0xFFFFFFE0];
	(xrf0) =	vadd.scan.msk.s32 $0xffff, v2  }
0xeb: {  	v3 =	vadd.s32 v4, v3;
	v4 =	vld [tilespmem:s30+$0xFFFFFFF0]  }
0xec: {  	v2 =	vadd.s32 v5, v3;
	v5 =	vld [tilespmem:s30+$0x0]  }
0xed: {  	v2 =	vadd.s32 v6, v2;
	v6 =	vld [tilespmem:s30+$0x10]  }
0xee: {  	v2 =	vadd.s32 v7, v2;
	v7 =	vld [tilespmem:s30+$0x20]  }
0xef: {  	s21 =	simm.s32 $0xFFFFFFFF;
	v3 =	vld [tilespmem:s30+$0x30];
	v2 =	vadd.s32 v8, v2;
	s31 =	spop (v2sf)  }
0xf0: {  	s24 =	simm.s32 $0x1;
	s22 =	simm.s32 $0x2;
	v4 =	vadd.s32 v4, v2;
	v2 =	vld [tilespmem:s30+$0x40];
	v8, _, _ =	vpop (xrf0);
	s23 =	sadd.s32 $0x0, s31  }
0xf1: {  	p6 =	por $0x1, $0x1;
	s29 =	simm.s32 $0x18B80;
	v5 =	vadd.s32 v5, v4;
	v4 =	vld [tilespmem:s30+$0x50];
	(v2sf) =	vpush v8, $0xF;
	p1 =	sgt.s32 s23, $0x3E7  }
0xf2: {  	s28 =	simm.s32 $0x0;
	s20 =	simm.s32 $0x0;
	v6 =	vadd.s32 v6, v5;
	v5 =	vld [tilespmem:s30+$0x60];
	p0 =	por !p6, !p1  }
0xf3: {  	s25 =	simm.s32 $0x0;
	s26 =	simm.s32 $0x3;
	v7 =	vadd.s32 v7, v6;
	v6 =	vld [tilespmem:s30+$0x70];
	p1 =	por !p0, !p0  }
.LBB2_9:
0xf4: {  	p0 =	seq.s32 s26, $0x1F;
	s21 =	smov.u32 @p1 s28;
	s20 =	smov.u32 @p1 s25  }
0xf5: {  	v8 =	vld [tilespmem:s29+$0xFFFFFF80];
	v3 =	vadd.s32 v3, v7;
	s28 =	smov.u32 s24;
	s24 =	smov.u32 s22;
	s22 =	smov.u32 s26  }
0xf6: {  	s26 =	sadd.s32 $0x1, s26;
	s25 =	smov.u32 s23;
	v7 =	vld [tilespmem:s29+$0xFFFFFF90];
	v2 =	vadd.s32 v2, v3  }
0xf7: {  	v3 =	vld [tilespmem:s29+$0xFFFFFFA0];
	v2 =	vadd.s32 v4, v2  }
0xf8: {  	v4 =	vld [tilespmem:s29+$0xFFFFFFB0];
	v2 =	vadd.s32 v5, v2  }
0xf9: {  	v5 =	vld [tilespmem:s29+$0xFFFFFFC0];
	v2 =	vadd.s32 v6, v2  }
0xfa: {  	v6 =	vld [tilespmem:s29+$0xFFFFFFD0];
	(xrf0) =	vadd.scan.msk.s32 $0xffff, v2  }
0xfb: {  	v2 =	vadd.s32 v8, v7;
	v7 =	vld [tilespmem:s29+$0xFFFFFFE0]  }
0xfc: {  	v2 =	vadd.s32 v3, v2;
	v8 =	vld [tilespmem:s29+$0xFFFFFFF0]  }
0xfd: {  	v2 =	vadd.s32 v4, v2;
	v4 =	vld [tilespmem:s29+$0x0]  }
0xfe: {  	v2 =	vadd.s32 v5, v2;
	v5 =	vld [tilespmem:s29+$0x10]  }
0xff: {  	v2 =	vadd.s32 v6, v2;
	v6 =	vld [tilespmem:s29+$0x20]  }
.Ltmp3:
0x100: {  	v2 =	vadd.s32 v7, v2;
	v3 =	vld [tilespmem:s29+$0x30];
	v7, _, _ =	vpop (xrf0);
	s0 =	spop (v2sf);
	(pc) =	sbr.rel @!p0 .LBB2_9-.Ltmp3, $4  }
0x101: {  	v8 =	vadd.s32 v8, v2;
	v2 =	vld [tilespmem:s29+$0x40];
	(v2sf) =	vpush v7, $0xF;
	s23 =	sadd.s32 s23, s0  }
0x102: {  	p1 =	slt.s32 s21, $0x0;
	v7 =	vadd.s32 v4, v8;
	v4 =	vld [tilespmem:s29+$0x50];
	p2 =	sgt.s32 s23, $0x3E7  }
0x103: {  	v7 =	vadd.s32 v5, v7;
	v5 =	vld [tilespmem:s29+$0x60];
	p1 =	por !p1, !p2  }
0x104: {  	v7 =	vadd.s32 v6, v7;
	v6 =	vld [tilespmem:s29+$0x70];
	s29 =	sadd.s32 $0x100, s29;
	p1 =	por !p1, !p1  }
0x105: {  	v3 =	vadd.s32 v3, v7  }
0x106: {  	v2 =	vadd.s32 v2, v3  }
0x107: {  	v2 =	vadd.s32 v4, v2  }
0x108: {  	v2 =	vadd.s32 v5, v2  }
0x109: {  	v2 =	vadd.s32 v6, v2  }
0x10a: {  	(xrf0) =	vadd.scan.msk.s32 $0xffff, v2;
	_ =	sdelay $0x5  }
0x10b: {  	v2, _, _ =	vpop (xrf0)  }
0x10c: {  	(v2sf) =	vpush v2, $0xF;
	_ =	sdelay $0xa  }
0x10d: {  	s0 =	spop (v2sf)  }
0x10e: {  	s21 =	smov.u32 @p1 s28;
	s0 =	sadd.s32 s23, s0  }
0x10f: {  	p0 =	slt.s32 s21, $0x0;
	p2 =	sgt.s32 s0, $0x3E7  }
0x110: {  	p0 =	por !p0, !p2  }
0x111: {  	p0 =	por !p0, !p0;
	s1 =	spop (v2sf)  }
0x112: {  	s21 =	smov.u32 @p0 s24;
	s1 =	sadd.s32 s0, s1  }
0x113: {  	p6 =	slt.s32 s21, $0x0;
	p3 =	sgt.s32 s1, $0x3E7  }
0x114: {  	s20 =	smov.u32 @p1 s25;
	p4 =	por !p6, !p3  }
0x115: {  	s20 =	smov.u32 @p0 s23;
	p0 =	por !p4, !p4  }
0x116: {  	s21 =	smov.u32 @p0 s22  }
0x117: {  	s1 =	sshll.u32 s21, $0xA  }
0x118: {  	s20 =	smov.u32 @p0 s0;
	s22 =	simm.s32 $0x0;
	s0 =	sshra.s32 s1, $0x2  }
0x119: {  	s9 =	sand.u32 $0x80, s22;
	s25 =	sadd.s32 $0x18800, s0  }
0x11a: {  	s11 =	sand.u32 $0x70, s22;
	s0 =	sadd.s32 s9, s25  }
0x11b: {  	s0 =	sadd.s32 s11, s0  }
0x11c: {  	v2 =	vld [tilespmem:s0+$0x0];
	_ =	sdelay $0x4  }
0x11d: {  	(xrf0) =	vadd.scan.msk.s32 $0xffff, v2;
	_ =	sdelay $0x2  }
0x11e: {  	s24 =	simm.s32 $0x10  }
0x11f: {  	s26 =	sand.u32 $0x80, s24  }
0x120: {  	s1 =	sadd.s32 s26, s25;
	s0 =	sand.u32 $0x70, s24  }
0x121: {  	s0 =	sadd.s32 s0, s1;
	v2, _, _ =	vpop (xrf0)  }
0x122: {  	s11 =	simm.s32 $0x20;
	(v2sf) =	vpush v2, $0xF;
	v2 =	vld [tilespmem:s0+$0x0]  }
0x123: {  	s9 =	sand.u32 $0x80, s11  }
0x124: {  	s26 =	sand.u32 $0x70, s11;
	s9 =	sadd.s32 s9, s25  }
0x125: {  	s11 =	sadd.s32 s26, s9  }
0x126: {  	v3 =	vld [tilespmem:s11+$0x0]  }
0x127: {  	(xrf0) =	vadd.scan.msk.s32 $0xffff, v2;
	_ =	sdelay $0x3  }
0x128: {  	(xrf0) =	vadd.scan.msk.s32 $0xffff, v3;
	_ =	sdelay $0x1  }
0x129: {  	v3, _, _ =	vpop (xrf0)  }
0x12a: {  	s24 =	simm.s32 $0x30;
	(v2sf) =	vpush v3, $0xF  }
0x12b: {  	s26 =	sand.u32 $0x80, s24  }
0x12c: {  	s1 =	sadd.s32 s26, s25;
	s0 =	sand.u32 $0x70, s24  }
0x12d: {  	s0 =	sadd.s32 s0, s1;
	v3, _, _ =	vpop (xrf0)  }
0x12e: {  	v2 =	vld [tilespmem:s0+$0x0];
	s9 =	spop (v2sf);
	(v2sf) =	vpush v3, $0xF  }
0x12f: {  	s30 =	simm.s32 $0x1;
	s29 =	simm.s32 $0x2  }
0x130: {  	s28 =	simm.s32 $0x3;
	s31 =	simm.s32 $0x5;
	p5 =	por $0x1, $0x1  }
0x131: {  	s23 =	simm.s32 $0xFFFFFFFF;
	s1 =	simm.s32 $0x40;
	s24 =	sadd.s32 s20, s9  }
0x132: {  	s26 =	simm.s32 $0x4;
	s11 =	sand.u32 $0x80, s1;
	p6 =	sgt.s32 s24, $0x3E7  }
0x133: {  	s0 =	sadd.s32 s11, s25;
	(xrf0) =	vadd.scan.msk.s32 $0xffff, v2;
	s9 =	sand.u32 $0x70, s1;
	p0 =	por !p5, !p6  }
0x134: {  	s11 =	sadd.s32 s9, s0;
	s0 =	simm.s32 $0x0;
	p0 =	por !p0, !p0  }
.LBB2_11:
0x135: {  	p1 =	sne.s32 s31, $0xF;
	s23 =	smov.u32 @p0 s0;
	s22 =	smov.u32 @p0 s20  }
0x136: {  	v2 =	vld [tilespmem:s11+$0x0];
	s0 =	smov.u32 s30;
	s30 =	smov.u32 s29;
	s29 =	smov.u32 s28  }
0x137: {  	s28 =	smov.u32 s26;
	s26 =	smov.u32 s31;
	s31 =	sadd.s32 $0x1, s31  }
0x138: {  	s20 =	smov.u32 s24  }
.Ltmp4:
0x139: {  	v3, _, _ =	vpop (xrf0);
	s11 =	spop (v2sf);
	(pc) =	sbr.rel @p1 .LBB2_11-.Ltmp4, $4  }
0x13a: {  	s1 =	sadd.s32 $0x10, s1;
	(v2sf) =	vpush v3, $0xF;
	s24 =	sadd.s32 s24, s11  }
0x13b: {  	p0 =	slt.s32 s23, $0x0;
	s11 =	sand.u32 $0x80, s1;
	(xrf0) =	vadd.scan.msk.s32 $0xffff, v2;
	p2 =	sgt.s32 s24, $0x3E7  }
0x13c: {  	s9 =	sand.u32 $0x70, s1;
	s11 =	sadd.s32 s11, s25;
	p0 =	por !p0, !p2  }
0x13d: {  	s11 =	sadd.s32 s9, s11;
	p0 =	por !p0, !p0  }
0x13e: {  	v2 =	vld [tilespmem:s11+$0x0];
	_ =	sdelay $0x4  }
0x13f: {  	(xrf0) =	vadd.scan.msk.s32 $0xffff, v2;
	_ =	sdelay $0x1  }
0x140: {  	v2, _, _ =	vpop (xrf0)  }
0x141: {  	(v2sf) =	vpush v2, $0xF;
	_ =	sdelay $0x2  }
0x142: {  	v2, _, _ =	vpop (xrf0)  }
0x143: {  	(v2sf) =	vpush v2, $0xF;
	_ =	sdelay $0x2  }
0x144: {  	s1 =	spop (v2sf)  }
0x145: {  	s23 =	smov.u32 @p0 s0;
	s0 =	sadd.s32 s24, s1  }
0x146: {  	p1 =	slt.s32 s23, $0x0;
	p2 =	sgt.s32 s0, $0x3E7  }
0x147: {  	p1 =	por !p1, !p2  }
0x148: {  	p1 =	por !p1, !p1;
	s25 =	spop (v2sf)  }
0x149: {  	s23 =	smov.u32 @p1 s30;
	s1 =	sadd.s32 s0, s25  }
0x14a: {  	p4 =	slt.s32 s23, $0x0;
	p3 =	sgt.s32 s1, $0x3E7  }
0x14b: {  	p2 =	por !p4, !p3  }
0x14c: {  	p2 =	por !p2, !p2;
	s9 =	spop (v2sf)  }
0x14d: {  	s23 =	smov.u32 @p2 s29;
	s9 =	sadd.s32 s1, s9  }
0x14e: {  	p5 =	slt.s32 s23, $0x0;
	p4 =	sgt.s32 s9, $0x3E7  }
0x14f: {  	p3 =	por !p5, !p4  }
0x150: {  	p3 =	por !p3, !p3;
	s30 =	spop (v2sf)  }
0x151: {  	s23 =	smov.u32 @p3 s28;
	s11 =	sadd.s32 s9, s30  }
0x152: {  	p6 =	slt.s32 s23, $0x0;
	p5 =	sgt.s32 s11, $0x3E7  }
0x153: {  	p4 =	por !p6, !p5  }
0x154: {  	p4 =	por !p4, !p4  }
0x155: {  	s23 =	smov.u32 @p4 s26  }
0x156: {  	s31 =	sshll.u32 s21, $0x8;
	s23 =	sshll.u32 s23, $0x4  }
0x157: {  	s21 =	sadd.s32 s31, s23  }
0x158: {  	s23 =	sand.u32 $0x70, s23;
	s11 =	sand.u32 $0xFFFFFF80, s21  }
0x159: {  	s11 =	sor.u32 s23, s11;
	s23 =	simm.s32 $0x18880  }
0x15a: {  	v2 =	vld [tilespmem:s11+$0x18800];
	[tilespmem:s23+$0xFFFFFF80] =	vst v0  }
0x15b: {  	[tilespmem:s23+$0x70] =	vst v0  }
0x15c: {  	[tilespmem:s23+$0x60] =	vst v0  }
0x15d: {  	[tilespmem:s23+$0x50] =	vst v0  }
0x15e: {  	[tilespmem:s23+$0x40] =	vst v0  }
0x15f: {  	[tilespmem:s23+$0x30] =	vst v0;
	(xrf0) =	vadd.scan.msk.s32 $0xffff, v2  }
0x160: {  	[tilespmem:s23+$0x20] =	vst v0  }
0x161: {  	s22 =	smov.u32 @p0 s20;
	[tilespmem:s23+$0x10] =	vst v0  }
0x162: {  	s22 =	smov.u32 @p1 s24;
	[tilespmem:s23+$0x0] =	vst v0  }
0x163: {  	s22 =	smov.u32 @p2 s0;
	[tilespmem:s23+$0xFFFFFFF0] =	vst v0  }
0x164: {  	s22 =	smov.u32 @p3 s1;
	[tilespmem:s23+$0xFFFFFFE0] =	vst v0  }
0x165: {  	s22 =	smov.u32 @p4 s9;
	[tilespmem:s23+$0xFFFFFFD0] =	vst v0;
	v2, _, _ =	vpop (xrf0)  }
0x166: {  	[tilespmem:s23+$0xFFFFFFC0] =	vst v0;
	v2 =	vadd.s32 s22, v2  }
0x167: {  	[tilespmem:s23+$0xFFFFFFB0] =	vst v0;
	vm0 =	vgt.s32 v2, $0x3E7  }
0x168: {  	s0 =	simm.s32 $0x0;
	[tilespmem:s23+$0xFFFFFFA0] =	vst v0;
	v2 =	vmctz.xlane vm0  }
.LBB2_13:
0x169: {  	s0 =	sadd.s32 $0x10, s0;
	[tilespmem:s23+$0xFFFFFF90] =	vst v0;
	s23 =	sadd.s32 $0x100, s23  }
0x16a: {  	[tilespmem:s23+$0xFFFFFF80] =	vst v0;
	p0 =	slt.u32 s0, $0x1F0  }
0x16b: {  	[tilespmem:s23+$0x70] =	vst v0  }
0x16c: {  	[tilespmem:s23+$0x60] =	vst v0  }
0x16d: {  	[tilespmem:s23+$0x50] =	vst v0  }
0x16e: {  	[tilespmem:s23+$0x40] =	vst v0  }
0x16f: {  	[tilespmem:s23+$0x30] =	vst v0  }
0x170: {  	[tilespmem:s23+$0x20] =	vst v0  }
0x171: {  	[tilespmem:s23+$0x10] =	vst v0  }
0x172: {  	[tilespmem:s23+$0x0] =	vst v0  }
0x173: {  	[tilespmem:s23+$0xFFFFFFF0] =	vst v0  }
.Ltmp5:
0x174: {  	[tilespmem:s23+$0xFFFFFFE0] =	vst v0;
	(pc) =	sbr.rel @p0 .LBB2_13-.Ltmp5, $4  }
0x175: {  	[tilespmem:s23+$0xFFFFFFD0] =	vst v0  }
0x176: {  	[tilespmem:s23+$0xFFFFFFC0] =	vst v0  }
0x177: {  	[tilespmem:s23+$0xFFFFFFB0] =	vst v0  }
0x178: {  	[tilespmem:s23+$0xFFFFFFA0] =	vst v0  }
0x179: {  	v2 =	vadd.s32 s21, v2  }
0x17a: {  	s18 =	sadd.s32 $0x1, s18;
	v2 =	vshll.u32 v2, $0xB  }
0x17b: {  	[tilespmem:s23+$0xFFFFFF90] =	vst v0;
	s0 =	sshll.u32 s19, $0x4;
	p0 =	sne.s32 s18, $0x8;
	v2 =	vadd.s32 $0x800, v2  }
.Ltmp6:
0x17c: {  	s0 =	sadd.s32 s6, s0;
	[tilespmem:$0x1A800] =	vst v2;
	(pc) =	sbr.rel @p0 .LBB2_4-.Ltmp6, $4  }
0x17d: {  	[hbm4b:s0+s3] =	stream.linear.scatter [tilespmem:s15], [sflag:$0x3], $0x80, $0x38;
	[tilespmem:$0x1A880] =	vst v63  }
0x17e: {  	_ =	swait.ge [sflag:s16], $0x80  }
0x17f: {  	[sflag:s16] =	ssyncset.done $0x0  }
0x180: {  	[sflag:s16] =	ssyncadd.s32 $0xFFFFFF80  }
0x181: {  	s17 =	sadd.s32 $0x1, s17  }
0x182: {  	p0 =	sne.s32 s17, s8  }
.Ltmp7:
0x183: {  	_ = 	snop;
	(pc) =	sbr.rel @p0 .LBB2_1-.Ltmp7, $1  }
0x184: {  	_ =	sdelay $0x3  }
0x185: {  	_ =	sfence.sel $0x180000  }
0x186: {  	[bflag:$0x0] =	sbarrier.arrive $0xFFFF  }
0x187: {  	_ =	strace $0x9000004A  }
0x188: {  	s0 =	stileid.u32;
	[bflag:$0x2] =	sbarrier.arrive $0xFFFF  }
0x189: {  	p0 =	sne.s32 s0, $0x0;
	s0 =	rddreg [dreg:$0x1]  }
0x18a: {  	s0 =	sadd.s32 @!p0 $0x100000, s0  }
0x18b: {  	[sflag:s0] =	ssyncadd.tile.s32 @!p0 $0x1;
	_ =	shalt  }
.Lfunc_end2:
_tile_overlayer_lowered:
.L_overlay_start_2:
0x18c: {  	(tag) =	ssettag $0x2  }
0x18d: {  	s0 =	rddreg [dreg:$0x0];
	s2 =	stileid.u32  }
0x18e: {  	s1 =	rddreg [dreg:$0x1];
	p0 =	sne.s32 s2, $0x0  }
0x18f: {  	s3 =	rddreg [dreg:$0x2];
	[bflag:$0x3] =	sbarrier.arrive $0xFFFF;
	s2 =	simm.s32 @!p0 $0x1C03  }
0x190: {  	[timem:s3], [sflag:s2] =	dma.local @!p0 [hbm:s0], s1  }
0x191: {  	s0 =	simm.s32 @!p0 $0x3  }
0x192: {  	_ =	swait.ge @!p0 [sflag:s0], s1  }
0x193: {  	s1 =	ssub.s32 @!p0 $0x0, s1;
	[sflag:s0] =	ssyncset.done @!p0 $0x0  }
0x194: {  	[sflag:s0] =	ssyncadd.s32 @!p0 s1  }
0x195: {  	[bflag:$0x3] =	sbarrier.arrive $0xFFFF  }
0x196: {  	_ =	shalt  }

// kernel: kernel.23.cloned.1.call-start
scs
__scs_entry_jumppad:
0x0: {  	(pc) =	sbr.rel $0x88, $3  }
0x1: {  	(tag) =	ssettag $0x0;
	lr =	simm.s32 $0x1  }
0x2: {  	[smem:$0x3F9E] =	sst lr;
	_ =	strace $0xD0000000  }
0x3: {  	_ = 	snop  }
0x4: {  	_ = 	snop  }
0x5: {  	_ = 	snop  }
0x6: {  	_ = 	snop  }
0x7: {  	_ = 	snop  }
__scs_overlays_trampoline_lowered:
0x8: {  	[smem:$0x3FAD] =	sst s0  }
0x9: {  	[smem:$0x3FAE] =	sst s1  }
0xa: {  	[smem:$0x3FAF] =	sst s2  }
0xb: {  	[smem:$0x3FB0] =	sst s3  }
0xc: {  	[smem:$0x3FB1] =	sst s4  }
0xd: {  	[smem:$0x3FB2] =	sst s5  }
0xe: {  	[smem:$0x3FB3] =	sst s6  }
0xf: {  	[smem:$0x3FB4] =	sst s7  }
0x10: {  	[smem:$0x3FB5] =	sst s8  }
0x11: {  	[smem:$0x3FB6] =	sst s9;
	s0 =	simm.s32 @!p0 $0x0  }
0x12: {  	s1 =	sld [smem:$0x3F9C];
	s0 =	simm.s32 @p0 $0x1  }
0x13: {  	[smem:$0x3FB7] =	sst s0;
	s0 =	simm.s32 @!p1 $0x0  }
0x14: {  	s2 =	sld [smem:$0x3F9B];
	s0 =	simm.s32 @p1 $0x1  }
0x15: {  	[smem:$0x3FB8] =	sst s0;
	s0 =	simm.s32 @!p2 $0x0  }
0x16: {  	s3 =	sld [smem:$0x3FDB];
	s0 =	simm.s32 @p2 $0x1  }
0x17: {  	s4 =	simm.s32 $0x1BF5;
	[smem:$0x3FBA] =	sst s0  }
0x18: {  	s0 =	sld [smem:$0x3F9D];
	_ =	swait.ge [sflag:s4], $0x0  }
0x19: {  	s7 =	sld [smem:$0x3F9E]  }
0x1a: {  	s8 =	sadd.s32 $0xFFFFE003, lr  }
0x1b: {  	s9 =	sadd.s32 $0xFFFFFEF7, lr;
	s5 =	simm.s32 $0xFFFFFFFF;
	p2 =	slt.u32 s8, $0xFFFFF086  }
0x1c: {  	p1 =	slt.u32 s9, $0xF7A;
	s5 =	simm.s32 @!p2 $0x0  }
0x1d: {  	s5 =	simm.s32 @p1 $0x1;
	p0 =	seq.s32 s7, s2  }
0x1e: {  	s7 =	smul.u32 @!p0 $0xF7A, s2;
	p2 =	seq.s32 @!p0 s5, $0x0  }
0x1f: {  	s9 =	smul.u32 $0xF7A, s1;
	s8 =	simm.s32 @!p0 $0x1BF5;
	p2 =	por !p2, p0  }
0x20: {  	[sflag:s8] =	ssyncset.s32 @!p0 $0xFFFFF086;
	s6 =	sadd.s32 @!p0 s3, s7;
	s7 =	simm.s32 @!p0 $0x108  }
0x21: {  	s3 =	sadd.s32 s3, s9;
	s6 =	sadd.s32 @!p0 $0x88, s6;
	s7 =	simm.s32 @p2 $0x1082  }
0x22: {  	[simem:s7], [sflag:s8] =	dma.local @!p0 [hbm:s6], $0xF7A  }
0x23: {  	s9 =	sor.u32 $0xD0000000, s2;
	s6 =	simm.s32 $0x108;
	_ =	swait.ge @!p0 [sflag:s8], $0x0  }
0x24: {  	s3 =	sadd.s32 $0x88, s3;
	s6 =	simm.s32 @!p1 $0x1082;
	[sflag:s4] =	ssyncset.s32 $0xFFFFF086  }
0x25: {  	[simem:s6], [sflag:s4] =	dma.local [hbm:s3], $0xF7A  }
0x26: {  	[smem:$0x3F9E] =	sst s1;
	(tag) =	ssettag s2;
	_ =	strace s9  }
0x27: {  	s1 =	sld [smem:$0x3FAE]  }
0x28: {  	s2 =	sld [smem:$0x3FAF]  }
0x29: {  	s4 =	sld [smem:$0x3FB1]  }
0x2a: {  	p0 =	seq.s32 s5, $0x0;
	s5 =	sld [smem:$0x3FB2]  }
0x2b: {  	s6 =	sld [smem:$0x3FB3]  }
0x2c: {  	s7 =	sld [smem:$0x3FB4]  }
0x2d: {  	s3 =	simm.s32 $0x108;
	s8 =	sld [smem:$0x3FB5]  }
0x2e: {  	s3 =	simm.s32 @!p0 $0x1082;
	s9 =	sld [smem:$0x3FB6]  }
0x2f: {  	lr =	sadd.s32 s0, s3;
	s0 =	sld [smem:$0x3FAD]  }
0x30: {  	s3 =	sld [smem:$0x3FB0]  }
0x31: {  	[smem:$0x3FB9] =	sst s10  }
0x32: {  	s10 =	sld [smem:$0x3FB7];
	_ =	sdelay $0x3  }
0x33: {  	p0 =	seq.s32 s10, $0x1;
	s10 =	sld [smem:$0x3FB9];
	_ =	sdelay $0x3  }
0x34: {  	[smem:$0x3FB9] =	sst s10  }
0x35: {  	s10 =	sld [smem:$0x3FB8];
	_ =	sdelay $0x3  }
0x36: {  	p1 =	seq.s32 s10, $0x1;
	s10 =	sld [smem:$0x3FB9];
	_ =	sdelay $0x3  }
0x37: {  	[smem:$0x3FB9] =	sst s10  }
0x38: {  	s10 =	sld [smem:$0x3FBA]  }
0x39: {  	_ = 	snop;
	(pc) =	sbr.ind lr, $3  }
0x3a: {  	_ = 	snop  }
0x3b: {  	_ = 	snop  }
0x3c: {  	p2 =	seq.s32 s10, $0x1;
	s10 =	sld [smem:$0x3FB9]  }
0x3d: {  	_ =	shalt  }
0x3e: {  	_ =	shalt  }
0x3f: {  	_ =	shalt  }
0x40: {  	_ =	shalt  }
0x41: {  	_ =	shalt  }
0x42: {  	_ =	shalt  }
0x43: {  	_ =	shalt  }
0x44: {  	_ =	shalt  }
0x45: {  	_ =	shalt  }
0x46: {  	_ =	shalt  }
0x47: {  	_ =	shalt  }
0x48: {  	_ =	shalt  }
0x49: {  	_ =	shalt  }
0x4a: {  	_ =	shalt  }
0x4b: {  	_ =	shalt  }
0x4c: {  	_ =	shalt  }
0x4d: {  	_ =	shalt  }
0x4e: {  	_ =	shalt  }
0x4f: {  	_ =	shalt  }
0x50: {  	_ =	shalt  }
0x51: {  	_ =	shalt  }
0x52: {  	_ =	shalt  }
0x53: {  	_ =	shalt  }
0x54: {  	_ =	shalt  }
0x55: {  	_ =	shalt  }
0x56: {  	_ =	shalt  }
0x57: {  	_ =	shalt  }
0x58: {  	_ =	shalt  }
0x59: {  	_ =	shalt  }
0x5a: {  	_ =	shalt  }
0x5b: {  	_ =	shalt  }
0x5c: {  	_ =	shalt  }
0x5d: {  	_ =	shalt  }
0x5e: {  	_ =	shalt  }
0x5f: {  	_ =	shalt  }
0x60: {  	_ =	shalt  }
0x61: {  	_ =	shalt  }
0x62: {  	_ =	shalt  }
0x63: {  	_ =	shalt  }
0x64: {  	_ =	shalt  }
0x65: {  	_ =	shalt  }
0x66: {  	_ =	shalt  }
0x67: {  	_ =	shalt  }
0x68: {  	_ =	shalt  }
0x69: {  	_ =	shalt  }
0x6a: {  	_ =	shalt  }
0x6b: {  	_ =	shalt  }
0x6c: {  	_ =	shalt  }
0x6d: {  	_ =	shalt  }
0x6e: {  	_ =	shalt  }
0x6f: {  	_ =	shalt  }
0x70: {  	_ =	shalt  }
0x71: {  	_ =	shalt  }
0x72: {  	_ =	shalt  }
0x73: {  	_ =	shalt  }
0x74: {  	_ =	shalt  }
0x75: {  	_ =	shalt  }
0x76: {  	_ =	shalt  }
0x77: {  	_ =	shalt  }
0x78: {  	_ =	shalt  }
0x79: {  	_ =	shalt  }
0x7a: {  	_ =	shalt  }
0x7b: {  	_ =	shalt  }
0x7c: {  	_ =	shalt  }
0x7d: {  	_ =	shalt  }
0x7e: {  	_ =	shalt  }
0x7f: {  	_ =	shalt  }
0x80: {  	_ =	shalt  }
0x81: {  	_ =	shalt  }
0x82: {  	_ =	shalt  }
0x83: {  	_ =	shalt  }
0x84: {  	_ =	shalt  }
0x85: {  	_ =	shalt  }
0x86: {  	_ =	shalt  }
0x87: {  	_ =	shalt  }
.Lfunc_end0:
.L_simem_size_0:
called_computation.3_lowered:
.L_overlay_start_0:
0x88: {  	s2 =	sld [smem:$0x3FD9]  }
0x89: {  	s3 =	sld [smem:$0x3FFE];
	_ =	sdelay $0x1  }
0x8a: {  	s1 =	srdreg.scid  }
0x8b: {  	s0 =	sand.u32 $0x1, s1  }
0x8c: {  	s16 =	sshll.u32 s0, $0xA;
	s2 =	sadd.s32 s3, s2  }
0x8d: {  	s2 =	sadd.s32 s2, s16  }
0x8e: {  	[smem:$0x3FC5] =	sst s2  }
0x8f: {  	_ = 	snop  }
0x90: {  	(tm) =	ssettm $0x1  }
0x91: {  	s17 =	sld [smem:$0x3FFB];
	_ =	sdelay $0x3  }
0x92: {  	_ =	strace s17  }
0x93: {  	s2 =	sld [smem:$0x3FFC];
	_ =	sdelay $0x3  }
0x94: {  	_ =	strace s2  }
0x95: {  	s2 =	sld [smem:$0x3FFD];
	_ =	sdelay $0x3  }
0x96: {  	_ =	strace s2  }
0x97: {  	_ =	strace $0x8FFFFFFF  }
0x98: {  	s18 =	sld [smem:$0x3FDB];
	_ =	sdelay $0x1  }
0x99: {  	s19 =	simm.s32 $_scs_section_size  }
0x9a: {  	s4 =	simm.s32 $_size__tile_overlayer_lowered;
	s5 =	simm.s32 $_tile_overlayer_lowered  }
0x9b: {  	s22 =	simm.s32 $0x1BFF;
	s21 =	sshll.u32 s5, $0x1;
	s2 =	sadd.s32 s19, s18  }
0x9c: {  	s6 =	simm.s32 $0x0;
	s20 =	sshll.u32 s4, $0x1;
	s4 =	sadd.s32 s21, s2  }
0x9d: {  	[timem:s6], [sflag:s22] =	dma.local [hbm:s4], s20  }
0x9e: {  	_ =	swait.ge [sflag:s22], s20  }
0x9f: {  	s3 =	ssub.s32 $0x0, s20;
	[sflag:s22] =	ssyncset.done $0x0  }
0xa0: {  	[sflag:s22] =	ssyncadd.s32 s3;
	_ =	sdelay $0x1  }
0xa1: {  	s23 =	simm.s32 $0x1B8B  }
0xa2: {  	_ =	swait.ge [sflag:s23], $0x1  }
0xa3: {  	[sflag:s23] =	ssyncset.done $0x0  }
0xa4: {  	s25 =	simm.s32 $0x1B8E;
	s24 =	sld [smem:$0x3FFE];
	[sflag:s23] =	ssyncadd.s32 $0xFFFFFFFF  }
0xa5: {  	s26 =	simm.s32 $execute0_lowered;
	[smem:$0x3FD2] =	sst s25  }
0xa6: {  	s4 =	sshll.u32 s26, $0x1;
	_ =	strace $0x80000046;
	[dreg:$0x1] =	wrdreg $0xFFFFFFFF  }
0xa7: {  	s28 =	simm.s32 $_size_execute0_lowered;
	s2 =	sadd.s32 s2, s4;
	[dreg:$0x0] =	wrdreg $0x0  }
0xa8: {  	s4 =	sshll.u32 s28, $0x1;
	[dreg:$0x2] =	wrdreg s2  }
0xa9: {  	[dreg:$0x3] =	wrdreg s4  }
0xaa: {  	[dreg:$0x4] =	wrdreg $0xC0  }
0xab: {  	_ =	task [dreg:s6], $0x5FFFF  }
0xac: {  	[dreg:$0x1] =	wrdreg $0xFFFFFFFF  }
0xad: {  	[dreg:$0x0] =	wrdreg $0x60  }
0xae: {  	[dreg:$0x2] =	wrdreg s24  }
0xaf: {  	[dreg:$0x3] =	wrdreg $0xC  }
0xb0: {  	_ =	task.clear_ibuf [dreg:s6], $0x4FFFF;
	_ =	strace $0x90000046  }
0xb1: {  	s29 =	simm.s32 $0xC;
	_ =	strace $0x80000048  }
0xb2: {  	_ =	swait.ge [sflag:s29], $0x1  }
0xb3: {  	[sflag:s29] =	ssyncadd.s32 $0xFFFFFFFF  }
0xb4: {  	_ =	strace $0x90000048  }
0xb5: {  	_ =	sfence  }
0xb6: {  	s30 =	sld [smem:$0x0];
	_ =	sdelay $0x2  }
0xb7: {  	s31 =	sshll.u32 s1, $0xD;
	s1 =	sshrl.u32 s1, $0x2  }
0xb8: {  	s3 =	sand.u32 $0x4000, s31;
	s1 =	sadd.s32 s1, s30  }
0xb9: {  	s0 =	sor.u32 s3, s0;
	s1 =	sshll.u32 s1, $0x11  }
0xba: {  	s0 =	sor.u32 s1, s0  }
0xbb: {  	s0 =	sadd.s32 $0x8F2B, s0  }
0xbc: {  	[sflag:s0] =	ssyncadd.remote.s32 $0x1  }
0xbd: {  	_ =	sfence.sel $0xFFFF  }
0xbe: {  	[dreg:$0x0] =	wrdreg $0xFFFFFFFF;
	(pc) =	sbr.abs _section_cstart, $3  }
0xbf: {  	[dreg:$0x1] =	wrdreg $0xFFFFFFFF  }
0xc0: {  	_ =	task.clear_ibuf [dreg:s6], $0x2FFFF;
	_ =	strace $0x9FFFFFFF  }
0xc1: {  	(tm) =	ssettm $0x7FFFFFFF  }
tec
execute0_lowered:
.L_overlay_start_1:
0x0: {  	(tag) =	ssettag $0x1  }
0x1: {  	s0 =	srdreg.scid  }
0x2: {  	s1 =	stileid.u32;
	s31 =	rddreg [dreg:$0x0];
	s0 =	sand.u32 $0x1, s0  }
0x3: {  	s3 =	simm.s32 $0x0;
	s1 =	sshll.u32 s1, $0x4;
	s2 =	sshll.u32 s0, $0x3  }
0x4: {  	s10 =	simm.s32 $0x400;
	s12 =	simm.s32 $0x1;
	s2 =	sor.u32 s2, s1  }
0x5: {  	s13 =	simm.s32 $0x18800;
	s14 =	simm.s32 $0x2;
	s4 =	sshrl.u32 s2, $0x3  }
0x6: {  	s15 =	simm.s32 $0x1A800;
	s16 =	simm.s32 $0x3;
	s5 =	smul.u32 $0xC4000, s4  }
0x7: {  	s17 =	simm.s32 $0x0;
	[smem:$0x7FF] =	sst s3;
	s0 =	ssub.s32 $0x2, s0  }
0x8: {  	s6 =	sshrl.u32 s0, $0x1;
	s4 =	sadd.s32 $0x5E00, s31;
	s5 =	sshrl.u32 s5, $0x3  }
0x9: {  	_ =	strace $0x80000047;
	s0 =	ssub.s32 s0, s6;
	s5 =	sadd.s32 s4, s5  }
0xa: {  	v0 =	vimm.s32 $0x0;
	v1 =	vimm.s32 $0x1;
	s6 =	sadd.s32 $0x317E00, s31;
	s8 =	smax.u32 s0, $0x1;
	s7 =	sadd.s32 $0xC400, s5  }
.LBB2_1:
0xb: {  	s18 =	simm.s32 $0x18880  }
0xc: {  	[tilespmem:s18+$0xFFFFFF80] =	vst v0  }
0xd: {  	[tilespmem:s18+$0x70] =	vst v0  }
0xe: {  	[tilespmem:s18+$0x60] =	vst v0  }
0xf: {  	[tilespmem:s18+$0x50] =	vst v0  }
0x10: {  	[tilespmem:s18+$0x40] =	vst v0  }
0x11: {  	[tilespmem:s18+$0x30] =	vst v0  }
0x12: {  	[tilespmem:s18+$0x20] =	vst v0  }
0x13: {  	[tilespmem:s18+$0x10] =	vst v0  }
0x14: {  	[tilespmem:s18+$0x0] =	vst v0  }
0x15: {  	[tilespmem:s18+$0xFFFFFFF0] =	vst v0  }
0x16: {  	[tilespmem:s18+$0xFFFFFFE0] =	vst v0  }
0x17: {  	[tilespmem:s18+$0xFFFFFFD0] =	vst v0  }
0x18: {  	[tilespmem:s18+$0xFFFFFFC0] =	vst v0  }
0x19: {  	[tilespmem:s18+$0xFFFFFFB0] =	vst v0  }
0x1a: {  	s0 =	simm.s32 $0x0;
	[tilespmem:s18+$0xFFFFFFA0] =	vst v0  }
.LBB2_2:
0x1b: {  	s0 =	sadd.s32 $0x10, s0;
	[tilespmem:s18+$0xFFFFFF90] =	vst v0;
	s18 =	sadd.s32 $0x100, s18  }
0x1c: {  	[tilespmem:s18+$0xFFFFFF80] =	vst v0;
	p0 =	slt.u32 s0, $0x1F0  }
0x1d: {  	[tilespmem:s18+$0x70] =	vst v0  }
0x1e: {  	[tilespmem:s18+$0x60] =	vst v0  }
0x1f: {  	[tilespmem:s18+$0x50] =	vst v0  }
0x20: {  	[tilespmem:s18+$0x40] =	vst v0  }
0x21: {  	[tilespmem:s18+$0x30] =	vst v0  }
0x22: {  	[tilespmem:s18+$0x20] =	vst v0  }
0x23: {  	[tilespmem:s18+$0x10] =	vst v0  }
0x24: {  	[tilespmem:s18+$0x0] =	vst v0  }
0x25: {  	[tilespmem:s18+$0xFFFFFFF0] =	vst v0  }
.Ltmp0:
0x26: {  	[tilespmem:s18+$0xFFFFFFE0] =	vst v0;
	(pc) =	sbr.rel @p0 .LBB2_2-.Ltmp0, $4  }
0x27: {  	[tilespmem:s18+$0xFFFFFFD0] =	vst v0  }
0x28: {  	[tilespmem:s18+$0xFFFFFFC0] =	vst v0  }
0x29: {  	[tilespmem:s18+$0xFFFFFFB0] =	vst v0  }
0x2a: {  	[tilespmem:s18+$0xFFFFFFA0] =	vst v0  }
0x2b: {  	[tilespmem:s18+$0xFFFFFF90] =	vst v0;
	s18 =	simm.s32 $0x0;
	s0 =	simm.s32 $0x80  }
0x2c: {  	[tilespmem:s18], [sflag:$0x1] =	stream.strided.gather [hbm4b:s5+s0], $0xC400, s10, s0, $0x38;
	[tilespmem:$0x1A880] =	vst v63  }
0x2d: {  	s1 =	simm.s32 $0xC400  }
0x2e: {  	[tilespmem:s1], [sflag:$0x2] =	stream.strided.gather [hbm4b:s7+s0], $0xC400, s10, s0, $0x38;
	[tilespmem:$0x1A880] =	vst v63  }
.LBB2_4:
0x2f: {  	_ =	swait.ge [sflag:s12], $0xC400  }
0x30: {  	[sflag:s12] =	ssyncset.done $0x0  }
0x31: {  	s19 =	simm.s32 $0x80;
	[sflag:s12] =	ssyncadd.s32 $0xFFFF3C00  }
0x32: {  	v2 =	vld [tilespmem:s19+$0x10]  }
0x33: {  	v3 =	vld [tilespmem:s19+$0x0]  }
0x34: {  	v4 =	vld [tilespmem:s19+$0xFFFFFF80]  }
0x35: {  	v5 =	vld [tilespmem:s19+$0x70]  }
0x36: {  	v6 =	vld [tilespmem:s19+$0xFFFFFFA0]  }
0x37: {  	v7 =	vld [tilespmem:s19+$0xFFFFFFB0]  }
0x38: {  	v8 =	vld [tilespmem:s19+$0xFFFFFFC0]  }
0x39: {  	v10 =	vld [tilespmem:s19+$0x50]  }
0x3a: {  	v11 =	vld [tilespmem:s19+$0x40];
	v4 =	vshra.s32 v4, $0xB  }
0x3b: {  	v9 =	vld [tilespmem:s19+$0x60];
	v5 =	vshra.s32 v5, $0xB  }
0x3c: {  	v12 =	vld [tilespmem:s19+$0x30]  }
0x3d: {  	v13 =	vld [tilespmem:s19+$0x20]  }
0x3e: {  	v14 =	vld [tilespmem:s19+$0xFFFFFFD0];
	v59 =	vshra.s32 v10, $0xB  }
0x3f: {  	v60 =	vshra.s32 v11, $0xB;
	[tilespmem:v4+s13+$0x0] =	vst.idx.add.s32.msk $0xffff, v1  }
0x40: {  	v4 =	vshra.s32 v9, $0xB;
	[tilespmem:v5+s13+$0x0] =	vst.idx.add.s32.msk $0xffff, v1  }
0x41: {  	v5 =	vld [tilespmem:s19+$0xFFFFFFF0]  }
0x42: {  	v61 =	vld [tilespmem:s19+$0xFFFFFFE0];
	v2 =	vshra.s32 v2, $0xB  }
0x43: {  	v13 =	vshra.s32 v13, $0xB;
	[tilespmem:v59+s13+$0x0] =	vst.idx.add.s32.msk $0xffff, v1  }
0x44: {  	v3 =	vshra.s32 v3, $0xB;
	[tilespmem:v60+s13+$0x0] =	vst.idx.add.s32.msk $0xffff, v1  }
0x45: {  	v62 =	vshra.s32 v12, $0xB;
	[tilespmem:v4+s13+$0x0] =	vst.idx.add.s32.msk $0xffff, v1  }
0x46: {  	v63 =	vshra.s32 v14, $0xB;
	v4 =	vshra.s32 v5, $0xB;
	v5 =	vld [tilespmem:s19+$0xFFFFFF90]  }
0x47: {  	[tilespmem:v2+s13+$0x0] =	vst.idx.add.s32.msk $0xffff, v1;
	v2 =	vshra.s32 v7, $0xB  }
0x48: {  	v8 =	vshra.s32 v8, $0xB;
	[tilespmem:v13+s13+$0x0] =	vst.idx.add.s32.msk $0xffff, v1  }
0x49: {  	v6 =	vshra.s32 v6, $0xB;
	[tilespmem:v3+s13+$0x0] =	vst.idx.add.s32.msk $0xffff, v1  }
0x4a: {  	[tilespmem:v62+s13+$0x0] =	vst.idx.add.s32.msk $0xffff, v1  }
0x4b: {  	[tilespmem:v63+s13+$0x0] =	vst.idx.add.s32.msk $0xffff, v1;
	v3 =	vshra.s32 v5, $0xB  }
0x4c: {  	[tilespmem:v2+s13+$0x0] =	vst.idx.add.s32.msk $0xffff, v1;
	v2 =	vshra.s32 v61, $0xB  }
0x4d: {  	[tilespmem:v8+s13+$0x0] =	vst.idx.add.s32.msk $0xffff, v1  }
0x4e: {  	[tilespmem:v6+s13+$0x0] =	vst.idx.add.s32.msk $0xffff, v1  }
0x4f: {  	s20 =	simm.s32 $0x0;
	[tilespmem:v4+s13+$0x0] =	vst.idx.add.s32.msk $0xffff, v1  }
.LBB2_5:
0x50: {  	s20 =	sadd.s32 $0x10, s20;
	[tilespmem:v3+s13+$0x0] =	vst.idx.add.s32.msk $0xffff, v1;
	s19 =	sadd.s32 $0x100, s19  }
0x51: {  	p0 =	slt.u32 s20, $0xC30;
	[tilespmem:v2+s13+$0x0] =	vst.idx.add.s32.msk $0xffff, v1  }
0x52: {  	v2 =	vld [tilespmem:s19+$0x10]  }
0x53: {  	v3 =	vld [tilespmem:s19+$0x0]  }
0x54: {  	v4 =	vld [tilespmem:s19+$0xFFFFFF80]  }
0x55: {  	v5 =	vld [tilespmem:s19+$0x70]  }
0x56: {  	v6 =	vld [tilespmem:s19+$0xFFFFFFA0]  }
0x57: {  	v7 =	vld [tilespmem:s19+$0xFFFFFFB0]  }
0x58: {  	v8 =	vld [tilespmem:s19+$0xFFFFFFC0]  }
0x59: {  	v4 =	vshra.s32 v4, $0xB;
	v9 =	vld [tilespmem:s19+$0x60]  }
0x5a: {  	v10 =	vld [tilespmem:s19+$0x50];
	v5 =	vshra.s32 v5, $0xB  }
0x5b: {  	v11 =	vld [tilespmem:s19+$0x40]  }
0x5c: {  	v12 =	vld [tilespmem:s19+$0x30]  }
0x5d: {  	v13 =	vld [tilespmem:s19+$0x20]  }
0x5e: {  	[tilespmem:v4+s13+$0x0] =	vst.idx.add.s32.msk $0xffff, v1;
	v4 =	vshra.s32 v9, $0xB  }
0x5f: {  	v9 =	vshra.s32 v10, $0xB;
	[tilespmem:v5+s13+$0x0] =	vst.idx.add.s32.msk $0xffff, v1  }
0x60: {  	v5 =	vld [tilespmem:s19+$0xFFFFFFF0];
	v10 =	vshra.s32 v11, $0xB  }
0x61: {  	v11 =	vld [tilespmem:s19+$0xFFFFFFE0]  }
0x62: {  	v14 =	vld [tilespmem:s19+$0xFFFFFFD0];
	v13 =	vshra.s32 v13, $0xB  }
0x63: {  	v15 =	vshra.s32 v2, $0xB;
	[tilespmem:v4+s13+$0x0] =	vst.idx.add.s32.msk $0xffff, v1  }
0x64: {  	v3 =	vshra.s32 v3, $0xB;
	[tilespmem:v9+s13+$0x0] =	vst.idx.add.s32.msk $0xffff, v1  }
0x65: {  	v4 =	vshra.s32 v5, $0xB;
	[tilespmem:v10+s13+$0x0] =	vst.idx.add.s32.msk $0xffff, v1  }
0x66: {  	v9 =	vshra.s32 v12, $0xB;
	v5 =	vld [tilespmem:s19+$0xFFFFFF90];
	v2 =	vshra.s32 v11, $0xB  }
0x67: {  	v10 =	vshra.s32 v14, $0xB;
	[tilespmem:v13+s13+$0x0] =	vst.idx.add.s32.msk $0xffff, v1  }
0x68: {  	v8 =	vshra.s32 v8, $0xB;
	[tilespmem:v15+s13+$0x0] =	vst.idx.add.s32.msk $0xffff, v1  }
0x69: {  	v7 =	vshra.s32 v7, $0xB;
	[tilespmem:v3+s13+$0x0] =	vst.idx.add.s32.msk $0xffff, v1  }
0x6a: {  	v6 =	vshra.s32 v6, $0xB;
	[tilespmem:v4+s13+$0x0] =	vst.idx.add.s32.msk $0xffff, v1  }
.Ltmp1:
0x6b: {  	v3 =	vshra.s32 v5, $0xB;
	[tilespmem:v9+s13+$0x0] =	vst.idx.add.s32.msk $0xffff, v1;
	(pc) =	sbr.rel @p0 .LBB2_5-.Ltmp1, $4  }
0x6c: {  	[tilespmem:v10+s13+$0x0] =	vst.idx.add.s32.msk $0xffff, v1  }
0x6d: {  	[tilespmem:v8+s13+$0x0] =	vst.idx.add.s32.msk $0xffff, v1  }
0x6e: {  	[tilespmem:v7+s13+$0x0] =	vst.idx.add.s32.msk $0xffff, v1  }
0x6f: {  	[tilespmem:v6+s13+$0x0] =	vst.idx.add.s32.msk $0xffff, v1  }
0x70: {  	s19 =	sor.u32 s2, s18;
	p0 =	seq.s32 s18, $0x7  }
0x71: {  	s0 =	sadd.s32 @!p0 $0x1, s19  }
0x72: {  	s1 =	sshrl.u32 @!p0 s0, $0x3  }
0x73: {  	s0 =	sshll.u32 @!p0 s0, $0x7;
	s1 =	smul.u32 @!p0 $0xC4000, s1  }
0x74: {  	s0 =	sand.u32 @!p0 $0x380, s0  }
0x75: {  	s0 =	sor.u32 @!p0 s0, s1  }
0x76: {  	[tilespmem:v3+s13+$0x0] =	vst.idx.add.s32.msk $0xffff, v1;
	s11 =	simm.s32 @!p0 $0x400;
	s0 =	sshrl.u32 @!p0 s0, $0x3  }
0x77: {  	[tilespmem:v2+s13+$0x0] =	vst.idx.add.s32.msk $0xffff, v1;
	s20 =	simm.s32 @!p0 $0x0;
	s1 =	simm.s32 @!p0 $0x80;
	s0 =	sadd.s32 @!p0 s4, s0  }
0x78: {  	[tilespmem:s20], [sflag:$0x1] =	stream.strided.gather @!p0 [hbm4b:s0+s1], $0xC400, s11, s1, $0x38;
	[tilespmem:$0x1A880] =	vst v63  }
0x79: {  	_ =	swait.ge [sflag:s14], $0xC400  }
0x7a: {  	[sflag:s14] =	ssyncset.done $0x0  }
0x7b: {  	s20 =	simm.s32 $0xC4F0;
	[sflag:s14] =	ssyncadd.s32 $0xFFFF3C00  }
0x7c: {  	v2 =	vld [tilespmem:s20+$0xFFFFFFA0]  }
0x7d: {  	v3 =	vld [tilespmem:s20+$0xFFFFFF90]  }
0x7e: {  	v4 =	vld [tilespmem:s20+$0xFFFFFF10]  }
0x7f: {  	v5 =	vld [tilespmem:s20+$0x0]  }
0x80: {  	v6 =	vld [tilespmem:s20+$0xFFFFFF30]  }
0x81: {  	v7 =	vld [tilespmem:s20+$0xFFFFFF40]  }
0x82: {  	v8 =	vld [tilespmem:s20+$0xFFFFFF50]  }
0x83: {  	v10 =	vld [tilespmem:s20+$0xFFFFFFE0]  }
0x84: {  	v11 =	vld [tilespmem:s20+$0xFFFFFFD0];
	v4 =	vshra.s32 v4, $0xB  }
0x85: {  	v9 =	vld [tilespmem:s20+$0xFFFFFFF0];
	v5 =	vshra.s32 v5, $0xB  }
0x86: {  	v12 =	vld [tilespmem:s20+$0xFFFFFFC0]  }
0x87: {  	v13 =	vld [tilespmem:s20+$0xFFFFFFB0]  }
0x88: {  	v14 =	vld [tilespmem:s20+$0xFFFFFF60];
	v59 =	vshra.s32 v10, $0xB  }
0x89: {  	v60 =	vshra.s32 v11, $0xB;
	[tilespmem:v4+s13+$0x0] =	vst.idx.add.s32.msk $0xffff, v1  }
0x8a: {  	v4 =	vshra.s32 v9, $0xB;
	[tilespmem:v5+s13+$0x0] =	vst.idx.add.s32.msk $0xffff, v1  }
0x8b: {  	v5 =	vld [tilespmem:s20+$0xFFFFFF80]  }
0x8c: {  	v61 =	vld [tilespmem:s20+$0xFFFFFF70];
	v2 =	vshra.s32 v2, $0xB  }
0x8d: {  	v13 =	vshra.s32 v13, $0xB;
	[tilespmem:v59+s13+$0x0] =	vst.idx.add.s32.msk $0xffff, v1  }
0x8e: {  	v3 =	vshra.s32 v3, $0xB;
	[tilespmem:v60+s13+$0x0] =	vst.idx.add.s32.msk $0xffff, v1  }
0x8f: {  	v62 =	vshra.s32 v12, $0xB;
	[tilespmem:v4+s13+$0x0] =	vst.idx.add.s32.msk $0xffff, v1  }
0x90: {  	v63 =	vshra.s32 v14, $0xB;
	v4 =	vshra.s32 v5, $0xB;
	v5 =	vld [tilespmem:s20+$0xFFFFFF20]  }
0x91: {  	[tilespmem:v2+s13+$0x0] =	vst.idx.add.s32.msk $0xffff, v1;
	v2 =	vshra.s32 v7, $0xB  }
0x92: {  	v8 =	vshra.s32 v8, $0xB;
	[tilespmem:v13+s13+$0x0] =	vst.idx.add.s32.msk $0xffff, v1  }
0x93: {  	v6 =	vshra.s32 v6, $0xB;
	[tilespmem:v3+s13+$0x0] =	vst.idx.add.s32.msk $0xffff, v1  }
0x94: {  	[tilespmem:v62+s13+$0x0] =	vst.idx.add.s32.msk $0xffff, v1  }
0x95: {  	[tilespmem:v63+s13+$0x0] =	vst.idx.add.s32.msk $0xffff, v1;
	v3 =	vshra.s32 v5, $0xB  }
0x96: {  	[tilespmem:v2+s13+$0x0] =	vst.idx.add.s32.msk $0xffff, v1;
	v2 =	vshra.s32 v61, $0xB  }
0x97: {  	[tilespmem:v8+s13+$0x0] =	vst.idx.add.s32.msk $0xffff, v1  }
0x98: {  	[tilespmem:v6+s13+$0x0] =	vst.idx.add.s32.msk $0xffff, v1  }
0x99: {  	s21 =	simm.s32 $0xC40;
	[tilespmem:v4+s13+$0x0] =	vst.idx.add.s32.msk $0xffff, v1  }
.LBB2_7:
0x9a: {  	s21 =	sadd.s32 $0x10, s21;
	[tilespmem:v3+s13+$0x0] =	vst.idx.add.s32.msk $0xffff, v1;
	s20 =	sadd.s32 $0x100, s20  }
0x9b: {  	p0 =	slt.u32 s21, $0x1870;
	[tilespmem:v2+s13+$0x0] =	vst.idx.add.s32.msk $0xffff, v1  }
0x9c: {  	v2 =	vld [tilespmem:s20+$0xFFFFFFA0]  }
0x9d: {  	v3 =	vld [tilespmem:s20+$0xFFFFFF90]  }
0x9e: {  	v4 =	vld [tilespmem:s20+$0xFFFFFF10]  }
0x9f: {  	v5 =	vld [tilespmem:s20+$0x0]  }
0xa0: {  	v6 =	vld [tilespmem:s20+$0xFFFFFF30]  }
0xa1: {  	v7 =	vld [tilespmem:s20+$0xFFFFFF40]  }
0xa2: {  	v8 =	vld [tilespmem:s20+$0xFFFFFF50]  }
0xa3: {  	v4 =	vshra.s32 v4, $0xB;
	v9 =	vld [tilespmem:s20+$0xFFFFFFF0]  }
0xa4: {  	v10 =	vld [tilespmem:s20+$0xFFFFFFE0];
	v5 =	vshra.s32 v5, $0xB  }
0xa5: {  	v11 =	vld [tilespmem:s20+$0xFFFFFFD0]  }
0xa6: {  	v12 =	vld [tilespmem:s20+$0xFFFFFFC0]  }
0xa7: {  	v13 =	vld [tilespmem:s20+$0xFFFFFFB0]  }
0xa8: {  	[tilespmem:v4+s13+$0x0] =	vst.idx.add.s32.msk $0xffff, v1;
	v4 =	vshra.s32 v9, $0xB  }
0xa9: {  	v9 =	vshra.s32 v10, $0xB;
	[tilespmem:v5+s13+$0x0] =	vst.idx.add.s32.msk $0xffff, v1  }
0xaa: {  	v5 =	vld [tilespmem:s20+$0xFFFFFF80];
	v10 =	vshra.s32 v11, $0xB  }
0xab: {  	v11 =	vld [tilespmem:s20+$0xFFFFFF70]  }
0xac: {  	v14 =	vld [tilespmem:s20+$0xFFFFFF60];
	v13 =	vshra.s32 v13, $0xB  }
0xad: {  	v15 =	vshra.s32 v2, $0xB;
	[tilespmem:v4+s13+$0x0] =	vst.idx.add.s32.msk $0xffff, v1  }
0xae: {  	v3 =	vshra.s32 v3, $0xB;
	[tilespmem:v9+s13+$0x0] =	vst.idx.add.s32.msk $0xffff, v1  }
0xaf: {  	v4 =	vshra.s32 v5, $0xB;
	[tilespmem:v10+s13+$0x0] =	vst.idx.add.s32.msk $0xffff, v1  }
0xb0: {  	v9 =	vshra.s32 v12, $0xB;
	v5 =	vld [tilespmem:s20+$0xFFFFFF20];
	v2 =	vshra.s32 v11, $0xB  }
0xb1: {  	v10 =	vshra.s32 v14, $0xB;
	[tilespmem:v13+s13+$0x0] =	vst.idx.add.s32.msk $0xffff, v1  }
0xb2: {  	v8 =	vshra.s32 v8, $0xB;
	[tilespmem:v15+s13+$0x0] =	vst.idx.add.s32.msk $0xffff, v1  }
0xb3: {  	v7 =	vshra.s32 v7, $0xB;
	[tilespmem:v3+s13+$0x0] =	vst.idx.add.s32.msk $0xffff, v1  }
0xb4: {  	v6 =	vshra.s32 v6, $0xB;
	[tilespmem:v4+s13+$0x0] =	vst.idx.add.s32.msk $0xffff, v1  }
.Ltmp2:
0xb5: {  	v3 =	vshra.s32 v5, $0xB;
	[tilespmem:v9+s13+$0x0] =	vst.idx.add.s32.msk $0xffff, v1;
	(pc) =	sbr.rel @p0 .LBB2_7-.Ltmp2, $4  }
0xb6: {  	[tilespmem:v10+s13+$0x0] =	vst.idx.add.s32.msk $0xffff, v1  }
0xb7: {  	[tilespmem:v8+s13+$0x0] =	vst.idx.add.s32.msk $0xffff, v1  }
0xb8: {  	[tilespmem:v7+s13+$0x0] =	vst.idx.add.s32.msk $0xffff, v1  }
0xb9: {  	[tilespmem:v6+s13+$0x0] =	vst.idx.add.s32.msk $0xffff, v1  }
0xba: {  	p0 =	sne.s32 s18, $0x7  }
0xbb: {  	s0 =	sadd.s32 @p0 $0x1, s19  }
0xbc: {  	s1 =	sshrl.u32 @p0 s0, $0x3  }
0xbd: {  	s0 =	sshll.u32 @p0 s0, $0x7;
	s1 =	smul.u32 @p0 $0xC4000, s1  }
0xbe: {  	s0 =	sand.u32 @p0 $0x380, s0  }
0xbf: {  	s0 =	sor.u32 @p0 s0, s1  }
0xc0: {  	s0 =	sadd.s32 @p0 $0x62000, s0  }
0xc1: {  	[tilespmem:v3+s13+$0x0] =	vst.idx.add.s32.msk $0xffff, v1;
	s25 =	simm.s32 $0x18880;
	s11 =	simm.s32 @p0 $0x400;
	s0 =	sshrl.u32 @p0 s0, $0x3  }
0xc2: {  	[tilespmem:v2+s13+$0x0] =	vst.idx.add.s32.msk $0xffff, v1;
	s20 =	simm.s32 @p0 $0xC400;
	s1 =	simm.s32 @p0 $0x80;
	s0 =	sadd.s32 @p0 s4, s0  }
0xc3: {  	[tilespmem:s20], [sflag:$0x2] =	stream.strided.gather @p0 [hbm4b:s0+s1], $0xC400, s11, s1, $0x38;
	[tilespmem:$0x1A880] =	vst v63  }
0xc4: {  	v2 =	vld [tilespmem:s25+$0xFFFFFF80]  }
0xc5: {  	v3 =	vld [tilespmem:s25+$0xFFFFFF90]  }
0xc6: {  	v4 =	vld [tilespmem:s25+$0xFFFFFFA0]  }
0xc7: {  	v5 =	vld [tilespmem:s25+$0xFFFFFFB0]  }
0xc8: {  	v6 =	vld [tilespmem:s25+$0xFFFFFFC0]  }
0xc9: {  	v7 =	vld [tilespmem:s25+$0xFFFFFFD0]  }
0xca: {  	v2 =	vadd.s32 v2, v3;
	v3 =	vld [tilespmem:s25+$0xFFFFFFE0]  }
0xcb: {  	v2 =	vadd.s32 v4, v2;
	v4 =	vld [tilespmem:s25+$0xFFFFFFF0]  }
0xcc: {  	v2 =	vadd.s32 v5, v2;
	v5 =	vld [tilespmem:s25+$0x0]  }
0xcd: {  	v2 =	vadd.s32 v6, v2;
	v6 =	vld [tilespmem:s25+$0x10]  }
0xce: {  	v2 =	vadd.s32 v7, v2;
	v7 =	vld [tilespmem:s25+$0x20]  }
0xcf: {  	v2 =	vadd.s32 v3, v2;
	v3 =	vld [tilespmem:s25+$0x30]  }
0xd0: {  	v2 =	vadd.s32 v4, v2;
	v4 =	vld [tilespmem:s25+$0x40]  }
0xd1: {  	v2 =	vadd.s32 v5, v2;
	v5 =	vld [tilespmem:s25+$0x50]  }
0xd2: {  	v2 =	vadd.s32 v6, v2;
	v6 =	vld [tilespmem:s25+$0x60]  }
0xd3: {  	s26 =	simm.s32 $0x18980;
	v2 =	vadd.s32 v7, v2;
	v7 =	vld [tilespmem:s25+$0x70]  }
0xd4: {  	v8 =	vld [tilespmem:s26+$0xFFFFFF80];
	v2 =	vadd.s32 v3, v2  }
0xd5: {  	v9 =	vld [tilespmem:s26+$0xFFFFFFF0];
	v2 =	vadd.s32 v4, v2  }
0xd6: {  	v3 =	vld [tilespmem:s26+$0xFFFFFF90];
	v2 =	vadd.s32 v5, v2  }
0xd7: {  	v4 =	vld [tilespmem:s26+$0xFFFFFFA0];
	v2 =	vadd.s32 v6, v2  }
0xd8: {  	v5 =	vld [tilespmem:s26+$0xFFFFFFB0];
	v2 =	vadd.s32 v7, v2  }
0xd9: {  	v6 =	vld [tilespmem:s26+$0xFFFFFFC0];
	(xrf0) =	vadd.scan.msk.s32 $0xffff, v2  }
0xda: {  	v7 =	vld [tilespmem:s26+$0xFFFFFFD0]  }
0xdb: {  	v2 =	vld [tilespmem:s26+$0xFFFFFFE0];
	v3 =	vadd.s32 v8, v3  }
0xdc: {  	v10 =	vld [tilespmem:s26+$0x0];
	v3 =	vadd.s32 v4, v3  }
0xdd: {  	v62 =	vld [tilespmem:s26+$0x70];
	v3 =	vadd.s32 v5, v3  }
0xde: {  	v8 =	vld [tilespmem:s26+$0x10];
	v3 =	vadd.s32 v6, v3  }
0xdf: {  	v4 =	vld [tilespmem:s26+$0x20];
	v3 =	vadd.s32 v7, v3;
	v11, _, _ =	vpop (xrf0)  }
0xe0: {  	v5 =	vld [tilespmem:s26+$0x30];
	v2 =	vadd.s32 v2, v3;
	(v2sf) =	vpush v11, $0xF  }
0xe1: {  	v6 =	vld [tilespmem:s26+$0x40];
	v2 =	vadd.s32 v9, v2  }
0xe2: {  	v7 =	vld [tilespmem:s26+$0x50];
	v2 =	vadd.s32 v10, v2  }
0xe3: {  	s30 =	simm.s32 $0x18A80;
	v3 =	vld [tilespmem:s26+$0x60];
	v2 =	vadd.s32 v8, v2  }
0xe4: {  	v63 =	vld [tilespmem:s30+$0xFFFFFF80];
	v2 =	vadd.s32 v4, v2  }
0xe5: {  	v8 =	vld [tilespmem:s30+$0xFFFFFF90];
	v2 =	vadd.s32 v5, v2  }
0xe6: {  	v4 =	vld [tilespmem:s30+$0xFFFFFFA0];
	v2 =	vadd.s32 v6, v2  }
0xe7: {  	v5 =	vld [tilespmem:s30+$0xFFFFFFB0];
	v2 =	vadd.s32 v7, v2  }
0xe8: {  	v6 =	vld [tilespmem:s30+$0xFFFFFFC0];
	v2 =	vadd.s32 v3, v2  }
0xe9: {  	v7 =	vld [tilespmem:s30+$0xFFFFFFD0];
	v2 =	vadd.s32 v62, v2  }
0xea: {  	v3 =	vadd.s32 v63, v8;
	v8 =	vld [tilespmem:s30+$0xFFFFFFE0];
	(xrf0) =	vadd.scan.msk.s32 $0xffff, v2  }
0xeb: {  	v3 =	vadd.s32 v4, v3;
	v4 =	vld [tilespmem:s30+$0xFFFFFFF0]  }
0xec: {  	v2 =	vadd.s32 v5, v3;
	v5 =	vld [tilespmem:s30+$0x0]  }
0xed: {  	v2 =	vadd.s32 v6, v2;
	v6 =	vld [tilespmem:s30+$0x10]  }
0xee: {  	v2 =	vadd.s32 v7, v2;
	v7 =	vld [tilespmem:s30+$0x20]  }
0xef: {  	s21 =	simm.s32 $0xFFFFFFFF;
	v3 =	vld [tilespmem:s30+$0x30];
	v2 =	vadd.s32 v8, v2;
	s31 =	spop (v2sf)  }
0xf0: {  	s24 =	simm.s32 $0x1;
	s22 =	simm.s32 $0x2;
	v4 =	vadd.s32 v4, v2;
	v2 =	vld [tilespmem:s30+$0x40];
	v8, _, _ =	vpop (xrf0);
	s23 =	sadd.s32 $0x0, s31  }
0xf1: {  	p6 =	por $0x1, $0x1;
	s29 =	simm.s32 $0x18B80;
	v5 =	vadd.s32 v5, v4;
	v4 =	vld [tilespmem:s30+$0x50];
	(v2sf) =	vpush v8, $0xF;
	p1 =	sgt.s32 s23, $0x3E7  }
0xf2: {  	s28 =	simm.s32 $0x0;
	s20 =	simm.s32 $0x0;
	v6 =	vadd.s32 v6, v5;
	v5 =	vld [tilespmem:s30+$0x60];
	p0 =	por !p6, !p1  }
0xf3: {  	s25 =	simm.s32 $0x0;
	s26 =	simm.s32 $0x3;
	v7 =	vadd.s32 v7, v6;
	v6 =	vld [tilespmem:s30+$0x70];
	p1 =	por !p0, !p0  }
.LBB2_9:
0xf4: {  	p0 =	seq.s32 s26, $0x1F;
	s21 =	smov.u32 @p1 s28;
	s20 =	smov.u32 @p1 s25  }
0xf5: {  	v8 =	vld [tilespmem:s29+$0xFFFFFF80];
	v3 =	vadd.s32 v3, v7;
	s28 =	smov.u32 s24;
	s24 =	smov.u32 s22;
	s22 =	smov.u32 s26  }
0xf6: {  	s26 =	sadd.s32 $0x1, s26;
	s25 =	smov.u32 s23;
	v7 =	vld [tilespmem:s29+$0xFFFFFF90];
	v2 =	vadd.s32 v2, v3  }
0xf7: {  	v3 =	vld [tilespmem:s29+$0xFFFFFFA0];
	v2 =	vadd.s32 v4, v2  }
0xf8: {  	v4 =	vld [tilespmem:s29+$0xFFFFFFB0];
	v2 =	vadd.s32 v5, v2  }
0xf9: {  	v5 =	vld [tilespmem:s29+$0xFFFFFFC0];
	v2 =	vadd.s32 v6, v2  }
0xfa: {  	v6 =	vld [tilespmem:s29+$0xFFFFFFD0];
	(xrf0) =	vadd.scan.msk.s32 $0xffff, v2  }
0xfb: {  	v2 =	vadd.s32 v8, v7;
	v7 =	vld [tilespmem:s29+$0xFFFFFFE0]  }
0xfc: {  	v2 =	vadd.s32 v3, v2;
	v8 =	vld [tilespmem:s29+$0xFFFFFFF0]  }
0xfd: {  	v2 =	vadd.s32 v4, v2;
	v4 =	vld [tilespmem:s29+$0x0]  }
0xfe: {  	v2 =	vadd.s32 v5, v2;
	v5 =	vld [tilespmem:s29+$0x10]  }
0xff: {  	v2 =	vadd.s32 v6, v2;
	v6 =	vld [tilespmem:s29+$0x20]  }
.Ltmp3:
0x100: {  	v2 =	vadd.s32 v7, v2;
	v3 =	vld [tilespmem:s29+$0x30];
	v7, _, _ =	vpop (xrf0);
	s0 =	spop (v2sf);
	(pc) =	sbr.rel @!p0 .LBB2_9-.Ltmp3, $4  }
0x101: {  	v8 =	vadd.s32 v8, v2;
	v2 =	vld [tilespmem:s29+$0x40];
	(v2sf) =	vpush v7, $0xF;
	s23 =	sadd.s32 s23, s0  }
0x102: {  	p1 =	slt.s32 s21, $0x0;
	v7 =	vadd.s32 v4, v8;
	v4 =	vld [tilespmem:s29+$0x50];
	p2 =	sgt.s32 s23, $0x3E7  }
0x103: {  	v7 =	vadd.s32 v5, v7;
	v5 =	vld [tilespmem:s29+$0x60];
	p1 =	por !p1, !p2  }
0x104: {  	v7 =	vadd.s32 v6, v7;
	v6 =	vld [tilespmem:s29+$0x70];
	s29 =	sadd.s32 $0x100, s29;
	p1 =	por !p1, !p1  }
0x105: {  	v3 =	vadd.s32 v3, v7  }
0x106: {  	v2 =	vadd.s32 v2, v3  }
0x107: {  	v2 =	vadd.s32 v4, v2  }
0x108: {  	v2 =	vadd.s32 v5, v2  }
0x109: {  	v2 =	vadd.s32 v6, v2  }
0x10a: {  	(xrf0) =	vadd.scan.msk.s32 $0xffff, v2;
	_ =	sdelay $0x5  }
0x10b: {  	v2, _, _ =	vpop (xrf0)  }
0x10c: {  	(v2sf) =	vpush v2, $0xF;
	_ =	sdelay $0xa  }
0x10d: {  	s0 =	spop (v2sf)  }
0x10e: {  	s21 =	smov.u32 @p1 s28;
	s0 =	sadd.s32 s23, s0  }
0x10f: {  	p0 =	slt.s32 s21, $0x0;
	p2 =	sgt.s32 s0, $0x3E7  }
0x110: {  	p0 =	por !p0, !p2  }
0x111: {  	p0 =	por !p0, !p0;
	s1 =	spop (v2sf)  }
0x112: {  	s21 =	smov.u32 @p0 s24;
	s1 =	sadd.s32 s0, s1  }
0x113: {  	p6 =	slt.s32 s21, $0x0;
	p3 =	sgt.s32 s1, $0x3E7  }
0x114: {  	s20 =	smov.u32 @p1 s25;
	p4 =	por !p6, !p3  }
0x115: {  	s20 =	smov.u32 @p0 s23;
	p0 =	por !p4, !p4  }
0x116: {  	s21 =	smov.u32 @p0 s22  }
0x117: {  	s1 =	sshll.u32 s21, $0xA  }
0x118: {  	s20 =	smov.u32 @p0 s0;
	s22 =	simm.s32 $0x0;
	s0 =	sshra.s32 s1, $0x2  }
0x119: {  	s9 =	sand.u32 $0x80, s22;
	s25 =	sadd.s32 $0x18800, s0  }
0x11a: {  	s11 =	sand.u32 $0x70, s22;
	s0 =	sadd.s32 s9, s25  }
0x11b: {  	s0 =	sadd.s32 s11, s0  }
0x11c: {  	v2 =	vld [tilespmem:s0+$0x0];
	_ =	sdelay $0x4  }
0x11d: {  	(xrf0) =	vadd.scan.msk.s32 $0xffff, v2;
	_ =	sdelay $0x2  }
0x11e: {  	s24 =	simm.s32 $0x10  }
0x11f: {  	s26 =	sand.u32 $0x80, s24  }
0x120: {  	s1 =	sadd.s32 s26, s25;
	s0 =	sand.u32 $0x70, s24  }
0x121: {  	s0 =	sadd.s32 s0, s1;
	v2, _, _ =	vpop (xrf0)  }
0x122: {  	s11 =	simm.s32 $0x20;
	(v2sf) =	vpush v2, $0xF;
	v2 =	vld [tilespmem:s0+$0x0]  }
0x123: {  	s9 =	sand.u32 $0x80, s11  }
0x124: {  	s26 =	sand.u32 $0x70, s11;
	s9 =	sadd.s32 s9, s25  }
0x125: {  	s11 =	sadd.s32 s26, s9  }
0x126: {  	v3 =	vld [tilespmem:s11+$0x0]  }
0x127: {  	(xrf0) =	vadd.scan.msk.s32 $0xffff, v2;
	_ =	sdelay $0x3  }
0x128: {  	(xrf0) =	vadd.scan.msk.s32 $0xffff, v3;
	_ =	sdelay $0x1  }
0x129: {  	v3, _, _ =	vpop (xrf0)  }
0x12a: {  	s24 =	simm.s32 $0x30;
	(v2sf) =	vpush v3, $0xF  }
0x12b: {  	s26 =	sand.u32 $0x80, s24  }
0x12c: {  	s1 =	sadd.s32 s26, s25;
	s0 =	sand.u32 $0x70, s24  }
0x12d: {  	s0 =	sadd.s32 s0, s1;
	v3, _, _ =	vpop (xrf0)  }
0x12e: {  	v2 =	vld [tilespmem:s0+$0x0];
	s9 =	spop (v2sf);
	(v2sf) =	vpush v3, $0xF  }
0x12f: {  	s30 =	simm.s32 $0x1;
	s29 =	simm.s32 $0x2  }
0x130: {  	s28 =	simm.s32 $0x3;
	s31 =	simm.s32 $0x5;
	p5 =	por $0x1, $0x1  }
0x131: {  	s23 =	simm.s32 $0xFFFFFFFF;
	s1 =	simm.s32 $0x40;
	s24 =	sadd.s32 s20, s9  }
0x132: {  	s26 =	simm.s32 $0x4;
	s11 =	sand.u32 $0x80, s1;
	p6 =	sgt.s32 s24, $0x3E7  }
0x133: {  	s0 =	sadd.s32 s11, s25;
	(xrf0) =	vadd.scan.msk.s32 $0xffff, v2;
	s9 =	sand.u32 $0x70, s1;
	p0 =	por !p5, !p6  }
0x134: {  	s11 =	sadd.s32 s9, s0;
	s0 =	simm.s32 $0x0;
	p0 =	por !p0, !p0  }
.LBB2_11:
0x135: {  	p1 =	sne.s32 s31, $0xF;
	s23 =	smov.u32 @p0 s0;
	s22 =	smov.u32 @p0 s20  }
0x136: {  	v2 =	vld [tilespmem:s11+$0x0];
	s0 =	smov.u32 s30;
	s30 =	smov.u32 s29;
	s29 =	smov.u32 s28  }
0x137: {  	s28 =	smov.u32 s26;
	s26 =	smov.u32 s31;
	s31 =	sadd.s32 $0x1, s31  }
0x138: {  	s20 =	smov.u32 s24  }
.Ltmp4:
0x139: {  	v3, _, _ =	vpop (xrf0);
	s11 =	spop (v2sf);
	(pc) =	sbr.rel @p1 .LBB2_11-.Ltmp4, $4  }
0x13a: {  	s1 =	sadd.s32 $0x10, s1;
	(v2sf) =	vpush v3, $0xF;
	s24 =	sadd.s32 s24, s11  }
0x13b: {  	p0 =	slt.s32 s23, $0x0;
	s11 =	sand.u32 $0x80, s1;
	(xrf0) =	vadd.scan.msk.s32 $0xffff, v2;
	p2 =	sgt.s32 s24, $0x3E7  }
0x13c: {  	s9 =	sand.u32 $0x70, s1;
	s11 =	sadd.s32 s11, s25;
	p0 =	por !p0, !p2  }
0x13d: {  	s11 =	sadd.s32 s9, s11;
	p0 =	por !p0, !p0  }
0x13e: {  	v2 =	vld [tilespmem:s11+$0x0];
	_ =	sdelay $0x4  }
0x13f: {  	(xrf0) =	vadd.scan.msk.s32 $0xffff, v2;
	_ =	sdelay $0x1  }
0x140: {  	v2, _, _ =	vpop (xrf0)  }
0x141: {  	(v2sf) =	vpush v2, $0xF;
	_ =	sdelay $0x2  }
0x142: {  	v2, _, _ =	vpop (xrf0)  }
0x143: {  	(v2sf) =	vpush v2, $0xF;
	_ =	sdelay $0x2  }
0x144: {  	s1 =	spop (v2sf)  }
0x145: {  	s23 =	smov.u32 @p0 s0;
	s0 =	sadd.s32 s24, s1  }
0x146: {  	p1 =	slt.s32 s23, $0x0;
	p2 =	sgt.s32 s0, $0x3E7  }
0x147: {  	p1 =	por !p1, !p2  }
0x148: {  	p1 =	por !p1, !p1;
	s25 =	spop (v2sf)  }
0x149: {  	s23 =	smov.u32 @p1 s30;
	s1 =	sadd.s32 s0, s25  }
0x14a: {  	p4 =	slt.s32 s23, $0x0;
	p3 =	sgt.s32 s1, $0x3E7  }
0x14b: {  	p2 =	por !p4, !p3  }
0x14c: {  	p2 =	por !p2, !p2;
	s9 =	spop (v2sf)  }
0x14d: {  	s23 =	smov.u32 @p2 s29;
	s9 =	sadd.s32 s1, s9  }
0x14e: {  	p5 =	slt.s32 s23, $0x0;
	p4 =	sgt.s32 s9, $0x3E7  }
0x14f: {  	p3 =	por !p5, !p4  }
0x150: {  	p3 =	por !p3, !p3;
	s30 =	spop (v2sf)  }
0x151: {  	s23 =	smov.u32 @p3 s28;
	s11 =	sadd.s32 s9, s30  }
0x152: {  	p6 =	slt.s32 s23, $0x0;
	p5 =	sgt.s32 s11, $0x3E7  }
0x153: {  	p4 =	por !p6, !p5  }
0x154: {  	p4 =	por !p4, !p4  }
0x155: {  	s23 =	smov.u32 @p4 s26  }
0x156: {  	s31 =	sshll.u32 s21, $0x8;
	s23 =	sshll.u32 s23, $0x4  }
0x157: {  	s21 =	sadd.s32 s31, s23  }
0x158: {  	s23 =	sand.u32 $0x70, s23;
	s11 =	sand.u32 $0xFFFFFF80, s21  }
0x159: {  	s11 =	sor.u32 s23, s11;
	s23 =	simm.s32 $0x18880  }
0x15a: {  	v2 =	vld [tilespmem:s11+$0x18800];
	[tilespmem:s23+$0xFFFFFF80] =	vst v0  }
0x15b: {  	[tilespmem:s23+$0x70] =	vst v0  }
0x15c: {  	[tilespmem:s23+$0x60] =	vst v0  }
0x15d: {  	[tilespmem:s23+$0x50] =	vst v0  }
0x15e: {  	[tilespmem:s23+$0x40] =	vst v0  }
0x15f: {  	[tilespmem:s23+$0x30] =	vst v0;
	(xrf0) =	vadd.scan.msk.s32 $0xffff, v2  }
0x160: {  	[tilespmem:s23+$0x20] =	vst v0  }
0x161: {  	s22 =	smov.u32 @p0 s20;
	[tilespmem:s23+$0x10] =	vst v0  }
0x162: {  	s22 =	smov.u32 @p1 s24;
	[tilespmem:s23+$0x0] =	vst v0  }
0x163: {  	s22 =	smov.u32 @p2 s0;
	[tilespmem:s23+$0xFFFFFFF0] =	vst v0  }
0x164: {  	s22 =	smov.u32 @p3 s1;
	[tilespmem:s23+$0xFFFFFFE0] =	vst v0  }
0x165: {  	s22 =	smov.u32 @p4 s9;
	[tilespmem:s23+$0xFFFFFFD0] =	vst v0;
	v2, _, _ =	vpop (xrf0)  }
0x166: {  	[tilespmem:s23+$0xFFFFFFC0] =	vst v0;
	v2 =	vadd.s32 s22, v2  }
0x167: {  	[tilespmem:s23+$0xFFFFFFB0] =	vst v0;
	vm0 =	vgt.s32 v2, $0x3E7  }
0x168: {  	s0 =	simm.s32 $0x0;
	[tilespmem:s23+$0xFFFFFFA0] =	vst v0;
	v2 =	vmctz.xlane vm0  }
.LBB2_13:
0x169: {  	s0 =	sadd.s32 $0x10, s0;
	[tilespmem:s23+$0xFFFFFF90] =	vst v0;
	s23 =	sadd.s32 $0x100, s23  }
0x16a: {  	[tilespmem:s23+$0xFFFFFF80] =	vst v0;
	p0 =	slt.u32 s0, $0x1F0  }
0x16b: {  	[tilespmem:s23+$0x70] =	vst v0  }
0x16c: {  	[tilespmem:s23+$0x60] =	vst v0  }
0x16d: {  	[tilespmem:s23+$0x50] =	vst v0  }
0x16e: {  	[tilespmem:s23+$0x40] =	vst v0  }
0x16f: {  	[tilespmem:s23+$0x30] =	vst v0  }
0x170: {  	[tilespmem:s23+$0x20] =	vst v0  }
0x171: {  	[tilespmem:s23+$0x10] =	vst v0  }
0x172: {  	[tilespmem:s23+$0x0] =	vst v0  }
0x173: {  	[tilespmem:s23+$0xFFFFFFF0] =	vst v0  }
.Ltmp5:
0x174: {  	[tilespmem:s23+$0xFFFFFFE0] =	vst v0;
	(pc) =	sbr.rel @p0 .LBB2_13-.Ltmp5, $4  }
0x175: {  	[tilespmem:s23+$0xFFFFFFD0] =	vst v0  }
0x176: {  	[tilespmem:s23+$0xFFFFFFC0] =	vst v0  }
0x177: {  	[tilespmem:s23+$0xFFFFFFB0] =	vst v0  }
0x178: {  	[tilespmem:s23+$0xFFFFFFA0] =	vst v0  }
0x179: {  	v2 =	vadd.s32 s21, v2  }
0x17a: {  	s18 =	sadd.s32 $0x1, s18;
	v2 =	vshll.u32 v2, $0xB  }
0x17b: {  	[tilespmem:s23+$0xFFFFFF90] =	vst v0;
	s0 =	sshll.u32 s19, $0x4;
	p0 =	sne.s32 s18, $0x8;
	v2 =	vadd.s32 $0x800, v2  }
.Ltmp6:
0x17c: {  	s0 =	sadd.s32 s6, s0;
	[tilespmem:$0x1A800] =	vst v2;
	(pc) =	sbr.rel @p0 .LBB2_4-.Ltmp6, $4  }
0x17d: {  	[hbm4b:s0+s3] =	stream.linear.scatter [tilespmem:s15], [sflag:$0x3], $0x80, $0x38;
	[tilespmem:$0x1A880] =	vst v63  }
0x17e: {  	_ =	swait.ge [sflag:s16], $0x80  }
0x17f: {  	[sflag:s16] =	ssyncset.done $0x0  }
0x180: {  	[sflag:s16] =	ssyncadd.s32 $0xFFFFFF80  }
0x181: {  	s17 =	sadd.s32 $0x1, s17  }
0x182: {  	p0 =	sne.s32 s17, s8  }
.Ltmp7:
0x183: {  	_ = 	snop;
	(pc) =	sbr.rel @p0 .LBB2_1-.Ltmp7, $1  }
0x184: {  	_ =	sdelay $0x3  }
0x185: {  	_ =	sfence.sel $0x180000  }
0x186: {  	[bflag:$0x0] =	sbarrier.arrive $0xFFFF  }
0x187: {  	_ =	strace $0x90000047  }
0x188: {  	s0 =	stileid.u32;
	[bflag:$0x2] =	sbarrier.arrive $0xFFFF  }
0x189: {  	p0 =	sne.s32 s0, $0x0;
	s0 =	rddreg [dreg:$0x1]  }
0x18a: {  	s0 =	sadd.s32 @!p0 $0x100000, s0  }
0x18b: {  	[sflag:s0] =	ssyncadd.tile.s32 @!p0 $0x1;
	_ =	shalt  }
.Lfunc_end2:
_tile_overlayer_lowered:
.L_overlay_start_2:
0x18c: {  	(tag) =	ssettag $0x2  }
0x18d: {  	s0 =	rddreg [dreg:$0x0];
	s2 =	stileid.u32  }
0x18e: {  	s1 =	rddreg [dreg:$0x1];
	p0 =	sne.s32 s2, $0x0  }
0x18f: {  	s3 =	rddreg [dreg:$0x2];
	[bflag:$0x3] =	sbarrier.arrive $0xFFFF;
	s2 =	simm.s32 @!p0 $0x1C03  }
0x190: {  	[timem:s3], [sflag:s2] =	dma.local @!p0 [hbm:s0], s1  }
0x191: {  	s0 =	simm.s32 @!p0 $0x3  }
0x192: {  	_ =	swait.ge @!p0 [sflag:s0], s1  }
0x193: {  	s1 =	ssub.s32 @!p0 $0x0, s1;
	[sflag:s0] =	ssyncset.done @!p0 $0x0  }
0x194: {  	[sflag:s0] =	ssyncadd.s32 @!p0 s1  }
0x195: {  	[bflag:$0x3] =	sbarrier.arrive $0xFFFF  }
0x196: {  	_ =	shalt  }

</sc_bundles>
